<compile_context>
chip_gen: v7x
topology: tpu7x:2x2x1
jax: 0.10.2.dev20260603
libtpu: 0.0.44.dev20260713+nightly
codegen_flags: <defaults>
</compile_context>

<pallas_src>
import functools

import jax
import jax.numpy as jnp
from jax import lax
from jax.experimental import pallas as pl
from jax.experimental.pallas import tpu as pltpu
from jax.experimental.pallas import tpu_sc as plsc

D_MODEL = 1024
BATCH = 4
SEQ = 2048
ROWS = BATCH * SEQ
NUM_CORES = 2
NUM_SUBCORES = 16
NW = NUM_CORES * NUM_SUBCORES
RPW = ROWS // NW
CHUNK = 16
NCHUNK = RPW // CHUNK
LANES = 16
W_PER_BATCH = NW // BATCH


def _sc_body(x_hbm, ids_hbm, table_hbm, out_hbm,
             ids_v, idx_v, x0, x1, x2, r0b, r1b, r2b,
             sd0, sd1, sd2, so0, so1, so2):
  xb = (x0, x1, x2)
  rb = (r0b, r1b, r2b)
  sd = (sd0, sd1, sd2)
  so = (so0, so1, so2)
  cid = lax.axis_index("c")
  sid = lax.axis_index("s")
  wid = sid * NUM_CORES + cid
  b = wid // W_PER_BATCH
  s_local = (wid % W_PER_BATCH) * RPW
  row0 = wid * RPW

  pltpu.async_copy(x_hbm.at[pl.ds(row0, CHUNK)], x0, sd0)

  pltpu.sync_copy(ids_hbm.at[pl.ds(b * SEQ, SEQ)], ids_v)

  def _mask(v):
    return jnp.where(
        v != jnp.zeros((LANES,), jnp.int32),
        jnp.ones((LANES,), jnp.int32),
        jnp.zeros((LANES,), jnp.int32),
    )

  def pre_body(i, carry):
    m = _mask(ids_v[pl.ds(i * LANES, LANES)])
    return carry + jnp.sum(m)

  carry = lax.fori_loop(0, s_local // LANES, pre_body, jnp.int32(0))

  def pos_body(j, carry):
    m = _mask(ids_v[pl.ds(s_local + j * LANES, LANES)])
    pos = (plsc.cumsum(m) + carry) * m
    idx_v[pl.ds(j * LANES, LANES)] = pos
    return carry + jnp.sum(m)

  lax.fori_loop(0, RPW // LANES, pos_body, carry)

  def issue_in(c, s):
    pltpu.async_copy(x_hbm.at[pl.ds(row0 + c * CHUNK, CHUNK)], xb[s], sd[s])
    pltpu.async_copy(
        table_hbm.at[idx_v.at[pl.ds(c * CHUNK, CHUNK)]], rb[s], sd[s])

  def wait_in(s):
    pltpu.make_async_copy(x_hbm.at[pl.ds(0, CHUNK)], xb[s], sd[s]).wait()
    pltpu.make_async_copy(x_hbm.at[pl.ds(0, CHUNK)], rb[s], sd[s]).wait()

  def start_store(c, s):
    pltpu.async_copy(xb[s], out_hbm.at[pl.ds(row0 + c * CHUNK, CHUNK)], so[s])

  def wait_store(s):
    pltpu.make_async_copy(xb[s], out_hbm.at[pl.ds(0, CHUNK)], so[s]).wait()

  def add_chunk(s):
    def add_row(r, _):
      for v in range(D_MODEL // LANES):
        sl = pl.ds(v * LANES, LANES)
        plsc.addupdate(xb[s].at[r, sl], rb[s][r, sl])
      return 0
    lax.fori_loop(0, CHUNK, add_row, 0)

  def body(c, s, first=False, issue_next=True):
    wait_in(s)
    add_chunk(s)
    if not first:
      wait_store((s + 2) % 3)
    if issue_next:
      issue_in(c + 2, (s + 2) % 3)
    start_store(c, s)

  pltpu.async_copy(
      table_hbm.at[idx_v.at[pl.ds(0, CHUNK)]], rb[0], sd[0])
  issue_in(1, 1)

  body(0, 0, first=True)
  def triple(i, _):
    c = 1 + 3 * i
    body(c, 1)
    body(c + 1, 2)
    body(c + 2, 0)
    return 0

  lax.fori_loop(0, (NCHUNK - 4) // 3, triple, 0)

  body(NCHUNK - 3, 1)
  body(NCHUNK - 2, 2, issue_next=False)
  body(NCHUNK - 1, 0, issue_next=False)
  wait_store((NCHUNK - 1) % 3)


@functools.partial(jax.jit, donate_argnums=())
def _lookup_add(x2, ids, table):
  mesh = plsc.VectorSubcoreMesh(
      core_axis_name="c", subcore_axis_name="s",
      num_cores=NUM_CORES, num_subcores=NUM_SUBCORES,
  )
  fn = pl.kernel(
      _sc_body,
      out_type=jax.ShapeDtypeStruct((ROWS, D_MODEL), jnp.float32),
      mesh=mesh,
      compiler_params=pltpu.CompilerParams(needs_layout_passes=False),
      scratch_types=[
          pltpu.VMEM((SEQ,), jnp.int32),
          pltpu.VMEM((RPW,), jnp.int32),
          pltpu.VMEM((CHUNK, D_MODEL), jnp.float32),
          pltpu.VMEM((CHUNK, D_MODEL), jnp.float32),
          pltpu.VMEM((CHUNK, D_MODEL), jnp.float32),
          pltpu.VMEM((CHUNK, D_MODEL), jnp.float32),
          pltpu.VMEM((CHUNK, D_MODEL), jnp.float32),
          pltpu.VMEM((CHUNK, D_MODEL), jnp.float32),
          pltpu.SemaphoreType.DMA,
          pltpu.SemaphoreType.DMA,
          pltpu.SemaphoreType.DMA,
          pltpu.SemaphoreType.DMA,
          pltpu.SemaphoreType.DMA,
          pltpu.SemaphoreType.DMA,
      ],
  )
  return fn(x2, ids, table)


def kernel(X, input_ids, table):
  x2 = X.reshape(ROWS, D_MODEL)
  ids = input_ids.reshape(ROWS)
  out = _lookup_add(x2, ids, table)
  return out.reshape(BATCH, SEQ, D_MODEL)

# --- scband reference (transcript-rebuilt; emitter-appended) ---
"""Pipeline reference for scband-learned-positional-embedding-326417514648 (READ-ONLY COPY).

The authoritative reference and input builder live on the scoring server;
editing this copy changes nothing except your own understanding.
"""

import jax, jax.numpy as jnp
import numpy as np

PAD_IDX = 0
D_MODEL = 1024
MAX_LEN = 2048

def setup_inputs(seed: int = 0) -> dict:
    key = jax.random.key(seed)
    k1, k2, k3 = jax.random.split(key, 3)
    X = jax.random.normal(k1, (4, 2048, D_MODEL), dtype=jnp.float32)
    input_ids = jax.random.randint(k2, (4, 2048), 0, 50000, dtype=jnp.int32)
    # learned position embedding table: (max_len + 1, d_model), row 0 zeroed (padding row)
    table = jax.random.normal(k3, (MAX_LEN + 1, D_MODEL), dtype=jnp.float32) * 0.02
    table = table.at[0].set(0.0)
    return {"X": X, "input_ids": input_ids, "table": table}

def reference(X, input_ids, table):
    mask = (input_ids != PAD_IDX).astype(jnp.int32)
    position_ids = jnp.cumsum(mask, axis=1) * mask
    pos_emb = jnp.take(table, position_ids, axis=0)
    return X + pos_emb

if __name__ == "__main__":
    import jax
    _d = setup_inputs()
    print(jax.jit(kernel)(*tuple(_d.values())))

</pallas_src>

<mosaic_0001>
#map = affine_map<(d0, d1) -> (0, 0)>
#map1 = affine_map<(d0, d1) -> (0)>
module attributes {stable_mosaic.version = 14 : i64} {
  func.func @_sc_body(%arg0: i32, %arg1: i32, %arg2: memref<8192x1024xf32, #tpu.memory_space<hbm>>, %arg3: memref<8192xi32, #tpu.memory_space<hbm>>, %arg4: memref<2049x1024xf32, #tpu.memory_space<hbm>>, %arg5: memref<8192x1024xf32, #tpu.memory_space<hbm>>, %arg6: memref<2048xi32, #tpu.memory_space<vmem>>, %arg7: memref<256xi32, #tpu.memory_space<vmem>>, %arg8: memref<16x1024xf32, #tpu.memory_space<vmem>>, %arg9: memref<16x1024xf32, #tpu.memory_space<vmem>>, %arg10: memref<16x1024xf32, #tpu.memory_space<vmem>>, %arg11: memref<16x1024xf32, #tpu.memory_space<vmem>>, %arg12: memref<16x1024xf32, #tpu.memory_space<vmem>>, %arg13: memref<16x1024xf32, #tpu.memory_space<vmem>>, %arg14: memref<!tpu.dma_semaphore, #tpu.memory_space<semaphore_mem>>, %arg15: memref<!tpu.dma_semaphore, #tpu.memory_space<semaphore_mem>>, %arg16: memref<!tpu.dma_semaphore, #tpu.memory_space<semaphore_mem>>, %arg17: memref<!tpu.dma_semaphore, #tpu.memory_space<semaphore_mem>>, %arg18: memref<!tpu.dma_semaphore, #tpu.memory_space<semaphore_mem>>, %arg19: memref<!tpu.dma_semaphore, #tpu.memory_space<semaphore_mem>>) attributes {dimension_semantics = [#tpu.dimension_semantics<core_parallel>, #tpu.dimension_semantics<subcore_parallel>], iteration_bounds = array<i64: 2, 16>, scalar_prefetch = 0 : i64, scratch_operands = 14 : i64, tpu.core_type = #tpu.core_type<sc_vector_subcore>, window_params = [{transform_indices = #map}, {transform_indices = #map1}, {transform_indices = #map}, {transform_indices = #map}]} {
    %mul3A = arith.constant 2 : i32
    %mul3A_0 = arith.muli %arg1, %mul3A : i32
    %add3A = arith.addi %mul3A_0, %arg0 : i32
    %jit3A = arith.constant 8 : i32
    %div3A = arith.divsi %add3A, %jit3A : i32
    %sign3A = arith.constant 0 : i32
    %sign3A_1 = arith.cmpi sgt, %add3A, %sign3A : i32
    %sign3A_2 = arith.extui %sign3A_1 : i1 to i32
    %sign3A_3 = arith.constant 0 : i32
    %sign3A_4 = arith.cmpi slt, %add3A, %sign3A_3 : i32
    %sign3A_5 = arith.extui %sign3A_4 : i1 to i32
    %sign3A_6 = arith.subi %sign3A_2, %sign3A_5 : i32
    %sign3A_7 = arith.constant 0 : i32
    %sign3A_8 = arith.cmpi sgt, %jit3A, %sign3A_7 : i32
    %sign3A_9 = arith.extui %sign3A_8 : i1 to i32
    %sign3A_10 = arith.constant 0 : i32
    %sign3A_11 = arith.cmpi slt, %jit3A, %sign3A_10 : i32
    %sign3A_12 = arith.extui %sign3A_11 : i1 to i32
    %sign3A_13 = arith.subi %sign3A_9, %sign3A_12 : i32
    %ne3A = arith.cmpi ne, %sign3A_6, %sign3A_13 : i32
    %rem3A = arith.remsi %add3A, %jit3A : i32
    %ne3A_14 = arith.constant 0 : i32
    %ne3A_15 = arith.cmpi ne, %rem3A, %ne3A_14 : i32
    %and3A = arith.andi %ne3A, %ne3A_15 : i1
    %sub3A = arith.constant 1 : i32
    %sub3A_16 = arith.subi %div3A, %sub3A : i32
    %select_n3A = arith.select %and3A, %sub3A_16, %div3A : i32
    %jit3A_17 = arith.constant 8 : i32
    %eq3A = arith.constant 0 : i32
    %eq3A_18 = arith.cmpi eq, %jit3A_17, %eq3A : i32
    %jit3A_19 = arith.constant 1 : i32
    %select_n3A_20 = arith.select %eq3A_18, %jit3A_19, %jit3A_17 : i32
    %rem3A_21 = arith.remsi %add3A, %select_n3A_20 : i32
    %ne3A_22 = arith.constant 0 : i32
    %ne3A_23 = arith.cmpi ne, %rem3A_21, %ne3A_22 : i32
    %lt3A = arith.constant 0 : i32
    %lt3A_24 = arith.cmpi slt, %rem3A_21, %lt3A : i32
    %lt3A_25 = arith.constant 0 : i32
    %lt3A_26 = arith.cmpi slt, %select_n3A_20, %lt3A_25 : i32
    %ne3A_27 = arith.xori %lt3A_24, %lt3A_26 : i1
    %and3A_28 = arith.andi %ne3A_27, %ne3A_23 : i1
    %add3A_29 = arith.addi %rem3A_21, %select_n3A_20 : i32
    %select_n3A_30 = arith.select %and3A_28, %add3A_29, %rem3A_21 : i32
    %mul3A_31 = arith.constant 256 : i32
    %mul3A_32 = arith.muli %select_n3A_30, %mul3A_31 : i32
    %mul3A_33 = arith.constant 256 : i32
    %mul3A_34 = arith.muli %add3A, %mul3A_33 : i32
    %dma_start3A = arith.constant 0 : i32
    %dma_start3A_35 = tpu.memref_slice %arg2[%mul3A_34, %dma_start3A] : memref<8192x1024xf32, #tpu.memory_space<hbm>> -> memref<16x1024xf32, #tpu.memory_space<hbm>>
    %dma_start3A_36 = arith.constant 0 : i32
    %dma_start3A_37 = tpu.memref_slice %arg2[%mul3A_34, %dma_start3A_36] : memref<8192x1024xf32, #tpu.memory_space<hbm>> -> memref<16x1024xf32, #tpu.memory_space<hbm>>
    tpu.enqueue_dma source(%dma_start3A_37 : memref<16x1024xf32, #tpu.memory_space<hbm>>) target(%arg8 : memref<16x1024xf32, #tpu.memory_space<vmem>>) target_semaphore(%arg14 : memref<!tpu.dma_semaphore, #tpu.memory_space<semaphore_mem>>)
    %mul3A_38 = arith.constant 2048 : i32
    %mul3A_39 = arith.muli %select_n3A, %mul3A_38 : i32
    "tpu.region"() ({
      %run_scoped3A = tpu.sem_alloc : memref<!tpu.dma_semaphore, #tpu.memory_space<semaphore_mem>>
      %dma_start3A_248 = tpu.memref_slice %arg3[%mul3A_39] : memref<8192xi32, #tpu.memory_space<hbm>> -> memref<2048xi32, #tpu.memory_space<hbm>>
      %dma_start3A_249 = tpu.memref_slice %arg3[%mul3A_39] : memref<8192xi32, #tpu.memory_space<hbm>> -> memref<2048xi32, #tpu.memory_space<hbm>>
      tpu.enqueue_dma source(%dma_start3A_249 : memref<2048xi32, #tpu.memory_space<hbm>>) target(%arg6 : memref<2048xi32, #tpu.memory_space<vmem>>) target_semaphore(%run_scoped3A : memref<!tpu.dma_semaphore, #tpu.memory_space<semaphore_mem>>)
      %dma_wait3A_250 = tpu.memref_slice %arg3[%mul3A_39] : memref<8192xi32, #tpu.memory_space<hbm>> -> memref<2048xi32, #tpu.memory_space<hbm>>
      %dma_wait3A_251 = tpu.memref_slice %arg3[%mul3A_39] : memref<8192xi32, #tpu.memory_space<hbm>> -> memref<2048xi32, #tpu.memory_space<hbm>>
      tpu.wait_dma2 semaphore(%run_scoped3A : memref<!tpu.dma_semaphore, #tpu.memory_space<semaphore_mem>>) src(%dma_wait3A_251 : memref<2048xi32, #tpu.memory_space<hbm>>) dst(%arg6 : memref<2048xi32, #tpu.memory_space<vmem>>)
      tpu.yield
    }) : () -> ()
    %jit3A_40 = arith.constant 16 : i32
    %div3A_41 = arith.divsi %mul3A_32, %jit3A_40 : i32
    %sign3A_42 = arith.constant 0 : i32
    %sign3A_43 = arith.cmpi sgt, %mul3A_32, %sign3A_42 : i32
    %sign3A_44 = arith.extui %sign3A_43 : i1 to i32
    %sign3A_45 = arith.constant 0 : i32
    %sign3A_46 = arith.cmpi slt, %mul3A_32, %sign3A_45 : i32
    %sign3A_47 = arith.extui %sign3A_46 : i1 to i32
    %sign3A_48 = arith.subi %sign3A_44, %sign3A_47 : i32
    %sign3A_49 = arith.constant 0 : i32
    %sign3A_50 = arith.cmpi sgt, %jit3A_40, %sign3A_49 : i32
    %sign3A_51 = arith.extui %sign3A_50 : i1 to i32
    %sign3A_52 = arith.constant 0 : i32
    %sign3A_53 = arith.cmpi slt, %jit3A_40, %sign3A_52 : i32
    %sign3A_54 = arith.extui %sign3A_53 : i1 to i32
    %sign3A_55 = arith.subi %sign3A_51, %sign3A_54 : i32
    %ne3A_56 = arith.cmpi ne, %sign3A_48, %sign3A_55 : i32
    %rem3A_57 = arith.remsi %mul3A_32, %jit3A_40 : i32
    %ne3A_58 = arith.constant 0 : i32
    %ne3A_59 = arith.cmpi ne, %rem3A_57, %ne3A_58 : i32
    %and3A_60 = arith.andi %ne3A_56, %ne3A_59 : i1
    %sub3A_61 = arith.constant 1 : i32
    %sub3A_62 = arith.subi %div3A_41, %sub3A_61 : i32
    %select_n3A_63 = arith.select %and3A_60, %sub3A_62, %div3A_41 : i32
    %while3A = arith.constant 0 : i32
    %while3A_64 = arith.constant 0 : i32
    %while3A_65 = arith.subi %select_n3A_63, %while3A : i32
    %while3A_66 = arith.addi %while3A, %while3A_65 : i32
    %while3A_67 = arith.constant 1 : i32
    %while3A_68 = arith.divsi %while3A_65, %while3A_67 : i32
    %while3A_69 = arith.muli %while3A_68, %while3A_67 : i32
    %while3A_70 = arith.addi %while3A, %while3A_69 : i32
    %while3A_71 = arith.constant 1 : i32
    %while3A_72 = scf.for %while3A_248 = %while3A to %while3A_70 step %while3A_71 iter_args(%while3A_249 = %while3A_64) -> (i32)  : i32 {
      %mul3A_250 = arith.constant 16 : i32
      %mul3A_251 = arith.muli %while3A_248, %mul3A_250 : i32
      %get3A = arith.index_cast %mul3A_251 : i32 to index
      %get3A_252 = tpu.vector_load %arg6[%get3A] {strides = array<i32>} : memref<2048xi32, #tpu.memory_space<vmem>>, vector<16xi32>,
      %broadcast_in_dim3A = arith.constant 0 : i32
      %broadcast_in_dim3A_253 = vector.broadcast %broadcast_in_dim3A : i32 to vector<16xi32>
      %ne3A_254 = arith.cmpi ne, %get3A_252, %broadcast_in_dim3A_253 : vector<16xi32>
      %broadcast_in_dim3A_255 = arith.constant 1 : i32
      %broadcast_in_dim3A_256 = vector.broadcast %broadcast_in_dim3A_255 : i32 to vector<16xi32>
      %broadcast_in_dim3A_257 = arith.constant 0 : i32
      %broadcast_in_dim3A_258 = vector.broadcast %broadcast_in_dim3A_257 : i32 to vector<16xi32>
      %select_n3A_259 = arith.select %ne3A_254, %broadcast_in_dim3A_256, %broadcast_in_dim3A_258 : vector<16xi1>, vector<16xi32>
      %reduce_sum3A = arith.constant true
      %reduce_sum3A_260 = vector.broadcast %reduce_sum3A : i1 to vector<16xi1>
      %reduce_sum3A_261 = tpu.scan <sum>, %select_n3A_259 masked %reduce_sum3A_260 : vector<16xi32>, vector<16xi1> -> vector<16xi32>
      %reduce_sum3A_262 = vector.extract %reduce_sum3A_261[15] : i32 from vector<16xi32>
      %add3A_263 = arith.addi %while3A_249, %reduce_sum3A_262 : i32
      scf.yield %add3A_263 : i32
    }
    %while3A_73 = arith.constant 1 : i32
    %while3A_74 = scf.for %while3A_248 = %while3A_70 to %while3A_66 step %while3A_73 iter_args(%while3A_249 = %while3A_72) -> (i32)  : i32 {
      %mul3A_250 = arith.constant 16 : i32
      %mul3A_251 = arith.muli %while3A_248, %mul3A_250 : i32
      %get3A = arith.index_cast %mul3A_251 : i32 to index
      %get3A_252 = tpu.vector_load %arg6[%get3A] {strides = array<i32>} : memref<2048xi32, #tpu.memory_space<vmem>>, vector<16xi32>,
      %broadcast_in_dim3A = arith.constant 0 : i32
      %broadcast_in_dim3A_253 = vector.broadcast %broadcast_in_dim3A : i32 to vector<16xi32>
      %ne3A_254 = arith.cmpi ne, %get3A_252, %broadcast_in_dim3A_253 : vector<16xi32>
      %broadcast_in_dim3A_255 = arith.constant 1 : i32
      %broadcast_in_dim3A_256 = vector.broadcast %broadcast_in_dim3A_255 : i32 to vector<16xi32>
      %broadcast_in_dim3A_257 = arith.constant 0 : i32
      %broadcast_in_dim3A_258 = vector.broadcast %broadcast_in_dim3A_257 : i32 to vector<16xi32>
      %select_n3A_259 = arith.select %ne3A_254, %broadcast_in_dim3A_256, %broadcast_in_dim3A_258 : vector<16xi1>, vector<16xi32>
      %reduce_sum3A = arith.constant true
      %reduce_sum3A_260 = vector.broadcast %reduce_sum3A : i1 to vector<16xi1>
      %reduce_sum3A_261 = tpu.scan <sum>, %select_n3A_259 masked %reduce_sum3A_260 : vector<16xi32>, vector<16xi1> -> vector<16xi32>
      %reduce_sum3A_262 = vector.extract %reduce_sum3A_261[15] : i32 from vector<16xi32>
      %add3A_263 = arith.addi %while3A_249, %reduce_sum3A_262 : i32
      scf.yield %add3A_263 : i32
    }
    %scan3A = arith.constant 0 : i32
    %scan3A_75 = arith.constant 16 : i32
    %scan3A_76 = arith.addi %scan3A, %scan3A_75 : i32
    %scan3A_77 = arith.constant 1 : i32
    %scan3A_78 = scf.for %scan3A_248 = %scan3A to %scan3A_76 step %scan3A_77 iter_args(%scan3A_249 = %while3A_74) -> (i32)  : i32 {
      %mul3A_250 = arith.constant 16 : i32
      %mul3A_251 = arith.muli %scan3A_248, %mul3A_250 : i32
      %add3A_252 = arith.addi %mul3A_32, %mul3A_251 : i32
      %get3A = arith.index_cast %add3A_252 : i32 to index
      %get3A_253 = tpu.vector_load %arg6[%get3A] {strides = array<i32>} : memref<2048xi32, #tpu.memory_space<vmem>>, vector<16xi32>,
      %broadcast_in_dim3A = arith.constant 0 : i32
      %broadcast_in_dim3A_254 = vector.broadcast %broadcast_in_dim3A : i32 to vector<16xi32>
      %ne3A_255 = arith.cmpi ne, %get3A_253, %broadcast_in_dim3A_254 : vector<16xi32>
      %broadcast_in_dim3A_256 = arith.constant 1 : i32
      %broadcast_in_dim3A_257 = vector.broadcast %broadcast_in_dim3A_256 : i32 to vector<16xi32>
      %broadcast_in_dim3A_258 = arith.constant 0 : i32
      %broadcast_in_dim3A_259 = vector.broadcast %broadcast_in_dim3A_258 : i32 to vector<16xi32>
      %select_n3A_260 = arith.select %ne3A_255, %broadcast_in_dim3A_257, %broadcast_in_dim3A_259 : vector<16xi1>, vector<16xi32>
      %broadcast_in_dim3A_261 = arith.constant true
      %broadcast_in_dim3A_262 = vector.broadcast %broadcast_in_dim3A_261 : i1 to vector<16xi1>
      %masked_cumsum3A = tpu.scan <sum>, %select_n3A_260 masked %broadcast_in_dim3A_262 : vector<16xi32>, vector<16xi1> -> vector<16xi32>
      %add3A_263 = vector.broadcast %scan3A_249 : i32 to vector<16xi32>
      %add3A_264 = arith.addi %masked_cumsum3A, %add3A_263 : vector<16xi32>
      %mul3A_265 = arith.muli %add3A_264, %select_n3A_260 : vector<16xi32>
      %mul3A_266 = arith.constant 16 : i32
      %mul3A_267 = arith.muli %scan3A_248, %mul3A_266 : i32
      %swap3A = arith.index_cast %mul3A_267 : i32 to index
      %swap3A_268 = tpu.vector_load %arg7[%swap3A] {strides = array<i32>} : memref<256xi32, #tpu.memory_space<vmem>>, vector<16xi32>,
      tpu.vector_store %arg7[%swap3A], %mul3A_265 {strides = array<i32>} : memref<256xi32, #tpu.memory_space<vmem>>, vector<16xi32>,
      %reduce_sum3A = arith.constant true
      %reduce_sum3A_269 = vector.broadcast %reduce_sum3A : i1 to vector<16xi1>
      %reduce_sum3A_270 = tpu.scan <sum>, %select_n3A_260 masked %reduce_sum3A_269 : vector<16xi32>, vector<16xi1> -> vector<16xi32>
      %reduce_sum3A_271 = vector.extract %reduce_sum3A_270[15] : i32 from vector<16xi32>
      %add3A_272 = arith.addi %scan3A_249, %reduce_sum3A_271 : i32
      scf.yield %add3A_272 : i32
    }
    %scan3A_79 = arith.constant 16 : i32
    %dma_start3A_80 = arith.constant 0 : i32
    %dma_start3A_81 = tpu.memref_slice %arg7[%dma_start3A_80] : memref<256xi32, #tpu.memory_space<vmem>> -> memref<16xi32, #tpu.memory_space<vmem>>
    %dma_start3A_82 = arith.constant 0 : i32
    %dma_start3A_83 = arith.constant 0 : i32
    %dma_start3A_84 = tpu.memref_slice %arg4[%dma_start3A_82, %dma_start3A_83] : memref<2049x1024xf32, #tpu.memory_space<hbm>> -> memref<2049x1024xf32, #tpu.memory_space<hbm>>
    tpu.enqueue_indirect_dma source(%dma_start3A_84 : memref<2049x1024xf32, #tpu.memory_space<hbm>>) target(%arg11 : memref<16x1024xf32, #tpu.memory_space<vmem>>) offsets(%dma_start3A_81 : memref<16xi32, #tpu.memory_space<vmem>>) semaphore(%arg14 : memref<!tpu.dma_semaphore, #tpu.memory_space<semaphore_mem>>)
    %add3A_85 = arith.constant 16 : i32
    %add3A_86 = arith.addi %mul3A_34, %add3A_85 : i32
    %dma_start3A_87 = arith.constant 0 : i32
    %dma_start3A_88 = tpu.memref_slice %arg2[%add3A_86, %dma_start3A_87] : memref<8192x1024xf32, #tpu.memory_space<hbm>> -> memref<16x1024xf32, #tpu.memory_space<hbm>>
    %dma_start3A_89 = arith.constant 0 : i32
    %dma_start3A_90 = tpu.memref_slice %arg2[%add3A_86, %dma_start3A_89] : memref<8192x1024xf32, #tpu.memory_space<hbm>> -> memref<16x1024xf32, #tpu.memory_space<hbm>>
    tpu.enqueue_dma source(%dma_start3A_90 : memref<16x1024xf32, #tpu.memory_space<hbm>>) target(%arg9 : memref<16x1024xf32, #tpu.memory_space<vmem>>) target_semaphore(%arg15 : memref<!tpu.dma_semaphore, #tpu.memory_space<semaphore_mem>>)
    %dma_start3A_91 = arith.constant 16 : i32
    %dma_start3A_92 = tpu.memref_slice %arg7[%dma_start3A_91] : memref<256xi32, #tpu.memory_space<vmem>> -> memref<16xi32, #tpu.memory_space<vmem>>
    %dma_start3A_93 = arith.constant 0 : i32
    %dma_start3A_94 = arith.constant 0 : i32
    %dma_start3A_95 = tpu.memref_slice %arg4[%dma_start3A_93, %dma_start3A_94] : memref<2049x1024xf32, #tpu.memory_space<hbm>> -> memref<2049x1024xf32, #tpu.memory_space<hbm>>
    tpu.enqueue_indirect_dma source(%dma_start3A_95 : memref<2049x1024xf32, #tpu.memory_space<hbm>>) target(%arg12 : memref<16x1024xf32, #tpu.memory_space<vmem>>) offsets(%dma_start3A_92 : memref<16xi32, #tpu.memory_space<vmem>>) semaphore(%arg15 : memref<!tpu.dma_semaphore, #tpu.memory_space<semaphore_mem>>)
    %dma_wait3A = arith.constant 0 : i32
    %dma_wait3A_96 = arith.constant 0 : i32
    %dma_wait3A_97 = tpu.memref_slice %arg2[%dma_wait3A, %dma_wait3A_96] : memref<8192x1024xf32, #tpu.memory_space<hbm>> -> memref<16x1024xf32, #tpu.memory_space<hbm>>
    %dma_wait3A_98 = arith.constant 0 : i32
    %dma_wait3A_99 = arith.constant 0 : i32
    %dma_wait3A_100 = tpu.memref_slice %arg2[%dma_wait3A_98, %dma_wait3A_99] : memref<8192x1024xf32, #tpu.memory_space<hbm>> -> memref<16x1024xf32, #tpu.memory_space<hbm>>
    tpu.wait_dma2 semaphore(%arg14 : memref<!tpu.dma_semaphore, #tpu.memory_space<semaphore_mem>>) src(%dma_wait3A_100 : memref<16x1024xf32, #tpu.memory_space<hbm>>) dst(%arg8 : memref<16x1024xf32, #tpu.memory_space<vmem>>)
    %dma_wait3A_101 = arith.constant 0 : i32
    %dma_wait3A_102 = arith.constant 0 : i32
    %dma_wait3A_103 = tpu.memref_slice %arg2[%dma_wait3A_101, %dma_wait3A_102] : memref<8192x1024xf32, #tpu.memory_space<hbm>> -> memref<16x1024xf32, #tpu.memory_space<hbm>>
    %dma_wait3A_104 = arith.constant 0 : i32
    %dma_wait3A_105 = arith.constant 0 : i32
    %dma_wait3A_106 = tpu.memref_slice %arg2[%dma_wait3A_104, %dma_wait3A_105] : memref<8192x1024xf32, #tpu.memory_space<hbm>> -> memref<16x1024xf32, #tpu.memory_space<hbm>>
    tpu.wait_dma2 semaphore(%arg14 : memref<!tpu.dma_semaphore, #tpu.memory_space<semaphore_mem>>) src(%dma_wait3A_106 : memref<16x1024xf32, #tpu.memory_space<hbm>>) dst(%arg11 : memref<16x1024xf32, #tpu.memory_space<vmem>>)
    %scan3A_107 = arith.constant 0 : i32
    %scan3A_108 = arith.constant 0 : i32
    %scan3A_109 = arith.constant 16 : i32
    %scan3A_110 = arith.addi %scan3A_108, %scan3A_109 : i32
    %scan3A_111 = arith.constant 1 : i32
    %scan3A_112 = scf.for %scan3A_248 = %scan3A_108 to %scan3A_110 step %scan3A_111 iter_args(%scan3A_249 = %scan3A_107) -> (i32)  : i32 {
      %get3A = arith.index_cast %scan3A_248 : i32 to index
      %get3A_250 = arith.constant 0 : index
      %get3A_251 = tpu.vector_load %arg11[%get3A, %get3A_250] {strides = array<i32>} : memref<16x1024xf32, #tpu.memory_space<vmem>>, vector<16xf32>,
      %swap3A = arith.index_cast %scan3A_248 : i32 to index
      %swap3A_252 = arith.constant 0 : index
      %swap3A_253 = tpu.vector_load %arg8[%swap3A, %swap3A_252] {strides = array<i32>} : memref<16x1024xf32, #tpu.memory_space<vmem>>, vector<16xf32>,
      tpu.vector_store %arg8[%swap3A, %swap3A_252], %get3A_251 {add = true, strides = array<i32>} : memref<16x1024xf32, #tpu.memory_space<vmem>>, vector<16xf32>,
      %get3A_254 = arith.index_cast %scan3A_248 : i32 to index
      %get3A_255 = arith.constant 16 : index
      %get3A_256 = tpu.vector_load %arg11[%get3A_254, %get3A_255] {strides = array<i32>} : memref<16x1024xf32, #tpu.memory_space<vmem>>, vector<16xf32>,
      %swap3A_257 = arith.index_cast %scan3A_248 : i32 to index
      %swap3A_258 = arith.constant 16 : index
      %swap3A_259 = tpu.vector_load %arg8[%swap3A_257, %swap3A_258] {strides = array<i32>} : memref<16x1024xf32, #tpu.memory_space<vmem>>, vector<16xf32>,
      tpu.vector_store %arg8[%swap3A_257, %swap3A_258], %get3A_256 {add = true, strides = array<i32>} : memref<16x1024xf32, #tpu.memory_space<vmem>>, vector<16xf32>,
      %get3A_260 = arith.index_cast %scan3A_248 : i32 to index
      %get3A_261 = arith.constant 32 : index
      %get3A_262 = tpu.vector_load %arg11[%get3A_260, %get3A_261] {strides = array<i32>} : memref<16x1024xf32, #tpu.memory_space<vmem>>, vector<16xf32>,
      %swap3A_263 = arith.index_cast %scan3A_248 : i32 to index
      %swap3A_264 = arith.constant 32 : index
      %swap3A_265 = tpu.vector_load %arg8[%swap3A_263, %swap3A_264] {strides = array<i32>} : memref<16x1024xf32, #tpu.memory_space<vmem>>, vector<16xf32>,
      tpu.vector_store %arg8[%swap3A_263, %swap3A_264], %get3A_262 {add = true, strides = array<i32>} : memref<16x1024xf32, #tpu.memory_space<vmem>>, vector<16xf32>,
      %get3A_266 = arith.index_cast %scan3A_248 : i32 to index
      %get3A_267 = arith.constant 48 : index
      %get3A_268 = tpu.vector_load %arg11[%get3A_266, %get3A_267] {strides = array<i32>} : memref<16x1024xf32, #tpu.memory_space<vmem>>, vector<16xf32>,
      %swap3A_269 = arith.index_cast %scan3A_248 : i32 to index
      %swap3A_270 = arith.constant 48 : index
      %swap3A_271 = tpu.vector_load %arg8[%swap3A_269, %swap3A_270] {strides = array<i32>} : memref<16x1024xf32, #tpu.memory_space<vmem>>, vector<16xf32>,
      tpu.vector_store %arg8[%swap3A_269, %swap3A_270], %get3A_268 {add = true, strides = array<i32>} : memref<16x1024xf32, #tpu.memory_space<vmem>>, vector<16xf32>,
      %get3A_272 = arith.index_cast %scan3A_248 : i32 to index
      %get3A_273 = arith.constant 64 : index
      %get3A_274 = tpu.vector_load %arg11[%get3A_272, %get3A_273] {strides = array<i32>} : memref<16x1024xf32, #tpu.memory_space<vmem>>, vector<16xf32>,
      %swap3A_275 = arith.index_cast %scan3A_248 : i32 to index
      %swap3A_276 = arith.constant 64 : index
      %swap3A_277 = tpu.vector_load %arg8[%swap3A_275, %swap3A_276] {strides = array<i32>} : memref<16x1024xf32, #tpu.memory_space<vmem>>, vector<16xf32>,
      tpu.vector_store %arg8[%swap3A_275, %swap3A_276], %get3A_274 {add = true, strides = array<i32>} : memref<16x1024xf32, #tpu.memory_space<vmem>>, vector<16xf32>,
      %get3A_278 = arith.index_cast %scan3A_248 : i32 to index
      %get3A_279 = arith.constant 80 : index
      %get3A_280 = tpu.vector_load %arg11[%get3A_278, %get3A_279] {strides = array<i32>} : memref<16x1024xf32, #tpu.memory_space<vmem>>, vector<16xf32>,
      %swap3A_281 = arith.index_cast %scan3A_248 : i32 to index
      %swap3A_282 = arith.constant 80 : index
      %swap3A_283 = tpu.vector_load %arg8[%swap3A_281, %swap3A_282] {strides = array<i32>} : memref<16x1024xf32, #tpu.memory_space<vmem>>, vector<16xf32>,
      tpu.vector_store %arg8[%swap3A_281, %swap3A_282], %get3A_280 {add = true, strides = array<i32>} : memref<16x1024xf32, #tpu.memory_space<vmem>>, vector<16xf32>,
      %get3A_284 = arith.index_cast %scan3A_248 : i32 to index
      %get3A_285 = arith.constant 96 : index
      %get3A_286 = tpu.vector_load %arg11[%get3A_284, %get3A_285] {strides = array<i32>} : memref<16x1024xf32, #tpu.memory_space<vmem>>, vector<16xf32>,
      %swap3A_287 = arith.index_cast %scan3A_248 : i32 to index
      %swap3A_288 = arith.constant 96 : index
      %swap3A_289 = tpu.vector_load %arg8[%swap3A_287, %swap3A_288] {strides = array<i32>} : memref<16x1024xf32, #tpu.memory_space<vmem>>, vector<16xf32>,
      tpu.vector_store %arg8[%swap3A_287, %swap3A_288], %get3A_286 {add = true, strides = array<i32>} : memref<16x1024xf32, #tpu.memory_space<vmem>>, vector<16xf32>,
      %get3A_290 = arith.index_cast %scan3A_248 : i32 to index
      %get3A_291 = arith.constant 112 : index
      %get3A_292 = tpu.vector_load %arg11[%get3A_290, %get3A_291] {strides = array<i32>} : memref<16x1024xf32, #tpu.memory_space<vmem>>, vector<16xf32>,
      %swap3A_293 = arith.index_cast %scan3A_248 : i32 to index
      %swap3A_294 = arith.constant 112 : index
      %swap3A_295 = tpu.vector_load %arg8[%swap3A_293, %swap3A_294] {strides = array<i32>} : memref<16x1024xf32, #tpu.memory_space<vmem>>, vector<16xf32>,
      tpu.vector_store %arg8[%swap3A_293, %swap3A_294], %get3A_292 {add = true, strides = array<i32>} : memref<16x1024xf32, #tpu.memory_space<vmem>>, vector<16xf32>,
      %get3A_296 = arith.index_cast %scan3A_248 : i32 to index
      %get3A_297 = arith.constant 128 : index
      %get3A_298 = tpu.vector_load %arg11[%get3A_296, %get3A_297] {strides = array<i32>} : memref<16x1024xf32, #tpu.memory_space<vmem>>, vector<16xf32>,
      %swap3A_299 = arith.index_cast %scan3A_248 : i32 to index
      %swap3A_300 = arith.constant 128 : index
      %swap3A_301 = tpu.vector_load %arg8[%swap3A_299, %swap3A_300] {strides = array<i32>} : memref<16x1024xf32, #tpu.memory_space<vmem>>, vector<16xf32>,
      tpu.vector_store %arg8[%swap3A_299, %swap3A_300], %get3A_298 {add = true, strides = array<i32>} : memref<16x1024xf32, #tpu.memory_space<vmem>>, vector<16xf32>,
      %get3A_302 = arith.index_cast %scan3A_248 : i32 to index
      %get3A_303 = arith.constant 144 : index
      %get3A_304 = tpu.vector_load %arg11[%get3A_302, %get3A_303] {strides = array<i32>} : memref<16x1024xf32, #tpu.memory_space<vmem>>, vector<16xf32>,
      %swap3A_305 = arith.index_cast %scan3A_248 : i32 to index
      %swap3A_306 = arith.constant 144 : index
      %swap3A_307 = tpu.vector_load %arg8[%swap3A_305, %swap3A_306] {strides = array<i32>} : memref<16x1024xf32, #tpu.memory_space<vmem>>, vector<16xf32>,
      tpu.vector_store %arg8[%swap3A_305, %swap3A_306], %get3A_304 {add = true, strides = array<i32>} : memref<16x1024xf32, #tpu.memory_space<vmem>>, vector<16xf32>,
      %get3A_308 = arith.index_cast %scan3A_248 : i32 to index
      %get3A_309 = arith.constant 160 : index
      %get3A_310 = tpu.vector_load %arg11[%get3A_308, %get3A_309] {strides = array<i32>} : memref<16x1024xf32, #tpu.memory_space<vmem>>, vector<16xf32>,
      %swap3A_311 = arith.index_cast %scan3A_248 : i32 to index
      %swap3A_312 = arith.constant 160 : index
      %swap3A_313 = tpu.vector_load %arg8[%swap3A_311, %swap3A_312] {strides = array<i32>} : memref<16x1024xf32, #tpu.memory_space<vmem>>, vector<16xf32>,
      tpu.vector_store %arg8[%swap3A_311, %swap3A_312], %get3A_310 {add = true, strides = array<i32>} : memref<16x1024xf32, #tpu.memory_space<vmem>>, vector<16xf32>,
      %get3A_314 = arith.index_cast %scan3A_248 : i32 to index
      %get3A_315 = arith.constant 176 : index
      %get3A_316 = tpu.vector_load %arg11[%get3A_314, %get3A_315] {strides = array<i32>} : memref<16x1024xf32, #tpu.memory_space<vmem>>, vector<16xf32>,
      %swap3A_317 = arith.index_cast %scan3A_248 : i32 to index
      %swap3A_318 = arith.constant 176 : index
      %swap3A_319 = tpu.vector_load %arg8[%swap3A_317, %swap3A_318] {strides = array<i32>} : memref<16x1024xf32, #tpu.memory_space<vmem>>, vector<16xf32>,
      tpu.vector_store %arg8[%swap3A_317, %swap3A_318], %get3A_316 {add = true, strides = array<i32>} : memref<16x1024xf32, #tpu.memory_space<vmem>>, vector<16xf32>,
      %get3A_320 = arith.index_cast %scan3A_248 : i32 to index
      %get3A_321 = arith.constant 192 : index
      %get3A_322 = tpu.vector_load %arg11[%get3A_320, %get3A_321] {strides = array<i32>} : memref<16x1024xf32, #tpu.memory_space<vmem>>, vector<16xf32>,
      %swap3A_323 = arith.index_cast %scan3A_248 : i32 to index
      %swap3A_324 = arith.constant 192 : index
      %swap3A_325 = tpu.vector_load %arg8[%swap3A_323, %swap3A_324] {strides = array<i32>} : memref<16x1024xf32, #tpu.memory_space<vmem>>, vector<16xf32>,
      tpu.vector_store %arg8[%swap3A_323, %swap3A_324], %get3A_322 {add = true, strides = array<i32>} : memref<16x1024xf32, #tpu.memory_space<vmem>>, vector<16xf32>,
      %get3A_326 = arith.index_cast %scan3A_248 : i32 to index
      %get3A_327 = arith.constant 208 : index
      %get3A_328 = tpu.vector_load %arg11[%get3A_326, %get3A_327] {strides = array<i32>} : memref<16x1024xf32, #tpu.memory_space<vmem>>, vector<16xf32>,
      %swap3A_329 = arith.index_cast %scan3A_248 : i32 to index
      %swap3A_330 = arith.constant 208 : index
      %swap3A_331 = tpu.vector_load %arg8[%swap3A_329, %swap3A_330] {strides = array<i32>} : memref<16x1024xf32, #tpu.memory_space<vmem>>, vector<16xf32>,
      tpu.vector_store %arg8[%swap3A_329, %swap3A_330], %get3A_328 {add = true, strides = array<i32>} : memref<16x1024xf32, #tpu.memory_space<vmem>>, vector<16xf32>,
      %get3A_332 = arith.index_cast %scan3A_248 : i32 to index
      %get3A_333 = arith.constant 224 : index
      %get3A_334 = tpu.vector_load %arg11[%get3A_332, %get3A_333] {strides = array<i32>} : memref<16x1024xf32, #tpu.memory_space<vmem>>, vector<16xf32>,
      %swap3A_335 = arith.index_cast %scan3A_248 : i32 to index
      %swap3A_336 = arith.constant 224 : index
      %swap3A_337 = tpu.vector_load %arg8[%swap3A_335, %swap3A_336] {strides = array<i32>} : memref<16x1024xf32, #tpu.memory_space<vmem>>, vector<16xf32>,
      tpu.vector_store %arg8[%swap3A_335, %swap3A_336], %get3A_334 {add = true, strides = array<i32>} : memref<16x1024xf32, #tpu.memory_space<vmem>>, vector<16xf32>,
      %get3A_338 = arith.index_cast %scan3A_248 : i32 to index
      %get3A_339 = arith.constant 240 : index
      %get3A_340 = tpu.vector_load %arg11[%get3A_338, %get3A_339] {strides = array<i32>} : memref<16x1024xf32, #tpu.memory_space<vmem>>, vector<16xf32>,
      %swap3A_341 = arith.index_cast %scan3A_248 : i32 to index
      %swap3A_342 = arith.constant 240 : index
      %swap3A_343 = tpu.vector_load %arg8[%swap3A_341, %swap3A_342] {strides = array<i32>} : memref<16x1024xf32, #tpu.memory_space<vmem>>, vector<16xf32>,
      tpu.vector_store %arg8[%swap3A_341, %swap3A_342], %get3A_340 {add = true, strides = array<i32>} : memref<16x1024xf32, #tpu.memory_space<vmem>>, vector<16xf32>,
      %get3A_344 = arith.index_cast %scan3A_248 : i32 to index
      %get3A_345 = arith.constant 256 : index
      %get3A_346 = tpu.vector_load %arg11[%get3A_344, %get3A_345] {strides = array<i32>} : memref<16x1024xf32, #tpu.memory_space<vmem>>, vector<16xf32>,
      %swap3A_347 = arith.index_cast %scan3A_248 : i32 to index
      %swap3A_348 = arith.constant 256 : index
      %swap3A_349 = tpu.vector_load %arg8[%swap3A_347, %swap3A_348] {strides = array<i32>} : memref<16x1024xf32, #tpu.memory_space<vmem>>, vector<16xf32>,
      tpu.vector_store %arg8[%swap3A_347, %swap3A_348], %get3A_346 {add = true, strides = array<i32>} : memref<16x1024xf32, #tpu.memory_space<vmem>>, vector<16xf32>,
      %get3A_350 = arith.index_cast %scan3A_248 : i32 to index
      %get3A_351 = arith.constant 272 : index
      %get3A_352 = tpu.vector_load %arg11[%get3A_350, %get3A_351] {strides = array<i32>} : memref<16x1024xf32, #tpu.memory_space<vmem>>, vector<16xf32>,
      %swap3A_353 = arith.index_cast %scan3A_248 : i32 to index
      %swap3A_354 = arith.constant 272 : index
      %swap3A_355 = tpu.vector_load %arg8[%swap3A_353, %swap3A_354] {strides = array<i32>} : memref<16x1024xf32, #tpu.memory_space<vmem>>, vector<16xf32>,
      tpu.vector_store %arg8[%swap3A_353, %swap3A_354], %get3A_352 {add = true, strides = array<i32>} : memref<16x1024xf32, #tpu.memory_space<vmem>>, vector<16xf32>,
      %get3A_356 = arith.index_cast %scan3A_248 : i32 to index
      %get3A_357 = arith.constant 288 : index
      %get3A_358 = tpu.vector_load %arg11[%get3A_356, %get3A_357] {strides = array<i32>} : memref<16x1024xf32, #tpu.memory_space<vmem>>, vector<16xf32>,
      %swap3A_359 = arith.index_cast %scan3A_248 : i32 to index
      %swap3A_360 = arith.constant 288 : index
      %swap3A_361 = tpu.vector_load %arg8[%swap3A_359, %swap3A_360] {strides = array<i32>} : memref<16x1024xf32, #tpu.memory_space<vmem>>, vector<16xf32>,
      tpu.vector_store %arg8[%swap3A_359, %swap3A_360], %get3A_358 {add = true, strides = array<i32>} : memref<16x1024xf32, #tpu.memory_space<vmem>>, vector<16xf32>,
      %get3A_362 = arith.index_cast %scan3A_248 : i32 to index
      %get3A_363 = arith.constant 304 : index
      %get3A_364 = tpu.vector_load %arg11[%get3A_362, %get3A_363] {strides = array<i32>} : memref<16x1024xf32, #tpu.memory_space<vmem>>, vector<16xf32>,
      %swap3A_365 = arith.index_cast %scan3A_248 : i32 to index
      %swap3A_366 = arith.constant 304 : index
      %swap3A_367 = tpu.vector_load %arg8[%swap3A_365, %swap3A_366] {strides = array<i32>} : memref<16x1024xf32, #tpu.memory_space<vmem>>, vector<16xf32>,
      tpu.vector_store %arg8[%swap3A_365, %swap3A_366], %get3A_364 {add = true, strides = array<i32>} : memref<16x1024xf32, #tpu.memory_space<vmem>>, vector<16xf32>,
      %get3A_368 = arith.index_cast %scan3A_248 : i32 to index
      %get3A_369 = arith.constant 320 : index
      %get3A_370 = tpu.vector_load %arg11[%get3A_368, %get3A_369] {strides = array<i32>} : memref<16x1024xf32, #tpu.memory_space<vmem>>, vector<16xf32>,
      %swap3A_371 = arith.index_cast %scan3A_248 : i32 to index
      %swap3A_372 = arith.constant 320 : index
      %swap3A_373 = tpu.vector_load %arg8[%swap3A_371, %swap3A_372] {strides = array<i32>} : memref<16x1024xf32, #tpu.memory_space<vmem>>, vector<16xf32>,
      tpu.vector_store %arg8[%swap3A_371, %swap3A_372], %get3A_370 {add = true, strides = array<i32>} : memref<16x1024xf32, #tpu.memory_space<vmem>>, vector<16xf32>,
      %get3A_374 = arith.index_cast %scan3A_248 : i32 to index
      %get3A_375 = arith.constant 336 : index
      %get3A_376 = tpu.vector_load %arg11[%get3A_374, %get3A_375] {strides = array<i32>} : memref<16x1024xf32, #tpu.memory_space<vmem>>, vector<16xf32>,
      %swap3A_377 = arith.index_cast %scan3A_248 : i32 to index
      %swap3A_378 = arith.constant 336 : index
      %swap3A_379 = tpu.vector_load %arg8[%swap3A_377, %swap3A_378] {strides = array<i32>} : memref<16x1024xf32, #tpu.memory_space<vmem>>, vector<16xf32>,
      tpu.vector_store %arg8[%swap3A_377, %swap3A_378], %get3A_376 {add = true, strides = array<i32>} : memref<16x1024xf32, #tpu.memory_space<vmem>>, vector<16xf32>,
      %get3A_380 = arith.index_cast %scan3A_248 : i32 to index
      %get3A_381 = arith.constant 352 : index
      %get3A_382 = tpu.vector_load %arg11[%get3A_380, %get3A_381] {strides = array<i32>} : memref<16x1024xf32, #tpu.memory_space<vmem>>, vector<16xf32>,
      %swap3A_383 = arith.index_cast %scan3A_248 : i32 to index
      %swap3A_384 = arith.constant 352 : index
      %swap3A_385 = tpu.vector_load %arg8[%swap3A_383, %swap3A_384] {strides = array<i32>} : memref<16x1024xf32, #tpu.memory_space<vmem>>, vector<16xf32>,
      tpu.vector_store %arg8[%swap3A_383, %swap3A_384], %get3A_382 {add = true, strides = array<i32>} : memref<16x1024xf32, #tpu.memory_space<vmem>>, vector<16xf32>,
      %get3A_386 = arith.index_cast %scan3A_248 : i32 to index
      %get3A_387 = arith.constant 368 : index
      %get3A_388 = tpu.vector_load %arg11[%get3A_386, %get3A_387] {strides = array<i32>} : memref<16x1024xf32, #tpu.memory_space<vmem>>, vector<16xf32>,
      %swap3A_389 = arith.index_cast %scan3A_248 : i32 to index
      %swap3A_390 = arith.constant 368 : index
      %swap3A_391 = tpu.vector_load %arg8[%swap3A_389, %swap3A_390] {strides = array<i32>} : memref<16x1024xf32, #tpu.memory_space<vmem>>, vector<16xf32>,
      tpu.vector_store %arg8[%swap3A_389, %swap3A_390], %get3A_388 {add = true, strides = array<i32>} : memref<16x1024xf32, #tpu.memory_space<vmem>>, vector<16xf32>,
      %get3A_392 = arith.index_cast %scan3A_248 : i32 to index
      %get3A_393 = arith.constant 384 : index
      %get3A_394 = tpu.vector_load %arg11[%get3A_392, %get3A_393] {strides = array<i32>} : memref<16x1024xf32, #tpu.memory_space<vmem>>, vector<16xf32>,
      %swap3A_395 = arith.index_cast %scan3A_248 : i32 to index
      %swap3A_396 = arith.constant 384 : index
      %swap3A_397 = tpu.vector_load %arg8[%swap3A_395, %swap3A_396] {strides = array<i32>} : memref<16x1024xf32, #tpu.memory_space<vmem>>, vector<16xf32>,
      tpu.vector_store %arg8[%swap3A_395, %swap3A_396], %get3A_394 {add = true, strides = array<i32>} : memref<16x1024xf32, #tpu.memory_space<vmem>>, vector<16xf32>,
      %get3A_398 = arith.index_cast %scan3A_248 : i32 to index
      %get3A_399 = arith.constant 400 : index
      %get3A_400 = tpu.vector_load %arg11[%get3A_398, %get3A_399] {strides = array<i32>} : memref<16x1024xf32, #tpu.memory_space<vmem>>, vector<16xf32>,
      %swap3A_401 = arith.index_cast %scan3A_248 : i32 to index
      %swap3A_402 = arith.constant 400 : index
      %swap3A_403 = tpu.vector_load %arg8[%swap3A_401, %swap3A_402] {strides = array<i32>} : memref<16x1024xf32, #tpu.memory_space<vmem>>, vector<16xf32>,
      tpu.vector_store %arg8[%swap3A_401, %swap3A_402], %get3A_400 {add = true, strides = array<i32>} : memref<16x1024xf32, #tpu.memory_space<vmem>>, vector<16xf32>,
      %get3A_404 = arith.index_cast %scan3A_248 : i32 to index
      %get3A_405 = arith.constant 416 : index
      %get3A_406 = tpu.vector_load %arg11[%get3A_404, %get3A_405] {strides = array<i32>} : memref<16x1024xf32, #tpu.memory_space<vmem>>, vector<16xf32>,
      %swap3A_407 = arith.index_cast %scan3A_248 : i32 to index
      %swap3A_408 = arith.constant 416 : index
      %swap3A_409 = tpu.vector_load %arg8[%swap3A_407, %swap3A_408] {strides = array<i32>} : memref<16x1024xf32, #tpu.memory_space<vmem>>, vector<16xf32>,
      tpu.vector_store %arg8[%swap3A_407, %swap3A_408], %get3A_406 {add = true, strides = array<i32>} : memref<16x1024xf32, #tpu.memory_space<vmem>>, vector<16xf32>,
      %get3A_410 = arith.index_cast %scan3A_248 : i32 to index
      %get3A_411 = arith.constant 432 : index
      %get3A_412 = tpu.vector_load %arg11[%get3A_410, %get3A_411] {strides = array<i32>} : memref<16x1024xf32, #tpu.memory_space<vmem>>, vector<16xf32>,
      %swap3A_413 = arith.index_cast %scan3A_248 : i32 to index
      %swap3A_414 = arith.constant 432 : index
      %swap3A_415 = tpu.vector_load %arg8[%swap3A_413, %swap3A_414] {strides = array<i32>} : memref<16x1024xf32, #tpu.memory_space<vmem>>, vector<16xf32>,
      tpu.vector_store %arg8[%swap3A_413, %swap3A_414], %get3A_412 {add = true, strides = array<i32>} : memref<16x1024xf32, #tpu.memory_space<vmem>>, vector<16xf32>,
      %get3A_416 = arith.index_cast %scan3A_248 : i32 to index
      %get3A_417 = arith.constant 448 : index
      %get3A_418 = tpu.vector_load %arg11[%get3A_416, %get3A_417] {strides = array<i32>} : memref<16x1024xf32, #tpu.memory_space<vmem>>, vector<16xf32>,
      %swap3A_419 = arith.index_cast %scan3A_248 : i32 to index
      %swap3A_420 = arith.constant 448 : index
      %swap3A_421 = tpu.vector_load %arg8[%swap3A_419, %swap3A_420] {strides = array<i32>} : memref<16x1024xf32, #tpu.memory_space<vmem>>, vector<16xf32>,
      tpu.vector_store %arg8[%swap3A_419, %swap3A_420], %get3A_418 {add = true, strides = array<i32>} : memref<16x1024xf32, #tpu.memory_space<vmem>>, vector<16xf32>,
      %get3A_422 = arith.index_cast %scan3A_248 : i32 to index
      %get3A_423 = arith.constant 464 : index
      %get3A_424 = tpu.vector_load %arg11[%get3A_422, %get3A_423] {strides = array<i32>} : memref<16x1024xf32, #tpu.memory_space<vmem>>, vector<16xf32>,
      %swap3A_425 = arith.index_cast %scan3A_248 : i32 to index
      %swap3A_426 = arith.constant 464 : index
      %swap3A_427 = tpu.vector_load %arg8[%swap3A_425, %swap3A_426] {strides = array<i32>} : memref<16x1024xf32, #tpu.memory_space<vmem>>, vector<16xf32>,
      tpu.vector_store %arg8[%swap3A_425, %swap3A_426], %get3A_424 {add = true, strides = array<i32>} : memref<16x1024xf32, #tpu.memory_space<vmem>>, vector<16xf32>,
      %get3A_428 = arith.index_cast %scan3A_248 : i32 to index
      %get3A_429 = arith.constant 480 : index
      %get3A_430 = tpu.vector_load %arg11[%get3A_428, %get3A_429] {strides = array<i32>} : memref<16x1024xf32, #tpu.memory_space<vmem>>, vector<16xf32>,
      %swap3A_431 = arith.index_cast %scan3A_248 : i32 to index
      %swap3A_432 = arith.constant 480 : index
      %swap3A_433 = tpu.vector_load %arg8[%swap3A_431, %swap3A_432] {strides = array<i32>} : memref<16x1024xf32, #tpu.memory_space<vmem>>, vector<16xf32>,
      tpu.vector_store %arg8[%swap3A_431, %swap3A_432], %get3A_430 {add = true, strides = array<i32>} : memref<16x1024xf32, #tpu.memory_space<vmem>>, vector<16xf32>,
      %get3A_434 = arith.index_cast %scan3A_248 : i32 to index
      %get3A_435 = arith.constant 496 : index
      %get3A_436 = tpu.vector_load %arg11[%get3A_434, %get3A_435] {strides = array<i32>} : memref<16x1024xf32, #tpu.memory_space<vmem>>, vector<16xf32>,
      %swap3A_437 = arith.index_cast %scan3A_248 : i32 to index
      %swap3A_438 = arith.constant 496 : index
      %swap3A_439 = tpu.vector_load %arg8[%swap3A_437, %swap3A_438] {strides = array<i32>} : memref<16x1024xf32, #tpu.memory_space<vmem>>, vector<16xf32>,
      tpu.vector_store %arg8[%swap3A_437, %swap3A_438], %get3A_436 {add = true, strides = array<i32>} : memref<16x1024xf32, #tpu.memory_space<vmem>>, vector<16xf32>,
      %get3A_440 = arith.index_cast %scan3A_248 : i32 to index
      %get3A_441 = arith.constant 512 : index
      %get3A_442 = tpu.vector_load %arg11[%get3A_440, %get3A_441] {strides = array<i32>} : memref<16x1024xf32, #tpu.memory_space<vmem>>, vector<16xf32>,
      %swap3A_443 = arith.index_cast %scan3A_248 : i32 to index
      %swap3A_444 = arith.constant 512 : index
      %swap3A_445 = tpu.vector_load %arg8[%swap3A_443, %swap3A_444] {strides = array<i32>} : memref<16x1024xf32, #tpu.memory_space<vmem>>, vector<16xf32>,
      tpu.vector_store %arg8[%swap3A_443, %swap3A_444], %get3A_442 {add = true, strides = array<i32>} : memref<16x1024xf32, #tpu.memory_space<vmem>>, vector<16xf32>,
      %get3A_446 = arith.index_cast %scan3A_248 : i32 to index
      %get3A_447 = arith.constant 528 : index
      %get3A_448 = tpu.vector_load %arg11[%get3A_446, %get3A_447] {strides = array<i32>} : memref<16x1024xf32, #tpu.memory_space<vmem>>, vector<16xf32>,
      %swap3A_449 = arith.index_cast %scan3A_248 : i32 to index
      %swap3A_450 = arith.constant 528 : index
      %swap3A_451 = tpu.vector_load %arg8[%swap3A_449, %swap3A_450] {strides = array<i32>} : memref<16x1024xf32, #tpu.memory_space<vmem>>, vector<16xf32>,
      tpu.vector_store %arg8[%swap3A_449, %swap3A_450], %get3A_448 {add = true, strides = array<i32>} : memref<16x1024xf32, #tpu.memory_space<vmem>>, vector<16xf32>,
      %get3A_452 = arith.index_cast %scan3A_248 : i32 to index
      %get3A_453 = arith.constant 544 : index
      %get3A_454 = tpu.vector_load %arg11[%get3A_452, %get3A_453] {strides = array<i32>} : memref<16x1024xf32, #tpu.memory_space<vmem>>, vector<16xf32>,
      %swap3A_455 = arith.index_cast %scan3A_248 : i32 to index
      %swap3A_456 = arith.constant 544 : index
      %swap3A_457 = tpu.vector_load %arg8[%swap3A_455, %swap3A_456] {strides = array<i32>} : memref<16x1024xf32, #tpu.memory_space<vmem>>, vector<16xf32>,
      tpu.vector_store %arg8[%swap3A_455, %swap3A_456], %get3A_454 {add = true, strides = array<i32>} : memref<16x1024xf32, #tpu.memory_space<vmem>>, vector<16xf32>,
      %get3A_458 = arith.index_cast %scan3A_248 : i32 to index
      %get3A_459 = arith.constant 560 : index
      %get3A_460 = tpu.vector_load %arg11[%get3A_458, %get3A_459] {strides = array<i32>} : memref<16x1024xf32, #tpu.memory_space<vmem>>, vector<16xf32>,
      %swap3A_461 = arith.index_cast %scan3A_248 : i32 to index
      %swap3A_462 = arith.constant 560 : index
      %swap3A_463 = tpu.vector_load %arg8[%swap3A_461, %swap3A_462] {strides = array<i32>} : memref<16x1024xf32, #tpu.memory_space<vmem>>, vector<16xf32>,
      tpu.vector_store %arg8[%swap3A_461, %swap3A_462], %get3A_460 {add = true, strides = array<i32>} : memref<16x1024xf32, #tpu.memory_space<vmem>>, vector<16xf32>,
      %get3A_464 = arith.index_cast %scan3A_248 : i32 to index
      %get3A_465 = arith.constant 576 : index
      %get3A_466 = tpu.vector_load %arg11[%get3A_464, %get3A_465] {strides = array<i32>} : memref<16x1024xf32, #tpu.memory_space<vmem>>, vector<16xf32>,
      %swap3A_467 = arith.index_cast %scan3A_248 : i32 to index
      %swap3A_468 = arith.constant 576 : index
      %swap3A_469 = tpu.vector_load %arg8[%swap3A_467, %swap3A_468] {strides = array<i32>} : memref<16x1024xf32, #tpu.memory_space<vmem>>, vector<16xf32>,
      tpu.vector_store %arg8[%swap3A_467, %swap3A_468], %get3A_466 {add = true, strides = array<i32>} : memref<16x1024xf32, #tpu.memory_space<vmem>>, vector<16xf32>,
      %get3A_470 = arith.index_cast %scan3A_248 : i32 to index
      %get3A_471 = arith.constant 592 : index
      %get3A_472 = tpu.vector_load %arg11[%get3A_470, %get3A_471] {strides = array<i32>} : memref<16x1024xf32, #tpu.memory_space<vmem>>, vector<16xf32>,
      %swap3A_473 = arith.index_cast %scan3A_248 : i32 to index
      %swap3A_474 = arith.constant 592 : index
      %swap3A_475 = tpu.vector_load %arg8[%swap3A_473, %swap3A_474] {strides = array<i32>} : memref<16x1024xf32, #tpu.memory_space<vmem>>, vector<16xf32>,
      tpu.vector_store %arg8[%swap3A_473, %swap3A_474], %get3A_472 {add = true, strides = array<i32>} : memref<16x1024xf32, #tpu.memory_space<vmem>>, vector<16xf32>,
      %get3A_476 = arith.index_cast %scan3A_248 : i32 to index
      %get3A_477 = arith.constant 608 : index
      %get3A_478 = tpu.vector_load %arg11[%get3A_476, %get3A_477] {strides = array<i32>} : memref<16x1024xf32, #tpu.memory_space<vmem>>, vector<16xf32>,
      %swap3A_479 = arith.index_cast %scan3A_248 : i32 to index
      %swap3A_480 = arith.constant 608 : index
      %swap3A_481 = tpu.vector_load %arg8[%swap3A_479, %swap3A_480] {strides = array<i32>} : memref<16x1024xf32, #tpu.memory_space<vmem>>, vector<16xf32>,
      tpu.vector_store %arg8[%swap3A_479, %swap3A_480], %get3A_478 {add = true, strides = array<i32>} : memref<16x1024xf32, #tpu.memory_space<vmem>>, vector<16xf32>,
      %get3A_482 = arith.index_cast %scan3A_248 : i32 to index
      %get3A_483 = arith.constant 624 : index
      %get3A_484 = tpu.vector_load %arg11[%get3A_482, %get3A_483] {strides = array<i32>} : memref<16x1024xf32, #tpu.memory_space<vmem>>, vector<16xf32>,
      %swap3A_485 = arith.index_cast %scan3A_248 : i32 to index
      %swap3A_486 = arith.constant 624 : index
      %swap3A_487 = tpu.vector_load %arg8[%swap3A_485, %swap3A_486] {strides = array<i32>} : memref<16x1024xf32, #tpu.memory_space<vmem>>, vector<16xf32>,
      tpu.vector_store %arg8[%swap3A_485, %swap3A_486], %get3A_484 {add = true, strides = array<i32>} : memref<16x1024xf32, #tpu.memory_space<vmem>>, vector<16xf32>,
      %get3A_488 = arith.index_cast %scan3A_248 : i32 to index
      %get3A_489 = arith.constant 640 : index
      %get3A_490 = tpu.vector_load %arg11[%get3A_488, %get3A_489] {strides = array<i32>} : memref<16x1024xf32, #tpu.memory_space<vmem>>, vector<16xf32>,
      %swap3A_491 = arith.index_cast %scan3A_248 : i32 to index
      %swap3A_492 = arith.constant 640 : index
      %swap3A_493 = tpu.vector_load %arg8[%swap3A_491, %swap3A_492] {strides = array<i32>} : memref<16x1024xf32, #tpu.memory_space<vmem>>, vector<16xf32>,
      tpu.vector_store %arg8[%swap3A_491, %swap3A_492], %get3A_490 {add = true, strides = array<i32>} : memref<16x1024xf32, #tpu.memory_space<vmem>>, vector<16xf32>,
      %get3A_494 = arith.index_cast %scan3A_248 : i32 to index
      %get3A_495 = arith.constant 656 : index
      %get3A_496 = tpu.vector_load %arg11[%get3A_494, %get3A_495] {strides = array<i32>} : memref<16x1024xf32, #tpu.memory_space<vmem>>, vector<16xf32>,
      %swap3A_497 = arith.index_cast %scan3A_248 : i32 to index
      %swap3A_498 = arith.constant 656 : index
      %swap3A_499 = tpu.vector_load %arg8[%swap3A_497, %swap3A_498] {strides = array<i32>} : memref<16x1024xf32, #tpu.memory_space<vmem>>, vector<16xf32>,
      tpu.vector_store %arg8[%swap3A_497, %swap3A_498], %get3A_496 {add = true, strides = array<i32>} : memref<16x1024xf32, #tpu.memory_space<vmem>>, vector<16xf32>,
      %get3A_500 = arith.index_cast %scan3A_248 : i32 to index
      %get3A_501 = arith.constant 672 : index
      %get3A_502 = tpu.vector_load %arg11[%get3A_500, %get3A_501] {strides = array<i32>} : memref<16x1024xf32, #tpu.memory_space<vmem>>, vector<16xf32>,
      %swap3A_503 = arith.index_cast %scan3A_248 : i32 to index
      %swap3A_504 = arith.constant 672 : index
      %swap3A_505 = tpu.vector_load %arg8[%swap3A_503, %swap3A_504] {strides = array<i32>} : memref<16x1024xf32, #tpu.memory_space<vmem>>, vector<16xf32>,
      tpu.vector_store %arg8[%swap3A_503, %swap3A_504], %get3A_502 {add = true, strides = array<i32>} : memref<16x1024xf32, #tpu.memory_space<vmem>>, vector<16xf32>,
      %get3A_506 = arith.index_cast %scan3A_248 : i32 to index
      %get3A_507 = arith.constant 688 : index
      %get3A_508 = tpu.vector_load %arg11[%get3A_506, %get3A_507] {strides = array<i32>} : memref<16x1024xf32, #tpu.memory_space<vmem>>, vector<16xf32>,
      %swap3A_509 = arith.index_cast %scan3A_248 : i32 to index
      %swap3A_510 = arith.constant 688 : index
      %swap3A_511 = tpu.vector_load %arg8[%swap3A_509, %swap3A_510] {strides = array<i32>} : memref<16x1024xf32, #tpu.memory_space<vmem>>, vector<16xf32>,
      tpu.vector_store %arg8[%swap3A_509, %swap3A_510], %get3A_508 {add = true, strides = array<i32>} : memref<16x1024xf32, #tpu.memory_space<vmem>>, vector<16xf32>,
      %get3A_512 = arith.index_cast %scan3A_248 : i32 to index
      %get3A_513 = arith.constant 704 : index
      %get3A_514 = tpu.vector_load %arg11[%get3A_512, %get3A_513] {strides = array<i32>} : memref<16x1024xf32, #tpu.memory_space<vmem>>, vector<16xf32>,
      %swap3A_515 = arith.index_cast %scan3A_248 : i32 to index
      %swap3A_516 = arith.constant 704 : index
      %swap3A_517 = tpu.vector_load %arg8[%swap3A_515, %swap3A_516] {strides = array<i32>} : memref<16x1024xf32, #tpu.memory_space<vmem>>, vector<16xf32>,
      tpu.vector_store %arg8[%swap3A_515, %swap3A_516], %get3A_514 {add = true, strides = array<i32>} : memref<16x1024xf32, #tpu.memory_space<vmem>>, vector<16xf32>,
      %get3A_518 = arith.index_cast %scan3A_248 : i32 to index
      %get3A_519 = arith.constant 720 : index
      %get3A_520 = tpu.vector_load %arg11[%get3A_518, %get3A_519] {strides = array<i32>} : memref<16x1024xf32, #tpu.memory_space<vmem>>, vector<16xf32>,
      %swap3A_521 = arith.index_cast %scan3A_248 : i32 to index
      %swap3A_522 = arith.constant 720 : index
      %swap3A_523 = tpu.vector_load %arg8[%swap3A_521, %swap3A_522] {strides = array<i32>} : memref<16x1024xf32, #tpu.memory_space<vmem>>, vector<16xf32>,
      tpu.vector_store %arg8[%swap3A_521, %swap3A_522], %get3A_520 {add = true, strides = array<i32>} : memref<16x1024xf32, #tpu.memory_space<vmem>>, vector<16xf32>,
      %get3A_524 = arith.index_cast %scan3A_248 : i32 to index
      %get3A_525 = arith.constant 736 : index
      %get3A_526 = tpu.vector_load %arg11[%get3A_524, %get3A_525] {strides = array<i32>} : memref<16x1024xf32, #tpu.memory_space<vmem>>, vector<16xf32>,
      %swap3A_527 = arith.index_cast %scan3A_248 : i32 to index
      %swap3A_528 = arith.constant 736 : index
      %swap3A_529 = tpu.vector_load %arg8[%swap3A_527, %swap3A_528] {strides = array<i32>} : memref<16x1024xf32, #tpu.memory_space<vmem>>, vector<16xf32>,
      tpu.vector_store %arg8[%swap3A_527, %swap3A_528], %get3A_526 {add = true, strides = array<i32>} : memref<16x1024xf32, #tpu.memory_space<vmem>>, vector<16xf32>,
      %get3A_530 = arith.index_cast %scan3A_248 : i32 to index
      %get3A_531 = arith.constant 752 : index
      %get3A_532 = tpu.vector_load %arg11[%get3A_530, %get3A_531] {strides = array<i32>} : memref<16x1024xf32, #tpu.memory_space<vmem>>, vector<16xf32>,
      %swap3A_533 = arith.index_cast %scan3A_248 : i32 to index
      %swap3A_534 = arith.constant 752 : index
      %swap3A_535 = tpu.vector_load %arg8[%swap3A_533, %swap3A_534] {strides = array<i32>} : memref<16x1024xf32, #tpu.memory_space<vmem>>, vector<16xf32>,
      tpu.vector_store %arg8[%swap3A_533, %swap3A_534], %get3A_532 {add = true, strides = array<i32>} : memref<16x1024xf32, #tpu.memory_space<vmem>>, vector<16xf32>,
      %get3A_536 = arith.index_cast %scan3A_248 : i32 to index
      %get3A_537 = arith.constant 768 : index
      %get3A_538 = tpu.vector_load %arg11[%get3A_536, %get3A_537] {strides = array<i32>} : memref<16x1024xf32, #tpu.memory_space<vmem>>, vector<16xf32>,
      %swap3A_539 = arith.index_cast %scan3A_248 : i32 to index
      %swap3A_540 = arith.constant 768 : index
      %swap3A_541 = tpu.vector_load %arg8[%swap3A_539, %swap3A_540] {strides = array<i32>} : memref<16x1024xf32, #tpu.memory_space<vmem>>, vector<16xf32>,
      tpu.vector_store %arg8[%swap3A_539, %swap3A_540], %get3A_538 {add = true, strides = array<i32>} : memref<16x1024xf32, #tpu.memory_space<vmem>>, vector<16xf32>,
      %get3A_542 = arith.index_cast %scan3A_248 : i32 to index
      %get3A_543 = arith.constant 784 : index
      %get3A_544 = tpu.vector_load %arg11[%get3A_542, %get3A_543] {strides = array<i32>} : memref<16x1024xf32, #tpu.memory_space<vmem>>, vector<16xf32>,
      %swap3A_545 = arith.index_cast %scan3A_248 : i32 to index
      %swap3A_546 = arith.constant 784 : index
      %swap3A_547 = tpu.vector_load %arg8[%swap3A_545, %swap3A_546] {strides = array<i32>} : memref<16x1024xf32, #tpu.memory_space<vmem>>, vector<16xf32>,
      tpu.vector_store %arg8[%swap3A_545, %swap3A_546], %get3A_544 {add = true, strides = array<i32>} : memref<16x1024xf32, #tpu.memory_space<vmem>>, vector<16xf32>,
      %get3A_548 = arith.index_cast %scan3A_248 : i32 to index
      %get3A_549 = arith.constant 800 : index
      %get3A_550 = tpu.vector_load %arg11[%get3A_548, %get3A_549] {strides = array<i32>} : memref<16x1024xf32, #tpu.memory_space<vmem>>, vector<16xf32>,
      %swap3A_551 = arith.index_cast %scan3A_248 : i32 to index
      %swap3A_552 = arith.constant 800 : index
      %swap3A_553 = tpu.vector_load %arg8[%swap3A_551, %swap3A_552] {strides = array<i32>} : memref<16x1024xf32, #tpu.memory_space<vmem>>, vector<16xf32>,
      tpu.vector_store %arg8[%swap3A_551, %swap3A_552], %get3A_550 {add = true, strides = array<i32>} : memref<16x1024xf32, #tpu.memory_space<vmem>>, vector<16xf32>,
      %get3A_554 = arith.index_cast %scan3A_248 : i32 to index
      %get3A_555 = arith.constant 816 : index
      %get3A_556 = tpu.vector_load %arg11[%get3A_554, %get3A_555] {strides = array<i32>} : memref<16x1024xf32, #tpu.memory_space<vmem>>, vector<16xf32>,
      %swap3A_557 = arith.index_cast %scan3A_248 : i32 to index
      %swap3A_558 = arith.constant 816 : index
      %swap3A_559 = tpu.vector_load %arg8[%swap3A_557, %swap3A_558] {strides = array<i32>} : memref<16x1024xf32, #tpu.memory_space<vmem>>, vector<16xf32>,
      tpu.vector_store %arg8[%swap3A_557, %swap3A_558], %get3A_556 {add = true, strides = array<i32>} : memref<16x1024xf32, #tpu.memory_space<vmem>>, vector<16xf32>,
      %get3A_560 = arith.index_cast %scan3A_248 : i32 to index
      %get3A_561 = arith.constant 832 : index
      %get3A_562 = tpu.vector_load %arg11[%get3A_560, %get3A_561] {strides = array<i32>} : memref<16x1024xf32, #tpu.memory_space<vmem>>, vector<16xf32>,
      %swap3A_563 = arith.index_cast %scan3A_248 : i32 to index
      %swap3A_564 = arith.constant 832 : index
      %swap3A_565 = tpu.vector_load %arg8[%swap3A_563, %swap3A_564] {strides = array<i32>} : memref<16x1024xf32, #tpu.memory_space<vmem>>, vector<16xf32>,
      tpu.vector_store %arg8[%swap3A_563, %swap3A_564], %get3A_562 {add = true, strides = array<i32>} : memref<16x1024xf32, #tpu.memory_space<vmem>>, vector<16xf32>,
      %get3A_566 = arith.index_cast %scan3A_248 : i32 to index
      %get3A_567 = arith.constant 848 : index
      %get3A_568 = tpu.vector_load %arg11[%get3A_566, %get3A_567] {strides = array<i32>} : memref<16x1024xf32, #tpu.memory_space<vmem>>, vector<16xf32>,
      %swap3A_569 = arith.index_cast %scan3A_248 : i32 to index
      %swap3A_570 = arith.constant 848 : index
      %swap3A_571 = tpu.vector_load %arg8[%swap3A_569, %swap3A_570] {strides = array<i32>} : memref<16x1024xf32, #tpu.memory_space<vmem>>, vector<16xf32>,
      tpu.vector_store %arg8[%swap3A_569, %swap3A_570], %get3A_568 {add = true, strides = array<i32>} : memref<16x1024xf32, #tpu.memory_space<vmem>>, vector<16xf32>,
      %get3A_572 = arith.index_cast %scan3A_248 : i32 to index
      %get3A_573 = arith.constant 864 : index
      %get3A_574 = tpu.vector_load %arg11[%get3A_572, %get3A_573] {strides = array<i32>} : memref<16x1024xf32, #tpu.memory_space<vmem>>, vector<16xf32>,
      %swap3A_575 = arith.index_cast %scan3A_248 : i32 to index
      %swap3A_576 = arith.constant 864 : index
      %swap3A_577 = tpu.vector_load %arg8[%swap3A_575, %swap3A_576] {strides = array<i32>} : memref<16x1024xf32, #tpu.memory_space<vmem>>, vector<16xf32>,
      tpu.vector_store %arg8[%swap3A_575, %swap3A_576], %get3A_574 {add = true, strides = array<i32>} : memref<16x1024xf32, #tpu.memory_space<vmem>>, vector<16xf32>,
      %get3A_578 = arith.index_cast %scan3A_248 : i32 to index
      %get3A_579 = arith.constant 880 : index
      %get3A_580 = tpu.vector_load %arg11[%get3A_578, %get3A_579] {strides = array<i32>} : memref<16x1024xf32, #tpu.memory_space<vmem>>, vector<16xf32>,
      %swap3A_581 = arith.index_cast %scan3A_248 : i32 to index
      %swap3A_582 = arith.constant 880 : index
      %swap3A_583 = tpu.vector_load %arg8[%swap3A_581, %swap3A_582] {strides = array<i32>} : memref<16x1024xf32, #tpu.memory_space<vmem>>, vector<16xf32>,
      tpu.vector_store %arg8[%swap3A_581, %swap3A_582], %get3A_580 {add = true, strides = array<i32>} : memref<16x1024xf32, #tpu.memory_space<vmem>>, vector<16xf32>,
      %get3A_584 = arith.index_cast %scan3A_248 : i32 to index
      %get3A_585 = arith.constant 896 : index
      %get3A_586 = tpu.vector_load %arg11[%get3A_584, %get3A_585] {strides = array<i32>} : memref<16x1024xf32, #tpu.memory_space<vmem>>, vector<16xf32>,
      %swap3A_587 = arith.index_cast %scan3A_248 : i32 to index
      %swap3A_588 = arith.constant 896 : index
      %swap3A_589 = tpu.vector_load %arg8[%swap3A_587, %swap3A_588] {strides = array<i32>} : memref<16x1024xf32, #tpu.memory_space<vmem>>, vector<16xf32>,
      tpu.vector_store %arg8[%swap3A_587, %swap3A_588], %get3A_586 {add = true, strides = array<i32>} : memref<16x1024xf32, #tpu.memory_space<vmem>>, vector<16xf32>,
      %get3A_590 = arith.index_cast %scan3A_248 : i32 to index
      %get3A_591 = arith.constant 912 : index
      %get3A_592 = tpu.vector_load %arg11[%get3A_590, %get3A_591] {strides = array<i32>} : memref<16x1024xf32, #tpu.memory_space<vmem>>, vector<16xf32>,
      %swap3A_593 = arith.index_cast %scan3A_248 : i32 to index
      %swap3A_594 = arith.constant 912 : index
      %swap3A_595 = tpu.vector_load %arg8[%swap3A_593, %swap3A_594] {strides = array<i32>} : memref<16x1024xf32, #tpu.memory_space<vmem>>, vector<16xf32>,
      tpu.vector_store %arg8[%swap3A_593, %swap3A_594], %get3A_592 {add = true, strides = array<i32>} : memref<16x1024xf32, #tpu.memory_space<vmem>>, vector<16xf32>,
      %get3A_596 = arith.index_cast %scan3A_248 : i32 to index
      %get3A_597 = arith.constant 928 : index
      %get3A_598 = tpu.vector_load %arg11[%get3A_596, %get3A_597] {strides = array<i32>} : memref<16x1024xf32, #tpu.memory_space<vmem>>, vector<16xf32>,
      %swap3A_599 = arith.index_cast %scan3A_248 : i32 to index
      %swap3A_600 = arith.constant 928 : index
      %swap3A_601 = tpu.vector_load %arg8[%swap3A_599, %swap3A_600] {strides = array<i32>} : memref<16x1024xf32, #tpu.memory_space<vmem>>, vector<16xf32>,
      tpu.vector_store %arg8[%swap3A_599, %swap3A_600], %get3A_598 {add = true, strides = array<i32>} : memref<16x1024xf32, #tpu.memory_space<vmem>>, vector<16xf32>,
      %get3A_602 = arith.index_cast %scan3A_248 : i32 to index
      %get3A_603 = arith.constant 944 : index
      %get3A_604 = tpu.vector_load %arg11[%get3A_602, %get3A_603] {strides = array<i32>} : memref<16x1024xf32, #tpu.memory_space<vmem>>, vector<16xf32>,
      %swap3A_605 = arith.index_cast %scan3A_248 : i32 to index
      %swap3A_606 = arith.constant 944 : index
      %swap3A_607 = tpu.vector_load %arg8[%swap3A_605, %swap3A_606] {strides = array<i32>} : memref<16x1024xf32, #tpu.memory_space<vmem>>, vector<16xf32>,
      tpu.vector_store %arg8[%swap3A_605, %swap3A_606], %get3A_604 {add = true, strides = array<i32>} : memref<16x1024xf32, #tpu.memory_space<vmem>>, vector<16xf32>,
      %get3A_608 = arith.index_cast %scan3A_248 : i32 to index
      %get3A_609 = arith.constant 960 : index
      %get3A_610 = tpu.vector_load %arg11[%get3A_608, %get3A_609] {strides = array<i32>} : memref<16x1024xf32, #tpu.memory_space<vmem>>, vector<16xf32>,
      %swap3A_611 = arith.index_cast %scan3A_248 : i32 to index
      %swap3A_612 = arith.constant 960 : index
      %swap3A_613 = tpu.vector_load %arg8[%swap3A_611, %swap3A_612] {strides = array<i32>} : memref<16x1024xf32, #tpu.memory_space<vmem>>, vector<16xf32>,
      tpu.vector_store %arg8[%swap3A_611, %swap3A_612], %get3A_610 {add = true, strides = array<i32>} : memref<16x1024xf32, #tpu.memory_space<vmem>>, vector<16xf32>,
      %get3A_614 = arith.index_cast %scan3A_248 : i32 to index
      %get3A_615 = arith.constant 976 : index
      %get3A_616 = tpu.vector_load %arg11[%get3A_614, %get3A_615] {strides = array<i32>} : memref<16x1024xf32, #tpu.memory_space<vmem>>, vector<16xf32>,
      %swap3A_617 = arith.index_cast %scan3A_248 : i32 to index
      %swap3A_618 = arith.constant 976 : index
      %swap3A_619 = tpu.vector_load %arg8[%swap3A_617, %swap3A_618] {strides = array<i32>} : memref<16x1024xf32, #tpu.memory_space<vmem>>, vector<16xf32>,
      tpu.vector_store %arg8[%swap3A_617, %swap3A_618], %get3A_616 {add = true, strides = array<i32>} : memref<16x1024xf32, #tpu.memory_space<vmem>>, vector<16xf32>,
      %get3A_620 = arith.index_cast %scan3A_248 : i32 to index
      %get3A_621 = arith.constant 992 : index
      %get3A_622 = tpu.vector_load %arg11[%get3A_620, %get3A_621] {strides = array<i32>} : memref<16x1024xf32, #tpu.memory_space<vmem>>, vector<16xf32>,
      %swap3A_623 = arith.index_cast %scan3A_248 : i32 to index
      %swap3A_624 = arith.constant 992 : index
      %swap3A_625 = tpu.vector_load %arg8[%swap3A_623, %swap3A_624] {strides = array<i32>} : memref<16x1024xf32, #tpu.memory_space<vmem>>, vector<16xf32>,
      tpu.vector_store %arg8[%swap3A_623, %swap3A_624], %get3A_622 {add = true, strides = array<i32>} : memref<16x1024xf32, #tpu.memory_space<vmem>>, vector<16xf32>,
      %get3A_626 = arith.index_cast %scan3A_248 : i32 to index
      %get3A_627 = arith.constant 1008 : index
      %get3A_628 = tpu.vector_load %arg11[%get3A_626, %get3A_627] {strides = array<i32>} : memref<16x1024xf32, #tpu.memory_space<vmem>>, vector<16xf32>,
      %swap3A_629 = arith.index_cast %scan3A_248 : i32 to index
      %swap3A_630 = arith.constant 1008 : index
      %swap3A_631 = tpu.vector_load %arg8[%swap3A_629, %swap3A_630] {strides = array<i32>} : memref<16x1024xf32, #tpu.memory_space<vmem>>, vector<16xf32>,
      tpu.vector_store %arg8[%swap3A_629, %swap3A_630], %get3A_628 {add = true, strides = array<i32>} : memref<16x1024xf32, #tpu.memory_space<vmem>>, vector<16xf32>,
      %scan3A_632 = arith.constant 0 : i32
      scf.yield %scan3A_632 : i32
    }
    %scan3A_113 = arith.constant 16 : i32
    %add3A_114 = arith.constant 32 : i32
    %add3A_115 = arith.addi %mul3A_34, %add3A_114 : i32
    %dma_start3A_116 = arith.constant 0 : i32
    %dma_start3A_117 = tpu.memref_slice %arg2[%add3A_115, %dma_start3A_116] : memref<8192x1024xf32, #tpu.memory_space<hbm>> -> memref<16x1024xf32, #tpu.memory_space<hbm>>
    %dma_start3A_118 = arith.constant 0 : i32
    %dma_start3A_119 = tpu.memref_slice %arg2[%add3A_115, %dma_start3A_118] : memref<8192x1024xf32, #tpu.memory_space<hbm>> -> memref<16x1024xf32, #tpu.memory_space<hbm>>
    tpu.enqueue_dma source(%dma_start3A_119 : memref<16x1024xf32, #tpu.memory_space<hbm>>) target(%arg10 : memref<16x1024xf32, #tpu.memory_space<vmem>>) target_semaphore(%arg16 : memref<!tpu.dma_semaphore, #tpu.memory_space<semaphore_mem>>)
    %dma_start3A_120 = arith.constant 32 : i32
    %dma_start3A_121 = tpu.memref_slice %arg7[%dma_start3A_120] : memref<256xi32, #tpu.memory_space<vmem>> -> memref<16xi32, #tpu.memory_space<vmem>>
    %dma_start3A_122 = arith.constant 0 : i32
    %dma_start3A_123 = arith.constant 0 : i32
    %dma_start3A_124 = tpu.memref_slice %arg4[%dma_start3A_122, %dma_start3A_123] : memref<2049x1024xf32, #tpu.memory_space<hbm>> -> memref<2049x1024xf32, #tpu.memory_space<hbm>>
    tpu.enqueue_indirect_dma source(%dma_start3A_124 : memref<2049x1024xf32, #tpu.memory_space<hbm>>) target(%arg13 : memref<16x1024xf32, #tpu.memory_space<vmem>>) offsets(%dma_start3A_121 : memref<16xi32, #tpu.memory_space<vmem>>) semaphore(%arg16 : memref<!tpu.dma_semaphore, #tpu.memory_space<semaphore_mem>>)
    %add3A_125 = arith.constant 0 : i32
    %add3A_126 = arith.addi %mul3A_34, %add3A_125 : i32
    %dma_start3A_127 = arith.constant 0 : i32
    %dma_start3A_128 = tpu.memref_slice %arg5[%add3A_126, %dma_start3A_127] : memref<8192x1024xf32, #tpu.memory_space<hbm>> -> memref<16x1024xf32, #tpu.memory_space<hbm>>
    %dma_start3A_129 = arith.constant 0 : i32
    %dma_start3A_130 = tpu.memref_slice %arg5[%add3A_126, %dma_start3A_129] : memref<8192x1024xf32, #tpu.memory_space<hbm>> -> memref<16x1024xf32, #tpu.memory_space<hbm>>
    tpu.enqueue_dma source(%arg8 : memref<16x1024xf32, #tpu.memory_space<vmem>>) target(%dma_start3A_130 : memref<16x1024xf32, #tpu.memory_space<hbm>>) target_semaphore(%arg17 : memref<!tpu.dma_semaphore, #tpu.memory_space<semaphore_mem>>)
    %scan3A_131 = arith.constant 0 : i32
    %scan3A_132 = arith.constant 0 : i32
    %scan3A_133 = arith.constant 4 : i32
    %scan3A_134 = arith.addi %scan3A_132, %scan3A_133 : i32
    %scan3A_135 = arith.constant 1 : i32
    %scan3A_136 = scf.for %scan3A_248 = %scan3A_132 to %scan3A_134 step %scan3A_135 iter_args(%scan3A_249 = %scan3A_131) -> (i32)  : i32 {
      %mul3A_250 = arith.constant 3 : i32
      %mul3A_251 = arith.muli %mul3A_250, %scan3A_248 : i32
      %add3A_252 = arith.constant 1 : i32
      %add3A_253 = arith.addi %add3A_252, %mul3A_251 : i32
      %dma_wait3A_254 = arith.constant 0 : i32
      %dma_wait3A_255 = arith.constant 0 : i32
      %dma_wait3A_256 = tpu.memref_slice %arg2[%dma_wait3A_254, %dma_wait3A_255] : memref<8192x1024xf32, #tpu.memory_space<hbm>> -> memref<16x1024xf32, #tpu.memory_space<hbm>>
      %dma_wait3A_257 = arith.constant 0 : i32
      %dma_wait3A_258 = arith.constant 0 : i32
      %dma_wait3A_259 = tpu.memref_slice %arg2[%dma_wait3A_257, %dma_wait3A_258] : memref<8192x1024xf32, #tpu.memory_space<hbm>> -> memref<16x1024xf32, #tpu.memory_space<hbm>>
      tpu.wait_dma2 semaphore(%arg15 : memref<!tpu.dma_semaphore, #tpu.memory_space<semaphore_mem>>) src(%dma_wait3A_259 : memref<16x1024xf32, #tpu.memory_space<hbm>>) dst(%arg9 : memref<16x1024xf32, #tpu.memory_space<vmem>>)
      %dma_wait3A_260 = arith.constant 0 : i32
      %dma_wait3A_261 = arith.constant 0 : i32
      %dma_wait3A_262 = tpu.memref_slice %arg2[%dma_wait3A_260, %dma_wait3A_261] : memref<8192x1024xf32, #tpu.memory_space<hbm>> -> memref<16x1024xf32, #tpu.memory_space<hbm>>
      %dma_wait3A_263 = arith.constant 0 : i32
      %dma_wait3A_264 = arith.constant 0 : i32
      %dma_wait3A_265 = tpu.memref_slice %arg2[%dma_wait3A_263, %dma_wait3A_264] : memref<8192x1024xf32, #tpu.memory_space<hbm>> -> memref<16x1024xf32, #tpu.memory_space<hbm>>
      tpu.wait_dma2 semaphore(%arg15 : memref<!tpu.dma_semaphore, #tpu.memory_space<semaphore_mem>>) src(%dma_wait3A_265 : memref<16x1024xf32, #tpu.memory_space<hbm>>) dst(%arg12 : memref<16x1024xf32, #tpu.memory_space<vmem>>)
      %scan3A_266 = arith.constant 0 : i32
      %scan3A_267 = arith.constant 0 : i32
      %scan3A_268 = arith.constant 16 : i32
      %scan3A_269 = arith.addi %scan3A_267, %scan3A_268 : i32
      %scan3A_270 = arith.constant 1 : i32
      %scan3A_271 = scf.for %scan3A_400 = %scan3A_267 to %scan3A_269 step %scan3A_270 iter_args(%scan3A_401 = %scan3A_266) -> (i32)  : i32 {
        %get3A = arith.index_cast %scan3A_400 : i32 to index
        %get3A_402 = arith.constant 0 : index
        %get3A_403 = tpu.vector_load %arg12[%get3A, %get3A_402] {strides = array<i32>} : memref<16x1024xf32, #tpu.memory_space<vmem>>, vector<16xf32>,
        %swap3A = arith.index_cast %scan3A_400 : i32 to index
        %swap3A_404 = arith.constant 0 : index
        %swap3A_405 = tpu.vector_load %arg9[%swap3A, %swap3A_404] {strides = array<i32>} : memref<16x1024xf32, #tpu.memory_space<vmem>>, vector<16xf32>,
        tpu.vector_store %arg9[%swap3A, %swap3A_404], %get3A_403 {add = true, strides = array<i32>} : memref<16x1024xf32, #tpu.memory_space<vmem>>, vector<16xf32>,
        %get3A_406 = arith.index_cast %scan3A_400 : i32 to index
        %get3A_407 = arith.constant 16 : index
        %get3A_408 = tpu.vector_load %arg12[%get3A_406, %get3A_407] {strides = array<i32>} : memref<16x1024xf32, #tpu.memory_space<vmem>>, vector<16xf32>,
        %swap3A_409 = arith.index_cast %scan3A_400 : i32 to index
        %swap3A_410 = arith.constant 16 : index
        %swap3A_411 = tpu.vector_load %arg9[%swap3A_409, %swap3A_410] {strides = array<i32>} : memref<16x1024xf32, #tpu.memory_space<vmem>>, vector<16xf32>,
        tpu.vector_store %arg9[%swap3A_409, %swap3A_410], %get3A_408 {add = true, strides = array<i32>} : memref<16x1024xf32, #tpu.memory_space<vmem>>, vector<16xf32>,
        %get3A_412 = arith.index_cast %scan3A_400 : i32 to index
        %get3A_413 = arith.constant 32 : index
        %get3A_414 = tpu.vector_load %arg12[%get3A_412, %get3A_413] {strides = array<i32>} : memref<16x1024xf32, #tpu.memory_space<vmem>>, vector<16xf32>,
        %swap3A_415 = arith.index_cast %scan3A_400 : i32 to index
        %swap3A_416 = arith.constant 32 : index
        %swap3A_417 = tpu.vector_load %arg9[%swap3A_415, %swap3A_416] {strides = array<i32>} : memref<16x1024xf32, #tpu.memory_space<vmem>>, vector<16xf32>,
        tpu.vector_store %arg9[%swap3A_415, %swap3A_416], %get3A_414 {add = true, strides = array<i32>} : memref<16x1024xf32, #tpu.memory_space<vmem>>, vector<16xf32>,
        %get3A_418 = arith.index_cast %scan3A_400 : i32 to index
        %get3A_419 = arith.constant 48 : index
        %get3A_420 = tpu.vector_load %arg12[%get3A_418, %get3A_419] {strides = array<i32>} : memref<16x1024xf32, #tpu.memory_space<vmem>>, vector<16xf32>,
        %swap3A_421 = arith.index_cast %scan3A_400 : i32 to index
        %swap3A_422 = arith.constant 48 : index
        %swap3A_423 = tpu.vector_load %arg9[%swap3A_421, %swap3A_422] {strides = array<i32>} : memref<16x1024xf32, #tpu.memory_space<vmem>>, vector<16xf32>,
        tpu.vector_store %arg9[%swap3A_421, %swap3A_422], %get3A_420 {add = true, strides = array<i32>} : memref<16x1024xf32, #tpu.memory_space<vmem>>, vector<16xf32>,
        %get3A_424 = arith.index_cast %scan3A_400 : i32 to index
        %get3A_425 = arith.constant 64 : index
        %get3A_426 = tpu.vector_load %arg12[%get3A_424, %get3A_425] {strides = array<i32>} : memref<16x1024xf32, #tpu.memory_space<vmem>>, vector<16xf32>,
        %swap3A_427 = arith.index_cast %scan3A_400 : i32 to index
        %swap3A_428 = arith.constant 64 : index
        %swap3A_429 = tpu.vector_load %arg9[%swap3A_427, %swap3A_428] {strides = array<i32>} : memref<16x1024xf32, #tpu.memory_space<vmem>>, vector<16xf32>,
        tpu.vector_store %arg9[%swap3A_427, %swap3A_428], %get3A_426 {add = true, strides = array<i32>} : memref<16x1024xf32, #tpu.memory_space<vmem>>, vector<16xf32>,
        %get3A_430 = arith.index_cast %scan3A_400 : i32 to index
        %get3A_431 = arith.constant 80 : index
        %get3A_432 = tpu.vector_load %arg12[%get3A_430, %get3A_431] {strides = array<i32>} : memref<16x1024xf32, #tpu.memory_space<vmem>>, vector<16xf32>,
        %swap3A_433 = arith.index_cast %scan3A_400 : i32 to index
        %swap3A_434 = arith.constant 80 : index
        %swap3A_435 = tpu.vector_load %arg9[%swap3A_433, %swap3A_434] {strides = array<i32>} : memref<16x1024xf32, #tpu.memory_space<vmem>>, vector<16xf32>,
        tpu.vector_store %arg9[%swap3A_433, %swap3A_434], %get3A_432 {add = true, strides = array<i32>} : memref<16x1024xf32, #tpu.memory_space<vmem>>, vector<16xf32>,
        %get3A_436 = arith.index_cast %scan3A_400 : i32 to index
        %get3A_437 = arith.constant 96 : index
        %get3A_438 = tpu.vector_load %arg12[%get3A_436, %get3A_437] {strides = array<i32>} : memref<16x1024xf32, #tpu.memory_space<vmem>>, vector<16xf32>,
        %swap3A_439 = arith.index_cast %scan3A_400 : i32 to index
        %swap3A_440 = arith.constant 96 : index
        %swap3A_441 = tpu.vector_load %arg9[%swap3A_439, %swap3A_440] {strides = array<i32>} : memref<16x1024xf32, #tpu.memory_space<vmem>>, vector<16xf32>,
        tpu.vector_store %arg9[%swap3A_439, %swap3A_440], %get3A_438 {add = true, strides = array<i32>} : memref<16x1024xf32, #tpu.memory_space<vmem>>, vector<16xf32>,
        %get3A_442 = arith.index_cast %scan3A_400 : i32 to index
        %get3A_443 = arith.constant 112 : index
        %get3A_444 = tpu.vector_load %arg12[%get3A_442, %get3A_443] {strides = array<i32>} : memref<16x1024xf32, #tpu.memory_space<vmem>>, vector<16xf32>,
        %swap3A_445 = arith.index_cast %scan3A_400 : i32 to index
        %swap3A_446 = arith.constant 112 : index
        %swap3A_447 = tpu.vector_load %arg9[%swap3A_445, %swap3A_446] {strides = array<i32>} : memref<16x1024xf32, #tpu.memory_space<vmem>>, vector<16xf32>,
        tpu.vector_store %arg9[%swap3A_445, %swap3A_446], %get3A_444 {add = true, strides = array<i32>} : memref<16x1024xf32, #tpu.memory_space<vmem>>, vector<16xf32>,
        %get3A_448 = arith.index_cast %scan3A_400 : i32 to index
        %get3A_449 = arith.constant 128 : index
        %get3A_450 = tpu.vector_load %arg12[%get3A_448, %get3A_449] {strides = array<i32>} : memref<16x1024xf32, #tpu.memory_space<vmem>>, vector<16xf32>,
        %swap3A_451 = arith.index_cast %scan3A_400 : i32 to index
        %swap3A_452 = arith.constant 128 : index
        %swap3A_453 = tpu.vector_load %arg9[%swap3A_451, %swap3A_452] {strides = array<i32>} : memref<16x1024xf32, #tpu.memory_space<vmem>>, vector<16xf32>,
        tpu.vector_store %arg9[%swap3A_451, %swap3A_452], %get3A_450 {add = true, strides = array<i32>} : memref<16x1024xf32, #tpu.memory_space<vmem>>, vector<16xf32>,
        %get3A_454 = arith.index_cast %scan3A_400 : i32 to index
        %get3A_455 = arith.constant 144 : index
        %get3A_456 = tpu.vector_load %arg12[%get3A_454, %get3A_455] {strides = array<i32>} : memref<16x1024xf32, #tpu.memory_space<vmem>>, vector<16xf32>,
        %swap3A_457 = arith.index_cast %scan3A_400 : i32 to index
        %swap3A_458 = arith.constant 144 : index
        %swap3A_459 = tpu.vector_load %arg9[%swap3A_457, %swap3A_458] {strides = array<i32>} : memref<16x1024xf32, #tpu.memory_space<vmem>>, vector<16xf32>,
        tpu.vector_store %arg9[%swap3A_457, %swap3A_458], %get3A_456 {add = true, strides = array<i32>} : memref<16x1024xf32, #tpu.memory_space<vmem>>, vector<16xf32>,
        %get3A_460 = arith.index_cast %scan3A_400 : i32 to index
        %get3A_461 = arith.constant 160 : index
        %get3A_462 = tpu.vector_load %arg12[%get3A_460, %get3A_461] {strides = array<i32>} : memref<16x1024xf32, #tpu.memory_space<vmem>>, vector<16xf32>,
        %swap3A_463 = arith.index_cast %scan3A_400 : i32 to index
        %swap3A_464 = arith.constant 160 : index
        %swap3A_465 = tpu.vector_load %arg9[%swap3A_463, %swap3A_464] {strides = array<i32>} : memref<16x1024xf32, #tpu.memory_space<vmem>>, vector<16xf32>,
        tpu.vector_store %arg9[%swap3A_463, %swap3A_464], %get3A_462 {add = true, strides = array<i32>} : memref<16x1024xf32, #tpu.memory_space<vmem>>, vector<16xf32>,
        %get3A_466 = arith.index_cast %scan3A_400 : i32 to index
        %get3A_467 = arith.constant 176 : index
        %get3A_468 = tpu.vector_load %arg12[%get3A_466, %get3A_467] {strides = array<i32>} : memref<16x1024xf32, #tpu.memory_space<vmem>>, vector<16xf32>,
        %swap3A_469 = arith.index_cast %scan3A_400 : i32 to index
        %swap3A_470 = arith.constant 176 : index
        %swap3A_471 = tpu.vector_load %arg9[%swap3A_469, %swap3A_470] {strides = array<i32>} : memref<16x1024xf32, #tpu.memory_space<vmem>>, vector<16xf32>,
        tpu.vector_store %arg9[%swap3A_469, %swap3A_470], %get3A_468 {add = true, strides = array<i32>} : memref<16x1024xf32, #tpu.memory_space<vmem>>, vector<16xf32>,
        %get3A_472 = arith.index_cast %scan3A_400 : i32 to index
        %get3A_473 = arith.constant 192 : index
        %get3A_474 = tpu.vector_load %arg12[%get3A_472, %get3A_473] {strides = array<i32>} : memref<16x1024xf32, #tpu.memory_space<vmem>>, vector<16xf32>,
        %swap3A_475 = arith.index_cast %scan3A_400 : i32 to index
        %swap3A_476 = arith.constant 192 : index
        %swap3A_477 = tpu.vector_load %arg9[%swap3A_475, %swap3A_476] {strides = array<i32>} : memref<16x1024xf32, #tpu.memory_space<vmem>>, vector<16xf32>,
        tpu.vector_store %arg9[%swap3A_475, %swap3A_476], %get3A_474 {add = true, strides = array<i32>} : memref<16x1024xf32, #tpu.memory_space<vmem>>, vector<16xf32>,
        %get3A_478 = arith.index_cast %scan3A_400 : i32 to index
        %get3A_479 = arith.constant 208 : index
        %get3A_480 = tpu.vector_load %arg12[%get3A_478, %get3A_479] {strides = array<i32>} : memref<16x1024xf32, #tpu.memory_space<vmem>>, vector<16xf32>,
        %swap3A_481 = arith.index_cast %scan3A_400 : i32 to index
        %swap3A_482 = arith.constant 208 : index
        %swap3A_483 = tpu.vector_load %arg9[%swap3A_481, %swap3A_482] {strides = array<i32>} : memref<16x1024xf32, #tpu.memory_space<vmem>>, vector<16xf32>,
        tpu.vector_store %arg9[%swap3A_481, %swap3A_482], %get3A_480 {add = true, strides = array<i32>} : memref<16x1024xf32, #tpu.memory_space<vmem>>, vector<16xf32>,
        %get3A_484 = arith.index_cast %scan3A_400 : i32 to index
        %get3A_485 = arith.constant 224 : index
        %get3A_486 = tpu.vector_load %arg12[%get3A_484, %get3A_485] {strides = array<i32>} : memref<16x1024xf32, #tpu.memory_space<vmem>>, vector<16xf32>,
        %swap3A_487 = arith.index_cast %scan3A_400 : i32 to index
        %swap3A_488 = arith.constant 224 : index
        %swap3A_489 = tpu.vector_load %arg9[%swap3A_487, %swap3A_488] {strides = array<i32>} : memref<16x1024xf32, #tpu.memory_space<vmem>>, vector<16xf32>,
        tpu.vector_store %arg9[%swap3A_487, %swap3A_488], %get3A_486 {add = true, strides = array<i32>} : memref<16x1024xf32, #tpu.memory_space<vmem>>, vector<16xf32>,
        %get3A_490 = arith.index_cast %scan3A_400 : i32 to index
        %get3A_491 = arith.constant 240 : index
        %get3A_492 = tpu.vector_load %arg12[%get3A_490, %get3A_491] {strides = array<i32>} : memref<16x1024xf32, #tpu.memory_space<vmem>>, vector<16xf32>,
        %swap3A_493 = arith.index_cast %scan3A_400 : i32 to index
        %swap3A_494 = arith.constant 240 : index
        %swap3A_495 = tpu.vector_load %arg9[%swap3A_493, %swap3A_494] {strides = array<i32>} : memref<16x1024xf32, #tpu.memory_space<vmem>>, vector<16xf32>,
        tpu.vector_store %arg9[%swap3A_493, %swap3A_494], %get3A_492 {add = true, strides = array<i32>} : memref<16x1024xf32, #tpu.memory_space<vmem>>, vector<16xf32>,
        %get3A_496 = arith.index_cast %scan3A_400 : i32 to index
        %get3A_497 = arith.constant 256 : index
        %get3A_498 = tpu.vector_load %arg12[%get3A_496, %get3A_497] {strides = array<i32>} : memref<16x1024xf32, #tpu.memory_space<vmem>>, vector<16xf32>,
        %swap3A_499 = arith.index_cast %scan3A_400 : i32 to index
        %swap3A_500 = arith.constant 256 : index
        %swap3A_501 = tpu.vector_load %arg9[%swap3A_499, %swap3A_500] {strides = array<i32>} : memref<16x1024xf32, #tpu.memory_space<vmem>>, vector<16xf32>,
        tpu.vector_store %arg9[%swap3A_499, %swap3A_500], %get3A_498 {add = true, strides = array<i32>} : memref<16x1024xf32, #tpu.memory_space<vmem>>, vector<16xf32>,
        %get3A_502 = arith.index_cast %scan3A_400 : i32 to index
        %get3A_503 = arith.constant 272 : index
        %get3A_504 = tpu.vector_load %arg12[%get3A_502, %get3A_503] {strides = array<i32>} : memref<16x1024xf32, #tpu.memory_space<vmem>>, vector<16xf32>,
        %swap3A_505 = arith.index_cast %scan3A_400 : i32 to index
        %swap3A_506 = arith.constant 272 : index
        %swap3A_507 = tpu.vector_load %arg9[%swap3A_505, %swap3A_506] {strides = array<i32>} : memref<16x1024xf32, #tpu.memory_space<vmem>>, vector<16xf32>,
        tpu.vector_store %arg9[%swap3A_505, %swap3A_506], %get3A_504 {add = true, strides = array<i32>} : memref<16x1024xf32, #tpu.memory_space<vmem>>, vector<16xf32>,
        %get3A_508 = arith.index_cast %scan3A_400 : i32 to index
        %get3A_509 = arith.constant 288 : index
        %get3A_510 = tpu.vector_load %arg12[%get3A_508, %get3A_509] {strides = array<i32>} : memref<16x1024xf32, #tpu.memory_space<vmem>>, vector<16xf32>,
        %swap3A_511 = arith.index_cast %scan3A_400 : i32 to index
        %swap3A_512 = arith.constant 288 : index
        %swap3A_513 = tpu.vector_load %arg9[%swap3A_511, %swap3A_512] {strides = array<i32>} : memref<16x1024xf32, #tpu.memory_space<vmem>>, vector<16xf32>,
        tpu.vector_store %arg9[%swap3A_511, %swap3A_512], %get3A_510 {add = true, strides = array<i32>} : memref<16x1024xf32, #tpu.memory_space<vmem>>, vector<16xf32>,
        %get3A_514 = arith.index_cast %scan3A_400 : i32 to index
        %get3A_515 = arith.constant 304 : index
        %get3A_516 = tpu.vector_load %arg12[%get3A_514, %get3A_515] {strides = array<i32>} : memref<16x1024xf32, #tpu.memory_space<vmem>>, vector<16xf32>,
        %swap3A_517 = arith.index_cast %scan3A_400 : i32 to index
        %swap3A_518 = arith.constant 304 : index
        %swap3A_519 = tpu.vector_load %arg9[%swap3A_517, %swap3A_518] {strides = array<i32>} : memref<16x1024xf32, #tpu.memory_space<vmem>>, vector<16xf32>,
        tpu.vector_store %arg9[%swap3A_517, %swap3A_518], %get3A_516 {add = true, strides = array<i32>} : memref<16x1024xf32, #tpu.memory_space<vmem>>, vector<16xf32>,
        %get3A_520 = arith.index_cast %scan3A_400 : i32 to index
        %get3A_521 = arith.constant 320 : index
        %get3A_522 = tpu.vector_load %arg12[%get3A_520, %get3A_521] {strides = array<i32>} : memref<16x1024xf32, #tpu.memory_space<vmem>>, vector<16xf32>,
        %swap3A_523 = arith.index_cast %scan3A_400 : i32 to index
        %swap3A_524 = arith.constant 320 : index
        %swap3A_525 = tpu.vector_load %arg9[%swap3A_523, %swap3A_524] {strides = array<i32>} : memref<16x1024xf32, #tpu.memory_space<vmem>>, vector<16xf32>,
        tpu.vector_store %arg9[%swap3A_523, %swap3A_524], %get3A_522 {add = true, strides = array<i32>} : memref<16x1024xf32, #tpu.memory_space<vmem>>, vector<16xf32>,
        %get3A_526 = arith.index_cast %scan3A_400 : i32 to index
        %get3A_527 = arith.constant 336 : index
        %get3A_528 = tpu.vector_load %arg12[%get3A_526, %get3A_527] {strides = array<i32>} : memref<16x1024xf32, #tpu.memory_space<vmem>>, vector<16xf32>,
        %swap3A_529 = arith.index_cast %scan3A_400 : i32 to index
        %swap3A_530 = arith.constant 336 : index
        %swap3A_531 = tpu.vector_load %arg9[%swap3A_529, %swap3A_530] {strides = array<i32>} : memref<16x1024xf32, #tpu.memory_space<vmem>>, vector<16xf32>,
        tpu.vector_store %arg9[%swap3A_529, %swap3A_530], %get3A_528 {add = true, strides = array<i32>} : memref<16x1024xf32, #tpu.memory_space<vmem>>, vector<16xf32>,
        %get3A_532 = arith.index_cast %scan3A_400 : i32 to index
        %get3A_533 = arith.constant 352 : index
        %get3A_534 = tpu.vector_load %arg12[%get3A_532, %get3A_533] {strides = array<i32>} : memref<16x1024xf32, #tpu.memory_space<vmem>>, vector<16xf32>,
        %swap3A_535 = arith.index_cast %scan3A_400 : i32 to index
        %swap3A_536 = arith.constant 352 : index
        %swap3A_537 = tpu.vector_load %arg9[%swap3A_535, %swap3A_536] {strides = array<i32>} : memref<16x1024xf32, #tpu.memory_space<vmem>>, vector<16xf32>,
        tpu.vector_store %arg9[%swap3A_535, %swap3A_536], %get3A_534 {add = true, strides = array<i32>} : memref<16x1024xf32, #tpu.memory_space<vmem>>, vector<16xf32>,
        %get3A_538 = arith.index_cast %scan3A_400 : i32 to index
        %get3A_539 = arith.constant 368 : index
        %get3A_540 = tpu.vector_load %arg12[%get3A_538, %get3A_539] {strides = array<i32>} : memref<16x1024xf32, #tpu.memory_space<vmem>>, vector<16xf32>,
        %swap3A_541 = arith.index_cast %scan3A_400 : i32 to index
        %swap3A_542 = arith.constant 368 : index
        %swap3A_543 = tpu.vector_load %arg9[%swap3A_541, %swap3A_542] {strides = array<i32>} : memref<16x1024xf32, #tpu.memory_space<vmem>>, vector<16xf32>,
        tpu.vector_store %arg9[%swap3A_541, %swap3A_542], %get3A_540 {add = true, strides = array<i32>} : memref<16x1024xf32, #tpu.memory_space<vmem>>, vector<16xf32>,
        %get3A_544 = arith.index_cast %scan3A_400 : i32 to index
        %get3A_545 = arith.constant 384 : index
        %get3A_546 = tpu.vector_load %arg12[%get3A_544, %get3A_545] {strides = array<i32>} : memref<16x1024xf32, #tpu.memory_space<vmem>>, vector<16xf32>,
        %swap3A_547 = arith.index_cast %scan3A_400 : i32 to index
        %swap3A_548 = arith.constant 384 : index
        %swap3A_549 = tpu.vector_load %arg9[%swap3A_547, %swap3A_548] {strides = array<i32>} : memref<16x1024xf32, #tpu.memory_space<vmem>>, vector<16xf32>,
        tpu.vector_store %arg9[%swap3A_547, %swap3A_548], %get3A_546 {add = true, strides = array<i32>} : memref<16x1024xf32, #tpu.memory_space<vmem>>, vector<16xf32>,
        %get3A_550 = arith.index_cast %scan3A_400 : i32 to index
        %get3A_551 = arith.constant 400 : index
        %get3A_552 = tpu.vector_load %arg12[%get3A_550, %get3A_551] {strides = array<i32>} : memref<16x1024xf32, #tpu.memory_space<vmem>>, vector<16xf32>,
        %swap3A_553 = arith.index_cast %scan3A_400 : i32 to index
        %swap3A_554 = arith.constant 400 : index
        %swap3A_555 = tpu.vector_load %arg9[%swap3A_553, %swap3A_554] {strides = array<i32>} : memref<16x1024xf32, #tpu.memory_space<vmem>>, vector<16xf32>,
        tpu.vector_store %arg9[%swap3A_553, %swap3A_554], %get3A_552 {add = true, strides = array<i32>} : memref<16x1024xf32, #tpu.memory_space<vmem>>, vector<16xf32>,
        %get3A_556 = arith.index_cast %scan3A_400 : i32 to index
        %get3A_557 = arith.constant 416 : index
        %get3A_558 = tpu.vector_load %arg12[%get3A_556, %get3A_557] {strides = array<i32>} : memref<16x1024xf32, #tpu.memory_space<vmem>>, vector<16xf32>,
        %swap3A_559 = arith.index_cast %scan3A_400 : i32 to index
        %swap3A_560 = arith.constant 416 : index
        %swap3A_561 = tpu.vector_load %arg9[%swap3A_559, %swap3A_560] {strides = array<i32>} : memref<16x1024xf32, #tpu.memory_space<vmem>>, vector<16xf32>,
        tpu.vector_store %arg9[%swap3A_559, %swap3A_560], %get3A_558 {add = true, strides = array<i32>} : memref<16x1024xf32, #tpu.memory_space<vmem>>, vector<16xf32>,
        %get3A_562 = arith.index_cast %scan3A_400 : i32 to index
        %get3A_563 = arith.constant 432 : index
        %get3A_564 = tpu.vector_load %arg12[%get3A_562, %get3A_563] {strides = array<i32>} : memref<16x1024xf32, #tpu.memory_space<vmem>>, vector<16xf32>,
        %swap3A_565 = arith.index_cast %scan3A_400 : i32 to index
        %swap3A_566 = arith.constant 432 : index
        %swap3A_567 = tpu.vector_load %arg9[%swap3A_565, %swap3A_566] {strides = array<i32>} : memref<16x1024xf32, #tpu.memory_space<vmem>>, vector<16xf32>,
        tpu.vector_store %arg9[%swap3A_565, %swap3A_566], %get3A_564 {add = true, strides = array<i32>} : memref<16x1024xf32, #tpu.memory_space<vmem>>, vector<16xf32>,
        %get3A_568 = arith.index_cast %scan3A_400 : i32 to index
        %get3A_569 = arith.constant 448 : index
        %get3A_570 = tpu.vector_load %arg12[%get3A_568, %get3A_569] {strides = array<i32>} : memref<16x1024xf32, #tpu.memory_space<vmem>>, vector<16xf32>,
        %swap3A_571 = arith.index_cast %scan3A_400 : i32 to index
        %swap3A_572 = arith.constant 448 : index
        %swap3A_573 = tpu.vector_load %arg9[%swap3A_571, %swap3A_572] {strides = array<i32>} : memref<16x1024xf32, #tpu.memory_space<vmem>>, vector<16xf32>,
        tpu.vector_store %arg9[%swap3A_571, %swap3A_572], %get3A_570 {add = true, strides = array<i32>} : memref<16x1024xf32, #tpu.memory_space<vmem>>, vector<16xf32>,
        %get3A_574 = arith.index_cast %scan3A_400 : i32 to index
        %get3A_575 = arith.constant 464 : index
        %get3A_576 = tpu.vector_load %arg12[%get3A_574, %get3A_575] {strides = array<i32>} : memref<16x1024xf32, #tpu.memory_space<vmem>>, vector<16xf32>,
        %swap3A_577 = arith.index_cast %scan3A_400 : i32 to index
        %swap3A_578 = arith.constant 464 : index
        %swap3A_579 = tpu.vector_load %arg9[%swap3A_577, %swap3A_578] {strides = array<i32>} : memref<16x1024xf32, #tpu.memory_space<vmem>>, vector<16xf32>,
        tpu.vector_store %arg9[%swap3A_577, %swap3A_578], %get3A_576 {add = true, strides = array<i32>} : memref<16x1024xf32, #tpu.memory_space<vmem>>, vector<16xf32>,
        %get3A_580 = arith.index_cast %scan3A_400 : i32 to index
        %get3A_581 = arith.constant 480 : index
        %get3A_582 = tpu.vector_load %arg12[%get3A_580, %get3A_581] {strides = array<i32>} : memref<16x1024xf32, #tpu.memory_space<vmem>>, vector<16xf32>,
        %swap3A_583 = arith.index_cast %scan3A_400 : i32 to index
        %swap3A_584 = arith.constant 480 : index
        %swap3A_585 = tpu.vector_load %arg9[%swap3A_583, %swap3A_584] {strides = array<i32>} : memref<16x1024xf32, #tpu.memory_space<vmem>>, vector<16xf32>,
        tpu.vector_store %arg9[%swap3A_583, %swap3A_584], %get3A_582 {add = true, strides = array<i32>} : memref<16x1024xf32, #tpu.memory_space<vmem>>, vector<16xf32>,
        %get3A_586 = arith.index_cast %scan3A_400 : i32 to index
        %get3A_587 = arith.constant 496 : index
        %get3A_588 = tpu.vector_load %arg12[%get3A_586, %get3A_587] {strides = array<i32>} : memref<16x1024xf32, #tpu.memory_space<vmem>>, vector<16xf32>,
        %swap3A_589 = arith.index_cast %scan3A_400 : i32 to index
        %swap3A_590 = arith.constant 496 : index
        %swap3A_591 = tpu.vector_load %arg9[%swap3A_589, %swap3A_590] {strides = array<i32>} : memref<16x1024xf32, #tpu.memory_space<vmem>>, vector<16xf32>,
        tpu.vector_store %arg9[%swap3A_589, %swap3A_590], %get3A_588 {add = true, strides = array<i32>} : memref<16x1024xf32, #tpu.memory_space<vmem>>, vector<16xf32>,
        %get3A_592 = arith.index_cast %scan3A_400 : i32 to index
        %get3A_593 = arith.constant 512 : index
        %get3A_594 = tpu.vector_load %arg12[%get3A_592, %get3A_593] {strides = array<i32>} : memref<16x1024xf32, #tpu.memory_space<vmem>>, vector<16xf32>,
        %swap3A_595 = arith.index_cast %scan3A_400 : i32 to index
        %swap3A_596 = arith.constant 512 : index
        %swap3A_597 = tpu.vector_load %arg9[%swap3A_595, %swap3A_596] {strides = array<i32>} : memref<16x1024xf32, #tpu.memory_space<vmem>>, vector<16xf32>,
        tpu.vector_store %arg9[%swap3A_595, %swap3A_596], %get3A_594 {add = true, strides = array<i32>} : memref<16x1024xf32, #tpu.memory_space<vmem>>, vector<16xf32>,
        %get3A_598 = arith.index_cast %scan3A_400 : i32 to index
        %get3A_599 = arith.constant 528 : index
        %get3A_600 = tpu.vector_load %arg12[%get3A_598, %get3A_599] {strides = array<i32>} : memref<16x1024xf32, #tpu.memory_space<vmem>>, vector<16xf32>,
        %swap3A_601 = arith.index_cast %scan3A_400 : i32 to index
        %swap3A_602 = arith.constant 528 : index
        %swap3A_603 = tpu.vector_load %arg9[%swap3A_601, %swap3A_602] {strides = array<i32>} : memref<16x1024xf32, #tpu.memory_space<vmem>>, vector<16xf32>,
        tpu.vector_store %arg9[%swap3A_601, %swap3A_602], %get3A_600 {add = true, strides = array<i32>} : memref<16x1024xf32, #tpu.memory_space<vmem>>, vector<16xf32>,
        %get3A_604 = arith.index_cast %scan3A_400 : i32 to index
        %get3A_605 = arith.constant 544 : index
        %get3A_606 = tpu.vector_load %arg12[%get3A_604, %get3A_605] {strides = array<i32>} : memref<16x1024xf32, #tpu.memory_space<vmem>>, vector<16xf32>,
        %swap3A_607 = arith.index_cast %scan3A_400 : i32 to index
        %swap3A_608 = arith.constant 544 : index
        %swap3A_609 = tpu.vector_load %arg9[%swap3A_607, %swap3A_608] {strides = array<i32>} : memref<16x1024xf32, #tpu.memory_space<vmem>>, vector<16xf32>,
        tpu.vector_store %arg9[%swap3A_607, %swap3A_608], %get3A_606 {add = true, strides = array<i32>} : memref<16x1024xf32, #tpu.memory_space<vmem>>, vector<16xf32>,
        %get3A_610 = arith.index_cast %scan3A_400 : i32 to index
        %get3A_611 = arith.constant 560 : index
        %get3A_612 = tpu.vector_load %arg12[%get3A_610, %get3A_611] {strides = array<i32>} : memref<16x1024xf32, #tpu.memory_space<vmem>>, vector<16xf32>,
        %swap3A_613 = arith.index_cast %scan3A_400 : i32 to index
        %swap3A_614 = arith.constant 560 : index
        %swap3A_615 = tpu.vector_load %arg9[%swap3A_613, %swap3A_614] {strides = array<i32>} : memref<16x1024xf32, #tpu.memory_space<vmem>>, vector<16xf32>,
        tpu.vector_store %arg9[%swap3A_613, %swap3A_614], %get3A_612 {add = true, strides = array<i32>} : memref<16x1024xf32, #tpu.memory_space<vmem>>, vector<16xf32>,
        %get3A_616 = arith.index_cast %scan3A_400 : i32 to index
        %get3A_617 = arith.constant 576 : index
        %get3A_618 = tpu.vector_load %arg12[%get3A_616, %get3A_617] {strides = array<i32>} : memref<16x1024xf32, #tpu.memory_space<vmem>>, vector<16xf32>,
        %swap3A_619 = arith.index_cast %scan3A_400 : i32 to index
        %swap3A_620 = arith.constant 576 : index
        %swap3A_621 = tpu.vector_load %arg9[%swap3A_619, %swap3A_620] {strides = array<i32>} : memref<16x1024xf32, #tpu.memory_space<vmem>>, vector<16xf32>,
        tpu.vector_store %arg9[%swap3A_619, %swap3A_620], %get3A_618 {add = true, strides = array<i32>} : memref<16x1024xf32, #tpu.memory_space<vmem>>, vector<16xf32>,
        %get3A_622 = arith.index_cast %scan3A_400 : i32 to index
        %get3A_623 = arith.constant 592 : index
        %get3A_624 = tpu.vector_load %arg12[%get3A_622, %get3A_623] {strides = array<i32>} : memref<16x1024xf32, #tpu.memory_space<vmem>>, vector<16xf32>,
        %swap3A_625 = arith.index_cast %scan3A_400 : i32 to index
        %swap3A_626 = arith.constant 592 : index
        %swap3A_627 = tpu.vector_load %arg9[%swap3A_625, %swap3A_626] {strides = array<i32>} : memref<16x1024xf32, #tpu.memory_space<vmem>>, vector<16xf32>,
        tpu.vector_store %arg9[%swap3A_625, %swap3A_626], %get3A_624 {add = true, strides = array<i32>} : memref<16x1024xf32, #tpu.memory_space<vmem>>, vector<16xf32>,
        %get3A_628 = arith.index_cast %scan3A_400 : i32 to index
        %get3A_629 = arith.constant 608 : index
        %get3A_630 = tpu.vector_load %arg12[%get3A_628, %get3A_629] {strides = array<i32>} : memref<16x1024xf32, #tpu.memory_space<vmem>>, vector<16xf32>,
        %swap3A_631 = arith.index_cast %scan3A_400 : i32 to index
        %swap3A_632 = arith.constant 608 : index
        %swap3A_633 = tpu.vector_load %arg9[%swap3A_631, %swap3A_632] {strides = array<i32>} : memref<16x1024xf32, #tpu.memory_space<vmem>>, vector<16xf32>,
        tpu.vector_store %arg9[%swap3A_631, %swap3A_632], %get3A_630 {add = true, strides = array<i32>} : memref<16x1024xf32, #tpu.memory_space<vmem>>, vector<16xf32>,
        %get3A_634 = arith.index_cast %scan3A_400 : i32 to index
        %get3A_635 = arith.constant 624 : index
        %get3A_636 = tpu.vector_load %arg12[%get3A_634, %get3A_635] {strides = array<i32>} : memref<16x1024xf32, #tpu.memory_space<vmem>>, vector<16xf32>,
        %swap3A_637 = arith.index_cast %scan3A_400 : i32 to index
        %swap3A_638 = arith.constant 624 : index
        %swap3A_639 = tpu.vector_load %arg9[%swap3A_637, %swap3A_638] {strides = array<i32>} : memref<16x1024xf32, #tpu.memory_space<vmem>>, vector<16xf32>,
        tpu.vector_store %arg9[%swap3A_637, %swap3A_638], %get3A_636 {add = true, strides = array<i32>} : memref<16x1024xf32, #tpu.memory_space<vmem>>, vector<16xf32>,
        %get3A_640 = arith.index_cast %scan3A_400 : i32 to index
        %get3A_641 = arith.constant 640 : index
        %get3A_642 = tpu.vector_load %arg12[%get3A_640, %get3A_641] {strides = array<i32>} : memref<16x1024xf32, #tpu.memory_space<vmem>>, vector<16xf32>,
        %swap3A_643 = arith.index_cast %scan3A_400 : i32 to index
        %swap3A_644 = arith.constant 640 : index
        %swap3A_645 = tpu.vector_load %arg9[%swap3A_643, %swap3A_644] {strides = array<i32>} : memref<16x1024xf32, #tpu.memory_space<vmem>>, vector<16xf32>,
        tpu.vector_store %arg9[%swap3A_643, %swap3A_644], %get3A_642 {add = true, strides = array<i32>} : memref<16x1024xf32, #tpu.memory_space<vmem>>, vector<16xf32>,
        %get3A_646 = arith.index_cast %scan3A_400 : i32 to index
        %get3A_647 = arith.constant 656 : index
        %get3A_648 = tpu.vector_load %arg12[%get3A_646, %get3A_647] {strides = array<i32>} : memref<16x1024xf32, #tpu.memory_space<vmem>>, vector<16xf32>,
        %swap3A_649 = arith.index_cast %scan3A_400 : i32 to index
        %swap3A_650 = arith.constant 656 : index
        %swap3A_651 = tpu.vector_load %arg9[%swap3A_649, %swap3A_650] {strides = array<i32>} : memref<16x1024xf32, #tpu.memory_space<vmem>>, vector<16xf32>,
        tpu.vector_store %arg9[%swap3A_649, %swap3A_650], %get3A_648 {add = true, strides = array<i32>} : memref<16x1024xf32, #tpu.memory_space<vmem>>, vector<16xf32>,
        %get3A_652 = arith.index_cast %scan3A_400 : i32 to index
        %get3A_653 = arith.constant 672 : index
        %get3A_654 = tpu.vector_load %arg12[%get3A_652, %get3A_653] {strides = array<i32>} : memref<16x1024xf32, #tpu.memory_space<vmem>>, vector<16xf32>,
        %swap3A_655 = arith.index_cast %scan3A_400 : i32 to index
        %swap3A_656 = arith.constant 672 : index
        %swap3A_657 = tpu.vector_load %arg9[%swap3A_655, %swap3A_656] {strides = array<i32>} : memref<16x1024xf32, #tpu.memory_space<vmem>>, vector<16xf32>,
        tpu.vector_store %arg9[%swap3A_655, %swap3A_656], %get3A_654 {add = true, strides = array<i32>} : memref<16x1024xf32, #tpu.memory_space<vmem>>, vector<16xf32>,
        %get3A_658 = arith.index_cast %scan3A_400 : i32 to index
        %get3A_659 = arith.constant 688 : index
        %get3A_660 = tpu.vector_load %arg12[%get3A_658, %get3A_659] {strides = array<i32>} : memref<16x1024xf32, #tpu.memory_space<vmem>>, vector<16xf32>,
        %swap3A_661 = arith.index_cast %scan3A_400 : i32 to index
        %swap3A_662 = arith.constant 688 : index
        %swap3A_663 = tpu.vector_load %arg9[%swap3A_661, %swap3A_662] {strides = array<i32>} : memref<16x1024xf32, #tpu.memory_space<vmem>>, vector<16xf32>,
        tpu.vector_store %arg9[%swap3A_661, %swap3A_662], %get3A_660 {add = true, strides = array<i32>} : memref<16x1024xf32, #tpu.memory_space<vmem>>, vector<16xf32>,
        %get3A_664 = arith.index_cast %scan3A_400 : i32 to index
        %get3A_665 = arith.constant 704 : index
        %get3A_666 = tpu.vector_load %arg12[%get3A_664, %get3A_665] {strides = array<i32>} : memref<16x1024xf32, #tpu.memory_space<vmem>>, vector<16xf32>,
        %swap3A_667 = arith.index_cast %scan3A_400 : i32 to index
        %swap3A_668 = arith.constant 704 : index
        %swap3A_669 = tpu.vector_load %arg9[%swap3A_667, %swap3A_668] {strides = array<i32>} : memref<16x1024xf32, #tpu.memory_space<vmem>>, vector<16xf32>,
        tpu.vector_store %arg9[%swap3A_667, %swap3A_668], %get3A_666 {add = true, strides = array<i32>} : memref<16x1024xf32, #tpu.memory_space<vmem>>, vector<16xf32>,
        %get3A_670 = arith.index_cast %scan3A_400 : i32 to index
        %get3A_671 = arith.constant 720 : index
        %get3A_672 = tpu.vector_load %arg12[%get3A_670, %get3A_671] {strides = array<i32>} : memref<16x1024xf32, #tpu.memory_space<vmem>>, vector<16xf32>,
        %swap3A_673 = arith.index_cast %scan3A_400 : i32 to index
        %swap3A_674 = arith.constant 720 : index
        %swap3A_675 = tpu.vector_load %arg9[%swap3A_673, %swap3A_674] {strides = array<i32>} : memref<16x1024xf32, #tpu.memory_space<vmem>>, vector<16xf32>,
        tpu.vector_store %arg9[%swap3A_673, %swap3A_674], %get3A_672 {add = true, strides = array<i32>} : memref<16x1024xf32, #tpu.memory_space<vmem>>, vector<16xf32>,
        %get3A_676 = arith.index_cast %scan3A_400 : i32 to index
        %get3A_677 = arith.constant 736 : index
        %get3A_678 = tpu.vector_load %arg12[%get3A_676, %get3A_677] {strides = array<i32>} : memref<16x1024xf32, #tpu.memory_space<vmem>>, vector<16xf32>,
        %swap3A_679 = arith.index_cast %scan3A_400 : i32 to index
        %swap3A_680 = arith.constant 736 : index
        %swap3A_681 = tpu.vector_load %arg9[%swap3A_679, %swap3A_680] {strides = array<i32>} : memref<16x1024xf32, #tpu.memory_space<vmem>>, vector<16xf32>,
        tpu.vector_store %arg9[%swap3A_679, %swap3A_680], %get3A_678 {add = true, strides = array<i32>} : memref<16x1024xf32, #tpu.memory_space<vmem>>, vector<16xf32>,
        %get3A_682 = arith.index_cast %scan3A_400 : i32 to index
        %get3A_683 = arith.constant 752 : index
        %get3A_684 = tpu.vector_load %arg12[%get3A_682, %get3A_683] {strides = array<i32>} : memref<16x1024xf32, #tpu.memory_space<vmem>>, vector<16xf32>,
        %swap3A_685 = arith.index_cast %scan3A_400 : i32 to index
        %swap3A_686 = arith.constant 752 : index
        %swap3A_687 = tpu.vector_load %arg9[%swap3A_685, %swap3A_686] {strides = array<i32>} : memref<16x1024xf32, #tpu.memory_space<vmem>>, vector<16xf32>,
        tpu.vector_store %arg9[%swap3A_685, %swap3A_686], %get3A_684 {add = true, strides = array<i32>} : memref<16x1024xf32, #tpu.memory_space<vmem>>, vector<16xf32>,
        %get3A_688 = arith.index_cast %scan3A_400 : i32 to index
        %get3A_689 = arith.constant 768 : index
        %get3A_690 = tpu.vector_load %arg12[%get3A_688, %get3A_689] {strides = array<i32>} : memref<16x1024xf32, #tpu.memory_space<vmem>>, vector<16xf32>,
        %swap3A_691 = arith.index_cast %scan3A_400 : i32 to index
        %swap3A_692 = arith.constant 768 : index
        %swap3A_693 = tpu.vector_load %arg9[%swap3A_691, %swap3A_692] {strides = array<i32>} : memref<16x1024xf32, #tpu.memory_space<vmem>>, vector<16xf32>,
        tpu.vector_store %arg9[%swap3A_691, %swap3A_692], %get3A_690 {add = true, strides = array<i32>} : memref<16x1024xf32, #tpu.memory_space<vmem>>, vector<16xf32>,
        %get3A_694 = arith.index_cast %scan3A_400 : i32 to index
        %get3A_695 = arith.constant 784 : index
        %get3A_696 = tpu.vector_load %arg12[%get3A_694, %get3A_695] {strides = array<i32>} : memref<16x1024xf32, #tpu.memory_space<vmem>>, vector<16xf32>,
        %swap3A_697 = arith.index_cast %scan3A_400 : i32 to index
        %swap3A_698 = arith.constant 784 : index
        %swap3A_699 = tpu.vector_load %arg9[%swap3A_697, %swap3A_698] {strides = array<i32>} : memref<16x1024xf32, #tpu.memory_space<vmem>>, vector<16xf32>,
        tpu.vector_store %arg9[%swap3A_697, %swap3A_698], %get3A_696 {add = true, strides = array<i32>} : memref<16x1024xf32, #tpu.memory_space<vmem>>, vector<16xf32>,
        %get3A_700 = arith.index_cast %scan3A_400 : i32 to index
        %get3A_701 = arith.constant 800 : index
        %get3A_702 = tpu.vector_load %arg12[%get3A_700, %get3A_701] {strides = array<i32>} : memref<16x1024xf32, #tpu.memory_space<vmem>>, vector<16xf32>,
        %swap3A_703 = arith.index_cast %scan3A_400 : i32 to index
        %swap3A_704 = arith.constant 800 : index
        %swap3A_705 = tpu.vector_load %arg9[%swap3A_703, %swap3A_704] {strides = array<i32>} : memref<16x1024xf32, #tpu.memory_space<vmem>>, vector<16xf32>,
        tpu.vector_store %arg9[%swap3A_703, %swap3A_704], %get3A_702 {add = true, strides = array<i32>} : memref<16x1024xf32, #tpu.memory_space<vmem>>, vector<16xf32>,
        %get3A_706 = arith.index_cast %scan3A_400 : i32 to index
        %get3A_707 = arith.constant 816 : index
        %get3A_708 = tpu.vector_load %arg12[%get3A_706, %get3A_707] {strides = array<i32>} : memref<16x1024xf32, #tpu.memory_space<vmem>>, vector<16xf32>,
        %swap3A_709 = arith.index_cast %scan3A_400 : i32 to index
        %swap3A_710 = arith.constant 816 : index
        %swap3A_711 = tpu.vector_load %arg9[%swap3A_709, %swap3A_710] {strides = array<i32>} : memref<16x1024xf32, #tpu.memory_space<vmem>>, vector<16xf32>,
        tpu.vector_store %arg9[%swap3A_709, %swap3A_710], %get3A_708 {add = true, strides = array<i32>} : memref<16x1024xf32, #tpu.memory_space<vmem>>, vector<16xf32>,
        %get3A_712 = arith.index_cast %scan3A_400 : i32 to index
        %get3A_713 = arith.constant 832 : index
        %get3A_714 = tpu.vector_load %arg12[%get3A_712, %get3A_713] {strides = array<i32>} : memref<16x1024xf32, #tpu.memory_space<vmem>>, vector<16xf32>,
        %swap3A_715 = arith.index_cast %scan3A_400 : i32 to index
        %swap3A_716 = arith.constant 832 : index
        %swap3A_717 = tpu.vector_load %arg9[%swap3A_715, %swap3A_716] {strides = array<i32>} : memref<16x1024xf32, #tpu.memory_space<vmem>>, vector<16xf32>,
        tpu.vector_store %arg9[%swap3A_715, %swap3A_716], %get3A_714 {add = true, strides = array<i32>} : memref<16x1024xf32, #tpu.memory_space<vmem>>, vector<16xf32>,
        %get3A_718 = arith.index_cast %scan3A_400 : i32 to index
        %get3A_719 = arith.constant 848 : index
        %get3A_720 = tpu.vector_load %arg12[%get3A_718, %get3A_719] {strides = array<i32>} : memref<16x1024xf32, #tpu.memory_space<vmem>>, vector<16xf32>,
        %swap3A_721 = arith.index_cast %scan3A_400 : i32 to index
        %swap3A_722 = arith.constant 848 : index
        %swap3A_723 = tpu.vector_load %arg9[%swap3A_721, %swap3A_722] {strides = array<i32>} : memref<16x1024xf32, #tpu.memory_space<vmem>>, vector<16xf32>,
        tpu.vector_store %arg9[%swap3A_721, %swap3A_722], %get3A_720 {add = true, strides = array<i32>} : memref<16x1024xf32, #tpu.memory_space<vmem>>, vector<16xf32>,
        %get3A_724 = arith.index_cast %scan3A_400 : i32 to index
        %get3A_725 = arith.constant 864 : index
        %get3A_726 = tpu.vector_load %arg12[%get3A_724, %get3A_725] {strides = array<i32>} : memref<16x1024xf32, #tpu.memory_space<vmem>>, vector<16xf32>,
        %swap3A_727 = arith.index_cast %scan3A_400 : i32 to index
        %swap3A_728 = arith.constant 864 : index
        %swap3A_729 = tpu.vector_load %arg9[%swap3A_727, %swap3A_728] {strides = array<i32>} : memref<16x1024xf32, #tpu.memory_space<vmem>>, vector<16xf32>,
        tpu.vector_store %arg9[%swap3A_727, %swap3A_728], %get3A_726 {add = true, strides = array<i32>} : memref<16x1024xf32, #tpu.memory_space<vmem>>, vector<16xf32>,
        %get3A_730 = arith.index_cast %scan3A_400 : i32 to index
        %get3A_731 = arith.constant 880 : index
        %get3A_732 = tpu.vector_load %arg12[%get3A_730, %get3A_731] {strides = array<i32>} : memref<16x1024xf32, #tpu.memory_space<vmem>>, vector<16xf32>,
        %swap3A_733 = arith.index_cast %scan3A_400 : i32 to index
        %swap3A_734 = arith.constant 880 : index
        %swap3A_735 = tpu.vector_load %arg9[%swap3A_733, %swap3A_734] {strides = array<i32>} : memref<16x1024xf32, #tpu.memory_space<vmem>>, vector<16xf32>,
        tpu.vector_store %arg9[%swap3A_733, %swap3A_734], %get3A_732 {add = true, strides = array<i32>} : memref<16x1024xf32, #tpu.memory_space<vmem>>, vector<16xf32>,
        %get3A_736 = arith.index_cast %scan3A_400 : i32 to index
        %get3A_737 = arith.constant 896 : index
        %get3A_738 = tpu.vector_load %arg12[%get3A_736, %get3A_737] {strides = array<i32>} : memref<16x1024xf32, #tpu.memory_space<vmem>>, vector<16xf32>,
        %swap3A_739 = arith.index_cast %scan3A_400 : i32 to index
        %swap3A_740 = arith.constant 896 : index
        %swap3A_741 = tpu.vector_load %arg9[%swap3A_739, %swap3A_740] {strides = array<i32>} : memref<16x1024xf32, #tpu.memory_space<vmem>>, vector<16xf32>,
        tpu.vector_store %arg9[%swap3A_739, %swap3A_740], %get3A_738 {add = true, strides = array<i32>} : memref<16x1024xf32, #tpu.memory_space<vmem>>, vector<16xf32>,
        %get3A_742 = arith.index_cast %scan3A_400 : i32 to index
        %get3A_743 = arith.constant 912 : index
        %get3A_744 = tpu.vector_load %arg12[%get3A_742, %get3A_743] {strides = array<i32>} : memref<16x1024xf32, #tpu.memory_space<vmem>>, vector<16xf32>,
        %swap3A_745 = arith.index_cast %scan3A_400 : i32 to index
        %swap3A_746 = arith.constant 912 : index
        %swap3A_747 = tpu.vector_load %arg9[%swap3A_745, %swap3A_746] {strides = array<i32>} : memref<16x1024xf32, #tpu.memory_space<vmem>>, vector<16xf32>,
        tpu.vector_store %arg9[%swap3A_745, %swap3A_746], %get3A_744 {add = true, strides = array<i32>} : memref<16x1024xf32, #tpu.memory_space<vmem>>, vector<16xf32>,
        %get3A_748 = arith.index_cast %scan3A_400 : i32 to index
        %get3A_749 = arith.constant 928 : index
        %get3A_750 = tpu.vector_load %arg12[%get3A_748, %get3A_749] {strides = array<i32>} : memref<16x1024xf32, #tpu.memory_space<vmem>>, vector<16xf32>,
        %swap3A_751 = arith.index_cast %scan3A_400 : i32 to index
        %swap3A_752 = arith.constant 928 : index
        %swap3A_753 = tpu.vector_load %arg9[%swap3A_751, %swap3A_752] {strides = array<i32>} : memref<16x1024xf32, #tpu.memory_space<vmem>>, vector<16xf32>,
        tpu.vector_store %arg9[%swap3A_751, %swap3A_752], %get3A_750 {add = true, strides = array<i32>} : memref<16x1024xf32, #tpu.memory_space<vmem>>, vector<16xf32>,
        %get3A_754 = arith.index_cast %scan3A_400 : i32 to index
        %get3A_755 = arith.constant 944 : index
        %get3A_756 = tpu.vector_load %arg12[%get3A_754, %get3A_755] {strides = array<i32>} : memref<16x1024xf32, #tpu.memory_space<vmem>>, vector<16xf32>,
        %swap3A_757 = arith.index_cast %scan3A_400 : i32 to index
        %swap3A_758 = arith.constant 944 : index
        %swap3A_759 = tpu.vector_load %arg9[%swap3A_757, %swap3A_758] {strides = array<i32>} : memref<16x1024xf32, #tpu.memory_space<vmem>>, vector<16xf32>,
        tpu.vector_store %arg9[%swap3A_757, %swap3A_758], %get3A_756 {add = true, strides = array<i32>} : memref<16x1024xf32, #tpu.memory_space<vmem>>, vector<16xf32>,
        %get3A_760 = arith.index_cast %scan3A_400 : i32 to index
        %get3A_761 = arith.constant 960 : index
        %get3A_762 = tpu.vector_load %arg12[%get3A_760, %get3A_761] {strides = array<i32>} : memref<16x1024xf32, #tpu.memory_space<vmem>>, vector<16xf32>,
        %swap3A_763 = arith.index_cast %scan3A_400 : i32 to index
        %swap3A_764 = arith.constant 960 : index
        %swap3A_765 = tpu.vector_load %arg9[%swap3A_763, %swap3A_764] {strides = array<i32>} : memref<16x1024xf32, #tpu.memory_space<vmem>>, vector<16xf32>,
        tpu.vector_store %arg9[%swap3A_763, %swap3A_764], %get3A_762 {add = true, strides = array<i32>} : memref<16x1024xf32, #tpu.memory_space<vmem>>, vector<16xf32>,
        %get3A_766 = arith.index_cast %scan3A_400 : i32 to index
        %get3A_767 = arith.constant 976 : index
        %get3A_768 = tpu.vector_load %arg12[%get3A_766, %get3A_767] {strides = array<i32>} : memref<16x1024xf32, #tpu.memory_space<vmem>>, vector<16xf32>,
        %swap3A_769 = arith.index_cast %scan3A_400 : i32 to index
        %swap3A_770 = arith.constant 976 : index
        %swap3A_771 = tpu.vector_load %arg9[%swap3A_769, %swap3A_770] {strides = array<i32>} : memref<16x1024xf32, #tpu.memory_space<vmem>>, vector<16xf32>,
        tpu.vector_store %arg9[%swap3A_769, %swap3A_770], %get3A_768 {add = true, strides = array<i32>} : memref<16x1024xf32, #tpu.memory_space<vmem>>, vector<16xf32>,
        %get3A_772 = arith.index_cast %scan3A_400 : i32 to index
        %get3A_773 = arith.constant 992 : index
        %get3A_774 = tpu.vector_load %arg12[%get3A_772, %get3A_773] {strides = array<i32>} : memref<16x1024xf32, #tpu.memory_space<vmem>>, vector<16xf32>,
        %swap3A_775 = arith.index_cast %scan3A_400 : i32 to index
        %swap3A_776 = arith.constant 992 : index
        %swap3A_777 = tpu.vector_load %arg9[%swap3A_775, %swap3A_776] {strides = array<i32>} : memref<16x1024xf32, #tpu.memory_space<vmem>>, vector<16xf32>,
        tpu.vector_store %arg9[%swap3A_775, %swap3A_776], %get3A_774 {add = true, strides = array<i32>} : memref<16x1024xf32, #tpu.memory_space<vmem>>, vector<16xf32>,
        %get3A_778 = arith.index_cast %scan3A_400 : i32 to index
        %get3A_779 = arith.constant 1008 : index
        %get3A_780 = tpu.vector_load %arg12[%get3A_778, %get3A_779] {strides = array<i32>} : memref<16x1024xf32, #tpu.memory_space<vmem>>, vector<16xf32>,
        %swap3A_781 = arith.index_cast %scan3A_400 : i32 to index
        %swap3A_782 = arith.constant 1008 : index
        %swap3A_783 = tpu.vector_load %arg9[%swap3A_781, %swap3A_782] {strides = array<i32>} : memref<16x1024xf32, #tpu.memory_space<vmem>>, vector<16xf32>,
        tpu.vector_store %arg9[%swap3A_781, %swap3A_782], %get3A_780 {add = true, strides = array<i32>} : memref<16x1024xf32, #tpu.memory_space<vmem>>, vector<16xf32>,
        %scan3A_784 = arith.constant 0 : i32
        scf.yield %scan3A_784 : i32
      }
      %scan3A_272 = arith.constant 16 : i32
      %dma_wait3A_273 = arith.constant 0 : i32
      %dma_wait3A_274 = arith.constant 0 : i32
      %dma_wait3A_275 = tpu.memref_slice %arg5[%dma_wait3A_273, %dma_wait3A_274] : memref<8192x1024xf32, #tpu.memory_space<hbm>> -> memref<16x1024xf32, #tpu.memory_space<hbm>>
      %dma_wait3A_276 = arith.constant 0 : i32
      %dma_wait3A_277 = arith.constant 0 : i32
      %dma_wait3A_278 = tpu.memref_slice %arg5[%dma_wait3A_276, %dma_wait3A_277] : memref<8192x1024xf32, #tpu.memory_space<hbm>> -> memref<16x1024xf32, #tpu.memory_space<hbm>>
      tpu.wait_dma2 semaphore(%arg17 : memref<!tpu.dma_semaphore, #tpu.memory_space<semaphore_mem>>) src(%arg8 : memref<16x1024xf32, #tpu.memory_space<vmem>>) dst(%dma_wait3A_278 : memref<16x1024xf32, #tpu.memory_space<hbm>>)
      %add3A_279 = arith.constant 2 : i32
      %add3A_280 = arith.addi %add3A_253, %add3A_279 : i32
      %mul3A_281 = arith.constant 16 : i32
      %mul3A_282 = arith.muli %add3A_280, %mul3A_281 : i32
      %add3A_283 = arith.addi %mul3A_34, %mul3A_282 : i32
      %dma_start3A_284 = arith.constant 0 : i32
      %dma_start3A_285 = tpu.memref_slice %arg2[%add3A_283, %dma_start3A_284] : memref<8192x1024xf32, #tpu.memory_space<hbm>> -> memref<16x1024xf32, #tpu.memory_space<hbm>>
      %dma_start3A_286 = arith.constant 0 : i32
      %dma_start3A_287 = tpu.memref_slice %arg2[%add3A_283, %dma_start3A_286] : memref<8192x1024xf32, #tpu.memory_space<hbm>> -> memref<16x1024xf32, #tpu.memory_space<hbm>>
      tpu.enqueue_dma source(%dma_start3A_287 : memref<16x1024xf32, #tpu.memory_space<hbm>>) target(%arg8 : memref<16x1024xf32, #tpu.memory_space<vmem>>) target_semaphore(%arg14 : memref<!tpu.dma_semaphore, #tpu.memory_space<semaphore_mem>>)
      %mul3A_288 = arith.constant 16 : i32
      %mul3A_289 = arith.muli %add3A_280, %mul3A_288 : i32
      %dma_start3A_290 = tpu.memref_slice %arg7[%mul3A_289] : memref<256xi32, #tpu.memory_space<vmem>> -> memref<16xi32, #tpu.memory_space<vmem>>
      %dma_start3A_291 = arith.constant 0 : i32
      %dma_start3A_292 = arith.constant 0 : i32
      %dma_start3A_293 = tpu.memref_slice %arg4[%dma_start3A_291, %dma_start3A_292] : memref<2049x1024xf32, #tpu.memory_space<hbm>> -> memref<2049x1024xf32, #tpu.memory_space<hbm>>
      tpu.enqueue_indirect_dma source(%dma_start3A_293 : memref<2049x1024xf32, #tpu.memory_space<hbm>>) target(%arg11 : memref<16x1024xf32, #tpu.memory_space<vmem>>) offsets(%dma_start3A_290 : memref<16xi32, #tpu.memory_space<vmem>>) semaphore(%arg14 : memref<!tpu.dma_semaphore, #tpu.memory_space<semaphore_mem>>)
      %mul3A_294 = arith.constant 16 : i32
      %mul3A_295 = arith.muli %add3A_253, %mul3A_294 : i32
      %add3A_296 = arith.addi %mul3A_34, %mul3A_295 : i32
      %dma_start3A_297 = arith.constant 0 : i32
      %dma_start3A_298 = tpu.memref_slice %arg5[%add3A_296, %dma_start3A_297] : memref<8192x1024xf32, #tpu.memory_space<hbm>> -> memref<16x1024xf32, #tpu.memory_space<hbm>>
      %dma_start3A_299 = arith.constant 0 : i32
      %dma_start3A_300 = tpu.memref_slice %arg5[%add3A_296, %dma_start3A_299] : memref<8192x1024xf32, #tpu.memory_space<hbm>> -> memref<16x1024xf32, #tpu.memory_space<hbm>>
      tpu.enqueue_dma source(%arg9 : memref<16x1024xf32, #tpu.memory_space<vmem>>) target(%dma_start3A_300 : memref<16x1024xf32, #tpu.memory_space<hbm>>) target_semaphore(%arg18 : memref<!tpu.dma_semaphore, #tpu.memory_space<semaphore_mem>>)
      %add3A_301 = arith.constant 1 : i32
      %add3A_302 = arith.addi %add3A_253, %add3A_301 : i32
      %dma_wait3A_303 = arith.constant 0 : i32
      %dma_wait3A_304 = arith.constant 0 : i32
      %dma_wait3A_305 = tpu.memref_slice %arg2[%dma_wait3A_303, %dma_wait3A_304] : memref<8192x1024xf32, #tpu.memory_space<hbm>> -> memref<16x1024xf32, #tpu.memory_space<hbm>>
      %dma_wait3A_306 = arith.constant 0 : i32
      %dma_wait3A_307 = arith.constant 0 : i32
      %dma_wait3A_308 = tpu.memref_slice %arg2[%dma_wait3A_306, %dma_wait3A_307] : memref<8192x1024xf32, #tpu.memory_space<hbm>> -> memref<16x1024xf32, #tpu.memory_space<hbm>>
      tpu.wait_dma2 semaphore(%arg16 : memref<!tpu.dma_semaphore, #tpu.memory_space<semaphore_mem>>) src(%dma_wait3A_308 : memref<16x1024xf32, #tpu.memory_space<hbm>>) dst(%arg10 : memref<16x1024xf32, #tpu.memory_space<vmem>>)
      %dma_wait3A_309 = arith.constant 0 : i32
      %dma_wait3A_310 = arith.constant 0 : i32
      %dma_wait3A_311 = tpu.memref_slice %arg2[%dma_wait3A_309, %dma_wait3A_310] : memref<8192x1024xf32, #tpu.memory_space<hbm>> -> memref<16x1024xf32, #tpu.memory_space<hbm>>
      %dma_wait3A_312 = arith.constant 0 : i32
      %dma_wait3A_313 = arith.constant 0 : i32
      %dma_wait3A_314 = tpu.memref_slice %arg2[%dma_wait3A_312, %dma_wait3A_313] : memref<8192x1024xf32, #tpu.memory_space<hbm>> -> memref<16x1024xf32, #tpu.memory_space<hbm>>
      tpu.wait_dma2 semaphore(%arg16 : memref<!tpu.dma_semaphore, #tpu.memory_space<semaphore_mem>>) src(%dma_wait3A_314 : memref<16x1024xf32, #tpu.memory_space<hbm>>) dst(%arg13 : memref<16x1024xf32, #tpu.memory_space<vmem>>)
      %scan3A_315 = arith.constant 0 : i32
      %scan3A_316 = arith.constant 0 : i32
      %scan3A_317 = arith.constant 16 : i32
      %scan3A_318 = arith.addi %scan3A_316, %scan3A_317 : i32
      %scan3A_319 = arith.constant 1 : i32
      %scan3A_320 = scf.for %scan3A_400 = %scan3A_316 to %scan3A_318 step %scan3A_319 iter_args(%scan3A_401 = %scan3A_315) -> (i32)  : i32 {
        %get3A = arith.index_cast %scan3A_400 : i32 to index
        %get3A_402 = arith.constant 0 : index
        %get3A_403 = tpu.vector_load %arg13[%get3A, %get3A_402] {strides = array<i32>} : memref<16x1024xf32, #tpu.memory_space<vmem>>, vector<16xf32>,
        %swap3A = arith.index_cast %scan3A_400 : i32 to index
        %swap3A_404 = arith.constant 0 : index
        %swap3A_405 = tpu.vector_load %arg10[%swap3A, %swap3A_404] {strides = array<i32>} : memref<16x1024xf32, #tpu.memory_space<vmem>>, vector<16xf32>,
        tpu.vector_store %arg10[%swap3A, %swap3A_404], %get3A_403 {add = true, strides = array<i32>} : memref<16x1024xf32, #tpu.memory_space<vmem>>, vector<16xf32>,
        %get3A_406 = arith.index_cast %scan3A_400 : i32 to index
        %get3A_407 = arith.constant 16 : index
        %get3A_408 = tpu.vector_load %arg13[%get3A_406, %get3A_407] {strides = array<i32>} : memref<16x1024xf32, #tpu.memory_space<vmem>>, vector<16xf32>,
        %swap3A_409 = arith.index_cast %scan3A_400 : i32 to index
        %swap3A_410 = arith.constant 16 : index
        %swap3A_411 = tpu.vector_load %arg10[%swap3A_409, %swap3A_410] {strides = array<i32>} : memref<16x1024xf32, #tpu.memory_space<vmem>>, vector<16xf32>,
        tpu.vector_store %arg10[%swap3A_409, %swap3A_410], %get3A_408 {add = true, strides = array<i32>} : memref<16x1024xf32, #tpu.memory_space<vmem>>, vector<16xf32>,
        %get3A_412 = arith.index_cast %scan3A_400 : i32 to index
        %get3A_413 = arith.constant 32 : index
        %get3A_414 = tpu.vector_load %arg13[%get3A_412, %get3A_413] {strides = array<i32>} : memref<16x1024xf32, #tpu.memory_space<vmem>>, vector<16xf32>,
        %swap3A_415 = arith.index_cast %scan3A_400 : i32 to index
        %swap3A_416 = arith.constant 32 : index
        %swap3A_417 = tpu.vector_load %arg10[%swap3A_415, %swap3A_416] {strides = array<i32>} : memref<16x1024xf32, #tpu.memory_space<vmem>>, vector<16xf32>,
        tpu.vector_store %arg10[%swap3A_415, %swap3A_416], %get3A_414 {add = true, strides = array<i32>} : memref<16x1024xf32, #tpu.memory_space<vmem>>, vector<16xf32>,
        %get3A_418 = arith.index_cast %scan3A_400 : i32 to index
        %get3A_419 = arith.constant 48 : index
        %get3A_420 = tpu.vector_load %arg13[%get3A_418, %get3A_419] {strides = array<i32>} : memref<16x1024xf32, #tpu.memory_space<vmem>>, vector<16xf32>,
        %swap3A_421 = arith.index_cast %scan3A_400 : i32 to index
        %swap3A_422 = arith.constant 48 : index
        %swap3A_423 = tpu.vector_load %arg10[%swap3A_421, %swap3A_422] {strides = array<i32>} : memref<16x1024xf32, #tpu.memory_space<vmem>>, vector<16xf32>,
        tpu.vector_store %arg10[%swap3A_421, %swap3A_422], %get3A_420 {add = true, strides = array<i32>} : memref<16x1024xf32, #tpu.memory_space<vmem>>, vector<16xf32>,
        %get3A_424 = arith.index_cast %scan3A_400 : i32 to index
        %get3A_425 = arith.constant 64 : index
        %get3A_426 = tpu.vector_load %arg13[%get3A_424, %get3A_425] {strides = array<i32>} : memref<16x1024xf32, #tpu.memory_space<vmem>>, vector<16xf32>,
        %swap3A_427 = arith.index_cast %scan3A_400 : i32 to index
        %swap3A_428 = arith.constant 64 : index
        %swap3A_429 = tpu.vector_load %arg10[%swap3A_427, %swap3A_428] {strides = array<i32>} : memref<16x1024xf32, #tpu.memory_space<vmem>>, vector<16xf32>,
        tpu.vector_store %arg10[%swap3A_427, %swap3A_428], %get3A_426 {add = true, strides = array<i32>} : memref<16x1024xf32, #tpu.memory_space<vmem>>, vector<16xf32>,
        %get3A_430 = arith.index_cast %scan3A_400 : i32 to index
        %get3A_431 = arith.constant 80 : index
        %get3A_432 = tpu.vector_load %arg13[%get3A_430, %get3A_431] {strides = array<i32>} : memref<16x1024xf32, #tpu.memory_space<vmem>>, vector<16xf32>,
        %swap3A_433 = arith.index_cast %scan3A_400 : i32 to index
        %swap3A_434 = arith.constant 80 : index
        %swap3A_435 = tpu.vector_load %arg10[%swap3A_433, %swap3A_434] {strides = array<i32>} : memref<16x1024xf32, #tpu.memory_space<vmem>>, vector<16xf32>,
        tpu.vector_store %arg10[%swap3A_433, %swap3A_434], %get3A_432 {add = true, strides = array<i32>} : memref<16x1024xf32, #tpu.memory_space<vmem>>, vector<16xf32>,
        %get3A_436 = arith.index_cast %scan3A_400 : i32 to index
        %get3A_437 = arith.constant 96 : index
        %get3A_438 = tpu.vector_load %arg13[%get3A_436, %get3A_437] {strides = array<i32>} : memref<16x1024xf32, #tpu.memory_space<vmem>>, vector<16xf32>,
        %swap3A_439 = arith.index_cast %scan3A_400 : i32 to index
        %swap3A_440 = arith.constant 96 : index
        %swap3A_441 = tpu.vector_load %arg10[%swap3A_439, %swap3A_440] {strides = array<i32>} : memref<16x1024xf32, #tpu.memory_space<vmem>>, vector<16xf32>,
        tpu.vector_store %arg10[%swap3A_439, %swap3A_440], %get3A_438 {add = true, strides = array<i32>} : memref<16x1024xf32, #tpu.memory_space<vmem>>, vector<16xf32>,
        %get3A_442 = arith.index_cast %scan3A_400 : i32 to index
        %get3A_443 = arith.constant 112 : index
        %get3A_444 = tpu.vector_load %arg13[%get3A_442, %get3A_443] {strides = array<i32>} : memref<16x1024xf32, #tpu.memory_space<vmem>>, vector<16xf32>,
        %swap3A_445 = arith.index_cast %scan3A_400 : i32 to index
        %swap3A_446 = arith.constant 112 : index
        %swap3A_447 = tpu.vector_load %arg10[%swap3A_445, %swap3A_446] {strides = array<i32>} : memref<16x1024xf32, #tpu.memory_space<vmem>>, vector<16xf32>,
        tpu.vector_store %arg10[%swap3A_445, %swap3A_446], %get3A_444 {add = true, strides = array<i32>} : memref<16x1024xf32, #tpu.memory_space<vmem>>, vector<16xf32>,
        %get3A_448 = arith.index_cast %scan3A_400 : i32 to index
        %get3A_449 = arith.constant 128 : index
        %get3A_450 = tpu.vector_load %arg13[%get3A_448, %get3A_449] {strides = array<i32>} : memref<16x1024xf32, #tpu.memory_space<vmem>>, vector<16xf32>,
        %swap3A_451 = arith.index_cast %scan3A_400 : i32 to index
        %swap3A_452 = arith.constant 128 : index
        %swap3A_453 = tpu.vector_load %arg10[%swap3A_451, %swap3A_452] {strides = array<i32>} : memref<16x1024xf32, #tpu.memory_space<vmem>>, vector<16xf32>,
        tpu.vector_store %arg10[%swap3A_451, %swap3A_452], %get3A_450 {add = true, strides = array<i32>} : memref<16x1024xf32, #tpu.memory_space<vmem>>, vector<16xf32>,
        %get3A_454 = arith.index_cast %scan3A_400 : i32 to index
        %get3A_455 = arith.constant 144 : index
        %get3A_456 = tpu.vector_load %arg13[%get3A_454, %get3A_455] {strides = array<i32>} : memref<16x1024xf32, #tpu.memory_space<vmem>>, vector<16xf32>,
        %swap3A_457 = arith.index_cast %scan3A_400 : i32 to index
        %swap3A_458 = arith.constant 144 : index
        %swap3A_459 = tpu.vector_load %arg10[%swap3A_457, %swap3A_458] {strides = array<i32>} : memref<16x1024xf32, #tpu.memory_space<vmem>>, vector<16xf32>,
        tpu.vector_store %arg10[%swap3A_457, %swap3A_458], %get3A_456 {add = true, strides = array<i32>} : memref<16x1024xf32, #tpu.memory_space<vmem>>, vector<16xf32>,
        %get3A_460 = arith.index_cast %scan3A_400 : i32 to index
        %get3A_461 = arith.constant 160 : index
        %get3A_462 = tpu.vector_load %arg13[%get3A_460, %get3A_461] {strides = array<i32>} : memref<16x1024xf32, #tpu.memory_space<vmem>>, vector<16xf32>,
        %swap3A_463 = arith.index_cast %scan3A_400 : i32 to index
        %swap3A_464 = arith.constant 160 : index
        %swap3A_465 = tpu.vector_load %arg10[%swap3A_463, %swap3A_464] {strides = array<i32>} : memref<16x1024xf32, #tpu.memory_space<vmem>>, vector<16xf32>,
        tpu.vector_store %arg10[%swap3A_463, %swap3A_464], %get3A_462 {add = true, strides = array<i32>} : memref<16x1024xf32, #tpu.memory_space<vmem>>, vector<16xf32>,
        %get3A_466 = arith.index_cast %scan3A_400 : i32 to index
        %get3A_467 = arith.constant 176 : index
        %get3A_468 = tpu.vector_load %arg13[%get3A_466, %get3A_467] {strides = array<i32>} : memref<16x1024xf32, #tpu.memory_space<vmem>>, vector<16xf32>,
        %swap3A_469 = arith.index_cast %scan3A_400 : i32 to index
        %swap3A_470 = arith.constant 176 : index
        %swap3A_471 = tpu.vector_load %arg10[%swap3A_469, %swap3A_470] {strides = array<i32>} : memref<16x1024xf32, #tpu.memory_space<vmem>>, vector<16xf32>,
        tpu.vector_store %arg10[%swap3A_469, %swap3A_470], %get3A_468 {add = true, strides = array<i32>} : memref<16x1024xf32, #tpu.memory_space<vmem>>, vector<16xf32>,
        %get3A_472 = arith.index_cast %scan3A_400 : i32 to index
        %get3A_473 = arith.constant 192 : index
        %get3A_474 = tpu.vector_load %arg13[%get3A_472, %get3A_473] {strides = array<i32>} : memref<16x1024xf32, #tpu.memory_space<vmem>>, vector<16xf32>,
        %swap3A_475 = arith.index_cast %scan3A_400 : i32 to index
        %swap3A_476 = arith.constant 192 : index
        %swap3A_477 = tpu.vector_load %arg10[%swap3A_475, %swap3A_476] {strides = array<i32>} : memref<16x1024xf32, #tpu.memory_space<vmem>>, vector<16xf32>,
        tpu.vector_store %arg10[%swap3A_475, %swap3A_476], %get3A_474 {add = true, strides = array<i32>} : memref<16x1024xf32, #tpu.memory_space<vmem>>, vector<16xf32>,
        %get3A_478 = arith.index_cast %scan3A_400 : i32 to index
        %get3A_479 = arith.constant 208 : index
        %get3A_480 = tpu.vector_load %arg13[%get3A_478, %get3A_479] {strides = array<i32>} : memref<16x1024xf32, #tpu.memory_space<vmem>>, vector<16xf32>,
        %swap3A_481 = arith.index_cast %scan3A_400 : i32 to index
        %swap3A_482 = arith.constant 208 : index
        %swap3A_483 = tpu.vector_load %arg10[%swap3A_481, %swap3A_482] {strides = array<i32>} : memref<16x1024xf32, #tpu.memory_space<vmem>>, vector<16xf32>,
        tpu.vector_store %arg10[%swap3A_481, %swap3A_482], %get3A_480 {add = true, strides = array<i32>} : memref<16x1024xf32, #tpu.memory_space<vmem>>, vector<16xf32>,
        %get3A_484 = arith.index_cast %scan3A_400 : i32 to index
        %get3A_485 = arith.constant 224 : index
        %get3A_486 = tpu.vector_load %arg13[%get3A_484, %get3A_485] {strides = array<i32>} : memref<16x1024xf32, #tpu.memory_space<vmem>>, vector<16xf32>,
        %swap3A_487 = arith.index_cast %scan3A_400 : i32 to index
        %swap3A_488 = arith.constant 224 : index
        %swap3A_489 = tpu.vector_load %arg10[%swap3A_487, %swap3A_488] {strides = array<i32>} : memref<16x1024xf32, #tpu.memory_space<vmem>>, vector<16xf32>,
        tpu.vector_store %arg10[%swap3A_487, %swap3A_488], %get3A_486 {add = true, strides = array<i32>} : memref<16x1024xf32, #tpu.memory_space<vmem>>, vector<16xf32>,
        %get3A_490 = arith.index_cast %scan3A_400 : i32 to index
        %get3A_491 = arith.constant 240 : index
        %get3A_492 = tpu.vector_load %arg13[%get3A_490, %get3A_491] {strides = array<i32>} : memref<16x1024xf32, #tpu.memory_space<vmem>>, vector<16xf32>,
        %swap3A_493 = arith.index_cast %scan3A_400 : i32 to index
        %swap3A_494 = arith.constant 240 : index
        %swap3A_495 = tpu.vector_load %arg10[%swap3A_493, %swap3A_494] {strides = array<i32>} : memref<16x1024xf32, #tpu.memory_space<vmem>>, vector<16xf32>,
        tpu.vector_store %arg10[%swap3A_493, %swap3A_494], %get3A_492 {add = true, strides = array<i32>} : memref<16x1024xf32, #tpu.memory_space<vmem>>, vector<16xf32>,
        %get3A_496 = arith.index_cast %scan3A_400 : i32 to index
        %get3A_497 = arith.constant 256 : index
        %get3A_498 = tpu.vector_load %arg13[%get3A_496, %get3A_497] {strides = array<i32>} : memref<16x1024xf32, #tpu.memory_space<vmem>>, vector<16xf32>,
        %swap3A_499 = arith.index_cast %scan3A_400 : i32 to index
        %swap3A_500 = arith.constant 256 : index
        %swap3A_501 = tpu.vector_load %arg10[%swap3A_499, %swap3A_500] {strides = array<i32>} : memref<16x1024xf32, #tpu.memory_space<vmem>>, vector<16xf32>,
        tpu.vector_store %arg10[%swap3A_499, %swap3A_500], %get3A_498 {add = true, strides = array<i32>} : memref<16x1024xf32, #tpu.memory_space<vmem>>, vector<16xf32>,
        %get3A_502 = arith.index_cast %scan3A_400 : i32 to index
        %get3A_503 = arith.constant 272 : index
        %get3A_504 = tpu.vector_load %arg13[%get3A_502, %get3A_503] {strides = array<i32>} : memref<16x1024xf32, #tpu.memory_space<vmem>>, vector<16xf32>,
        %swap3A_505 = arith.index_cast %scan3A_400 : i32 to index
        %swap3A_506 = arith.constant 272 : index
        %swap3A_507 = tpu.vector_load %arg10[%swap3A_505, %swap3A_506] {strides = array<i32>} : memref<16x1024xf32, #tpu.memory_space<vmem>>, vector<16xf32>,
        tpu.vector_store %arg10[%swap3A_505, %swap3A_506], %get3A_504 {add = true, strides = array<i32>} : memref<16x1024xf32, #tpu.memory_space<vmem>>, vector<16xf32>,
        %get3A_508 = arith.index_cast %scan3A_400 : i32 to index
        %get3A_509 = arith.constant 288 : index
        %get3A_510 = tpu.vector_load %arg13[%get3A_508, %get3A_509] {strides = array<i32>} : memref<16x1024xf32, #tpu.memory_space<vmem>>, vector<16xf32>,
        %swap3A_511 = arith.index_cast %scan3A_400 : i32 to index
        %swap3A_512 = arith.constant 288 : index
        %swap3A_513 = tpu.vector_load %arg10[%swap3A_511, %swap3A_512] {strides = array<i32>} : memref<16x1024xf32, #tpu.memory_space<vmem>>, vector<16xf32>,
        tpu.vector_store %arg10[%swap3A_511, %swap3A_512], %get3A_510 {add = true, strides = array<i32>} : memref<16x1024xf32, #tpu.memory_space<vmem>>, vector<16xf32>,
        %get3A_514 = arith.index_cast %scan3A_400 : i32 to index
        %get3A_515 = arith.constant 304 : index
        %get3A_516 = tpu.vector_load %arg13[%get3A_514, %get3A_515] {strides = array<i32>} : memref<16x1024xf32, #tpu.memory_space<vmem>>, vector<16xf32>,
        %swap3A_517 = arith.index_cast %scan3A_400 : i32 to index
        %swap3A_518 = arith.constant 304 : index
        %swap3A_519 = tpu.vector_load %arg10[%swap3A_517, %swap3A_518] {strides = array<i32>} : memref<16x1024xf32, #tpu.memory_space<vmem>>, vector<16xf32>,
        tpu.vector_store %arg10[%swap3A_517, %swap3A_518], %get3A_516 {add = true, strides = array<i32>} : memref<16x1024xf32, #tpu.memory_space<vmem>>, vector<16xf32>,
        %get3A_520 = arith.index_cast %scan3A_400 : i32 to index
        %get3A_521 = arith.constant 320 : index
        %get3A_522 = tpu.vector_load %arg13[%get3A_520, %get3A_521] {strides = array<i32>} : memref<16x1024xf32, #tpu.memory_space<vmem>>, vector<16xf32>,
        %swap3A_523 = arith.index_cast %scan3A_400 : i32 to index
        %swap3A_524 = arith.constant 320 : index
        %swap3A_525 = tpu.vector_load %arg10[%swap3A_523, %swap3A_524] {strides = array<i32>} : memref<16x1024xf32, #tpu.memory_space<vmem>>, vector<16xf32>,
        tpu.vector_store %arg10[%swap3A_523, %swap3A_524], %get3A_522 {add = true, strides = array<i32>} : memref<16x1024xf32, #tpu.memory_space<vmem>>, vector<16xf32>,
        %get3A_526 = arith.index_cast %scan3A_400 : i32 to index
        %get3A_527 = arith.constant 336 : index
        %get3A_528 = tpu.vector_load %arg13[%get3A_526, %get3A_527] {strides = array<i32>} : memref<16x1024xf32, #tpu.memory_space<vmem>>, vector<16xf32>,
        %swap3A_529 = arith.index_cast %scan3A_400 : i32 to index
        %swap3A_530 = arith.constant 336 : index
        %swap3A_531 = tpu.vector_load %arg10[%swap3A_529, %swap3A_530] {strides = array<i32>} : memref<16x1024xf32, #tpu.memory_space<vmem>>, vector<16xf32>,
        tpu.vector_store %arg10[%swap3A_529, %swap3A_530], %get3A_528 {add = true, strides = array<i32>} : memref<16x1024xf32, #tpu.memory_space<vmem>>, vector<16xf32>,
        %get3A_532 = arith.index_cast %scan3A_400 : i32 to index
        %get3A_533 = arith.constant 352 : index
        %get3A_534 = tpu.vector_load %arg13[%get3A_532, %get3A_533] {strides = array<i32>} : memref<16x1024xf32, #tpu.memory_space<vmem>>, vector<16xf32>,
        %swap3A_535 = arith.index_cast %scan3A_400 : i32 to index
        %swap3A_536 = arith.constant 352 : index
        %swap3A_537 = tpu.vector_load %arg10[%swap3A_535, %swap3A_536] {strides = array<i32>} : memref<16x1024xf32, #tpu.memory_space<vmem>>, vector<16xf32>,
        tpu.vector_store %arg10[%swap3A_535, %swap3A_536], %get3A_534 {add = true, strides = array<i32>} : memref<16x1024xf32, #tpu.memory_space<vmem>>, vector<16xf32>,
        %get3A_538 = arith.index_cast %scan3A_400 : i32 to index
        %get3A_539 = arith.constant 368 : index
        %get3A_540 = tpu.vector_load %arg13[%get3A_538, %get3A_539] {strides = array<i32>} : memref<16x1024xf32, #tpu.memory_space<vmem>>, vector<16xf32>,
        %swap3A_541 = arith.index_cast %scan3A_400 : i32 to index
        %swap3A_542 = arith.constant 368 : index
        %swap3A_543 = tpu.vector_load %arg10[%swap3A_541, %swap3A_542] {strides = array<i32>} : memref<16x1024xf32, #tpu.memory_space<vmem>>, vector<16xf32>,
        tpu.vector_store %arg10[%swap3A_541, %swap3A_542], %get3A_540 {add = true, strides = array<i32>} : memref<16x1024xf32, #tpu.memory_space<vmem>>, vector<16xf32>,
        %get3A_544 = arith.index_cast %scan3A_400 : i32 to index
        %get3A_545 = arith.constant 384 : index
        %get3A_546 = tpu.vector_load %arg13[%get3A_544, %get3A_545] {strides = array<i32>} : memref<16x1024xf32, #tpu.memory_space<vmem>>, vector<16xf32>,
        %swap3A_547 = arith.index_cast %scan3A_400 : i32 to index
        %swap3A_548 = arith.constant 384 : index
        %swap3A_549 = tpu.vector_load %arg10[%swap3A_547, %swap3A_548] {strides = array<i32>} : memref<16x1024xf32, #tpu.memory_space<vmem>>, vector<16xf32>,
        tpu.vector_store %arg10[%swap3A_547, %swap3A_548], %get3A_546 {add = true, strides = array<i32>} : memref<16x1024xf32, #tpu.memory_space<vmem>>, vector<16xf32>,
        %get3A_550 = arith.index_cast %scan3A_400 : i32 to index
        %get3A_551 = arith.constant 400 : index
        %get3A_552 = tpu.vector_load %arg13[%get3A_550, %get3A_551] {strides = array<i32>} : memref<16x1024xf32, #tpu.memory_space<vmem>>, vector<16xf32>,
        %swap3A_553 = arith.index_cast %scan3A_400 : i32 to index
        %swap3A_554 = arith.constant 400 : index
        %swap3A_555 = tpu.vector_load %arg10[%swap3A_553, %swap3A_554] {strides = array<i32>} : memref<16x1024xf32, #tpu.memory_space<vmem>>, vector<16xf32>,
        tpu.vector_store %arg10[%swap3A_553, %swap3A_554], %get3A_552 {add = true, strides = array<i32>} : memref<16x1024xf32, #tpu.memory_space<vmem>>, vector<16xf32>,
        %get3A_556 = arith.index_cast %scan3A_400 : i32 to index
        %get3A_557 = arith.constant 416 : index
        %get3A_558 = tpu.vector_load %arg13[%get3A_556, %get3A_557] {strides = array<i32>} : memref<16x1024xf32, #tpu.memory_space<vmem>>, vector<16xf32>,
        %swap3A_559 = arith.index_cast %scan3A_400 : i32 to index
        %swap3A_560 = arith.constant 416 : index
        %swap3A_561 = tpu.vector_load %arg10[%swap3A_559, %swap3A_560] {strides = array<i32>} : memref<16x1024xf32, #tpu.memory_space<vmem>>, vector<16xf32>,
        tpu.vector_store %arg10[%swap3A_559, %swap3A_560], %get3A_558 {add = true, strides = array<i32>} : memref<16x1024xf32, #tpu.memory_space<vmem>>, vector<16xf32>,
        %get3A_562 = arith.index_cast %scan3A_400 : i32 to index
        %get3A_563 = arith.constant 432 : index
        %get3A_564 = tpu.vector_load %arg13[%get3A_562, %get3A_563] {strides = array<i32>} : memref<16x1024xf32, #tpu.memory_space<vmem>>, vector<16xf32>,
        %swap3A_565 = arith.index_cast %scan3A_400 : i32 to index
        %swap3A_566 = arith.constant 432 : index
        %swap3A_567 = tpu.vector_load %arg10[%swap3A_565, %swap3A_566] {strides = array<i32>} : memref<16x1024xf32, #tpu.memory_space<vmem>>, vector<16xf32>,
        tpu.vector_store %arg10[%swap3A_565, %swap3A_566], %get3A_564 {add = true, strides = array<i32>} : memref<16x1024xf32, #tpu.memory_space<vmem>>, vector<16xf32>,
        %get3A_568 = arith.index_cast %scan3A_400 : i32 to index
        %get3A_569 = arith.constant 448 : index
        %get3A_570 = tpu.vector_load %arg13[%get3A_568, %get3A_569] {strides = array<i32>} : memref<16x1024xf32, #tpu.memory_space<vmem>>, vector<16xf32>,
        %swap3A_571 = arith.index_cast %scan3A_400 : i32 to index
        %swap3A_572 = arith.constant 448 : index
        %swap3A_573 = tpu.vector_load %arg10[%swap3A_571, %swap3A_572] {strides = array<i32>} : memref<16x1024xf32, #tpu.memory_space<vmem>>, vector<16xf32>,
        tpu.vector_store %arg10[%swap3A_571, %swap3A_572], %get3A_570 {add = true, strides = array<i32>} : memref<16x1024xf32, #tpu.memory_space<vmem>>, vector<16xf32>,
        %get3A_574 = arith.index_cast %scan3A_400 : i32 to index
        %get3A_575 = arith.constant 464 : index
        %get3A_576 = tpu.vector_load %arg13[%get3A_574, %get3A_575] {strides = array<i32>} : memref<16x1024xf32, #tpu.memory_space<vmem>>, vector<16xf32>,
        %swap3A_577 = arith.index_cast %scan3A_400 : i32 to index
        %swap3A_578 = arith.constant 464 : index
        %swap3A_579 = tpu.vector_load %arg10[%swap3A_577, %swap3A_578] {strides = array<i32>} : memref<16x1024xf32, #tpu.memory_space<vmem>>, vector<16xf32>,
        tpu.vector_store %arg10[%swap3A_577, %swap3A_578], %get3A_576 {add = true, strides = array<i32>} : memref<16x1024xf32, #tpu.memory_space<vmem>>, vector<16xf32>,
        %get3A_580 = arith.index_cast %scan3A_400 : i32 to index
        %get3A_581 = arith.constant 480 : index
        %get3A_582 = tpu.vector_load %arg13[%get3A_580, %get3A_581] {strides = array<i32>} : memref<16x1024xf32, #tpu.memory_space<vmem>>, vector<16xf32>,
        %swap3A_583 = arith.index_cast %scan3A_400 : i32 to index
        %swap3A_584 = arith.constant 480 : index
        %swap3A_585 = tpu.vector_load %arg10[%swap3A_583, %swap3A_584] {strides = array<i32>} : memref<16x1024xf32, #tpu.memory_space<vmem>>, vector<16xf32>,
        tpu.vector_store %arg10[%swap3A_583, %swap3A_584], %get3A_582 {add = true, strides = array<i32>} : memref<16x1024xf32, #tpu.memory_space<vmem>>, vector<16xf32>,
        %get3A_586 = arith.index_cast %scan3A_400 : i32 to index
        %get3A_587 = arith.constant 496 : index
        %get3A_588 = tpu.vector_load %arg13[%get3A_586, %get3A_587] {strides = array<i32>} : memref<16x1024xf32, #tpu.memory_space<vmem>>, vector<16xf32>,
        %swap3A_589 = arith.index_cast %scan3A_400 : i32 to index
        %swap3A_590 = arith.constant 496 : index
        %swap3A_591 = tpu.vector_load %arg10[%swap3A_589, %swap3A_590] {strides = array<i32>} : memref<16x1024xf32, #tpu.memory_space<vmem>>, vector<16xf32>,
        tpu.vector_store %arg10[%swap3A_589, %swap3A_590], %get3A_588 {add = true, strides = array<i32>} : memref<16x1024xf32, #tpu.memory_space<vmem>>, vector<16xf32>,
        %get3A_592 = arith.index_cast %scan3A_400 : i32 to index
        %get3A_593 = arith.constant 512 : index
        %get3A_594 = tpu.vector_load %arg13[%get3A_592, %get3A_593] {strides = array<i32>} : memref<16x1024xf32, #tpu.memory_space<vmem>>, vector<16xf32>,
        %swap3A_595 = arith.index_cast %scan3A_400 : i32 to index
        %swap3A_596 = arith.constant 512 : index
        %swap3A_597 = tpu.vector_load %arg10[%swap3A_595, %swap3A_596] {strides = array<i32>} : memref<16x1024xf32, #tpu.memory_space<vmem>>, vector<16xf32>,
        tpu.vector_store %arg10[%swap3A_595, %swap3A_596], %get3A_594 {add = true, strides = array<i32>} : memref<16x1024xf32, #tpu.memory_space<vmem>>, vector<16xf32>,
        %get3A_598 = arith.index_cast %scan3A_400 : i32 to index
        %get3A_599 = arith.constant 528 : index
        %get3A_600 = tpu.vector_load %arg13[%get3A_598, %get3A_599] {strides = array<i32>} : memref<16x1024xf32, #tpu.memory_space<vmem>>, vector<16xf32>,
        %swap3A_601 = arith.index_cast %scan3A_400 : i32 to index
        %swap3A_602 = arith.constant 528 : index
        %swap3A_603 = tpu.vector_load %arg10[%swap3A_601, %swap3A_602] {strides = array<i32>} : memref<16x1024xf32, #tpu.memory_space<vmem>>, vector<16xf32>,
        tpu.vector_store %arg10[%swap3A_601, %swap3A_602], %get3A_600 {add = true, strides = array<i32>} : memref<16x1024xf32, #tpu.memory_space<vmem>>, vector<16xf32>,
        %get3A_604 = arith.index_cast %scan3A_400 : i32 to index
        %get3A_605 = arith.constant 544 : index
        %get3A_606 = tpu.vector_load %arg13[%get3A_604, %get3A_605] {strides = array<i32>} : memref<16x1024xf32, #tpu.memory_space<vmem>>, vector<16xf32>,
        %swap3A_607 = arith.index_cast %scan3A_400 : i32 to index
        %swap3A_608 = arith.constant 544 : index
        %swap3A_609 = tpu.vector_load %arg10[%swap3A_607, %swap3A_608] {strides = array<i32>} : memref<16x1024xf32, #tpu.memory_space<vmem>>, vector<16xf32>,
        tpu.vector_store %arg10[%swap3A_607, %swap3A_608], %get3A_606 {add = true, strides = array<i32>} : memref<16x1024xf32, #tpu.memory_space<vmem>>, vector<16xf32>,
        %get3A_610 = arith.index_cast %scan3A_400 : i32 to index
        %get3A_611 = arith.constant 560 : index
        %get3A_612 = tpu.vector_load %arg13[%get3A_610, %get3A_611] {strides = array<i32>} : memref<16x1024xf32, #tpu.memory_space<vmem>>, vector<16xf32>,
        %swap3A_613 = arith.index_cast %scan3A_400 : i32 to index
        %swap3A_614 = arith.constant 560 : index
        %swap3A_615 = tpu.vector_load %arg10[%swap3A_613, %swap3A_614] {strides = array<i32>} : memref<16x1024xf32, #tpu.memory_space<vmem>>, vector<16xf32>,
        tpu.vector_store %arg10[%swap3A_613, %swap3A_614], %get3A_612 {add = true, strides = array<i32>} : memref<16x1024xf32, #tpu.memory_space<vmem>>, vector<16xf32>,
        %get3A_616 = arith.index_cast %scan3A_400 : i32 to index
        %get3A_617 = arith.constant 576 : index
        %get3A_618 = tpu.vector_load %arg13[%get3A_616, %get3A_617] {strides = array<i32>} : memref<16x1024xf32, #tpu.memory_space<vmem>>, vector<16xf32>,
        %swap3A_619 = arith.index_cast %scan3A_400 : i32 to index
        %swap3A_620 = arith.constant 576 : index
        %swap3A_621 = tpu.vector_load %arg10[%swap3A_619, %swap3A_620] {strides = array<i32>} : memref<16x1024xf32, #tpu.memory_space<vmem>>, vector<16xf32>,
        tpu.vector_store %arg10[%swap3A_619, %swap3A_620], %get3A_618 {add = true, strides = array<i32>} : memref<16x1024xf32, #tpu.memory_space<vmem>>, vector<16xf32>,
        %get3A_622 = arith.index_cast %scan3A_400 : i32 to index
        %get3A_623 = arith.constant 592 : index
        %get3A_624 = tpu.vector_load %arg13[%get3A_622, %get3A_623] {strides = array<i32>} : memref<16x1024xf32, #tpu.memory_space<vmem>>, vector<16xf32>,
        %swap3A_625 = arith.index_cast %scan3A_400 : i32 to index
        %swap3A_626 = arith.constant 592 : index
        %swap3A_627 = tpu.vector_load %arg10[%swap3A_625, %swap3A_626] {strides = array<i32>} : memref<16x1024xf32, #tpu.memory_space<vmem>>, vector<16xf32>,
        tpu.vector_store %arg10[%swap3A_625, %swap3A_626], %get3A_624 {add = true, strides = array<i32>} : memref<16x1024xf32, #tpu.memory_space<vmem>>, vector<16xf32>,
        %get3A_628 = arith.index_cast %scan3A_400 : i32 to index
        %get3A_629 = arith.constant 608 : index
        %get3A_630 = tpu.vector_load %arg13[%get3A_628, %get3A_629] {strides = array<i32>} : memref<16x1024xf32, #tpu.memory_space<vmem>>, vector<16xf32>,
        %swap3A_631 = arith.index_cast %scan3A_400 : i32 to index
        %swap3A_632 = arith.constant 608 : index
        %swap3A_633 = tpu.vector_load %arg10[%swap3A_631, %swap3A_632] {strides = array<i32>} : memref<16x1024xf32, #tpu.memory_space<vmem>>, vector<16xf32>,
        tpu.vector_store %arg10[%swap3A_631, %swap3A_632], %get3A_630 {add = true, strides = array<i32>} : memref<16x1024xf32, #tpu.memory_space<vmem>>, vector<16xf32>,
        %get3A_634 = arith.index_cast %scan3A_400 : i32 to index
        %get3A_635 = arith.constant 624 : index
        %get3A_636 = tpu.vector_load %arg13[%get3A_634, %get3A_635] {strides = array<i32>} : memref<16x1024xf32, #tpu.memory_space<vmem>>, vector<16xf32>,
        %swap3A_637 = arith.index_cast %scan3A_400 : i32 to index
        %swap3A_638 = arith.constant 624 : index
        %swap3A_639 = tpu.vector_load %arg10[%swap3A_637, %swap3A_638] {strides = array<i32>} : memref<16x1024xf32, #tpu.memory_space<vmem>>, vector<16xf32>,
        tpu.vector_store %arg10[%swap3A_637, %swap3A_638], %get3A_636 {add = true, strides = array<i32>} : memref<16x1024xf32, #tpu.memory_space<vmem>>, vector<16xf32>,
        %get3A_640 = arith.index_cast %scan3A_400 : i32 to index
        %get3A_641 = arith.constant 640 : index
        %get3A_642 = tpu.vector_load %arg13[%get3A_640, %get3A_641] {strides = array<i32>} : memref<16x1024xf32, #tpu.memory_space<vmem>>, vector<16xf32>,
        %swap3A_643 = arith.index_cast %scan3A_400 : i32 to index
        %swap3A_644 = arith.constant 640 : index
        %swap3A_645 = tpu.vector_load %arg10[%swap3A_643, %swap3A_644] {strides = array<i32>} : memref<16x1024xf32, #tpu.memory_space<vmem>>, vector<16xf32>,
        tpu.vector_store %arg10[%swap3A_643, %swap3A_644], %get3A_642 {add = true, strides = array<i32>} : memref<16x1024xf32, #tpu.memory_space<vmem>>, vector<16xf32>,
        %get3A_646 = arith.index_cast %scan3A_400 : i32 to index
        %get3A_647 = arith.constant 656 : index
        %get3A_648 = tpu.vector_load %arg13[%get3A_646, %get3A_647] {strides = array<i32>} : memref<16x1024xf32, #tpu.memory_space<vmem>>, vector<16xf32>,
        %swap3A_649 = arith.index_cast %scan3A_400 : i32 to index
        %swap3A_650 = arith.constant 656 : index
        %swap3A_651 = tpu.vector_load %arg10[%swap3A_649, %swap3A_650] {strides = array<i32>} : memref<16x1024xf32, #tpu.memory_space<vmem>>, vector<16xf32>,
        tpu.vector_store %arg10[%swap3A_649, %swap3A_650], %get3A_648 {add = true, strides = array<i32>} : memref<16x1024xf32, #tpu.memory_space<vmem>>, vector<16xf32>,
        %get3A_652 = arith.index_cast %scan3A_400 : i32 to index
        %get3A_653 = arith.constant 672 : index
        %get3A_654 = tpu.vector_load %arg13[%get3A_652, %get3A_653] {strides = array<i32>} : memref<16x1024xf32, #tpu.memory_space<vmem>>, vector<16xf32>,
        %swap3A_655 = arith.index_cast %scan3A_400 : i32 to index
        %swap3A_656 = arith.constant 672 : index
        %swap3A_657 = tpu.vector_load %arg10[%swap3A_655, %swap3A_656] {strides = array<i32>} : memref<16x1024xf32, #tpu.memory_space<vmem>>, vector<16xf32>,
        tpu.vector_store %arg10[%swap3A_655, %swap3A_656], %get3A_654 {add = true, strides = array<i32>} : memref<16x1024xf32, #tpu.memory_space<vmem>>, vector<16xf32>,
        %get3A_658 = arith.index_cast %scan3A_400 : i32 to index
        %get3A_659 = arith.constant 688 : index
        %get3A_660 = tpu.vector_load %arg13[%get3A_658, %get3A_659] {strides = array<i32>} : memref<16x1024xf32, #tpu.memory_space<vmem>>, vector<16xf32>,
        %swap3A_661 = arith.index_cast %scan3A_400 : i32 to index
        %swap3A_662 = arith.constant 688 : index
        %swap3A_663 = tpu.vector_load %arg10[%swap3A_661, %swap3A_662] {strides = array<i32>} : memref<16x1024xf32, #tpu.memory_space<vmem>>, vector<16xf32>,
        tpu.vector_store %arg10[%swap3A_661, %swap3A_662], %get3A_660 {add = true, strides = array<i32>} : memref<16x1024xf32, #tpu.memory_space<vmem>>, vector<16xf32>,
        %get3A_664 = arith.index_cast %scan3A_400 : i32 to index
        %get3A_665 = arith.constant 704 : index
        %get3A_666 = tpu.vector_load %arg13[%get3A_664, %get3A_665] {strides = array<i32>} : memref<16x1024xf32, #tpu.memory_space<vmem>>, vector<16xf32>,
        %swap3A_667 = arith.index_cast %scan3A_400 : i32 to index
        %swap3A_668 = arith.constant 704 : index
        %swap3A_669 = tpu.vector_load %arg10[%swap3A_667, %swap3A_668] {strides = array<i32>} : memref<16x1024xf32, #tpu.memory_space<vmem>>, vector<16xf32>,
        tpu.vector_store %arg10[%swap3A_667, %swap3A_668], %get3A_666 {add = true, strides = array<i32>} : memref<16x1024xf32, #tpu.memory_space<vmem>>, vector<16xf32>,
        %get3A_670 = arith.index_cast %scan3A_400 : i32 to index
        %get3A_671 = arith.constant 720 : index
        %get3A_672 = tpu.vector_load %arg13[%get3A_670, %get3A_671] {strides = array<i32>} : memref<16x1024xf32, #tpu.memory_space<vmem>>, vector<16xf32>,
        %swap3A_673 = arith.index_cast %scan3A_400 : i32 to index
        %swap3A_674 = arith.constant 720 : index
        %swap3A_675 = tpu.vector_load %arg10[%swap3A_673, %swap3A_674] {strides = array<i32>} : memref<16x1024xf32, #tpu.memory_space<vmem>>, vector<16xf32>,
        tpu.vector_store %arg10[%swap3A_673, %swap3A_674], %get3A_672 {add = true, strides = array<i32>} : memref<16x1024xf32, #tpu.memory_space<vmem>>, vector<16xf32>,
        %get3A_676 = arith.index_cast %scan3A_400 : i32 to index
        %get3A_677 = arith.constant 736 : index
        %get3A_678 = tpu.vector_load %arg13[%get3A_676, %get3A_677] {strides = array<i32>} : memref<16x1024xf32, #tpu.memory_space<vmem>>, vector<16xf32>,
        %swap3A_679 = arith.index_cast %scan3A_400 : i32 to index
        %swap3A_680 = arith.constant 736 : index
        %swap3A_681 = tpu.vector_load %arg10[%swap3A_679, %swap3A_680] {strides = array<i32>} : memref<16x1024xf32, #tpu.memory_space<vmem>>, vector<16xf32>,
        tpu.vector_store %arg10[%swap3A_679, %swap3A_680], %get3A_678 {add = true, strides = array<i32>} : memref<16x1024xf32, #tpu.memory_space<vmem>>, vector<16xf32>,
        %get3A_682 = arith.index_cast %scan3A_400 : i32 to index
        %get3A_683 = arith.constant 752 : index
        %get3A_684 = tpu.vector_load %arg13[%get3A_682, %get3A_683] {strides = array<i32>} : memref<16x1024xf32, #tpu.memory_space<vmem>>, vector<16xf32>,
        %swap3A_685 = arith.index_cast %scan3A_400 : i32 to index
        %swap3A_686 = arith.constant 752 : index
        %swap3A_687 = tpu.vector_load %arg10[%swap3A_685, %swap3A_686] {strides = array<i32>} : memref<16x1024xf32, #tpu.memory_space<vmem>>, vector<16xf32>,
        tpu.vector_store %arg10[%swap3A_685, %swap3A_686], %get3A_684 {add = true, strides = array<i32>} : memref<16x1024xf32, #tpu.memory_space<vmem>>, vector<16xf32>,
        %get3A_688 = arith.index_cast %scan3A_400 : i32 to index
        %get3A_689 = arith.constant 768 : index
        %get3A_690 = tpu.vector_load %arg13[%get3A_688, %get3A_689] {strides = array<i32>} : memref<16x1024xf32, #tpu.memory_space<vmem>>, vector<16xf32>,
        %swap3A_691 = arith.index_cast %scan3A_400 : i32 to index
        %swap3A_692 = arith.constant 768 : index
        %swap3A_693 = tpu.vector_load %arg10[%swap3A_691, %swap3A_692] {strides = array<i32>} : memref<16x1024xf32, #tpu.memory_space<vmem>>, vector<16xf32>,
        tpu.vector_store %arg10[%swap3A_691, %swap3A_692], %get3A_690 {add = true, strides = array<i32>} : memref<16x1024xf32, #tpu.memory_space<vmem>>, vector<16xf32>,
        %get3A_694 = arith.index_cast %scan3A_400 : i32 to index
        %get3A_695 = arith.constant 784 : index
        %get3A_696 = tpu.vector_load %arg13[%get3A_694, %get3A_695] {strides = array<i32>} : memref<16x1024xf32, #tpu.memory_space<vmem>>, vector<16xf32>,
        %swap3A_697 = arith.index_cast %scan3A_400 : i32 to index
        %swap3A_698 = arith.constant 784 : index
        %swap3A_699 = tpu.vector_load %arg10[%swap3A_697, %swap3A_698] {strides = array<i32>} : memref<16x1024xf32, #tpu.memory_space<vmem>>, vector<16xf32>,
        tpu.vector_store %arg10[%swap3A_697, %swap3A_698], %get3A_696 {add = true, strides = array<i32>} : memref<16x1024xf32, #tpu.memory_space<vmem>>, vector<16xf32>,
        %get3A_700 = arith.index_cast %scan3A_400 : i32 to index
        %get3A_701 = arith.constant 800 : index
        %get3A_702 = tpu.vector_load %arg13[%get3A_700, %get3A_701] {strides = array<i32>} : memref<16x1024xf32, #tpu.memory_space<vmem>>, vector<16xf32>,
        %swap3A_703 = arith.index_cast %scan3A_400 : i32 to index
        %swap3A_704 = arith.constant 800 : index
        %swap3A_705 = tpu.vector_load %arg10[%swap3A_703, %swap3A_704] {strides = array<i32>} : memref<16x1024xf32, #tpu.memory_space<vmem>>, vector<16xf32>,
        tpu.vector_store %arg10[%swap3A_703, %swap3A_704], %get3A_702 {add = true, strides = array<i32>} : memref<16x1024xf32, #tpu.memory_space<vmem>>, vector<16xf32>,
        %get3A_706 = arith.index_cast %scan3A_400 : i32 to index
        %get3A_707 = arith.constant 816 : index
        %get3A_708 = tpu.vector_load %arg13[%get3A_706, %get3A_707] {strides = array<i32>} : memref<16x1024xf32, #tpu.memory_space<vmem>>, vector<16xf32>,
        %swap3A_709 = arith.index_cast %scan3A_400 : i32 to index
        %swap3A_710 = arith.constant 816 : index
        %swap3A_711 = tpu.vector_load %arg10[%swap3A_709, %swap3A_710] {strides = array<i32>} : memref<16x1024xf32, #tpu.memory_space<vmem>>, vector<16xf32>,
        tpu.vector_store %arg10[%swap3A_709, %swap3A_710], %get3A_708 {add = true, strides = array<i32>} : memref<16x1024xf32, #tpu.memory_space<vmem>>, vector<16xf32>,
        %get3A_712 = arith.index_cast %scan3A_400 : i32 to index
        %get3A_713 = arith.constant 832 : index
        %get3A_714 = tpu.vector_load %arg13[%get3A_712, %get3A_713] {strides = array<i32>} : memref<16x1024xf32, #tpu.memory_space<vmem>>, vector<16xf32>,
        %swap3A_715 = arith.index_cast %scan3A_400 : i32 to index
        %swap3A_716 = arith.constant 832 : index
        %swap3A_717 = tpu.vector_load %arg10[%swap3A_715, %swap3A_716] {strides = array<i32>} : memref<16x1024xf32, #tpu.memory_space<vmem>>, vector<16xf32>,
        tpu.vector_store %arg10[%swap3A_715, %swap3A_716], %get3A_714 {add = true, strides = array<i32>} : memref<16x1024xf32, #tpu.memory_space<vmem>>, vector<16xf32>,
        %get3A_718 = arith.index_cast %scan3A_400 : i32 to index
        %get3A_719 = arith.constant 848 : index
        %get3A_720 = tpu.vector_load %arg13[%get3A_718, %get3A_719] {strides = array<i32>} : memref<16x1024xf32, #tpu.memory_space<vmem>>, vector<16xf32>,
        %swap3A_721 = arith.index_cast %scan3A_400 : i32 to index
        %swap3A_722 = arith.constant 848 : index
        %swap3A_723 = tpu.vector_load %arg10[%swap3A_721, %swap3A_722] {strides = array<i32>} : memref<16x1024xf32, #tpu.memory_space<vmem>>, vector<16xf32>,
        tpu.vector_store %arg10[%swap3A_721, %swap3A_722], %get3A_720 {add = true, strides = array<i32>} : memref<16x1024xf32, #tpu.memory_space<vmem>>, vector<16xf32>,
        %get3A_724 = arith.index_cast %scan3A_400 : i32 to index
        %get3A_725 = arith.constant 864 : index
        %get3A_726 = tpu.vector_load %arg13[%get3A_724, %get3A_725] {strides = array<i32>} : memref<16x1024xf32, #tpu.memory_space<vmem>>, vector<16xf32>,
        %swap3A_727 = arith.index_cast %scan3A_400 : i32 to index
        %swap3A_728 = arith.constant 864 : index
        %swap3A_729 = tpu.vector_load %arg10[%swap3A_727, %swap3A_728] {strides = array<i32>} : memref<16x1024xf32, #tpu.memory_space<vmem>>, vector<16xf32>,
        tpu.vector_store %arg10[%swap3A_727, %swap3A_728], %get3A_726 {add = true, strides = array<i32>} : memref<16x1024xf32, #tpu.memory_space<vmem>>, vector<16xf32>,
        %get3A_730 = arith.index_cast %scan3A_400 : i32 to index
        %get3A_731 = arith.constant 880 : index
        %get3A_732 = tpu.vector_load %arg13[%get3A_730, %get3A_731] {strides = array<i32>} : memref<16x1024xf32, #tpu.memory_space<vmem>>, vector<16xf32>,
        %swap3A_733 = arith.index_cast %scan3A_400 : i32 to index
        %swap3A_734 = arith.constant 880 : index
        %swap3A_735 = tpu.vector_load %arg10[%swap3A_733, %swap3A_734] {strides = array<i32>} : memref<16x1024xf32, #tpu.memory_space<vmem>>, vector<16xf32>,
        tpu.vector_store %arg10[%swap3A_733, %swap3A_734], %get3A_732 {add = true, strides = array<i32>} : memref<16x1024xf32, #tpu.memory_space<vmem>>, vector<16xf32>,
        %get3A_736 = arith.index_cast %scan3A_400 : i32 to index
        %get3A_737 = arith.constant 896 : index
        %get3A_738 = tpu.vector_load %arg13[%get3A_736, %get3A_737] {strides = array<i32>} : memref<16x1024xf32, #tpu.memory_space<vmem>>, vector<16xf32>,
        %swap3A_739 = arith.index_cast %scan3A_400 : i32 to index
        %swap3A_740 = arith.constant 896 : index
        %swap3A_741 = tpu.vector_load %arg10[%swap3A_739, %swap3A_740] {strides = array<i32>} : memref<16x1024xf32, #tpu.memory_space<vmem>>, vector<16xf32>,
        tpu.vector_store %arg10[%swap3A_739, %swap3A_740], %get3A_738 {add = true, strides = array<i32>} : memref<16x1024xf32, #tpu.memory_space<vmem>>, vector<16xf32>,
        %get3A_742 = arith.index_cast %scan3A_400 : i32 to index
        %get3A_743 = arith.constant 912 : index
        %get3A_744 = tpu.vector_load %arg13[%get3A_742, %get3A_743] {strides = array<i32>} : memref<16x1024xf32, #tpu.memory_space<vmem>>, vector<16xf32>,
        %swap3A_745 = arith.index_cast %scan3A_400 : i32 to index
        %swap3A_746 = arith.constant 912 : index
        %swap3A_747 = tpu.vector_load %arg10[%swap3A_745, %swap3A_746] {strides = array<i32>} : memref<16x1024xf32, #tpu.memory_space<vmem>>, vector<16xf32>,
        tpu.vector_store %arg10[%swap3A_745, %swap3A_746], %get3A_744 {add = true, strides = array<i32>} : memref<16x1024xf32, #tpu.memory_space<vmem>>, vector<16xf32>,
        %get3A_748 = arith.index_cast %scan3A_400 : i32 to index
        %get3A_749 = arith.constant 928 : index
        %get3A_750 = tpu.vector_load %arg13[%get3A_748, %get3A_749] {strides = array<i32>} : memref<16x1024xf32, #tpu.memory_space<vmem>>, vector<16xf32>,
        %swap3A_751 = arith.index_cast %scan3A_400 : i32 to index
        %swap3A_752 = arith.constant 928 : index
        %swap3A_753 = tpu.vector_load %arg10[%swap3A_751, %swap3A_752] {strides = array<i32>} : memref<16x1024xf32, #tpu.memory_space<vmem>>, vector<16xf32>,
        tpu.vector_store %arg10[%swap3A_751, %swap3A_752], %get3A_750 {add = true, strides = array<i32>} : memref<16x1024xf32, #tpu.memory_space<vmem>>, vector<16xf32>,
        %get3A_754 = arith.index_cast %scan3A_400 : i32 to index
        %get3A_755 = arith.constant 944 : index
        %get3A_756 = tpu.vector_load %arg13[%get3A_754, %get3A_755] {strides = array<i32>} : memref<16x1024xf32, #tpu.memory_space<vmem>>, vector<16xf32>,
        %swap3A_757 = arith.index_cast %scan3A_400 : i32 to index
        %swap3A_758 = arith.constant 944 : index
        %swap3A_759 = tpu.vector_load %arg10[%swap3A_757, %swap3A_758] {strides = array<i32>} : memref<16x1024xf32, #tpu.memory_space<vmem>>, vector<16xf32>,
        tpu.vector_store %arg10[%swap3A_757, %swap3A_758], %get3A_756 {add = true, strides = array<i32>} : memref<16x1024xf32, #tpu.memory_space<vmem>>, vector<16xf32>,
        %get3A_760 = arith.index_cast %scan3A_400 : i32 to index
        %get3A_761 = arith.constant 960 : index
        %get3A_762 = tpu.vector_load %arg13[%get3A_760, %get3A_761] {strides = array<i32>} : memref<16x1024xf32, #tpu.memory_space<vmem>>, vector<16xf32>,
        %swap3A_763 = arith.index_cast %scan3A_400 : i32 to index
        %swap3A_764 = arith.constant 960 : index
        %swap3A_765 = tpu.vector_load %arg10[%swap3A_763, %swap3A_764] {strides = array<i32>} : memref<16x1024xf32, #tpu.memory_space<vmem>>, vector<16xf32>,
        tpu.vector_store %arg10[%swap3A_763, %swap3A_764], %get3A_762 {add = true, strides = array<i32>} : memref<16x1024xf32, #tpu.memory_space<vmem>>, vector<16xf32>,
        %get3A_766 = arith.index_cast %scan3A_400 : i32 to index
        %get3A_767 = arith.constant 976 : index
        %get3A_768 = tpu.vector_load %arg13[%get3A_766, %get3A_767] {strides = array<i32>} : memref<16x1024xf32, #tpu.memory_space<vmem>>, vector<16xf32>,
        %swap3A_769 = arith.index_cast %scan3A_400 : i32 to index
        %swap3A_770 = arith.constant 976 : index
        %swap3A_771 = tpu.vector_load %arg10[%swap3A_769, %swap3A_770] {strides = array<i32>} : memref<16x1024xf32, #tpu.memory_space<vmem>>, vector<16xf32>,
        tpu.vector_store %arg10[%swap3A_769, %swap3A_770], %get3A_768 {add = true, strides = array<i32>} : memref<16x1024xf32, #tpu.memory_space<vmem>>, vector<16xf32>,
        %get3A_772 = arith.index_cast %scan3A_400 : i32 to index
        %get3A_773 = arith.constant 992 : index
        %get3A_774 = tpu.vector_load %arg13[%get3A_772, %get3A_773] {strides = array<i32>} : memref<16x1024xf32, #tpu.memory_space<vmem>>, vector<16xf32>,
        %swap3A_775 = arith.index_cast %scan3A_400 : i32 to index
        %swap3A_776 = arith.constant 992 : index
        %swap3A_777 = tpu.vector_load %arg10[%swap3A_775, %swap3A_776] {strides = array<i32>} : memref<16x1024xf32, #tpu.memory_space<vmem>>, vector<16xf32>,
        tpu.vector_store %arg10[%swap3A_775, %swap3A_776], %get3A_774 {add = true, strides = array<i32>} : memref<16x1024xf32, #tpu.memory_space<vmem>>, vector<16xf32>,
        %get3A_778 = arith.index_cast %scan3A_400 : i32 to index
        %get3A_779 = arith.constant 1008 : index
        %get3A_780 = tpu.vector_load %arg13[%get3A_778, %get3A_779] {strides = array<i32>} : memref<16x1024xf32, #tpu.memory_space<vmem>>, vector<16xf32>,
        %swap3A_781 = arith.index_cast %scan3A_400 : i32 to index
        %swap3A_782 = arith.constant 1008 : index
        %swap3A_783 = tpu.vector_load %arg10[%swap3A_781, %swap3A_782] {strides = array<i32>} : memref<16x1024xf32, #tpu.memory_space<vmem>>, vector<16xf32>,
        tpu.vector_store %arg10[%swap3A_781, %swap3A_782], %get3A_780 {add = true, strides = array<i32>} : memref<16x1024xf32, #tpu.memory_space<vmem>>, vector<16xf32>,
        %scan3A_784 = arith.constant 0 : i32
        scf.yield %scan3A_784 : i32
      }
      %scan3A_321 = arith.constant 16 : i32
      %dma_wait3A_322 = arith.constant 0 : i32
      %dma_wait3A_323 = arith.constant 0 : i32
      %dma_wait3A_324 = tpu.memref_slice %arg5[%dma_wait3A_322, %dma_wait3A_323] : memref<8192x1024xf32, #tpu.memory_space<hbm>> -> memref<16x1024xf32, #tpu.memory_space<hbm>>
      %dma_wait3A_325 = arith.constant 0 : i32
      %dma_wait3A_326 = arith.constant 0 : i32
      %dma_wait3A_327 = tpu.memref_slice %arg5[%dma_wait3A_325, %dma_wait3A_326] : memref<8192x1024xf32, #tpu.memory_space<hbm>> -> memref<16x1024xf32, #tpu.memory_space<hbm>>
      tpu.wait_dma2 semaphore(%arg18 : memref<!tpu.dma_semaphore, #tpu.memory_space<semaphore_mem>>) src(%arg9 : memref<16x1024xf32, #tpu.memory_space<vmem>>) dst(%dma_wait3A_327 : memref<16x1024xf32, #tpu.memory_space<hbm>>)
      %add3A_328 = arith.constant 2 : i32
      %add3A_329 = arith.addi %add3A_302, %add3A_328 : i32
      %mul3A_330 = arith.constant 16 : i32
      %mul3A_331 = arith.muli %add3A_329, %mul3A_330 : i32
      %add3A_332 = arith.addi %mul3A_34, %mul3A_331 : i32
      %dma_start3A_333 = arith.constant 0 : i32
      %dma_start3A_334 = tpu.memref_slice %arg2[%add3A_332, %dma_start3A_333] : memref<8192x1024xf32, #tpu.memory_space<hbm>> -> memref<16x1024xf32, #tpu.memory_space<hbm>>
      %dma_start3A_335 = arith.constant 0 : i32
      %dma_start3A_336 = tpu.memref_slice %arg2[%add3A_332, %dma_start3A_335] : memref<8192x1024xf32, #tpu.memory_space<hbm>> -> memref<16x1024xf32, #tpu.memory_space<hbm>>
      tpu.enqueue_dma source(%dma_start3A_336 : memref<16x1024xf32, #tpu.memory_space<hbm>>) target(%arg9 : memref<16x1024xf32, #tpu.memory_space<vmem>>) target_semaphore(%arg15 : memref<!tpu.dma_semaphore, #tpu.memory_space<semaphore_mem>>)
      %mul3A_337 = arith.constant 16 : i32
      %mul3A_338 = arith.muli %add3A_329, %mul3A_337 : i32
      %dma_start3A_339 = tpu.memref_slice %arg7[%mul3A_338] : memref<256xi32, #tpu.memory_space<vmem>> -> memref<16xi32, #tpu.memory_space<vmem>>
      %dma_start3A_340 = arith.constant 0 : i32
      %dma_start3A_341 = arith.constant 0 : i32
      %dma_start3A_342 = tpu.memref_slice %arg4[%dma_start3A_340, %dma_start3A_341] : memref<2049x1024xf32, #tpu.memory_space<hbm>> -> memref<2049x1024xf32, #tpu.memory_space<hbm>>
      tpu.enqueue_indirect_dma source(%dma_start3A_342 : memref<2049x1024xf32, #tpu.memory_space<hbm>>) target(%arg12 : memref<16x1024xf32, #tpu.memory_space<vmem>>) offsets(%dma_start3A_339 : memref<16xi32, #tpu.memory_space<vmem>>) semaphore(%arg15 : memref<!tpu.dma_semaphore, #tpu.memory_space<semaphore_mem>>)
      %mul3A_343 = arith.constant 16 : i32
      %mul3A_344 = arith.muli %add3A_302, %mul3A_343 : i32
      %add3A_345 = arith.addi %mul3A_34, %mul3A_344 : i32
      %dma_start3A_346 = arith.constant 0 : i32
      %dma_start3A_347 = tpu.memref_slice %arg5[%add3A_345, %dma_start3A_346] : memref<8192x1024xf32, #tpu.memory_space<hbm>> -> memref<16x1024xf32, #tpu.memory_space<hbm>>
      %dma_start3A_348 = arith.constant 0 : i32
      %dma_start3A_349 = tpu.memref_slice %arg5[%add3A_345, %dma_start3A_348] : memref<8192x1024xf32, #tpu.memory_space<hbm>> -> memref<16x1024xf32, #tpu.memory_space<hbm>>
      tpu.enqueue_dma source(%arg10 : memref<16x1024xf32, #tpu.memory_space<vmem>>) target(%dma_start3A_349 : memref<16x1024xf32, #tpu.memory_space<hbm>>) target_semaphore(%arg19 : memref<!tpu.dma_semaphore, #tpu.memory_space<semaphore_mem>>)
      %add3A_350 = arith.constant 2 : i32
      %add3A_351 = arith.addi %add3A_253, %add3A_350 : i32
      %dma_wait3A_352 = arith.constant 0 : i32
      %dma_wait3A_353 = arith.constant 0 : i32
      %dma_wait3A_354 = tpu.memref_slice %arg2[%dma_wait3A_352, %dma_wait3A_353] : memref<8192x1024xf32, #tpu.memory_space<hbm>> -> memref<16x1024xf32, #tpu.memory_space<hbm>>
      %dma_wait3A_355 = arith.constant 0 : i32
      %dma_wait3A_356 = arith.constant 0 : i32
      %dma_wait3A_357 = tpu.memref_slice %arg2[%dma_wait3A_355, %dma_wait3A_356] : memref<8192x1024xf32, #tpu.memory_space<hbm>> -> memref<16x1024xf32, #tpu.memory_space<hbm>>
      tpu.wait_dma2 semaphore(%arg14 : memref<!tpu.dma_semaphore, #tpu.memory_space<semaphore_mem>>) src(%dma_wait3A_357 : memref<16x1024xf32, #tpu.memory_space<hbm>>) dst(%arg8 : memref<16x1024xf32, #tpu.memory_space<vmem>>)
      %dma_wait3A_358 = arith.constant 0 : i32
      %dma_wait3A_359 = arith.constant 0 : i32
      %dma_wait3A_360 = tpu.memref_slice %arg2[%dma_wait3A_358, %dma_wait3A_359] : memref<8192x1024xf32, #tpu.memory_space<hbm>> -> memref<16x1024xf32, #tpu.memory_space<hbm>>
      %dma_wait3A_361 = arith.constant 0 : i32
      %dma_wait3A_362 = arith.constant 0 : i32
      %dma_wait3A_363 = tpu.memref_slice %arg2[%dma_wait3A_361, %dma_wait3A_362] : memref<8192x1024xf32, #tpu.memory_space<hbm>> -> memref<16x1024xf32, #tpu.memory_space<hbm>>
      tpu.wait_dma2 semaphore(%arg14 : memref<!tpu.dma_semaphore, #tpu.memory_space<semaphore_mem>>) src(%dma_wait3A_363 : memref<16x1024xf32, #tpu.memory_space<hbm>>) dst(%arg11 : memref<16x1024xf32, #tpu.memory_space<vmem>>)
      %scan3A_364 = arith.constant 0 : i32
      %scan3A_365 = arith.constant 0 : i32
      %scan3A_366 = arith.constant 16 : i32
      %scan3A_367 = arith.addi %scan3A_365, %scan3A_366 : i32
      %scan3A_368 = arith.constant 1 : i32
      %scan3A_369 = scf.for %scan3A_400 = %scan3A_365 to %scan3A_367 step %scan3A_368 iter_args(%scan3A_401 = %scan3A_364) -> (i32)  : i32 {
        %get3A = arith.index_cast %scan3A_400 : i32 to index
        %get3A_402 = arith.constant 0 : index
        %get3A_403 = tpu.vector_load %arg11[%get3A, %get3A_402] {strides = array<i32>} : memref<16x1024xf32, #tpu.memory_space<vmem>>, vector<16xf32>,
        %swap3A = arith.index_cast %scan3A_400 : i32 to index
        %swap3A_404 = arith.constant 0 : index
        %swap3A_405 = tpu.vector_load %arg8[%swap3A, %swap3A_404] {strides = array<i32>} : memref<16x1024xf32, #tpu.memory_space<vmem>>, vector<16xf32>,
        tpu.vector_store %arg8[%swap3A, %swap3A_404], %get3A_403 {add = true, strides = array<i32>} : memref<16x1024xf32, #tpu.memory_space<vmem>>, vector<16xf32>,
        %get3A_406 = arith.index_cast %scan3A_400 : i32 to index
        %get3A_407 = arith.constant 16 : index
        %get3A_408 = tpu.vector_load %arg11[%get3A_406, %get3A_407] {strides = array<i32>} : memref<16x1024xf32, #tpu.memory_space<vmem>>, vector<16xf32>,
        %swap3A_409 = arith.index_cast %scan3A_400 : i32 to index
        %swap3A_410 = arith.constant 16 : index
        %swap3A_411 = tpu.vector_load %arg8[%swap3A_409, %swap3A_410] {strides = array<i32>} : memref<16x1024xf32, #tpu.memory_space<vmem>>, vector<16xf32>,
        tpu.vector_store %arg8[%swap3A_409, %swap3A_410], %get3A_408 {add = true, strides = array<i32>} : memref<16x1024xf32, #tpu.memory_space<vmem>>, vector<16xf32>,
        %get3A_412 = arith.index_cast %scan3A_400 : i32 to index
        %get3A_413 = arith.constant 32 : index
        %get3A_414 = tpu.vector_load %arg11[%get3A_412, %get3A_413] {strides = array<i32>} : memref<16x1024xf32, #tpu.memory_space<vmem>>, vector<16xf32>,
        %swap3A_415 = arith.index_cast %scan3A_400 : i32 to index
        %swap3A_416 = arith.constant 32 : index
        %swap3A_417 = tpu.vector_load %arg8[%swap3A_415, %swap3A_416] {strides = array<i32>} : memref<16x1024xf32, #tpu.memory_space<vmem>>, vector<16xf32>,
        tpu.vector_store %arg8[%swap3A_415, %swap3A_416], %get3A_414 {add = true, strides = array<i32>} : memref<16x1024xf32, #tpu.memory_space<vmem>>, vector<16xf32>,
        %get3A_418 = arith.index_cast %scan3A_400 : i32 to index
        %get3A_419 = arith.constant 48 : index
        %get3A_420 = tpu.vector_load %arg11[%get3A_418, %get3A_419] {strides = array<i32>} : memref<16x1024xf32, #tpu.memory_space<vmem>>, vector<16xf32>,
        %swap3A_421 = arith.index_cast %scan3A_400 : i32 to index
        %swap3A_422 = arith.constant 48 : index
        %swap3A_423 = tpu.vector_load %arg8[%swap3A_421, %swap3A_422] {strides = array<i32>} : memref<16x1024xf32, #tpu.memory_space<vmem>>, vector<16xf32>,
        tpu.vector_store %arg8[%swap3A_421, %swap3A_422], %get3A_420 {add = true, strides = array<i32>} : memref<16x1024xf32, #tpu.memory_space<vmem>>, vector<16xf32>,
        %get3A_424 = arith.index_cast %scan3A_400 : i32 to index
        %get3A_425 = arith.constant 64 : index
        %get3A_426 = tpu.vector_load %arg11[%get3A_424, %get3A_425] {strides = array<i32>} : memref<16x1024xf32, #tpu.memory_space<vmem>>, vector<16xf32>,
        %swap3A_427 = arith.index_cast %scan3A_400 : i32 to index
        %swap3A_428 = arith.constant 64 : index
        %swap3A_429 = tpu.vector_load %arg8[%swap3A_427, %swap3A_428] {strides = array<i32>} : memref<16x1024xf32, #tpu.memory_space<vmem>>, vector<16xf32>,
        tpu.vector_store %arg8[%swap3A_427, %swap3A_428], %get3A_426 {add = true, strides = array<i32>} : memref<16x1024xf32, #tpu.memory_space<vmem>>, vector<16xf32>,
        %get3A_430 = arith.index_cast %scan3A_400 : i32 to index
        %get3A_431 = arith.constant 80 : index
        %get3A_432 = tpu.vector_load %arg11[%get3A_430, %get3A_431] {strides = array<i32>} : memref<16x1024xf32, #tpu.memory_space<vmem>>, vector<16xf32>,
        %swap3A_433 = arith.index_cast %scan3A_400 : i32 to index
        %swap3A_434 = arith.constant 80 : index
        %swap3A_435 = tpu.vector_load %arg8[%swap3A_433, %swap3A_434] {strides = array<i32>} : memref<16x1024xf32, #tpu.memory_space<vmem>>, vector<16xf32>,
        tpu.vector_store %arg8[%swap3A_433, %swap3A_434], %get3A_432 {add = true, strides = array<i32>} : memref<16x1024xf32, #tpu.memory_space<vmem>>, vector<16xf32>,
        %get3A_436 = arith.index_cast %scan3A_400 : i32 to index
        %get3A_437 = arith.constant 96 : index
        %get3A_438 = tpu.vector_load %arg11[%get3A_436, %get3A_437] {strides = array<i32>} : memref<16x1024xf32, #tpu.memory_space<vmem>>, vector<16xf32>,
        %swap3A_439 = arith.index_cast %scan3A_400 : i32 to index
        %swap3A_440 = arith.constant 96 : index
        %swap3A_441 = tpu.vector_load %arg8[%swap3A_439, %swap3A_440] {strides = array<i32>} : memref<16x1024xf32, #tpu.memory_space<vmem>>, vector<16xf32>,
        tpu.vector_store %arg8[%swap3A_439, %swap3A_440], %get3A_438 {add = true, strides = array<i32>} : memref<16x1024xf32, #tpu.memory_space<vmem>>, vector<16xf32>,
        %get3A_442 = arith.index_cast %scan3A_400 : i32 to index
        %get3A_443 = arith.constant 112 : index
        %get3A_444 = tpu.vector_load %arg11[%get3A_442, %get3A_443] {strides = array<i32>} : memref<16x1024xf32, #tpu.memory_space<vmem>>, vector<16xf32>,
        %swap3A_445 = arith.index_cast %scan3A_400 : i32 to index
        %swap3A_446 = arith.constant 112 : index
        %swap3A_447 = tpu.vector_load %arg8[%swap3A_445, %swap3A_446] {strides = array<i32>} : memref<16x1024xf32, #tpu.memory_space<vmem>>, vector<16xf32>,
        tpu.vector_store %arg8[%swap3A_445, %swap3A_446], %get3A_444 {add = true, strides = array<i32>} : memref<16x1024xf32, #tpu.memory_space<vmem>>, vector<16xf32>,
        %get3A_448 = arith.index_cast %scan3A_400 : i32 to index
        %get3A_449 = arith.constant 128 : index
        %get3A_450 = tpu.vector_load %arg11[%get3A_448, %get3A_449] {strides = array<i32>} : memref<16x1024xf32, #tpu.memory_space<vmem>>, vector<16xf32>,
        %swap3A_451 = arith.index_cast %scan3A_400 : i32 to index
        %swap3A_452 = arith.constant 128 : index
        %swap3A_453 = tpu.vector_load %arg8[%swap3A_451, %swap3A_452] {strides = array<i32>} : memref<16x1024xf32, #tpu.memory_space<vmem>>, vector<16xf32>,
        tpu.vector_store %arg8[%swap3A_451, %swap3A_452], %get3A_450 {add = true, strides = array<i32>} : memref<16x1024xf32, #tpu.memory_space<vmem>>, vector<16xf32>,
        %get3A_454 = arith.index_cast %scan3A_400 : i32 to index
        %get3A_455 = arith.constant 144 : index
        %get3A_456 = tpu.vector_load %arg11[%get3A_454, %get3A_455] {strides = array<i32>} : memref<16x1024xf32, #tpu.memory_space<vmem>>, vector<16xf32>,
        %swap3A_457 = arith.index_cast %scan3A_400 : i32 to index
        %swap3A_458 = arith.constant 144 : index
        %swap3A_459 = tpu.vector_load %arg8[%swap3A_457, %swap3A_458] {strides = array<i32>} : memref<16x1024xf32, #tpu.memory_space<vmem>>, vector<16xf32>,
        tpu.vector_store %arg8[%swap3A_457, %swap3A_458], %get3A_456 {add = true, strides = array<i32>} : memref<16x1024xf32, #tpu.memory_space<vmem>>, vector<16xf32>,
        %get3A_460 = arith.index_cast %scan3A_400 : i32 to index
        %get3A_461 = arith.constant 160 : index
        %get3A_462 = tpu.vector_load %arg11[%get3A_460, %get3A_461] {strides = array<i32>} : memref<16x1024xf32, #tpu.memory_space<vmem>>, vector<16xf32>,
        %swap3A_463 = arith.index_cast %scan3A_400 : i32 to index
        %swap3A_464 = arith.constant 160 : index
        %swap3A_465 = tpu.vector_load %arg8[%swap3A_463, %swap3A_464] {strides = array<i32>} : memref<16x1024xf32, #tpu.memory_space<vmem>>, vector<16xf32>,
        tpu.vector_store %arg8[%swap3A_463, %swap3A_464], %get3A_462 {add = true, strides = array<i32>} : memref<16x1024xf32, #tpu.memory_space<vmem>>, vector<16xf32>,
        %get3A_466 = arith.index_cast %scan3A_400 : i32 to index
        %get3A_467 = arith.constant 176 : index
        %get3A_468 = tpu.vector_load %arg11[%get3A_466, %get3A_467] {strides = array<i32>} : memref<16x1024xf32, #tpu.memory_space<vmem>>, vector<16xf32>,
        %swap3A_469 = arith.index_cast %scan3A_400 : i32 to index
        %swap3A_470 = arith.constant 176 : index
        %swap3A_471 = tpu.vector_load %arg8[%swap3A_469, %swap3A_470] {strides = array<i32>} : memref<16x1024xf32, #tpu.memory_space<vmem>>, vector<16xf32>,
        tpu.vector_store %arg8[%swap3A_469, %swap3A_470], %get3A_468 {add = true, strides = array<i32>} : memref<16x1024xf32, #tpu.memory_space<vmem>>, vector<16xf32>,
        %get3A_472 = arith.index_cast %scan3A_400 : i32 to index
        %get3A_473 = arith.constant 192 : index
        %get3A_474 = tpu.vector_load %arg11[%get3A_472, %get3A_473] {strides = array<i32>} : memref<16x1024xf32, #tpu.memory_space<vmem>>, vector<16xf32>,
        %swap3A_475 = arith.index_cast %scan3A_400 : i32 to index
        %swap3A_476 = arith.constant 192 : index
        %swap3A_477 = tpu.vector_load %arg8[%swap3A_475, %swap3A_476] {strides = array<i32>} : memref<16x1024xf32, #tpu.memory_space<vmem>>, vector<16xf32>,
        tpu.vector_store %arg8[%swap3A_475, %swap3A_476], %get3A_474 {add = true, strides = array<i32>} : memref<16x1024xf32, #tpu.memory_space<vmem>>, vector<16xf32>,
        %get3A_478 = arith.index_cast %scan3A_400 : i32 to index
        %get3A_479 = arith.constant 208 : index
        %get3A_480 = tpu.vector_load %arg11[%get3A_478, %get3A_479] {strides = array<i32>} : memref<16x1024xf32, #tpu.memory_space<vmem>>, vector<16xf32>,
        %swap3A_481 = arith.index_cast %scan3A_400 : i32 to index
        %swap3A_482 = arith.constant 208 : index
        %swap3A_483 = tpu.vector_load %arg8[%swap3A_481, %swap3A_482] {strides = array<i32>} : memref<16x1024xf32, #tpu.memory_space<vmem>>, vector<16xf32>,
        tpu.vector_store %arg8[%swap3A_481, %swap3A_482], %get3A_480 {add = true, strides = array<i32>} : memref<16x1024xf32, #tpu.memory_space<vmem>>, vector<16xf32>,
        %get3A_484 = arith.index_cast %scan3A_400 : i32 to index
        %get3A_485 = arith.constant 224 : index
        %get3A_486 = tpu.vector_load %arg11[%get3A_484, %get3A_485] {strides = array<i32>} : memref<16x1024xf32, #tpu.memory_space<vmem>>, vector<16xf32>,
        %swap3A_487 = arith.index_cast %scan3A_400 : i32 to index
        %swap3A_488 = arith.constant 224 : index
        %swap3A_489 = tpu.vector_load %arg8[%swap3A_487, %swap3A_488] {strides = array<i32>} : memref<16x1024xf32, #tpu.memory_space<vmem>>, vector<16xf32>,
        tpu.vector_store %arg8[%swap3A_487, %swap3A_488], %get3A_486 {add = true, strides = array<i32>} : memref<16x1024xf32, #tpu.memory_space<vmem>>, vector<16xf32>,
        %get3A_490 = arith.index_cast %scan3A_400 : i32 to index
        %get3A_491 = arith.constant 240 : index
        %get3A_492 = tpu.vector_load %arg11[%get3A_490, %get3A_491] {strides = array<i32>} : memref<16x1024xf32, #tpu.memory_space<vmem>>, vector<16xf32>,
        %swap3A_493 = arith.index_cast %scan3A_400 : i32 to index
        %swap3A_494 = arith.constant 240 : index
        %swap3A_495 = tpu.vector_load %arg8[%swap3A_493, %swap3A_494] {strides = array<i32>} : memref<16x1024xf32, #tpu.memory_space<vmem>>, vector<16xf32>,
        tpu.vector_store %arg8[%swap3A_493, %swap3A_494], %get3A_492 {add = true, strides = array<i32>} : memref<16x1024xf32, #tpu.memory_space<vmem>>, vector<16xf32>,
        %get3A_496 = arith.index_cast %scan3A_400 : i32 to index
        %get3A_497 = arith.constant 256 : index
        %get3A_498 = tpu.vector_load %arg11[%get3A_496, %get3A_497] {strides = array<i32>} : memref<16x1024xf32, #tpu.memory_space<vmem>>, vector<16xf32>,
        %swap3A_499 = arith.index_cast %scan3A_400 : i32 to index
        %swap3A_500 = arith.constant 256 : index
        %swap3A_501 = tpu.vector_load %arg8[%swap3A_499, %swap3A_500] {strides = array<i32>} : memref<16x1024xf32, #tpu.memory_space<vmem>>, vector<16xf32>,
        tpu.vector_store %arg8[%swap3A_499, %swap3A_500], %get3A_498 {add = true, strides = array<i32>} : memref<16x1024xf32, #tpu.memory_space<vmem>>, vector<16xf32>,
        %get3A_502 = arith.index_cast %scan3A_400 : i32 to index
        %get3A_503 = arith.constant 272 : index
        %get3A_504 = tpu.vector_load %arg11[%get3A_502, %get3A_503] {strides = array<i32>} : memref<16x1024xf32, #tpu.memory_space<vmem>>, vector<16xf32>,
        %swap3A_505 = arith.index_cast %scan3A_400 : i32 to index
        %swap3A_506 = arith.constant 272 : index
        %swap3A_507 = tpu.vector_load %arg8[%swap3A_505, %swap3A_506] {strides = array<i32>} : memref<16x1024xf32, #tpu.memory_space<vmem>>, vector<16xf32>,
        tpu.vector_store %arg8[%swap3A_505, %swap3A_506], %get3A_504 {add = true, strides = array<i32>} : memref<16x1024xf32, #tpu.memory_space<vmem>>, vector<16xf32>,
        %get3A_508 = arith.index_cast %scan3A_400 : i32 to index
        %get3A_509 = arith.constant 288 : index
        %get3A_510 = tpu.vector_load %arg11[%get3A_508, %get3A_509] {strides = array<i32>} : memref<16x1024xf32, #tpu.memory_space<vmem>>, vector<16xf32>,
        %swap3A_511 = arith.index_cast %scan3A_400 : i32 to index
        %swap3A_512 = arith.constant 288 : index
        %swap3A_513 = tpu.vector_load %arg8[%swap3A_511, %swap3A_512] {strides = array<i32>} : memref<16x1024xf32, #tpu.memory_space<vmem>>, vector<16xf32>,
        tpu.vector_store %arg8[%swap3A_511, %swap3A_512], %get3A_510 {add = true, strides = array<i32>} : memref<16x1024xf32, #tpu.memory_space<vmem>>, vector<16xf32>,
        %get3A_514 = arith.index_cast %scan3A_400 : i32 to index
        %get3A_515 = arith.constant 304 : index
        %get3A_516 = tpu.vector_load %arg11[%get3A_514, %get3A_515] {strides = array<i32>} : memref<16x1024xf32, #tpu.memory_space<vmem>>, vector<16xf32>,
        %swap3A_517 = arith.index_cast %scan3A_400 : i32 to index
        %swap3A_518 = arith.constant 304 : index
        %swap3A_519 = tpu.vector_load %arg8[%swap3A_517, %swap3A_518] {strides = array<i32>} : memref<16x1024xf32, #tpu.memory_space<vmem>>, vector<16xf32>,
        tpu.vector_store %arg8[%swap3A_517, %swap3A_518], %get3A_516 {add = true, strides = array<i32>} : memref<16x1024xf32, #tpu.memory_space<vmem>>, vector<16xf32>,
        %get3A_520 = arith.index_cast %scan3A_400 : i32 to index
        %get3A_521 = arith.constant 320 : index
        %get3A_522 = tpu.vector_load %arg11[%get3A_520, %get3A_521] {strides = array<i32>} : memref<16x1024xf32, #tpu.memory_space<vmem>>, vector<16xf32>,
        %swap3A_523 = arith.index_cast %scan3A_400 : i32 to index
        %swap3A_524 = arith.constant 320 : index
        %swap3A_525 = tpu.vector_load %arg8[%swap3A_523, %swap3A_524] {strides = array<i32>} : memref<16x1024xf32, #tpu.memory_space<vmem>>, vector<16xf32>,
        tpu.vector_store %arg8[%swap3A_523, %swap3A_524], %get3A_522 {add = true, strides = array<i32>} : memref<16x1024xf32, #tpu.memory_space<vmem>>, vector<16xf32>,
        %get3A_526 = arith.index_cast %scan3A_400 : i32 to index
        %get3A_527 = arith.constant 336 : index
        %get3A_528 = tpu.vector_load %arg11[%get3A_526, %get3A_527] {strides = array<i32>} : memref<16x1024xf32, #tpu.memory_space<vmem>>, vector<16xf32>,
        %swap3A_529 = arith.index_cast %scan3A_400 : i32 to index
        %swap3A_530 = arith.constant 336 : index
        %swap3A_531 = tpu.vector_load %arg8[%swap3A_529, %swap3A_530] {strides = array<i32>} : memref<16x1024xf32, #tpu.memory_space<vmem>>, vector<16xf32>,
        tpu.vector_store %arg8[%swap3A_529, %swap3A_530], %get3A_528 {add = true, strides = array<i32>} : memref<16x1024xf32, #tpu.memory_space<vmem>>, vector<16xf32>,
        %get3A_532 = arith.index_cast %scan3A_400 : i32 to index
        %get3A_533 = arith.constant 352 : index
        %get3A_534 = tpu.vector_load %arg11[%get3A_532, %get3A_533] {strides = array<i32>} : memref<16x1024xf32, #tpu.memory_space<vmem>>, vector<16xf32>,
        %swap3A_535 = arith.index_cast %scan3A_400 : i32 to index
        %swap3A_536 = arith.constant 352 : index
        %swap3A_537 = tpu.vector_load %arg8[%swap3A_535, %swap3A_536] {strides = array<i32>} : memref<16x1024xf32, #tpu.memory_space<vmem>>, vector<16xf32>,
        tpu.vector_store %arg8[%swap3A_535, %swap3A_536], %get3A_534 {add = true, strides = array<i32>} : memref<16x1024xf32, #tpu.memory_space<vmem>>, vector<16xf32>,
        %get3A_538 = arith.index_cast %scan3A_400 : i32 to index
        %get3A_539 = arith.constant 368 : index
        %get3A_540 = tpu.vector_load %arg11[%get3A_538, %get3A_539] {strides = array<i32>} : memref<16x1024xf32, #tpu.memory_space<vmem>>, vector<16xf32>,
        %swap3A_541 = arith.index_cast %scan3A_400 : i32 to index
        %swap3A_542 = arith.constant 368 : index
        %swap3A_543 = tpu.vector_load %arg8[%swap3A_541, %swap3A_542] {strides = array<i32>} : memref<16x1024xf32, #tpu.memory_space<vmem>>, vector<16xf32>,
        tpu.vector_store %arg8[%swap3A_541, %swap3A_542], %get3A_540 {add = true, strides = array<i32>} : memref<16x1024xf32, #tpu.memory_space<vmem>>, vector<16xf32>,
        %get3A_544 = arith.index_cast %scan3A_400 : i32 to index
        %get3A_545 = arith.constant 384 : index
        %get3A_546 = tpu.vector_load %arg11[%get3A_544, %get3A_545] {strides = array<i32>} : memref<16x1024xf32, #tpu.memory_space<vmem>>, vector<16xf32>,
        %swap3A_547 = arith.index_cast %scan3A_400 : i32 to index
        %swap3A_548 = arith.constant 384 : index
        %swap3A_549 = tpu.vector_load %arg8[%swap3A_547, %swap3A_548] {strides = array<i32>} : memref<16x1024xf32, #tpu.memory_space<vmem>>, vector<16xf32>,
        tpu.vector_store %arg8[%swap3A_547, %swap3A_548], %get3A_546 {add = true, strides = array<i32>} : memref<16x1024xf32, #tpu.memory_space<vmem>>, vector<16xf32>,
        %get3A_550 = arith.index_cast %scan3A_400 : i32 to index
        %get3A_551 = arith.constant 400 : index
        %get3A_552 = tpu.vector_load %arg11[%get3A_550, %get3A_551] {strides = array<i32>} : memref<16x1024xf32, #tpu.memory_space<vmem>>, vector<16xf32>,
        %swap3A_553 = arith.index_cast %scan3A_400 : i32 to index
        %swap3A_554 = arith.constant 400 : index
        %swap3A_555 = tpu.vector_load %arg8[%swap3A_553, %swap3A_554] {strides = array<i32>} : memref<16x1024xf32, #tpu.memory_space<vmem>>, vector<16xf32>,
        tpu.vector_store %arg8[%swap3A_553, %swap3A_554], %get3A_552 {add = true, strides = array<i32>} : memref<16x1024xf32, #tpu.memory_space<vmem>>, vector<16xf32>,
        %get3A_556 = arith.index_cast %scan3A_400 : i32 to index
        %get3A_557 = arith.constant 416 : index
        %get3A_558 = tpu.vector_load %arg11[%get3A_556, %get3A_557] {strides = array<i32>} : memref<16x1024xf32, #tpu.memory_space<vmem>>, vector<16xf32>,
        %swap3A_559 = arith.index_cast %scan3A_400 : i32 to index
        %swap3A_560 = arith.constant 416 : index
        %swap3A_561 = tpu.vector_load %arg8[%swap3A_559, %swap3A_560] {strides = array<i32>} : memref<16x1024xf32, #tpu.memory_space<vmem>>, vector<16xf32>,
        tpu.vector_store %arg8[%swap3A_559, %swap3A_560], %get3A_558 {add = true, strides = array<i32>} : memref<16x1024xf32, #tpu.memory_space<vmem>>, vector<16xf32>,
        %get3A_562 = arith.index_cast %scan3A_400 : i32 to index
        %get3A_563 = arith.constant 432 : index
        %get3A_564 = tpu.vector_load %arg11[%get3A_562, %get3A_563] {strides = array<i32>} : memref<16x1024xf32, #tpu.memory_space<vmem>>, vector<16xf32>,
        %swap3A_565 = arith.index_cast %scan3A_400 : i32 to index
        %swap3A_566 = arith.constant 432 : index
        %swap3A_567 = tpu.vector_load %arg8[%swap3A_565, %swap3A_566] {strides = array<i32>} : memref<16x1024xf32, #tpu.memory_space<vmem>>, vector<16xf32>,
        tpu.vector_store %arg8[%swap3A_565, %swap3A_566], %get3A_564 {add = true, strides = array<i32>} : memref<16x1024xf32, #tpu.memory_space<vmem>>, vector<16xf32>,
        %get3A_568 = arith.index_cast %scan3A_400 : i32 to index
        %get3A_569 = arith.constant 448 : index
        %get3A_570 = tpu.vector_load %arg11[%get3A_568, %get3A_569] {strides = array<i32>} : memref<16x1024xf32, #tpu.memory_space<vmem>>, vector<16xf32>,
        %swap3A_571 = arith.index_cast %scan3A_400 : i32 to index
        %swap3A_572 = arith.constant 448 : index
        %swap3A_573 = tpu.vector_load %arg8[%swap3A_571, %swap3A_572] {strides = array<i32>} : memref<16x1024xf32, #tpu.memory_space<vmem>>, vector<16xf32>,
        tpu.vector_store %arg8[%swap3A_571, %swap3A_572], %get3A_570 {add = true, strides = array<i32>} : memref<16x1024xf32, #tpu.memory_space<vmem>>, vector<16xf32>,
        %get3A_574 = arith.index_cast %scan3A_400 : i32 to index
        %get3A_575 = arith.constant 464 : index
        %get3A_576 = tpu.vector_load %arg11[%get3A_574, %get3A_575] {strides = array<i32>} : memref<16x1024xf32, #tpu.memory_space<vmem>>, vector<16xf32>,
        %swap3A_577 = arith.index_cast %scan3A_400 : i32 to index
        %swap3A_578 = arith.constant 464 : index
        %swap3A_579 = tpu.vector_load %arg8[%swap3A_577, %swap3A_578] {strides = array<i32>} : memref<16x1024xf32, #tpu.memory_space<vmem>>, vector<16xf32>,
        tpu.vector_store %arg8[%swap3A_577, %swap3A_578], %get3A_576 {add = true, strides = array<i32>} : memref<16x1024xf32, #tpu.memory_space<vmem>>, vector<16xf32>,
        %get3A_580 = arith.index_cast %scan3A_400 : i32 to index
        %get3A_581 = arith.constant 480 : index
        %get3A_582 = tpu.vector_load %arg11[%get3A_580, %get3A_581] {strides = array<i32>} : memref<16x1024xf32, #tpu.memory_space<vmem>>, vector<16xf32>,
        %swap3A_583 = arith.index_cast %scan3A_400 : i32 to index
        %swap3A_584 = arith.constant 480 : index
        %swap3A_585 = tpu.vector_load %arg8[%swap3A_583, %swap3A_584] {strides = array<i32>} : memref<16x1024xf32, #tpu.memory_space<vmem>>, vector<16xf32>,
        tpu.vector_store %arg8[%swap3A_583, %swap3A_584], %get3A_582 {add = true, strides = array<i32>} : memref<16x1024xf32, #tpu.memory_space<vmem>>, vector<16xf32>,
        %get3A_586 = arith.index_cast %scan3A_400 : i32 to index
        %get3A_587 = arith.constant 496 : index
        %get3A_588 = tpu.vector_load %arg11[%get3A_586, %get3A_587] {strides = array<i32>} : memref<16x1024xf32, #tpu.memory_space<vmem>>, vector<16xf32>,
        %swap3A_589 = arith.index_cast %scan3A_400 : i32 to index
        %swap3A_590 = arith.constant 496 : index
        %swap3A_591 = tpu.vector_load %arg8[%swap3A_589, %swap3A_590] {strides = array<i32>} : memref<16x1024xf32, #tpu.memory_space<vmem>>, vector<16xf32>,
        tpu.vector_store %arg8[%swap3A_589, %swap3A_590], %get3A_588 {add = true, strides = array<i32>} : memref<16x1024xf32, #tpu.memory_space<vmem>>, vector<16xf32>,
        %get3A_592 = arith.index_cast %scan3A_400 : i32 to index
        %get3A_593 = arith.constant 512 : index
        %get3A_594 = tpu.vector_load %arg11[%get3A_592, %get3A_593] {strides = array<i32>} : memref<16x1024xf32, #tpu.memory_space<vmem>>, vector<16xf32>,
        %swap3A_595 = arith.index_cast %scan3A_400 : i32 to index
        %swap3A_596 = arith.constant 512 : index
        %swap3A_597 = tpu.vector_load %arg8[%swap3A_595, %swap3A_596] {strides = array<i32>} : memref<16x1024xf32, #tpu.memory_space<vmem>>, vector<16xf32>,
        tpu.vector_store %arg8[%swap3A_595, %swap3A_596], %get3A_594 {add = true, strides = array<i32>} : memref<16x1024xf32, #tpu.memory_space<vmem>>, vector<16xf32>,
        %get3A_598 = arith.index_cast %scan3A_400 : i32 to index
        %get3A_599 = arith.constant 528 : index
        %get3A_600 = tpu.vector_load %arg11[%get3A_598, %get3A_599] {strides = array<i32>} : memref<16x1024xf32, #tpu.memory_space<vmem>>, vector<16xf32>,
        %swap3A_601 = arith.index_cast %scan3A_400 : i32 to index
        %swap3A_602 = arith.constant 528 : index
        %swap3A_603 = tpu.vector_load %arg8[%swap3A_601, %swap3A_602] {strides = array<i32>} : memref<16x1024xf32, #tpu.memory_space<vmem>>, vector<16xf32>,
        tpu.vector_store %arg8[%swap3A_601, %swap3A_602], %get3A_600 {add = true, strides = array<i32>} : memref<16x1024xf32, #tpu.memory_space<vmem>>, vector<16xf32>,
        %get3A_604 = arith.index_cast %scan3A_400 : i32 to index
        %get3A_605 = arith.constant 544 : index
        %get3A_606 = tpu.vector_load %arg11[%get3A_604, %get3A_605] {strides = array<i32>} : memref<16x1024xf32, #tpu.memory_space<vmem>>, vector<16xf32>,
        %swap3A_607 = arith.index_cast %scan3A_400 : i32 to index
        %swap3A_608 = arith.constant 544 : index
        %swap3A_609 = tpu.vector_load %arg8[%swap3A_607, %swap3A_608] {strides = array<i32>} : memref<16x1024xf32, #tpu.memory_space<vmem>>, vector<16xf32>,
        tpu.vector_store %arg8[%swap3A_607, %swap3A_608], %get3A_606 {add = true, strides = array<i32>} : memref<16x1024xf32, #tpu.memory_space<vmem>>, vector<16xf32>,
        %get3A_610 = arith.index_cast %scan3A_400 : i32 to index
        %get3A_611 = arith.constant 560 : index
        %get3A_612 = tpu.vector_load %arg11[%get3A_610, %get3A_611] {strides = array<i32>} : memref<16x1024xf32, #tpu.memory_space<vmem>>, vector<16xf32>,
        %swap3A_613 = arith.index_cast %scan3A_400 : i32 to index
        %swap3A_614 = arith.constant 560 : index
        %swap3A_615 = tpu.vector_load %arg8[%swap3A_613, %swap3A_614] {strides = array<i32>} : memref<16x1024xf32, #tpu.memory_space<vmem>>, vector<16xf32>,
        tpu.vector_store %arg8[%swap3A_613, %swap3A_614], %get3A_612 {add = true, strides = array<i32>} : memref<16x1024xf32, #tpu.memory_space<vmem>>, vector<16xf32>,
        %get3A_616 = arith.index_cast %scan3A_400 : i32 to index
        %get3A_617 = arith.constant 576 : index
        %get3A_618 = tpu.vector_load %arg11[%get3A_616, %get3A_617] {strides = array<i32>} : memref<16x1024xf32, #tpu.memory_space<vmem>>, vector<16xf32>,
        %swap3A_619 = arith.index_cast %scan3A_400 : i32 to index
        %swap3A_620 = arith.constant 576 : index
        %swap3A_621 = tpu.vector_load %arg8[%swap3A_619, %swap3A_620] {strides = array<i32>} : memref<16x1024xf32, #tpu.memory_space<vmem>>, vector<16xf32>,
        tpu.vector_store %arg8[%swap3A_619, %swap3A_620], %get3A_618 {add = true, strides = array<i32>} : memref<16x1024xf32, #tpu.memory_space<vmem>>, vector<16xf32>,
        %get3A_622 = arith.index_cast %scan3A_400 : i32 to index
        %get3A_623 = arith.constant 592 : index
        %get3A_624 = tpu.vector_load %arg11[%get3A_622, %get3A_623] {strides = array<i32>} : memref<16x1024xf32, #tpu.memory_space<vmem>>, vector<16xf32>,
        %swap3A_625 = arith.index_cast %scan3A_400 : i32 to index
        %swap3A_626 = arith.constant 592 : index
        %swap3A_627 = tpu.vector_load %arg8[%swap3A_625, %swap3A_626] {strides = array<i32>} : memref<16x1024xf32, #tpu.memory_space<vmem>>, vector<16xf32>,
        tpu.vector_store %arg8[%swap3A_625, %swap3A_626], %get3A_624 {add = true, strides = array<i32>} : memref<16x1024xf32, #tpu.memory_space<vmem>>, vector<16xf32>,
        %get3A_628 = arith.index_cast %scan3A_400 : i32 to index
        %get3A_629 = arith.constant 608 : index
        %get3A_630 = tpu.vector_load %arg11[%get3A_628, %get3A_629] {strides = array<i32>} : memref<16x1024xf32, #tpu.memory_space<vmem>>, vector<16xf32>,
        %swap3A_631 = arith.index_cast %scan3A_400 : i32 to index
        %swap3A_632 = arith.constant 608 : index
        %swap3A_633 = tpu.vector_load %arg8[%swap3A_631, %swap3A_632] {strides = array<i32>} : memref<16x1024xf32, #tpu.memory_space<vmem>>, vector<16xf32>,
        tpu.vector_store %arg8[%swap3A_631, %swap3A_632], %get3A_630 {add = true, strides = array<i32>} : memref<16x1024xf32, #tpu.memory_space<vmem>>, vector<16xf32>,
        %get3A_634 = arith.index_cast %scan3A_400 : i32 to index
        %get3A_635 = arith.constant 624 : index
        %get3A_636 = tpu.vector_load %arg11[%get3A_634, %get3A_635] {strides = array<i32>} : memref<16x1024xf32, #tpu.memory_space<vmem>>, vector<16xf32>,
        %swap3A_637 = arith.index_cast %scan3A_400 : i32 to index
        %swap3A_638 = arith.constant 624 : index
        %swap3A_639 = tpu.vector_load %arg8[%swap3A_637, %swap3A_638] {strides = array<i32>} : memref<16x1024xf32, #tpu.memory_space<vmem>>, vector<16xf32>,
        tpu.vector_store %arg8[%swap3A_637, %swap3A_638], %get3A_636 {add = true, strides = array<i32>} : memref<16x1024xf32, #tpu.memory_space<vmem>>, vector<16xf32>,
        %get3A_640 = arith.index_cast %scan3A_400 : i32 to index
        %get3A_641 = arith.constant 640 : index
        %get3A_642 = tpu.vector_load %arg11[%get3A_640, %get3A_641] {strides = array<i32>} : memref<16x1024xf32, #tpu.memory_space<vmem>>, vector<16xf32>,
        %swap3A_643 = arith.index_cast %scan3A_400 : i32 to index
        %swap3A_644 = arith.constant 640 : index
        %swap3A_645 = tpu.vector_load %arg8[%swap3A_643, %swap3A_644] {strides = array<i32>} : memref<16x1024xf32, #tpu.memory_space<vmem>>, vector<16xf32>,
        tpu.vector_store %arg8[%swap3A_643, %swap3A_644], %get3A_642 {add = true, strides = array<i32>} : memref<16x1024xf32, #tpu.memory_space<vmem>>, vector<16xf32>,
        %get3A_646 = arith.index_cast %scan3A_400 : i32 to index
        %get3A_647 = arith.constant 656 : index
        %get3A_648 = tpu.vector_load %arg11[%get3A_646, %get3A_647] {strides = array<i32>} : memref<16x1024xf32, #tpu.memory_space<vmem>>, vector<16xf32>,
        %swap3A_649 = arith.index_cast %scan3A_400 : i32 to index
        %swap3A_650 = arith.constant 656 : index
        %swap3A_651 = tpu.vector_load %arg8[%swap3A_649, %swap3A_650] {strides = array<i32>} : memref<16x1024xf32, #tpu.memory_space<vmem>>, vector<16xf32>,
        tpu.vector_store %arg8[%swap3A_649, %swap3A_650], %get3A_648 {add = true, strides = array<i32>} : memref<16x1024xf32, #tpu.memory_space<vmem>>, vector<16xf32>,
        %get3A_652 = arith.index_cast %scan3A_400 : i32 to index
        %get3A_653 = arith.constant 672 : index
        %get3A_654 = tpu.vector_load %arg11[%get3A_652, %get3A_653] {strides = array<i32>} : memref<16x1024xf32, #tpu.memory_space<vmem>>, vector<16xf32>,
        %swap3A_655 = arith.index_cast %scan3A_400 : i32 to index
        %swap3A_656 = arith.constant 672 : index
        %swap3A_657 = tpu.vector_load %arg8[%swap3A_655, %swap3A_656] {strides = array<i32>} : memref<16x1024xf32, #tpu.memory_space<vmem>>, vector<16xf32>,
        tpu.vector_store %arg8[%swap3A_655, %swap3A_656], %get3A_654 {add = true, strides = array<i32>} : memref<16x1024xf32, #tpu.memory_space<vmem>>, vector<16xf32>,
        %get3A_658 = arith.index_cast %scan3A_400 : i32 to index
        %get3A_659 = arith.constant 688 : index
        %get3A_660 = tpu.vector_load %arg11[%get3A_658, %get3A_659] {strides = array<i32>} : memref<16x1024xf32, #tpu.memory_space<vmem>>, vector<16xf32>,
        %swap3A_661 = arith.index_cast %scan3A_400 : i32 to index
        %swap3A_662 = arith.constant 688 : index
        %swap3A_663 = tpu.vector_load %arg8[%swap3A_661, %swap3A_662] {strides = array<i32>} : memref<16x1024xf32, #tpu.memory_space<vmem>>, vector<16xf32>,
        tpu.vector_store %arg8[%swap3A_661, %swap3A_662], %get3A_660 {add = true, strides = array<i32>} : memref<16x1024xf32, #tpu.memory_space<vmem>>, vector<16xf32>,
        %get3A_664 = arith.index_cast %scan3A_400 : i32 to index
        %get3A_665 = arith.constant 704 : index
        %get3A_666 = tpu.vector_load %arg11[%get3A_664, %get3A_665] {strides = array<i32>} : memref<16x1024xf32, #tpu.memory_space<vmem>>, vector<16xf32>,
        %swap3A_667 = arith.index_cast %scan3A_400 : i32 to index
        %swap3A_668 = arith.constant 704 : index
        %swap3A_669 = tpu.vector_load %arg8[%swap3A_667, %swap3A_668] {strides = array<i32>} : memref<16x1024xf32, #tpu.memory_space<vmem>>, vector<16xf32>,
        tpu.vector_store %arg8[%swap3A_667, %swap3A_668], %get3A_666 {add = true, strides = array<i32>} : memref<16x1024xf32, #tpu.memory_space<vmem>>, vector<16xf32>,
        %get3A_670 = arith.index_cast %scan3A_400 : i32 to index
        %get3A_671 = arith.constant 720 : index
        %get3A_672 = tpu.vector_load %arg11[%get3A_670, %get3A_671] {strides = array<i32>} : memref<16x1024xf32, #tpu.memory_space<vmem>>, vector<16xf32>,
        %swap3A_673 = arith.index_cast %scan3A_400 : i32 to index
        %swap3A_674 = arith.constant 720 : index
        %swap3A_675 = tpu.vector_load %arg8[%swap3A_673, %swap3A_674] {strides = array<i32>} : memref<16x1024xf32, #tpu.memory_space<vmem>>, vector<16xf32>,
        tpu.vector_store %arg8[%swap3A_673, %swap3A_674], %get3A_672 {add = true, strides = array<i32>} : memref<16x1024xf32, #tpu.memory_space<vmem>>, vector<16xf32>,
        %get3A_676 = arith.index_cast %scan3A_400 : i32 to index
        %get3A_677 = arith.constant 736 : index
        %get3A_678 = tpu.vector_load %arg11[%get3A_676, %get3A_677] {strides = array<i32>} : memref<16x1024xf32, #tpu.memory_space<vmem>>, vector<16xf32>,
        %swap3A_679 = arith.index_cast %scan3A_400 : i32 to index
        %swap3A_680 = arith.constant 736 : index
        %swap3A_681 = tpu.vector_load %arg8[%swap3A_679, %swap3A_680] {strides = array<i32>} : memref<16x1024xf32, #tpu.memory_space<vmem>>, vector<16xf32>,
        tpu.vector_store %arg8[%swap3A_679, %swap3A_680], %get3A_678 {add = true, strides = array<i32>} : memref<16x1024xf32, #tpu.memory_space<vmem>>, vector<16xf32>,
        %get3A_682 = arith.index_cast %scan3A_400 : i32 to index
        %get3A_683 = arith.constant 752 : index
        %get3A_684 = tpu.vector_load %arg11[%get3A_682, %get3A_683] {strides = array<i32>} : memref<16x1024xf32, #tpu.memory_space<vmem>>, vector<16xf32>,
        %swap3A_685 = arith.index_cast %scan3A_400 : i32 to index
        %swap3A_686 = arith.constant 752 : index
        %swap3A_687 = tpu.vector_load %arg8[%swap3A_685, %swap3A_686] {strides = array<i32>} : memref<16x1024xf32, #tpu.memory_space<vmem>>, vector<16xf32>,
        tpu.vector_store %arg8[%swap3A_685, %swap3A_686], %get3A_684 {add = true, strides = array<i32>} : memref<16x1024xf32, #tpu.memory_space<vmem>>, vector<16xf32>,
        %get3A_688 = arith.index_cast %scan3A_400 : i32 to index
        %get3A_689 = arith.constant 768 : index
        %get3A_690 = tpu.vector_load %arg11[%get3A_688, %get3A_689] {strides = array<i32>} : memref<16x1024xf32, #tpu.memory_space<vmem>>, vector<16xf32>,
        %swap3A_691 = arith.index_cast %scan3A_400 : i32 to index
        %swap3A_692 = arith.constant 768 : index
        %swap3A_693 = tpu.vector_load %arg8[%swap3A_691, %swap3A_692] {strides = array<i32>} : memref<16x1024xf32, #tpu.memory_space<vmem>>, vector<16xf32>,
        tpu.vector_store %arg8[%swap3A_691, %swap3A_692], %get3A_690 {add = true, strides = array<i32>} : memref<16x1024xf32, #tpu.memory_space<vmem>>, vector<16xf32>,
        %get3A_694 = arith.index_cast %scan3A_400 : i32 to index
        %get3A_695 = arith.constant 784 : index
        %get3A_696 = tpu.vector_load %arg11[%get3A_694, %get3A_695] {strides = array<i32>} : memref<16x1024xf32, #tpu.memory_space<vmem>>, vector<16xf32>,
        %swap3A_697 = arith.index_cast %scan3A_400 : i32 to index
        %swap3A_698 = arith.constant 784 : index
        %swap3A_699 = tpu.vector_load %arg8[%swap3A_697, %swap3A_698] {strides = array<i32>} : memref<16x1024xf32, #tpu.memory_space<vmem>>, vector<16xf32>,
        tpu.vector_store %arg8[%swap3A_697, %swap3A_698], %get3A_696 {add = true, strides = array<i32>} : memref<16x1024xf32, #tpu.memory_space<vmem>>, vector<16xf32>,
        %get3A_700 = arith.index_cast %scan3A_400 : i32 to index
        %get3A_701 = arith.constant 800 : index
        %get3A_702 = tpu.vector_load %arg11[%get3A_700, %get3A_701] {strides = array<i32>} : memref<16x1024xf32, #tpu.memory_space<vmem>>, vector<16xf32>,
        %swap3A_703 = arith.index_cast %scan3A_400 : i32 to index
        %swap3A_704 = arith.constant 800 : index
        %swap3A_705 = tpu.vector_load %arg8[%swap3A_703, %swap3A_704] {strides = array<i32>} : memref<16x1024xf32, #tpu.memory_space<vmem>>, vector<16xf32>,
        tpu.vector_store %arg8[%swap3A_703, %swap3A_704], %get3A_702 {add = true, strides = array<i32>} : memref<16x1024xf32, #tpu.memory_space<vmem>>, vector<16xf32>,
        %get3A_706 = arith.index_cast %scan3A_400 : i32 to index
        %get3A_707 = arith.constant 816 : index
        %get3A_708 = tpu.vector_load %arg11[%get3A_706, %get3A_707] {strides = array<i32>} : memref<16x1024xf32, #tpu.memory_space<vmem>>, vector<16xf32>,
        %swap3A_709 = arith.index_cast %scan3A_400 : i32 to index
        %swap3A_710 = arith.constant 816 : index
        %swap3A_711 = tpu.vector_load %arg8[%swap3A_709, %swap3A_710] {strides = array<i32>} : memref<16x1024xf32, #tpu.memory_space<vmem>>, vector<16xf32>,
        tpu.vector_store %arg8[%swap3A_709, %swap3A_710], %get3A_708 {add = true, strides = array<i32>} : memref<16x1024xf32, #tpu.memory_space<vmem>>, vector<16xf32>,
        %get3A_712 = arith.index_cast %scan3A_400 : i32 to index
        %get3A_713 = arith.constant 832 : index
        %get3A_714 = tpu.vector_load %arg11[%get3A_712, %get3A_713] {strides = array<i32>} : memref<16x1024xf32, #tpu.memory_space<vmem>>, vector<16xf32>,
        %swap3A_715 = arith.index_cast %scan3A_400 : i32 to index
        %swap3A_716 = arith.constant 832 : index
        %swap3A_717 = tpu.vector_load %arg8[%swap3A_715, %swap3A_716] {strides = array<i32>} : memref<16x1024xf32, #tpu.memory_space<vmem>>, vector<16xf32>,
        tpu.vector_store %arg8[%swap3A_715, %swap3A_716], %get3A_714 {add = true, strides = array<i32>} : memref<16x1024xf32, #tpu.memory_space<vmem>>, vector<16xf32>,
        %get3A_718 = arith.index_cast %scan3A_400 : i32 to index
        %get3A_719 = arith.constant 848 : index
        %get3A_720 = tpu.vector_load %arg11[%get3A_718, %get3A_719] {strides = array<i32>} : memref<16x1024xf32, #tpu.memory_space<vmem>>, vector<16xf32>,
        %swap3A_721 = arith.index_cast %scan3A_400 : i32 to index
        %swap3A_722 = arith.constant 848 : index
        %swap3A_723 = tpu.vector_load %arg8[%swap3A_721, %swap3A_722] {strides = array<i32>} : memref<16x1024xf32, #tpu.memory_space<vmem>>, vector<16xf32>,
        tpu.vector_store %arg8[%swap3A_721, %swap3A_722], %get3A_720 {add = true, strides = array<i32>} : memref<16x1024xf32, #tpu.memory_space<vmem>>, vector<16xf32>,
        %get3A_724 = arith.index_cast %scan3A_400 : i32 to index
        %get3A_725 = arith.constant 864 : index
        %get3A_726 = tpu.vector_load %arg11[%get3A_724, %get3A_725] {strides = array<i32>} : memref<16x1024xf32, #tpu.memory_space<vmem>>, vector<16xf32>,
        %swap3A_727 = arith.index_cast %scan3A_400 : i32 to index
        %swap3A_728 = arith.constant 864 : index
        %swap3A_729 = tpu.vector_load %arg8[%swap3A_727, %swap3A_728] {strides = array<i32>} : memref<16x1024xf32, #tpu.memory_space<vmem>>, vector<16xf32>,
        tpu.vector_store %arg8[%swap3A_727, %swap3A_728], %get3A_726 {add = true, strides = array<i32>} : memref<16x1024xf32, #tpu.memory_space<vmem>>, vector<16xf32>,
        %get3A_730 = arith.index_cast %scan3A_400 : i32 to index
        %get3A_731 = arith.constant 880 : index
        %get3A_732 = tpu.vector_load %arg11[%get3A_730, %get3A_731] {strides = array<i32>} : memref<16x1024xf32, #tpu.memory_space<vmem>>, vector<16xf32>,
        %swap3A_733 = arith.index_cast %scan3A_400 : i32 to index
        %swap3A_734 = arith.constant 880 : index
        %swap3A_735 = tpu.vector_load %arg8[%swap3A_733, %swap3A_734] {strides = array<i32>} : memref<16x1024xf32, #tpu.memory_space<vmem>>, vector<16xf32>,
        tpu.vector_store %arg8[%swap3A_733, %swap3A_734], %get3A_732 {add = true, strides = array<i32>} : memref<16x1024xf32, #tpu.memory_space<vmem>>, vector<16xf32>,
        %get3A_736 = arith.index_cast %scan3A_400 : i32 to index
        %get3A_737 = arith.constant 896 : index
        %get3A_738 = tpu.vector_load %arg11[%get3A_736, %get3A_737] {strides = array<i32>} : memref<16x1024xf32, #tpu.memory_space<vmem>>, vector<16xf32>,
        %swap3A_739 = arith.index_cast %scan3A_400 : i32 to index
        %swap3A_740 = arith.constant 896 : index
        %swap3A_741 = tpu.vector_load %arg8[%swap3A_739, %swap3A_740] {strides = array<i32>} : memref<16x1024xf32, #tpu.memory_space<vmem>>, vector<16xf32>,
        tpu.vector_store %arg8[%swap3A_739, %swap3A_740], %get3A_738 {add = true, strides = array<i32>} : memref<16x1024xf32, #tpu.memory_space<vmem>>, vector<16xf32>,
        %get3A_742 = arith.index_cast %scan3A_400 : i32 to index
        %get3A_743 = arith.constant 912 : index
        %get3A_744 = tpu.vector_load %arg11[%get3A_742, %get3A_743] {strides = array<i32>} : memref<16x1024xf32, #tpu.memory_space<vmem>>, vector<16xf32>,
        %swap3A_745 = arith.index_cast %scan3A_400 : i32 to index
        %swap3A_746 = arith.constant 912 : index
        %swap3A_747 = tpu.vector_load %arg8[%swap3A_745, %swap3A_746] {strides = array<i32>} : memref<16x1024xf32, #tpu.memory_space<vmem>>, vector<16xf32>,
        tpu.vector_store %arg8[%swap3A_745, %swap3A_746], %get3A_744 {add = true, strides = array<i32>} : memref<16x1024xf32, #tpu.memory_space<vmem>>, vector<16xf32>,
        %get3A_748 = arith.index_cast %scan3A_400 : i32 to index
        %get3A_749 = arith.constant 928 : index
        %get3A_750 = tpu.vector_load %arg11[%get3A_748, %get3A_749] {strides = array<i32>} : memref<16x1024xf32, #tpu.memory_space<vmem>>, vector<16xf32>,
        %swap3A_751 = arith.index_cast %scan3A_400 : i32 to index
        %swap3A_752 = arith.constant 928 : index
        %swap3A_753 = tpu.vector_load %arg8[%swap3A_751, %swap3A_752] {strides = array<i32>} : memref<16x1024xf32, #tpu.memory_space<vmem>>, vector<16xf32>,
        tpu.vector_store %arg8[%swap3A_751, %swap3A_752], %get3A_750 {add = true, strides = array<i32>} : memref<16x1024xf32, #tpu.memory_space<vmem>>, vector<16xf32>,
        %get3A_754 = arith.index_cast %scan3A_400 : i32 to index
        %get3A_755 = arith.constant 944 : index
        %get3A_756 = tpu.vector_load %arg11[%get3A_754, %get3A_755] {strides = array<i32>} : memref<16x1024xf32, #tpu.memory_space<vmem>>, vector<16xf32>,
        %swap3A_757 = arith.index_cast %scan3A_400 : i32 to index
        %swap3A_758 = arith.constant 944 : index
        %swap3A_759 = tpu.vector_load %arg8[%swap3A_757, %swap3A_758] {strides = array<i32>} : memref<16x1024xf32, #tpu.memory_space<vmem>>, vector<16xf32>,
        tpu.vector_store %arg8[%swap3A_757, %swap3A_758], %get3A_756 {add = true, strides = array<i32>} : memref<16x1024xf32, #tpu.memory_space<vmem>>, vector<16xf32>,
        %get3A_760 = arith.index_cast %scan3A_400 : i32 to index
        %get3A_761 = arith.constant 960 : index
        %get3A_762 = tpu.vector_load %arg11[%get3A_760, %get3A_761] {strides = array<i32>} : memref<16x1024xf32, #tpu.memory_space<vmem>>, vector<16xf32>,
        %swap3A_763 = arith.index_cast %scan3A_400 : i32 to index
        %swap3A_764 = arith.constant 960 : index
        %swap3A_765 = tpu.vector_load %arg8[%swap3A_763, %swap3A_764] {strides = array<i32>} : memref<16x1024xf32, #tpu.memory_space<vmem>>, vector<16xf32>,
        tpu.vector_store %arg8[%swap3A_763, %swap3A_764], %get3A_762 {add = true, strides = array<i32>} : memref<16x1024xf32, #tpu.memory_space<vmem>>, vector<16xf32>,
        %get3A_766 = arith.index_cast %scan3A_400 : i32 to index
        %get3A_767 = arith.constant 976 : index
        %get3A_768 = tpu.vector_load %arg11[%get3A_766, %get3A_767] {strides = array<i32>} : memref<16x1024xf32, #tpu.memory_space<vmem>>, vector<16xf32>,
        %swap3A_769 = arith.index_cast %scan3A_400 : i32 to index
        %swap3A_770 = arith.constant 976 : index
        %swap3A_771 = tpu.vector_load %arg8[%swap3A_769, %swap3A_770] {strides = array<i32>} : memref<16x1024xf32, #tpu.memory_space<vmem>>, vector<16xf32>,
        tpu.vector_store %arg8[%swap3A_769, %swap3A_770], %get3A_768 {add = true, strides = array<i32>} : memref<16x1024xf32, #tpu.memory_space<vmem>>, vector<16xf32>,
        %get3A_772 = arith.index_cast %scan3A_400 : i32 to index
        %get3A_773 = arith.constant 992 : index
        %get3A_774 = tpu.vector_load %arg11[%get3A_772, %get3A_773] {strides = array<i32>} : memref<16x1024xf32, #tpu.memory_space<vmem>>, vector<16xf32>,
        %swap3A_775 = arith.index_cast %scan3A_400 : i32 to index
        %swap3A_776 = arith.constant 992 : index
        %swap3A_777 = tpu.vector_load %arg8[%swap3A_775, %swap3A_776] {strides = array<i32>} : memref<16x1024xf32, #tpu.memory_space<vmem>>, vector<16xf32>,
        tpu.vector_store %arg8[%swap3A_775, %swap3A_776], %get3A_774 {add = true, strides = array<i32>} : memref<16x1024xf32, #tpu.memory_space<vmem>>, vector<16xf32>,
        %get3A_778 = arith.index_cast %scan3A_400 : i32 to index
        %get3A_779 = arith.constant 1008 : index
        %get3A_780 = tpu.vector_load %arg11[%get3A_778, %get3A_779] {strides = array<i32>} : memref<16x1024xf32, #tpu.memory_space<vmem>>, vector<16xf32>,
        %swap3A_781 = arith.index_cast %scan3A_400 : i32 to index
        %swap3A_782 = arith.constant 1008 : index
        %swap3A_783 = tpu.vector_load %arg8[%swap3A_781, %swap3A_782] {strides = array<i32>} : memref<16x1024xf32, #tpu.memory_space<vmem>>, vector<16xf32>,
        tpu.vector_store %arg8[%swap3A_781, %swap3A_782], %get3A_780 {add = true, strides = array<i32>} : memref<16x1024xf32, #tpu.memory_space<vmem>>, vector<16xf32>,
        %scan3A_784 = arith.constant 0 : i32
        scf.yield %scan3A_784 : i32
      }
      %scan3A_370 = arith.constant 16 : i32
      %dma_wait3A_371 = arith.constant 0 : i32
      %dma_wait3A_372 = arith.constant 0 : i32
      %dma_wait3A_373 = tpu.memref_slice %arg5[%dma_wait3A_371, %dma_wait3A_372] : memref<8192x1024xf32, #tpu.memory_space<hbm>> -> memref<16x1024xf32, #tpu.memory_space<hbm>>
      %dma_wait3A_374 = arith.constant 0 : i32
      %dma_wait3A_375 = arith.constant 0 : i32
      %dma_wait3A_376 = tpu.memref_slice %arg5[%dma_wait3A_374, %dma_wait3A_375] : memref<8192x1024xf32, #tpu.memory_space<hbm>> -> memref<16x1024xf32, #tpu.memory_space<hbm>>
      tpu.wait_dma2 semaphore(%arg19 : memref<!tpu.dma_semaphore, #tpu.memory_space<semaphore_mem>>) src(%arg10 : memref<16x1024xf32, #tpu.memory_space<vmem>>) dst(%dma_wait3A_376 : memref<16x1024xf32, #tpu.memory_space<hbm>>)
      %add3A_377 = arith.constant 2 : i32
      %add3A_378 = arith.addi %add3A_351, %add3A_377 : i32
      %mul3A_379 = arith.constant 16 : i32
      %mul3A_380 = arith.muli %add3A_378, %mul3A_379 : i32
      %add3A_381 = arith.addi %mul3A_34, %mul3A_380 : i32
      %dma_start3A_382 = arith.constant 0 : i32
      %dma_start3A_383 = tpu.memref_slice %arg2[%add3A_381, %dma_start3A_382] : memref<8192x1024xf32, #tpu.memory_space<hbm>> -> memref<16x1024xf32, #tpu.memory_space<hbm>>
      %dma_start3A_384 = arith.constant 0 : i32
      %dma_start3A_385 = tpu.memref_slice %arg2[%add3A_381, %dma_start3A_384] : memref<8192x1024xf32, #tpu.memory_space<hbm>> -> memref<16x1024xf32, #tpu.memory_space<hbm>>
      tpu.enqueue_dma source(%dma_start3A_385 : memref<16x1024xf32, #tpu.memory_space<hbm>>) target(%arg10 : memref<16x1024xf32, #tpu.memory_space<vmem>>) target_semaphore(%arg16 : memref<!tpu.dma_semaphore, #tpu.memory_space<semaphore_mem>>)
      %mul3A_386 = arith.constant 16 : i32
      %mul3A_387 = arith.muli %add3A_378, %mul3A_386 : i32
      %dma_start3A_388 = tpu.memref_slice %arg7[%mul3A_387] : memref<256xi32, #tpu.memory_space<vmem>> -> memref<16xi32, #tpu.memory_space<vmem>>
      %dma_start3A_389 = arith.constant 0 : i32
      %dma_start3A_390 = arith.constant 0 : i32
      %dma_start3A_391 = tpu.memref_slice %arg4[%dma_start3A_389, %dma_start3A_390] : memref<2049x1024xf32, #tpu.memory_space<hbm>> -> memref<2049x1024xf32, #tpu.memory_space<hbm>>
      tpu.enqueue_indirect_dma source(%dma_start3A_391 : memref<2049x1024xf32, #tpu.memory_space<hbm>>) target(%arg13 : memref<16x1024xf32, #tpu.memory_space<vmem>>) offsets(%dma_start3A_388 : memref<16xi32, #tpu.memory_space<vmem>>) semaphore(%arg16 : memref<!tpu.dma_semaphore, #tpu.memory_space<semaphore_mem>>)
      %mul3A_392 = arith.constant 16 : i32
      %mul3A_393 = arith.muli %add3A_351, %mul3A_392 : i32
      %add3A_394 = arith.addi %mul3A_34, %mul3A_393 : i32
      %dma_start3A_395 = arith.constant 0 : i32
      %dma_start3A_396 = tpu.memref_slice %arg5[%add3A_394, %dma_start3A_395] : memref<8192x1024xf32, #tpu.memory_space<hbm>> -> memref<16x1024xf32, #tpu.memory_space<hbm>>
      %dma_start3A_397 = arith.constant 0 : i32
      %dma_start3A_398 = tpu.memref_slice %arg5[%add3A_394, %dma_start3A_397] : memref<8192x1024xf32, #tpu.memory_space<hbm>> -> memref<16x1024xf32, #tpu.memory_space<hbm>>
      tpu.enqueue_dma source(%arg8 : memref<16x1024xf32, #tpu.memory_space<vmem>>) target(%dma_start3A_398 : memref<16x1024xf32, #tpu.memory_space<hbm>>) target_semaphore(%arg17 : memref<!tpu.dma_semaphore, #tpu.memory_space<semaphore_mem>>)
      %scan3A_399 = arith.constant 0 : i32
      scf.yield %scan3A_399 : i32
    }
    %scan3A_137 = arith.constant 4 : i32
    %dma_wait3A_138 = arith.constant 0 : i32
    %dma_wait3A_139 = arith.constant 0 : i32
    %dma_wait3A_140 = tpu.memref_slice %arg2[%dma_wait3A_138, %dma_wait3A_139] : memref<8192x1024xf32, #tpu.memory_space<hbm>> -> memref<16x1024xf32, #tpu.memory_space<hbm>>
    %dma_wait3A_141 = arith.constant 0 : i32
    %dma_wait3A_142 = arith.constant 0 : i32
    %dma_wait3A_143 = tpu.memref_slice %arg2[%dma_wait3A_141, %dma_wait3A_142] : memref<8192x1024xf32, #tpu.memory_space<hbm>> -> memref<16x1024xf32, #tpu.memory_space<hbm>>
    tpu.wait_dma2 semaphore(%arg15 : memref<!tpu.dma_semaphore, #tpu.memory_space<semaphore_mem>>) src(%dma_wait3A_143 : memref<16x1024xf32, #tpu.memory_space<hbm>>) dst(%arg9 : memref<16x1024xf32, #tpu.memory_space<vmem>>)
    %dma_wait3A_144 = arith.constant 0 : i32
    %dma_wait3A_145 = arith.constant 0 : i32
    %dma_wait3A_146 = tpu.memref_slice %arg2[%dma_wait3A_144, %dma_wait3A_145] : memref<8192x1024xf32, #tpu.memory_space<hbm>> -> memref<16x1024xf32, #tpu.memory_space<hbm>>
    %dma_wait3A_147 = arith.constant 0 : i32
    %dma_wait3A_148 = arith.constant 0 : i32
    %dma_wait3A_149 = tpu.memref_slice %arg2[%dma_wait3A_147, %dma_wait3A_148] : memref<8192x1024xf32, #tpu.memory_space<hbm>> -> memref<16x1024xf32, #tpu.memory_space<hbm>>
    tpu.wait_dma2 semaphore(%arg15 : memref<!tpu.dma_semaphore, #tpu.memory_space<semaphore_mem>>) src(%dma_wait3A_149 : memref<16x1024xf32, #tpu.memory_space<hbm>>) dst(%arg12 : memref<16x1024xf32, #tpu.memory_space<vmem>>)
    %scan3A_150 = arith.constant 0 : i32
    %scan3A_151 = arith.constant 0 : i32
    %scan3A_152 = arith.constant 16 : i32
    %scan3A_153 = arith.addi %scan3A_151, %scan3A_152 : i32
    %scan3A_154 = arith.constant 1 : i32
    %scan3A_155 = scf.for %scan3A_248 = %scan3A_151 to %scan3A_153 step %scan3A_154 iter_args(%scan3A_249 = %scan3A_150) -> (i32)  : i32 {
      %get3A = arith.index_cast %scan3A_248 : i32 to index
      %get3A_250 = arith.constant 0 : index
      %get3A_251 = tpu.vector_load %arg12[%get3A, %get3A_250] {strides = array<i32>} : memref<16x1024xf32, #tpu.memory_space<vmem>>, vector<16xf32>,
      %swap3A = arith.index_cast %scan3A_248 : i32 to index
      %swap3A_252 = arith.constant 0 : index
      %swap3A_253 = tpu.vector_load %arg9[%swap3A, %swap3A_252] {strides = array<i32>} : memref<16x1024xf32, #tpu.memory_space<vmem>>, vector<16xf32>,
      tpu.vector_store %arg9[%swap3A, %swap3A_252], %get3A_251 {add = true, strides = array<i32>} : memref<16x1024xf32, #tpu.memory_space<vmem>>, vector<16xf32>,
      %get3A_254 = arith.index_cast %scan3A_248 : i32 to index
      %get3A_255 = arith.constant 16 : index
      %get3A_256 = tpu.vector_load %arg12[%get3A_254, %get3A_255] {strides = array<i32>} : memref<16x1024xf32, #tpu.memory_space<vmem>>, vector<16xf32>,
      %swap3A_257 = arith.index_cast %scan3A_248 : i32 to index
      %swap3A_258 = arith.constant 16 : index
      %swap3A_259 = tpu.vector_load %arg9[%swap3A_257, %swap3A_258] {strides = array<i32>} : memref<16x1024xf32, #tpu.memory_space<vmem>>, vector<16xf32>,
      tpu.vector_store %arg9[%swap3A_257, %swap3A_258], %get3A_256 {add = true, strides = array<i32>} : memref<16x1024xf32, #tpu.memory_space<vmem>>, vector<16xf32>,
      %get3A_260 = arith.index_cast %scan3A_248 : i32 to index
      %get3A_261 = arith.constant 32 : index
      %get3A_262 = tpu.vector_load %arg12[%get3A_260, %get3A_261] {strides = array<i32>} : memref<16x1024xf32, #tpu.memory_space<vmem>>, vector<16xf32>,
      %swap3A_263 = arith.index_cast %scan3A_248 : i32 to index
      %swap3A_264 = arith.constant 32 : index
      %swap3A_265 = tpu.vector_load %arg9[%swap3A_263, %swap3A_264] {strides = array<i32>} : memref<16x1024xf32, #tpu.memory_space<vmem>>, vector<16xf32>,
      tpu.vector_store %arg9[%swap3A_263, %swap3A_264], %get3A_262 {add = true, strides = array<i32>} : memref<16x1024xf32, #tpu.memory_space<vmem>>, vector<16xf32>,
      %get3A_266 = arith.index_cast %scan3A_248 : i32 to index
      %get3A_267 = arith.constant 48 : index
      %get3A_268 = tpu.vector_load %arg12[%get3A_266, %get3A_267] {strides = array<i32>} : memref<16x1024xf32, #tpu.memory_space<vmem>>, vector<16xf32>,
      %swap3A_269 = arith.index_cast %scan3A_248 : i32 to index
      %swap3A_270 = arith.constant 48 : index
      %swap3A_271 = tpu.vector_load %arg9[%swap3A_269, %swap3A_270] {strides = array<i32>} : memref<16x1024xf32, #tpu.memory_space<vmem>>, vector<16xf32>,
      tpu.vector_store %arg9[%swap3A_269, %swap3A_270], %get3A_268 {add = true, strides = array<i32>} : memref<16x1024xf32, #tpu.memory_space<vmem>>, vector<16xf32>,
      %get3A_272 = arith.index_cast %scan3A_248 : i32 to index
      %get3A_273 = arith.constant 64 : index
      %get3A_274 = tpu.vector_load %arg12[%get3A_272, %get3A_273] {strides = array<i32>} : memref<16x1024xf32, #tpu.memory_space<vmem>>, vector<16xf32>,
      %swap3A_275 = arith.index_cast %scan3A_248 : i32 to index
      %swap3A_276 = arith.constant 64 : index
      %swap3A_277 = tpu.vector_load %arg9[%swap3A_275, %swap3A_276] {strides = array<i32>} : memref<16x1024xf32, #tpu.memory_space<vmem>>, vector<16xf32>,
      tpu.vector_store %arg9[%swap3A_275, %swap3A_276], %get3A_274 {add = true, strides = array<i32>} : memref<16x1024xf32, #tpu.memory_space<vmem>>, vector<16xf32>,
      %get3A_278 = arith.index_cast %scan3A_248 : i32 to index
      %get3A_279 = arith.constant 80 : index
      %get3A_280 = tpu.vector_load %arg12[%get3A_278, %get3A_279] {strides = array<i32>} : memref<16x1024xf32, #tpu.memory_space<vmem>>, vector<16xf32>,
      %swap3A_281 = arith.index_cast %scan3A_248 : i32 to index
      %swap3A_282 = arith.constant 80 : index
      %swap3A_283 = tpu.vector_load %arg9[%swap3A_281, %swap3A_282] {strides = array<i32>} : memref<16x1024xf32, #tpu.memory_space<vmem>>, vector<16xf32>,
      tpu.vector_store %arg9[%swap3A_281, %swap3A_282], %get3A_280 {add = true, strides = array<i32>} : memref<16x1024xf32, #tpu.memory_space<vmem>>, vector<16xf32>,
      %get3A_284 = arith.index_cast %scan3A_248 : i32 to index
      %get3A_285 = arith.constant 96 : index
      %get3A_286 = tpu.vector_load %arg12[%get3A_284, %get3A_285] {strides = array<i32>} : memref<16x1024xf32, #tpu.memory_space<vmem>>, vector<16xf32>,
      %swap3A_287 = arith.index_cast %scan3A_248 : i32 to index
      %swap3A_288 = arith.constant 96 : index
      %swap3A_289 = tpu.vector_load %arg9[%swap3A_287, %swap3A_288] {strides = array<i32>} : memref<16x1024xf32, #tpu.memory_space<vmem>>, vector<16xf32>,
      tpu.vector_store %arg9[%swap3A_287, %swap3A_288], %get3A_286 {add = true, strides = array<i32>} : memref<16x1024xf32, #tpu.memory_space<vmem>>, vector<16xf32>,
      %get3A_290 = arith.index_cast %scan3A_248 : i32 to index
      %get3A_291 = arith.constant 112 : index
      %get3A_292 = tpu.vector_load %arg12[%get3A_290, %get3A_291] {strides = array<i32>} : memref<16x1024xf32, #tpu.memory_space<vmem>>, vector<16xf32>,
      %swap3A_293 = arith.index_cast %scan3A_248 : i32 to index
      %swap3A_294 = arith.constant 112 : index
      %swap3A_295 = tpu.vector_load %arg9[%swap3A_293, %swap3A_294] {strides = array<i32>} : memref<16x1024xf32, #tpu.memory_space<vmem>>, vector<16xf32>,
      tpu.vector_store %arg9[%swap3A_293, %swap3A_294], %get3A_292 {add = true, strides = array<i32>} : memref<16x1024xf32, #tpu.memory_space<vmem>>, vector<16xf32>,
      %get3A_296 = arith.index_cast %scan3A_248 : i32 to index
      %get3A_297 = arith.constant 128 : index
      %get3A_298 = tpu.vector_load %arg12[%get3A_296, %get3A_297] {strides = array<i32>} : memref<16x1024xf32, #tpu.memory_space<vmem>>, vector<16xf32>,
      %swap3A_299 = arith.index_cast %scan3A_248 : i32 to index
      %swap3A_300 = arith.constant 128 : index
      %swap3A_301 = tpu.vector_load %arg9[%swap3A_299, %swap3A_300] {strides = array<i32>} : memref<16x1024xf32, #tpu.memory_space<vmem>>, vector<16xf32>,
      tpu.vector_store %arg9[%swap3A_299, %swap3A_300], %get3A_298 {add = true, strides = array<i32>} : memref<16x1024xf32, #tpu.memory_space<vmem>>, vector<16xf32>,
      %get3A_302 = arith.index_cast %scan3A_248 : i32 to index
      %get3A_303 = arith.constant 144 : index
      %get3A_304 = tpu.vector_load %arg12[%get3A_302, %get3A_303] {strides = array<i32>} : memref<16x1024xf32, #tpu.memory_space<vmem>>, vector<16xf32>,
      %swap3A_305 = arith.index_cast %scan3A_248 : i32 to index
      %swap3A_306 = arith.constant 144 : index
      %swap3A_307 = tpu.vector_load %arg9[%swap3A_305, %swap3A_306] {strides = array<i32>} : memref<16x1024xf32, #tpu.memory_space<vmem>>, vector<16xf32>,
      tpu.vector_store %arg9[%swap3A_305, %swap3A_306], %get3A_304 {add = true, strides = array<i32>} : memref<16x1024xf32, #tpu.memory_space<vmem>>, vector<16xf32>,
      %get3A_308 = arith.index_cast %scan3A_248 : i32 to index
      %get3A_309 = arith.constant 160 : index
      %get3A_310 = tpu.vector_load %arg12[%get3A_308, %get3A_309] {strides = array<i32>} : memref<16x1024xf32, #tpu.memory_space<vmem>>, vector<16xf32>,
      %swap3A_311 = arith.index_cast %scan3A_248 : i32 to index
      %swap3A_312 = arith.constant 160 : index
      %swap3A_313 = tpu.vector_load %arg9[%swap3A_311, %swap3A_312] {strides = array<i32>} : memref<16x1024xf32, #tpu.memory_space<vmem>>, vector<16xf32>,
      tpu.vector_store %arg9[%swap3A_311, %swap3A_312], %get3A_310 {add = true, strides = array<i32>} : memref<16x1024xf32, #tpu.memory_space<vmem>>, vector<16xf32>,
      %get3A_314 = arith.index_cast %scan3A_248 : i32 to index
      %get3A_315 = arith.constant 176 : index
      %get3A_316 = tpu.vector_load %arg12[%get3A_314, %get3A_315] {strides = array<i32>} : memref<16x1024xf32, #tpu.memory_space<vmem>>, vector<16xf32>,
      %swap3A_317 = arith.index_cast %scan3A_248 : i32 to index
      %swap3A_318 = arith.constant 176 : index
      %swap3A_319 = tpu.vector_load %arg9[%swap3A_317, %swap3A_318] {strides = array<i32>} : memref<16x1024xf32, #tpu.memory_space<vmem>>, vector<16xf32>,
      tpu.vector_store %arg9[%swap3A_317, %swap3A_318], %get3A_316 {add = true, strides = array<i32>} : memref<16x1024xf32, #tpu.memory_space<vmem>>, vector<16xf32>,
      %get3A_320 = arith.index_cast %scan3A_248 : i32 to index
      %get3A_321 = arith.constant 192 : index
      %get3A_322 = tpu.vector_load %arg12[%get3A_320, %get3A_321] {strides = array<i32>} : memref<16x1024xf32, #tpu.memory_space<vmem>>, vector<16xf32>,
      %swap3A_323 = arith.index_cast %scan3A_248 : i32 to index
      %swap3A_324 = arith.constant 192 : index
      %swap3A_325 = tpu.vector_load %arg9[%swap3A_323, %swap3A_324] {strides = array<i32>} : memref<16x1024xf32, #tpu.memory_space<vmem>>, vector<16xf32>,
      tpu.vector_store %arg9[%swap3A_323, %swap3A_324], %get3A_322 {add = true, strides = array<i32>} : memref<16x1024xf32, #tpu.memory_space<vmem>>, vector<16xf32>,
      %get3A_326 = arith.index_cast %scan3A_248 : i32 to index
      %get3A_327 = arith.constant 208 : index
      %get3A_328 = tpu.vector_load %arg12[%get3A_326, %get3A_327] {strides = array<i32>} : memref<16x1024xf32, #tpu.memory_space<vmem>>, vector<16xf32>,
      %swap3A_329 = arith.index_cast %scan3A_248 : i32 to index
      %swap3A_330 = arith.constant 208 : index
      %swap3A_331 = tpu.vector_load %arg9[%swap3A_329, %swap3A_330] {strides = array<i32>} : memref<16x1024xf32, #tpu.memory_space<vmem>>, vector<16xf32>,
      tpu.vector_store %arg9[%swap3A_329, %swap3A_330], %get3A_328 {add = true, strides = array<i32>} : memref<16x1024xf32, #tpu.memory_space<vmem>>, vector<16xf32>,
      %get3A_332 = arith.index_cast %scan3A_248 : i32 to index
      %get3A_333 = arith.constant 224 : index
      %get3A_334 = tpu.vector_load %arg12[%get3A_332, %get3A_333] {strides = array<i32>} : memref<16x1024xf32, #tpu.memory_space<vmem>>, vector<16xf32>,
      %swap3A_335 = arith.index_cast %scan3A_248 : i32 to index
      %swap3A_336 = arith.constant 224 : index
      %swap3A_337 = tpu.vector_load %arg9[%swap3A_335, %swap3A_336] {strides = array<i32>} : memref<16x1024xf32, #tpu.memory_space<vmem>>, vector<16xf32>,
      tpu.vector_store %arg9[%swap3A_335, %swap3A_336], %get3A_334 {add = true, strides = array<i32>} : memref<16x1024xf32, #tpu.memory_space<vmem>>, vector<16xf32>,
      %get3A_338 = arith.index_cast %scan3A_248 : i32 to index
      %get3A_339 = arith.constant 240 : index
      %get3A_340 = tpu.vector_load %arg12[%get3A_338, %get3A_339] {strides = array<i32>} : memref<16x1024xf32, #tpu.memory_space<vmem>>, vector<16xf32>,
      %swap3A_341 = arith.index_cast %scan3A_248 : i32 to index
      %swap3A_342 = arith.constant 240 : index
      %swap3A_343 = tpu.vector_load %arg9[%swap3A_341, %swap3A_342] {strides = array<i32>} : memref<16x1024xf32, #tpu.memory_space<vmem>>, vector<16xf32>,
      tpu.vector_store %arg9[%swap3A_341, %swap3A_342], %get3A_340 {add = true, strides = array<i32>} : memref<16x1024xf32, #tpu.memory_space<vmem>>, vector<16xf32>,
      %get3A_344 = arith.index_cast %scan3A_248 : i32 to index
      %get3A_345 = arith.constant 256 : index
      %get3A_346 = tpu.vector_load %arg12[%get3A_344, %get3A_345] {strides = array<i32>} : memref<16x1024xf32, #tpu.memory_space<vmem>>, vector<16xf32>,
      %swap3A_347 = arith.index_cast %scan3A_248 : i32 to index
      %swap3A_348 = arith.constant 256 : index
      %swap3A_349 = tpu.vector_load %arg9[%swap3A_347, %swap3A_348] {strides = array<i32>} : memref<16x1024xf32, #tpu.memory_space<vmem>>, vector<16xf32>,
      tpu.vector_store %arg9[%swap3A_347, %swap3A_348], %get3A_346 {add = true, strides = array<i32>} : memref<16x1024xf32, #tpu.memory_space<vmem>>, vector<16xf32>,
      %get3A_350 = arith.index_cast %scan3A_248 : i32 to index
      %get3A_351 = arith.constant 272 : index
      %get3A_352 = tpu.vector_load %arg12[%get3A_350, %get3A_351] {strides = array<i32>} : memref<16x1024xf32, #tpu.memory_space<vmem>>, vector<16xf32>,
      %swap3A_353 = arith.index_cast %scan3A_248 : i32 to index
      %swap3A_354 = arith.constant 272 : index
      %swap3A_355 = tpu.vector_load %arg9[%swap3A_353, %swap3A_354] {strides = array<i32>} : memref<16x1024xf32, #tpu.memory_space<vmem>>, vector<16xf32>,
      tpu.vector_store %arg9[%swap3A_353, %swap3A_354], %get3A_352 {add = true, strides = array<i32>} : memref<16x1024xf32, #tpu.memory_space<vmem>>, vector<16xf32>,
      %get3A_356 = arith.index_cast %scan3A_248 : i32 to index
      %get3A_357 = arith.constant 288 : index
      %get3A_358 = tpu.vector_load %arg12[%get3A_356, %get3A_357] {strides = array<i32>} : memref<16x1024xf32, #tpu.memory_space<vmem>>, vector<16xf32>,
      %swap3A_359 = arith.index_cast %scan3A_248 : i32 to index
      %swap3A_360 = arith.constant 288 : index
      %swap3A_361 = tpu.vector_load %arg9[%swap3A_359, %swap3A_360] {strides = array<i32>} : memref<16x1024xf32, #tpu.memory_space<vmem>>, vector<16xf32>,
      tpu.vector_store %arg9[%swap3A_359, %swap3A_360], %get3A_358 {add = true, strides = array<i32>} : memref<16x1024xf32, #tpu.memory_space<vmem>>, vector<16xf32>,
      %get3A_362 = arith.index_cast %scan3A_248 : i32 to index
      %get3A_363 = arith.constant 304 : index
      %get3A_364 = tpu.vector_load %arg12[%get3A_362, %get3A_363] {strides = array<i32>} : memref<16x1024xf32, #tpu.memory_space<vmem>>, vector<16xf32>,
      %swap3A_365 = arith.index_cast %scan3A_248 : i32 to index
      %swap3A_366 = arith.constant 304 : index
      %swap3A_367 = tpu.vector_load %arg9[%swap3A_365, %swap3A_366] {strides = array<i32>} : memref<16x1024xf32, #tpu.memory_space<vmem>>, vector<16xf32>,
      tpu.vector_store %arg9[%swap3A_365, %swap3A_366], %get3A_364 {add = true, strides = array<i32>} : memref<16x1024xf32, #tpu.memory_space<vmem>>, vector<16xf32>,
      %get3A_368 = arith.index_cast %scan3A_248 : i32 to index
      %get3A_369 = arith.constant 320 : index
      %get3A_370 = tpu.vector_load %arg12[%get3A_368, %get3A_369] {strides = array<i32>} : memref<16x1024xf32, #tpu.memory_space<vmem>>, vector<16xf32>,
      %swap3A_371 = arith.index_cast %scan3A_248 : i32 to index
      %swap3A_372 = arith.constant 320 : index
      %swap3A_373 = tpu.vector_load %arg9[%swap3A_371, %swap3A_372] {strides = array<i32>} : memref<16x1024xf32, #tpu.memory_space<vmem>>, vector<16xf32>,
      tpu.vector_store %arg9[%swap3A_371, %swap3A_372], %get3A_370 {add = true, strides = array<i32>} : memref<16x1024xf32, #tpu.memory_space<vmem>>, vector<16xf32>,
      %get3A_374 = arith.index_cast %scan3A_248 : i32 to index
      %get3A_375 = arith.constant 336 : index
      %get3A_376 = tpu.vector_load %arg12[%get3A_374, %get3A_375] {strides = array<i32>} : memref<16x1024xf32, #tpu.memory_space<vmem>>, vector<16xf32>,
      %swap3A_377 = arith.index_cast %scan3A_248 : i32 to index
      %swap3A_378 = arith.constant 336 : index
      %swap3A_379 = tpu.vector_load %arg9[%swap3A_377, %swap3A_378] {strides = array<i32>} : memref<16x1024xf32, #tpu.memory_space<vmem>>, vector<16xf32>,
      tpu.vector_store %arg9[%swap3A_377, %swap3A_378], %get3A_376 {add = true, strides = array<i32>} : memref<16x1024xf32, #tpu.memory_space<vmem>>, vector<16xf32>,
      %get3A_380 = arith.index_cast %scan3A_248 : i32 to index
      %get3A_381 = arith.constant 352 : index
      %get3A_382 = tpu.vector_load %arg12[%get3A_380, %get3A_381] {strides = array<i32>} : memref<16x1024xf32, #tpu.memory_space<vmem>>, vector<16xf32>,
      %swap3A_383 = arith.index_cast %scan3A_248 : i32 to index
      %swap3A_384 = arith.constant 352 : index
      %swap3A_385 = tpu.vector_load %arg9[%swap3A_383, %swap3A_384] {strides = array<i32>} : memref<16x1024xf32, #tpu.memory_space<vmem>>, vector<16xf32>,
      tpu.vector_store %arg9[%swap3A_383, %swap3A_384], %get3A_382 {add = true, strides = array<i32>} : memref<16x1024xf32, #tpu.memory_space<vmem>>, vector<16xf32>,
      %get3A_386 = arith.index_cast %scan3A_248 : i32 to index
      %get3A_387 = arith.constant 368 : index
      %get3A_388 = tpu.vector_load %arg12[%get3A_386, %get3A_387] {strides = array<i32>} : memref<16x1024xf32, #tpu.memory_space<vmem>>, vector<16xf32>,
      %swap3A_389 = arith.index_cast %scan3A_248 : i32 to index
      %swap3A_390 = arith.constant 368 : index
      %swap3A_391 = tpu.vector_load %arg9[%swap3A_389, %swap3A_390] {strides = array<i32>} : memref<16x1024xf32, #tpu.memory_space<vmem>>, vector<16xf32>,
      tpu.vector_store %arg9[%swap3A_389, %swap3A_390], %get3A_388 {add = true, strides = array<i32>} : memref<16x1024xf32, #tpu.memory_space<vmem>>, vector<16xf32>,
      %get3A_392 = arith.index_cast %scan3A_248 : i32 to index
      %get3A_393 = arith.constant 384 : index
      %get3A_394 = tpu.vector_load %arg12[%get3A_392, %get3A_393] {strides = array<i32>} : memref<16x1024xf32, #tpu.memory_space<vmem>>, vector<16xf32>,
      %swap3A_395 = arith.index_cast %scan3A_248 : i32 to index
      %swap3A_396 = arith.constant 384 : index
      %swap3A_397 = tpu.vector_load %arg9[%swap3A_395, %swap3A_396] {strides = array<i32>} : memref<16x1024xf32, #tpu.memory_space<vmem>>, vector<16xf32>,
      tpu.vector_store %arg9[%swap3A_395, %swap3A_396], %get3A_394 {add = true, strides = array<i32>} : memref<16x1024xf32, #tpu.memory_space<vmem>>, vector<16xf32>,
      %get3A_398 = arith.index_cast %scan3A_248 : i32 to index
      %get3A_399 = arith.constant 400 : index
      %get3A_400 = tpu.vector_load %arg12[%get3A_398, %get3A_399] {strides = array<i32>} : memref<16x1024xf32, #tpu.memory_space<vmem>>, vector<16xf32>,
      %swap3A_401 = arith.index_cast %scan3A_248 : i32 to index
      %swap3A_402 = arith.constant 400 : index
      %swap3A_403 = tpu.vector_load %arg9[%swap3A_401, %swap3A_402] {strides = array<i32>} : memref<16x1024xf32, #tpu.memory_space<vmem>>, vector<16xf32>,
      tpu.vector_store %arg9[%swap3A_401, %swap3A_402], %get3A_400 {add = true, strides = array<i32>} : memref<16x1024xf32, #tpu.memory_space<vmem>>, vector<16xf32>,
      %get3A_404 = arith.index_cast %scan3A_248 : i32 to index
      %get3A_405 = arith.constant 416 : index
      %get3A_406 = tpu.vector_load %arg12[%get3A_404, %get3A_405] {strides = array<i32>} : memref<16x1024xf32, #tpu.memory_space<vmem>>, vector<16xf32>,
      %swap3A_407 = arith.index_cast %scan3A_248 : i32 to index
      %swap3A_408 = arith.constant 416 : index
      %swap3A_409 = tpu.vector_load %arg9[%swap3A_407, %swap3A_408] {strides = array<i32>} : memref<16x1024xf32, #tpu.memory_space<vmem>>, vector<16xf32>,
      tpu.vector_store %arg9[%swap3A_407, %swap3A_408], %get3A_406 {add = true, strides = array<i32>} : memref<16x1024xf32, #tpu.memory_space<vmem>>, vector<16xf32>,
      %get3A_410 = arith.index_cast %scan3A_248 : i32 to index
      %get3A_411 = arith.constant 432 : index
      %get3A_412 = tpu.vector_load %arg12[%get3A_410, %get3A_411] {strides = array<i32>} : memref<16x1024xf32, #tpu.memory_space<vmem>>, vector<16xf32>,
      %swap3A_413 = arith.index_cast %scan3A_248 : i32 to index
      %swap3A_414 = arith.constant 432 : index
      %swap3A_415 = tpu.vector_load %arg9[%swap3A_413, %swap3A_414] {strides = array<i32>} : memref<16x1024xf32, #tpu.memory_space<vmem>>, vector<16xf32>,
      tpu.vector_store %arg9[%swap3A_413, %swap3A_414], %get3A_412 {add = true, strides = array<i32>} : memref<16x1024xf32, #tpu.memory_space<vmem>>, vector<16xf32>,
      %get3A_416 = arith.index_cast %scan3A_248 : i32 to index
      %get3A_417 = arith.constant 448 : index
      %get3A_418 = tpu.vector_load %arg12[%get3A_416, %get3A_417] {strides = array<i32>} : memref<16x1024xf32, #tpu.memory_space<vmem>>, vector<16xf32>,
      %swap3A_419 = arith.index_cast %scan3A_248 : i32 to index
      %swap3A_420 = arith.constant 448 : index
      %swap3A_421 = tpu.vector_load %arg9[%swap3A_419, %swap3A_420] {strides = array<i32>} : memref<16x1024xf32, #tpu.memory_space<vmem>>, vector<16xf32>,
      tpu.vector_store %arg9[%swap3A_419, %swap3A_420], %get3A_418 {add = true, strides = array<i32>} : memref<16x1024xf32, #tpu.memory_space<vmem>>, vector<16xf32>,
      %get3A_422 = arith.index_cast %scan3A_248 : i32 to index
      %get3A_423 = arith.constant 464 : index
      %get3A_424 = tpu.vector_load %arg12[%get3A_422, %get3A_423] {strides = array<i32>} : memref<16x1024xf32, #tpu.memory_space<vmem>>, vector<16xf32>,
      %swap3A_425 = arith.index_cast %scan3A_248 : i32 to index
      %swap3A_426 = arith.constant 464 : index
      %swap3A_427 = tpu.vector_load %arg9[%swap3A_425, %swap3A_426] {strides = array<i32>} : memref<16x1024xf32, #tpu.memory_space<vmem>>, vector<16xf32>,
      tpu.vector_store %arg9[%swap3A_425, %swap3A_426], %get3A_424 {add = true, strides = array<i32>} : memref<16x1024xf32, #tpu.memory_space<vmem>>, vector<16xf32>,
      %get3A_428 = arith.index_cast %scan3A_248 : i32 to index
      %get3A_429 = arith.constant 480 : index
      %get3A_430 = tpu.vector_load %arg12[%get3A_428, %get3A_429] {strides = array<i32>} : memref<16x1024xf32, #tpu.memory_space<vmem>>, vector<16xf32>,
      %swap3A_431 = arith.index_cast %scan3A_248 : i32 to index
      %swap3A_432 = arith.constant 480 : index
      %swap3A_433 = tpu.vector_load %arg9[%swap3A_431, %swap3A_432] {strides = array<i32>} : memref<16x1024xf32, #tpu.memory_space<vmem>>, vector<16xf32>,
      tpu.vector_store %arg9[%swap3A_431, %swap3A_432], %get3A_430 {add = true, strides = array<i32>} : memref<16x1024xf32, #tpu.memory_space<vmem>>, vector<16xf32>,
      %get3A_434 = arith.index_cast %scan3A_248 : i32 to index
      %get3A_435 = arith.constant 496 : index
      %get3A_436 = tpu.vector_load %arg12[%get3A_434, %get3A_435] {strides = array<i32>} : memref<16x1024xf32, #tpu.memory_space<vmem>>, vector<16xf32>,
      %swap3A_437 = arith.index_cast %scan3A_248 : i32 to index
      %swap3A_438 = arith.constant 496 : index
      %swap3A_439 = tpu.vector_load %arg9[%swap3A_437, %swap3A_438] {strides = array<i32>} : memref<16x1024xf32, #tpu.memory_space<vmem>>, vector<16xf32>,
      tpu.vector_store %arg9[%swap3A_437, %swap3A_438], %get3A_436 {add = true, strides = array<i32>} : memref<16x1024xf32, #tpu.memory_space<vmem>>, vector<16xf32>,
      %get3A_440 = arith.index_cast %scan3A_248 : i32 to index
      %get3A_441 = arith.constant 512 : index
      %get3A_442 = tpu.vector_load %arg12[%get3A_440, %get3A_441] {strides = array<i32>} : memref<16x1024xf32, #tpu.memory_space<vmem>>, vector<16xf32>,
      %swap3A_443 = arith.index_cast %scan3A_248 : i32 to index
      %swap3A_444 = arith.constant 512 : index
      %swap3A_445 = tpu.vector_load %arg9[%swap3A_443, %swap3A_444] {strides = array<i32>} : memref<16x1024xf32, #tpu.memory_space<vmem>>, vector<16xf32>,
      tpu.vector_store %arg9[%swap3A_443, %swap3A_444], %get3A_442 {add = true, strides = array<i32>} : memref<16x1024xf32, #tpu.memory_space<vmem>>, vector<16xf32>,
      %get3A_446 = arith.index_cast %scan3A_248 : i32 to index
      %get3A_447 = arith.constant 528 : index
      %get3A_448 = tpu.vector_load %arg12[%get3A_446, %get3A_447] {strides = array<i32>} : memref<16x1024xf32, #tpu.memory_space<vmem>>, vector<16xf32>,
      %swap3A_449 = arith.index_cast %scan3A_248 : i32 to index
      %swap3A_450 = arith.constant 528 : index
      %swap3A_451 = tpu.vector_load %arg9[%swap3A_449, %swap3A_450] {strides = array<i32>} : memref<16x1024xf32, #tpu.memory_space<vmem>>, vector<16xf32>,
      tpu.vector_store %arg9[%swap3A_449, %swap3A_450], %get3A_448 {add = true, strides = array<i32>} : memref<16x1024xf32, #tpu.memory_space<vmem>>, vector<16xf32>,
      %get3A_452 = arith.index_cast %scan3A_248 : i32 to index
      %get3A_453 = arith.constant 544 : index
      %get3A_454 = tpu.vector_load %arg12[%get3A_452, %get3A_453] {strides = array<i32>} : memref<16x1024xf32, #tpu.memory_space<vmem>>, vector<16xf32>,
      %swap3A_455 = arith.index_cast %scan3A_248 : i32 to index
      %swap3A_456 = arith.constant 544 : index
      %swap3A_457 = tpu.vector_load %arg9[%swap3A_455, %swap3A_456] {strides = array<i32>} : memref<16x1024xf32, #tpu.memory_space<vmem>>, vector<16xf32>,
      tpu.vector_store %arg9[%swap3A_455, %swap3A_456], %get3A_454 {add = true, strides = array<i32>} : memref<16x1024xf32, #tpu.memory_space<vmem>>, vector<16xf32>,
      %get3A_458 = arith.index_cast %scan3A_248 : i32 to index
      %get3A_459 = arith.constant 560 : index
      %get3A_460 = tpu.vector_load %arg12[%get3A_458, %get3A_459] {strides = array<i32>} : memref<16x1024xf32, #tpu.memory_space<vmem>>, vector<16xf32>,
      %swap3A_461 = arith.index_cast %scan3A_248 : i32 to index
      %swap3A_462 = arith.constant 560 : index
      %swap3A_463 = tpu.vector_load %arg9[%swap3A_461, %swap3A_462] {strides = array<i32>} : memref<16x1024xf32, #tpu.memory_space<vmem>>, vector<16xf32>,
      tpu.vector_store %arg9[%swap3A_461, %swap3A_462], %get3A_460 {add = true, strides = array<i32>} : memref<16x1024xf32, #tpu.memory_space<vmem>>, vector<16xf32>,
      %get3A_464 = arith.index_cast %scan3A_248 : i32 to index
      %get3A_465 = arith.constant 576 : index
      %get3A_466 = tpu.vector_load %arg12[%get3A_464, %get3A_465] {strides = array<i32>} : memref<16x1024xf32, #tpu.memory_space<vmem>>, vector<16xf32>,
      %swap3A_467 = arith.index_cast %scan3A_248 : i32 to index
      %swap3A_468 = arith.constant 576 : index
      %swap3A_469 = tpu.vector_load %arg9[%swap3A_467, %swap3A_468] {strides = array<i32>} : memref<16x1024xf32, #tpu.memory_space<vmem>>, vector<16xf32>,
      tpu.vector_store %arg9[%swap3A_467, %swap3A_468], %get3A_466 {add = true, strides = array<i32>} : memref<16x1024xf32, #tpu.memory_space<vmem>>, vector<16xf32>,
      %get3A_470 = arith.index_cast %scan3A_248 : i32 to index
      %get3A_471 = arith.constant 592 : index
      %get3A_472 = tpu.vector_load %arg12[%get3A_470, %get3A_471] {strides = array<i32>} : memref<16x1024xf32, #tpu.memory_space<vmem>>, vector<16xf32>,
      %swap3A_473 = arith.index_cast %scan3A_248 : i32 to index
      %swap3A_474 = arith.constant 592 : index
      %swap3A_475 = tpu.vector_load %arg9[%swap3A_473, %swap3A_474] {strides = array<i32>} : memref<16x1024xf32, #tpu.memory_space<vmem>>, vector<16xf32>,
      tpu.vector_store %arg9[%swap3A_473, %swap3A_474], %get3A_472 {add = true, strides = array<i32>} : memref<16x1024xf32, #tpu.memory_space<vmem>>, vector<16xf32>,
      %get3A_476 = arith.index_cast %scan3A_248 : i32 to index
      %get3A_477 = arith.constant 608 : index
      %get3A_478 = tpu.vector_load %arg12[%get3A_476, %get3A_477] {strides = array<i32>} : memref<16x1024xf32, #tpu.memory_space<vmem>>, vector<16xf32>,
      %swap3A_479 = arith.index_cast %scan3A_248 : i32 to index
      %swap3A_480 = arith.constant 608 : index
      %swap3A_481 = tpu.vector_load %arg9[%swap3A_479, %swap3A_480] {strides = array<i32>} : memref<16x1024xf32, #tpu.memory_space<vmem>>, vector<16xf32>,
      tpu.vector_store %arg9[%swap3A_479, %swap3A_480], %get3A_478 {add = true, strides = array<i32>} : memref<16x1024xf32, #tpu.memory_space<vmem>>, vector<16xf32>,
      %get3A_482 = arith.index_cast %scan3A_248 : i32 to index
      %get3A_483 = arith.constant 624 : index
      %get3A_484 = tpu.vector_load %arg12[%get3A_482, %get3A_483] {strides = array<i32>} : memref<16x1024xf32, #tpu.memory_space<vmem>>, vector<16xf32>,
      %swap3A_485 = arith.index_cast %scan3A_248 : i32 to index
      %swap3A_486 = arith.constant 624 : index
      %swap3A_487 = tpu.vector_load %arg9[%swap3A_485, %swap3A_486] {strides = array<i32>} : memref<16x1024xf32, #tpu.memory_space<vmem>>, vector<16xf32>,
      tpu.vector_store %arg9[%swap3A_485, %swap3A_486], %get3A_484 {add = true, strides = array<i32>} : memref<16x1024xf32, #tpu.memory_space<vmem>>, vector<16xf32>,
      %get3A_488 = arith.index_cast %scan3A_248 : i32 to index
      %get3A_489 = arith.constant 640 : index
      %get3A_490 = tpu.vector_load %arg12[%get3A_488, %get3A_489] {strides = array<i32>} : memref<16x1024xf32, #tpu.memory_space<vmem>>, vector<16xf32>,
      %swap3A_491 = arith.index_cast %scan3A_248 : i32 to index
      %swap3A_492 = arith.constant 640 : index
      %swap3A_493 = tpu.vector_load %arg9[%swap3A_491, %swap3A_492] {strides = array<i32>} : memref<16x1024xf32, #tpu.memory_space<vmem>>, vector<16xf32>,
      tpu.vector_store %arg9[%swap3A_491, %swap3A_492], %get3A_490 {add = true, strides = array<i32>} : memref<16x1024xf32, #tpu.memory_space<vmem>>, vector<16xf32>,
      %get3A_494 = arith.index_cast %scan3A_248 : i32 to index
      %get3A_495 = arith.constant 656 : index
      %get3A_496 = tpu.vector_load %arg12[%get3A_494, %get3A_495] {strides = array<i32>} : memref<16x1024xf32, #tpu.memory_space<vmem>>, vector<16xf32>,
      %swap3A_497 = arith.index_cast %scan3A_248 : i32 to index
      %swap3A_498 = arith.constant 656 : index
      %swap3A_499 = tpu.vector_load %arg9[%swap3A_497, %swap3A_498] {strides = array<i32>} : memref<16x1024xf32, #tpu.memory_space<vmem>>, vector<16xf32>,
      tpu.vector_store %arg9[%swap3A_497, %swap3A_498], %get3A_496 {add = true, strides = array<i32>} : memref<16x1024xf32, #tpu.memory_space<vmem>>, vector<16xf32>,
      %get3A_500 = arith.index_cast %scan3A_248 : i32 to index
      %get3A_501 = arith.constant 672 : index
      %get3A_502 = tpu.vector_load %arg12[%get3A_500, %get3A_501] {strides = array<i32>} : memref<16x1024xf32, #tpu.memory_space<vmem>>, vector<16xf32>,
      %swap3A_503 = arith.index_cast %scan3A_248 : i32 to index
      %swap3A_504 = arith.constant 672 : index
      %swap3A_505 = tpu.vector_load %arg9[%swap3A_503, %swap3A_504] {strides = array<i32>} : memref<16x1024xf32, #tpu.memory_space<vmem>>, vector<16xf32>,
      tpu.vector_store %arg9[%swap3A_503, %swap3A_504], %get3A_502 {add = true, strides = array<i32>} : memref<16x1024xf32, #tpu.memory_space<vmem>>, vector<16xf32>,
      %get3A_506 = arith.index_cast %scan3A_248 : i32 to index
      %get3A_507 = arith.constant 688 : index
      %get3A_508 = tpu.vector_load %arg12[%get3A_506, %get3A_507] {strides = array<i32>} : memref<16x1024xf32, #tpu.memory_space<vmem>>, vector<16xf32>,
      %swap3A_509 = arith.index_cast %scan3A_248 : i32 to index
      %swap3A_510 = arith.constant 688 : index
      %swap3A_511 = tpu.vector_load %arg9[%swap3A_509, %swap3A_510] {strides = array<i32>} : memref<16x1024xf32, #tpu.memory_space<vmem>>, vector<16xf32>,
      tpu.vector_store %arg9[%swap3A_509, %swap3A_510], %get3A_508 {add = true, strides = array<i32>} : memref<16x1024xf32, #tpu.memory_space<vmem>>, vector<16xf32>,
      %get3A_512 = arith.index_cast %scan3A_248 : i32 to index
      %get3A_513 = arith.constant 704 : index
      %get3A_514 = tpu.vector_load %arg12[%get3A_512, %get3A_513] {strides = array<i32>} : memref<16x1024xf32, #tpu.memory_space<vmem>>, vector<16xf32>,
      %swap3A_515 = arith.index_cast %scan3A_248 : i32 to index
      %swap3A_516 = arith.constant 704 : index
      %swap3A_517 = tpu.vector_load %arg9[%swap3A_515, %swap3A_516] {strides = array<i32>} : memref<16x1024xf32, #tpu.memory_space<vmem>>, vector<16xf32>,
      tpu.vector_store %arg9[%swap3A_515, %swap3A_516], %get3A_514 {add = true, strides = array<i32>} : memref<16x1024xf32, #tpu.memory_space<vmem>>, vector<16xf32>,
      %get3A_518 = arith.index_cast %scan3A_248 : i32 to index
      %get3A_519 = arith.constant 720 : index
      %get3A_520 = tpu.vector_load %arg12[%get3A_518, %get3A_519] {strides = array<i32>} : memref<16x1024xf32, #tpu.memory_space<vmem>>, vector<16xf32>,
      %swap3A_521 = arith.index_cast %scan3A_248 : i32 to index
      %swap3A_522 = arith.constant 720 : index
      %swap3A_523 = tpu.vector_load %arg9[%swap3A_521, %swap3A_522] {strides = array<i32>} : memref<16x1024xf32, #tpu.memory_space<vmem>>, vector<16xf32>,
      tpu.vector_store %arg9[%swap3A_521, %swap3A_522], %get3A_520 {add = true, strides = array<i32>} : memref<16x1024xf32, #tpu.memory_space<vmem>>, vector<16xf32>,
      %get3A_524 = arith.index_cast %scan3A_248 : i32 to index
      %get3A_525 = arith.constant 736 : index
      %get3A_526 = tpu.vector_load %arg12[%get3A_524, %get3A_525] {strides = array<i32>} : memref<16x1024xf32, #tpu.memory_space<vmem>>, vector<16xf32>,
      %swap3A_527 = arith.index_cast %scan3A_248 : i32 to index
      %swap3A_528 = arith.constant 736 : index
      %swap3A_529 = tpu.vector_load %arg9[%swap3A_527, %swap3A_528] {strides = array<i32>} : memref<16x1024xf32, #tpu.memory_space<vmem>>, vector<16xf32>,
      tpu.vector_store %arg9[%swap3A_527, %swap3A_528], %get3A_526 {add = true, strides = array<i32>} : memref<16x1024xf32, #tpu.memory_space<vmem>>, vector<16xf32>,
      %get3A_530 = arith.index_cast %scan3A_248 : i32 to index
      %get3A_531 = arith.constant 752 : index
      %get3A_532 = tpu.vector_load %arg12[%get3A_530, %get3A_531] {strides = array<i32>} : memref<16x1024xf32, #tpu.memory_space<vmem>>, vector<16xf32>,
      %swap3A_533 = arith.index_cast %scan3A_248 : i32 to index
      %swap3A_534 = arith.constant 752 : index
      %swap3A_535 = tpu.vector_load %arg9[%swap3A_533, %swap3A_534] {strides = array<i32>} : memref<16x1024xf32, #tpu.memory_space<vmem>>, vector<16xf32>,
      tpu.vector_store %arg9[%swap3A_533, %swap3A_534], %get3A_532 {add = true, strides = array<i32>} : memref<16x1024xf32, #tpu.memory_space<vmem>>, vector<16xf32>,
      %get3A_536 = arith.index_cast %scan3A_248 : i32 to index
      %get3A_537 = arith.constant 768 : index
      %get3A_538 = tpu.vector_load %arg12[%get3A_536, %get3A_537] {strides = array<i32>} : memref<16x1024xf32, #tpu.memory_space<vmem>>, vector<16xf32>,
      %swap3A_539 = arith.index_cast %scan3A_248 : i32 to index
      %swap3A_540 = arith.constant 768 : index
      %swap3A_541 = tpu.vector_load %arg9[%swap3A_539, %swap3A_540] {strides = array<i32>} : memref<16x1024xf32, #tpu.memory_space<vmem>>, vector<16xf32>,
      tpu.vector_store %arg9[%swap3A_539, %swap3A_540], %get3A_538 {add = true, strides = array<i32>} : memref<16x1024xf32, #tpu.memory_space<vmem>>, vector<16xf32>,
      %get3A_542 = arith.index_cast %scan3A_248 : i32 to index
      %get3A_543 = arith.constant 784 : index
      %get3A_544 = tpu.vector_load %arg12[%get3A_542, %get3A_543] {strides = array<i32>} : memref<16x1024xf32, #tpu.memory_space<vmem>>, vector<16xf32>,
      %swap3A_545 = arith.index_cast %scan3A_248 : i32 to index
      %swap3A_546 = arith.constant 784 : index
      %swap3A_547 = tpu.vector_load %arg9[%swap3A_545, %swap3A_546] {strides = array<i32>} : memref<16x1024xf32, #tpu.memory_space<vmem>>, vector<16xf32>,
      tpu.vector_store %arg9[%swap3A_545, %swap3A_546], %get3A_544 {add = true, strides = array<i32>} : memref<16x1024xf32, #tpu.memory_space<vmem>>, vector<16xf32>,
      %get3A_548 = arith.index_cast %scan3A_248 : i32 to index
      %get3A_549 = arith.constant 800 : index
      %get3A_550 = tpu.vector_load %arg12[%get3A_548, %get3A_549] {strides = array<i32>} : memref<16x1024xf32, #tpu.memory_space<vmem>>, vector<16xf32>,
      %swap3A_551 = arith.index_cast %scan3A_248 : i32 to index
      %swap3A_552 = arith.constant 800 : index
      %swap3A_553 = tpu.vector_load %arg9[%swap3A_551, %swap3A_552] {strides = array<i32>} : memref<16x1024xf32, #tpu.memory_space<vmem>>, vector<16xf32>,
      tpu.vector_store %arg9[%swap3A_551, %swap3A_552], %get3A_550 {add = true, strides = array<i32>} : memref<16x1024xf32, #tpu.memory_space<vmem>>, vector<16xf32>,
      %get3A_554 = arith.index_cast %scan3A_248 : i32 to index
      %get3A_555 = arith.constant 816 : index
      %get3A_556 = tpu.vector_load %arg12[%get3A_554, %get3A_555] {strides = array<i32>} : memref<16x1024xf32, #tpu.memory_space<vmem>>, vector<16xf32>,
      %swap3A_557 = arith.index_cast %scan3A_248 : i32 to index
      %swap3A_558 = arith.constant 816 : index
      %swap3A_559 = tpu.vector_load %arg9[%swap3A_557, %swap3A_558] {strides = array<i32>} : memref<16x1024xf32, #tpu.memory_space<vmem>>, vector<16xf32>,
      tpu.vector_store %arg9[%swap3A_557, %swap3A_558], %get3A_556 {add = true, strides = array<i32>} : memref<16x1024xf32, #tpu.memory_space<vmem>>, vector<16xf32>,
      %get3A_560 = arith.index_cast %scan3A_248 : i32 to index
      %get3A_561 = arith.constant 832 : index
      %get3A_562 = tpu.vector_load %arg12[%get3A_560, %get3A_561] {strides = array<i32>} : memref<16x1024xf32, #tpu.memory_space<vmem>>, vector<16xf32>,
      %swap3A_563 = arith.index_cast %scan3A_248 : i32 to index
      %swap3A_564 = arith.constant 832 : index
      %swap3A_565 = tpu.vector_load %arg9[%swap3A_563, %swap3A_564] {strides = array<i32>} : memref<16x1024xf32, #tpu.memory_space<vmem>>, vector<16xf32>,
      tpu.vector_store %arg9[%swap3A_563, %swap3A_564], %get3A_562 {add = true, strides = array<i32>} : memref<16x1024xf32, #tpu.memory_space<vmem>>, vector<16xf32>,
      %get3A_566 = arith.index_cast %scan3A_248 : i32 to index
      %get3A_567 = arith.constant 848 : index
      %get3A_568 = tpu.vector_load %arg12[%get3A_566, %get3A_567] {strides = array<i32>} : memref<16x1024xf32, #tpu.memory_space<vmem>>, vector<16xf32>,
      %swap3A_569 = arith.index_cast %scan3A_248 : i32 to index
      %swap3A_570 = arith.constant 848 : index
      %swap3A_571 = tpu.vector_load %arg9[%swap3A_569, %swap3A_570] {strides = array<i32>} : memref<16x1024xf32, #tpu.memory_space<vmem>>, vector<16xf32>,
      tpu.vector_store %arg9[%swap3A_569, %swap3A_570], %get3A_568 {add = true, strides = array<i32>} : memref<16x1024xf32, #tpu.memory_space<vmem>>, vector<16xf32>,
      %get3A_572 = arith.index_cast %scan3A_248 : i32 to index
      %get3A_573 = arith.constant 864 : index
      %get3A_574 = tpu.vector_load %arg12[%get3A_572, %get3A_573] {strides = array<i32>} : memref<16x1024xf32, #tpu.memory_space<vmem>>, vector<16xf32>,
      %swap3A_575 = arith.index_cast %scan3A_248 : i32 to index
      %swap3A_576 = arith.constant 864 : index
      %swap3A_577 = tpu.vector_load %arg9[%swap3A_575, %swap3A_576] {strides = array<i32>} : memref<16x1024xf32, #tpu.memory_space<vmem>>, vector<16xf32>,
      tpu.vector_store %arg9[%swap3A_575, %swap3A_576], %get3A_574 {add = true, strides = array<i32>} : memref<16x1024xf32, #tpu.memory_space<vmem>>, vector<16xf32>,
      %get3A_578 = arith.index_cast %scan3A_248 : i32 to index
      %get3A_579 = arith.constant 880 : index
      %get3A_580 = tpu.vector_load %arg12[%get3A_578, %get3A_579] {strides = array<i32>} : memref<16x1024xf32, #tpu.memory_space<vmem>>, vector<16xf32>,
      %swap3A_581 = arith.index_cast %scan3A_248 : i32 to index
      %swap3A_582 = arith.constant 880 : index
      %swap3A_583 = tpu.vector_load %arg9[%swap3A_581, %swap3A_582] {strides = array<i32>} : memref<16x1024xf32, #tpu.memory_space<vmem>>, vector<16xf32>,
      tpu.vector_store %arg9[%swap3A_581, %swap3A_582], %get3A_580 {add = true, strides = array<i32>} : memref<16x1024xf32, #tpu.memory_space<vmem>>, vector<16xf32>,
      %get3A_584 = arith.index_cast %scan3A_248 : i32 to index
      %get3A_585 = arith.constant 896 : index
      %get3A_586 = tpu.vector_load %arg12[%get3A_584, %get3A_585] {strides = array<i32>} : memref<16x1024xf32, #tpu.memory_space<vmem>>, vector<16xf32>,
      %swap3A_587 = arith.index_cast %scan3A_248 : i32 to index
      %swap3A_588 = arith.constant 896 : index
      %swap3A_589 = tpu.vector_load %arg9[%swap3A_587, %swap3A_588] {strides = array<i32>} : memref<16x1024xf32, #tpu.memory_space<vmem>>, vector<16xf32>,
      tpu.vector_store %arg9[%swap3A_587, %swap3A_588], %get3A_586 {add = true, strides = array<i32>} : memref<16x1024xf32, #tpu.memory_space<vmem>>, vector<16xf32>,
      %get3A_590 = arith.index_cast %scan3A_248 : i32 to index
      %get3A_591 = arith.constant 912 : index
      %get3A_592 = tpu.vector_load %arg12[%get3A_590, %get3A_591] {strides = array<i32>} : memref<16x1024xf32, #tpu.memory_space<vmem>>, vector<16xf32>,
      %swap3A_593 = arith.index_cast %scan3A_248 : i32 to index
      %swap3A_594 = arith.constant 912 : index
      %swap3A_595 = tpu.vector_load %arg9[%swap3A_593, %swap3A_594] {strides = array<i32>} : memref<16x1024xf32, #tpu.memory_space<vmem>>, vector<16xf32>,
      tpu.vector_store %arg9[%swap3A_593, %swap3A_594], %get3A_592 {add = true, strides = array<i32>} : memref<16x1024xf32, #tpu.memory_space<vmem>>, vector<16xf32>,
      %get3A_596 = arith.index_cast %scan3A_248 : i32 to index
      %get3A_597 = arith.constant 928 : index
      %get3A_598 = tpu.vector_load %arg12[%get3A_596, %get3A_597] {strides = array<i32>} : memref<16x1024xf32, #tpu.memory_space<vmem>>, vector<16xf32>,
      %swap3A_599 = arith.index_cast %scan3A_248 : i32 to index
      %swap3A_600 = arith.constant 928 : index
      %swap3A_601 = tpu.vector_load %arg9[%swap3A_599, %swap3A_600] {strides = array<i32>} : memref<16x1024xf32, #tpu.memory_space<vmem>>, vector<16xf32>,
      tpu.vector_store %arg9[%swap3A_599, %swap3A_600], %get3A_598 {add = true, strides = array<i32>} : memref<16x1024xf32, #tpu.memory_space<vmem>>, vector<16xf32>,
      %get3A_602 = arith.index_cast %scan3A_248 : i32 to index
      %get3A_603 = arith.constant 944 : index
      %get3A_604 = tpu.vector_load %arg12[%get3A_602, %get3A_603] {strides = array<i32>} : memref<16x1024xf32, #tpu.memory_space<vmem>>, vector<16xf32>,
      %swap3A_605 = arith.index_cast %scan3A_248 : i32 to index
      %swap3A_606 = arith.constant 944 : index
      %swap3A_607 = tpu.vector_load %arg9[%swap3A_605, %swap3A_606] {strides = array<i32>} : memref<16x1024xf32, #tpu.memory_space<vmem>>, vector<16xf32>,
      tpu.vector_store %arg9[%swap3A_605, %swap3A_606], %get3A_604 {add = true, strides = array<i32>} : memref<16x1024xf32, #tpu.memory_space<vmem>>, vector<16xf32>,
      %get3A_608 = arith.index_cast %scan3A_248 : i32 to index
      %get3A_609 = arith.constant 960 : index
      %get3A_610 = tpu.vector_load %arg12[%get3A_608, %get3A_609] {strides = array<i32>} : memref<16x1024xf32, #tpu.memory_space<vmem>>, vector<16xf32>,
      %swap3A_611 = arith.index_cast %scan3A_248 : i32 to index
      %swap3A_612 = arith.constant 960 : index
      %swap3A_613 = tpu.vector_load %arg9[%swap3A_611, %swap3A_612] {strides = array<i32>} : memref<16x1024xf32, #tpu.memory_space<vmem>>, vector<16xf32>,
      tpu.vector_store %arg9[%swap3A_611, %swap3A_612], %get3A_610 {add = true, strides = array<i32>} : memref<16x1024xf32, #tpu.memory_space<vmem>>, vector<16xf32>,
      %get3A_614 = arith.index_cast %scan3A_248 : i32 to index
      %get3A_615 = arith.constant 976 : index
      %get3A_616 = tpu.vector_load %arg12[%get3A_614, %get3A_615] {strides = array<i32>} : memref<16x1024xf32, #tpu.memory_space<vmem>>, vector<16xf32>,
      %swap3A_617 = arith.index_cast %scan3A_248 : i32 to index
      %swap3A_618 = arith.constant 976 : index
      %swap3A_619 = tpu.vector_load %arg9[%swap3A_617, %swap3A_618] {strides = array<i32>} : memref<16x1024xf32, #tpu.memory_space<vmem>>, vector<16xf32>,
      tpu.vector_store %arg9[%swap3A_617, %swap3A_618], %get3A_616 {add = true, strides = array<i32>} : memref<16x1024xf32, #tpu.memory_space<vmem>>, vector<16xf32>,
      %get3A_620 = arith.index_cast %scan3A_248 : i32 to index
      %get3A_621 = arith.constant 992 : index
      %get3A_622 = tpu.vector_load %arg12[%get3A_620, %get3A_621] {strides = array<i32>} : memref<16x1024xf32, #tpu.memory_space<vmem>>, vector<16xf32>,
      %swap3A_623 = arith.index_cast %scan3A_248 : i32 to index
      %swap3A_624 = arith.constant 992 : index
      %swap3A_625 = tpu.vector_load %arg9[%swap3A_623, %swap3A_624] {strides = array<i32>} : memref<16x1024xf32, #tpu.memory_space<vmem>>, vector<16xf32>,
      tpu.vector_store %arg9[%swap3A_623, %swap3A_624], %get3A_622 {add = true, strides = array<i32>} : memref<16x1024xf32, #tpu.memory_space<vmem>>, vector<16xf32>,
      %get3A_626 = arith.index_cast %scan3A_248 : i32 to index
      %get3A_627 = arith.constant 1008 : index
      %get3A_628 = tpu.vector_load %arg12[%get3A_626, %get3A_627] {strides = array<i32>} : memref<16x1024xf32, #tpu.memory_space<vmem>>, vector<16xf32>,
      %swap3A_629 = arith.index_cast %scan3A_248 : i32 to index
      %swap3A_630 = arith.constant 1008 : index
      %swap3A_631 = tpu.vector_load %arg9[%swap3A_629, %swap3A_630] {strides = array<i32>} : memref<16x1024xf32, #tpu.memory_space<vmem>>, vector<16xf32>,
      tpu.vector_store %arg9[%swap3A_629, %swap3A_630], %get3A_628 {add = true, strides = array<i32>} : memref<16x1024xf32, #tpu.memory_space<vmem>>, vector<16xf32>,
      %scan3A_632 = arith.constant 0 : i32
      scf.yield %scan3A_632 : i32
    }
    %scan3A_156 = arith.constant 16 : i32
    %dma_wait3A_157 = arith.constant 0 : i32
    %dma_wait3A_158 = arith.constant 0 : i32
    %dma_wait3A_159 = tpu.memref_slice %arg5[%dma_wait3A_157, %dma_wait3A_158] : memref<8192x1024xf32, #tpu.memory_space<hbm>> -> memref<16x1024xf32, #tpu.memory_space<hbm>>
    %dma_wait3A_160 = arith.constant 0 : i32
    %dma_wait3A_161 = arith.constant 0 : i32
    %dma_wait3A_162 = tpu.memref_slice %arg5[%dma_wait3A_160, %dma_wait3A_161] : memref<8192x1024xf32, #tpu.memory_space<hbm>> -> memref<16x1024xf32, #tpu.memory_space<hbm>>
    tpu.wait_dma2 semaphore(%arg17 : memref<!tpu.dma_semaphore, #tpu.memory_space<semaphore_mem>>) src(%arg8 : memref<16x1024xf32, #tpu.memory_space<vmem>>) dst(%dma_wait3A_162 : memref<16x1024xf32, #tpu.memory_space<hbm>>)
    %add3A_163 = arith.constant 240 : i32
    %add3A_164 = arith.addi %mul3A_34, %add3A_163 : i32
    %dma_start3A_165 = arith.constant 0 : i32
    %dma_start3A_166 = tpu.memref_slice %arg2[%add3A_164, %dma_start3A_165] : memref<8192x1024xf32, #tpu.memory_space<hbm>> -> memref<16x1024xf32, #tpu.memory_space<hbm>>
    %dma_start3A_167 = arith.constant 0 : i32
    %dma_start3A_168 = tpu.memref_slice %arg2[%add3A_164, %dma_start3A_167] : memref<8192x1024xf32, #tpu.memory_space<hbm>> -> memref<16x1024xf32, #tpu.memory_space<hbm>>
    tpu.enqueue_dma source(%dma_start3A_168 : memref<16x1024xf32, #tpu.memory_space<hbm>>) target(%arg8 : memref<16x1024xf32, #tpu.memory_space<vmem>>) target_semaphore(%arg14 : memref<!tpu.dma_semaphore, #tpu.memory_space<semaphore_mem>>)
    %dma_start3A_169 = arith.constant 240 : i32
    %dma_start3A_170 = tpu.memref_slice %arg7[%dma_start3A_169] : memref<256xi32, #tpu.memory_space<vmem>> -> memref<16xi32, #tpu.memory_space<vmem>>
    %dma_start3A_171 = arith.constant 0 : i32
    %dma_start3A_172 = arith.constant 0 : i32
    %dma_start3A_173 = tpu.memref_slice %arg4[%dma_start3A_171, %dma_start3A_172] : memref<2049x1024xf32, #tpu.memory_space<hbm>> -> memref<2049x1024xf32, #tpu.memory_space<hbm>>
    tpu.enqueue_indirect_dma source(%dma_start3A_173 : memref<2049x1024xf32, #tpu.memory_space<hbm>>) target(%arg11 : memref<16x1024xf32, #tpu.memory_space<vmem>>) offsets(%dma_start3A_170 : memref<16xi32, #tpu.memory_space<vmem>>) semaphore(%arg14 : memref<!tpu.dma_semaphore, #tpu.memory_space<semaphore_mem>>)
    %add3A_174 = arith.constant 208 : i32
    %add3A_175 = arith.addi %mul3A_34, %add3A_174 : i32
    %dma_start3A_176 = arith.constant 0 : i32
    %dma_start3A_177 = tpu.memref_slice %arg5[%add3A_175, %dma_start3A_176] : memref<8192x1024xf32, #tpu.memory_space<hbm>> -> memref<16x1024xf32, #tpu.memory_space<hbm>>
    %dma_start3A_178 = arith.constant 0 : i32
    %dma_start3A_179 = tpu.memref_slice %arg5[%add3A_175, %dma_start3A_178] : memref<8192x1024xf32, #tpu.memory_space<hbm>> -> memref<16x1024xf32, #tpu.memory_space<hbm>>
    tpu.enqueue_dma source(%arg9 : memref<16x1024xf32, #tpu.memory_space<vmem>>) target(%dma_start3A_179 : memref<16x1024xf32, #tpu.memory_space<hbm>>) target_semaphore(%arg18 : memref<!tpu.dma_semaphore, #tpu.memory_space<semaphore_mem>>)
    %dma_wait3A_180 = arith.constant 0 : i32
    %dma_wait3A_181 = arith.constant 0 : i32
    %dma_wait3A_182 = tpu.memref_slice %arg2[%dma_wait3A_180, %dma_wait3A_181] : memref<8192x1024xf32, #tpu.memory_space<hbm>> -> memref<16x1024xf32, #tpu.memory_space<hbm>>
    %dma_wait3A_183 = arith.constant 0 : i32
    %dma_wait3A_184 = arith.constant 0 : i32
    %dma_wait3A_185 = tpu.memref_slice %arg2[%dma_wait3A_183, %dma_wait3A_184] : memref<8192x1024xf32, #tpu.memory_space<hbm>> -> memref<16x1024xf32, #tpu.memory_space<hbm>>
    tpu.wait_dma2 semaphore(%arg16 : memref<!tpu.dma_semaphore, #tpu.memory_space<semaphore_mem>>) src(%dma_wait3A_185 : memref<16x1024xf32, #tpu.memory_space<hbm>>) dst(%arg10 : memref<16x1024xf32, #tpu.memory_space<vmem>>)
    %dma_wait3A_186 = arith.constant 0 : i32
    %dma_wait3A_187 = arith.constant 0 : i32
    %dma_wait3A_188 = tpu.memref_slice %arg2[%dma_wait3A_186, %dma_wait3A_187] : memref<8192x1024xf32, #tpu.memory_space<hbm>> -> memref<16x1024xf32, #tpu.memory_space<hbm>>
    %dma_wait3A_189 = arith.constant 0 : i32
    %dma_wait3A_190 = arith.constant 0 : i32
    %dma_wait3A_191 = tpu.memref_slice %arg2[%dma_wait3A_189, %dma_wait3A_190] : memref<8192x1024xf32, #tpu.memory_space<hbm>> -> memref<16x1024xf32, #tpu.memory_space<hbm>>
    tpu.wait_dma2 semaphore(%arg16 : memref<!tpu.dma_semaphore, #tpu.memory_space<semaphore_mem>>) src(%dma_wait3A_191 : memref<16x1024xf32, #tpu.memory_space<hbm>>) dst(%arg13 : memref<16x1024xf32, #tpu.memory_space<vmem>>)
    %scan3A_192 = arith.constant 0 : i32
    %scan3A_193 = arith.constant 0 : i32
    %scan3A_194 = arith.constant 16 : i32
    %scan3A_195 = arith.addi %scan3A_193, %scan3A_194 : i32
    %scan3A_196 = arith.constant 1 : i32
    %scan3A_197 = scf.for %scan3A_248 = %scan3A_193 to %scan3A_195 step %scan3A_196 iter_args(%scan3A_249 = %scan3A_192) -> (i32)  : i32 {
      %get3A = arith.index_cast %scan3A_248 : i32 to index
      %get3A_250 = arith.constant 0 : index
      %get3A_251 = tpu.vector_load %arg13[%get3A, %get3A_250] {strides = array<i32>} : memref<16x1024xf32, #tpu.memory_space<vmem>>, vector<16xf32>,
      %swap3A = arith.index_cast %scan3A_248 : i32 to index
      %swap3A_252 = arith.constant 0 : index
      %swap3A_253 = tpu.vector_load %arg10[%swap3A, %swap3A_252] {strides = array<i32>} : memref<16x1024xf32, #tpu.memory_space<vmem>>, vector<16xf32>,
      tpu.vector_store %arg10[%swap3A, %swap3A_252], %get3A_251 {add = true, strides = array<i32>} : memref<16x1024xf32, #tpu.memory_space<vmem>>, vector<16xf32>,
      %get3A_254 = arith.index_cast %scan3A_248 : i32 to index
      %get3A_255 = arith.constant 16 : index
      %get3A_256 = tpu.vector_load %arg13[%get3A_254, %get3A_255] {strides = array<i32>} : memref<16x1024xf32, #tpu.memory_space<vmem>>, vector<16xf32>,
      %swap3A_257 = arith.index_cast %scan3A_248 : i32 to index
      %swap3A_258 = arith.constant 16 : index
      %swap3A_259 = tpu.vector_load %arg10[%swap3A_257, %swap3A_258] {strides = array<i32>} : memref<16x1024xf32, #tpu.memory_space<vmem>>, vector<16xf32>,
      tpu.vector_store %arg10[%swap3A_257, %swap3A_258], %get3A_256 {add = true, strides = array<i32>} : memref<16x1024xf32, #tpu.memory_space<vmem>>, vector<16xf32>,
      %get3A_260 = arith.index_cast %scan3A_248 : i32 to index
      %get3A_261 = arith.constant 32 : index
      %get3A_262 = tpu.vector_load %arg13[%get3A_260, %get3A_261] {strides = array<i32>} : memref<16x1024xf32, #tpu.memory_space<vmem>>, vector<16xf32>,
      %swap3A_263 = arith.index_cast %scan3A_248 : i32 to index
      %swap3A_264 = arith.constant 32 : index
      %swap3A_265 = tpu.vector_load %arg10[%swap3A_263, %swap3A_264] {strides = array<i32>} : memref<16x1024xf32, #tpu.memory_space<vmem>>, vector<16xf32>,
      tpu.vector_store %arg10[%swap3A_263, %swap3A_264], %get3A_262 {add = true, strides = array<i32>} : memref<16x1024xf32, #tpu.memory_space<vmem>>, vector<16xf32>,
      %get3A_266 = arith.index_cast %scan3A_248 : i32 to index
      %get3A_267 = arith.constant 48 : index
      %get3A_268 = tpu.vector_load %arg13[%get3A_266, %get3A_267] {strides = array<i32>} : memref<16x1024xf32, #tpu.memory_space<vmem>>, vector<16xf32>,
      %swap3A_269 = arith.index_cast %scan3A_248 : i32 to index
      %swap3A_270 = arith.constant 48 : index
      %swap3A_271 = tpu.vector_load %arg10[%swap3A_269, %swap3A_270] {strides = array<i32>} : memref<16x1024xf32, #tpu.memory_space<vmem>>, vector<16xf32>,
      tpu.vector_store %arg10[%swap3A_269, %swap3A_270], %get3A_268 {add = true, strides = array<i32>} : memref<16x1024xf32, #tpu.memory_space<vmem>>, vector<16xf32>,
      %get3A_272 = arith.index_cast %scan3A_248 : i32 to index
      %get3A_273 = arith.constant 64 : index
      %get3A_274 = tpu.vector_load %arg13[%get3A_272, %get3A_273] {strides = array<i32>} : memref<16x1024xf32, #tpu.memory_space<vmem>>, vector<16xf32>,
      %swap3A_275 = arith.index_cast %scan3A_248 : i32 to index
      %swap3A_276 = arith.constant 64 : index
      %swap3A_277 = tpu.vector_load %arg10[%swap3A_275, %swap3A_276] {strides = array<i32>} : memref<16x1024xf32, #tpu.memory_space<vmem>>, vector<16xf32>,
      tpu.vector_store %arg10[%swap3A_275, %swap3A_276], %get3A_274 {add = true, strides = array<i32>} : memref<16x1024xf32, #tpu.memory_space<vmem>>, vector<16xf32>,
      %get3A_278 = arith.index_cast %scan3A_248 : i32 to index
      %get3A_279 = arith.constant 80 : index
      %get3A_280 = tpu.vector_load %arg13[%get3A_278, %get3A_279] {strides = array<i32>} : memref<16x1024xf32, #tpu.memory_space<vmem>>, vector<16xf32>,
      %swap3A_281 = arith.index_cast %scan3A_248 : i32 to index
      %swap3A_282 = arith.constant 80 : index
      %swap3A_283 = tpu.vector_load %arg10[%swap3A_281, %swap3A_282] {strides = array<i32>} : memref<16x1024xf32, #tpu.memory_space<vmem>>, vector<16xf32>,
      tpu.vector_store %arg10[%swap3A_281, %swap3A_282], %get3A_280 {add = true, strides = array<i32>} : memref<16x1024xf32, #tpu.memory_space<vmem>>, vector<16xf32>,
      %get3A_284 = arith.index_cast %scan3A_248 : i32 to index
      %get3A_285 = arith.constant 96 : index
      %get3A_286 = tpu.vector_load %arg13[%get3A_284, %get3A_285] {strides = array<i32>} : memref<16x1024xf32, #tpu.memory_space<vmem>>, vector<16xf32>,
      %swap3A_287 = arith.index_cast %scan3A_248 : i32 to index
      %swap3A_288 = arith.constant 96 : index
      %swap3A_289 = tpu.vector_load %arg10[%swap3A_287, %swap3A_288] {strides = array<i32>} : memref<16x1024xf32, #tpu.memory_space<vmem>>, vector<16xf32>,
      tpu.vector_store %arg10[%swap3A_287, %swap3A_288], %get3A_286 {add = true, strides = array<i32>} : memref<16x1024xf32, #tpu.memory_space<vmem>>, vector<16xf32>,
      %get3A_290 = arith.index_cast %scan3A_248 : i32 to index
      %get3A_291 = arith.constant 112 : index
      %get3A_292 = tpu.vector_load %arg13[%get3A_290, %get3A_291] {strides = array<i32>} : memref<16x1024xf32, #tpu.memory_space<vmem>>, vector<16xf32>,
      %swap3A_293 = arith.index_cast %scan3A_248 : i32 to index
      %swap3A_294 = arith.constant 112 : index
      %swap3A_295 = tpu.vector_load %arg10[%swap3A_293, %swap3A_294] {strides = array<i32>} : memref<16x1024xf32, #tpu.memory_space<vmem>>, vector<16xf32>,
      tpu.vector_store %arg10[%swap3A_293, %swap3A_294], %get3A_292 {add = true, strides = array<i32>} : memref<16x1024xf32, #tpu.memory_space<vmem>>, vector<16xf32>,
      %get3A_296 = arith.index_cast %scan3A_248 : i32 to index
      %get3A_297 = arith.constant 128 : index
      %get3A_298 = tpu.vector_load %arg13[%get3A_296, %get3A_297] {strides = array<i32>} : memref<16x1024xf32, #tpu.memory_space<vmem>>, vector<16xf32>,
      %swap3A_299 = arith.index_cast %scan3A_248 : i32 to index
      %swap3A_300 = arith.constant 128 : index
      %swap3A_301 = tpu.vector_load %arg10[%swap3A_299, %swap3A_300] {strides = array<i32>} : memref<16x1024xf32, #tpu.memory_space<vmem>>, vector<16xf32>,
      tpu.vector_store %arg10[%swap3A_299, %swap3A_300], %get3A_298 {add = true, strides = array<i32>} : memref<16x1024xf32, #tpu.memory_space<vmem>>, vector<16xf32>,
      %get3A_302 = arith.index_cast %scan3A_248 : i32 to index
      %get3A_303 = arith.constant 144 : index
      %get3A_304 = tpu.vector_load %arg13[%get3A_302, %get3A_303] {strides = array<i32>} : memref<16x1024xf32, #tpu.memory_space<vmem>>, vector<16xf32>,
      %swap3A_305 = arith.index_cast %scan3A_248 : i32 to index
      %swap3A_306 = arith.constant 144 : index
      %swap3A_307 = tpu.vector_load %arg10[%swap3A_305, %swap3A_306] {strides = array<i32>} : memref<16x1024xf32, #tpu.memory_space<vmem>>, vector<16xf32>,
      tpu.vector_store %arg10[%swap3A_305, %swap3A_306], %get3A_304 {add = true, strides = array<i32>} : memref<16x1024xf32, #tpu.memory_space<vmem>>, vector<16xf32>,
      %get3A_308 = arith.index_cast %scan3A_248 : i32 to index
      %get3A_309 = arith.constant 160 : index
      %get3A_310 = tpu.vector_load %arg13[%get3A_308, %get3A_309] {strides = array<i32>} : memref<16x1024xf32, #tpu.memory_space<vmem>>, vector<16xf32>,
      %swap3A_311 = arith.index_cast %scan3A_248 : i32 to index
      %swap3A_312 = arith.constant 160 : index
      %swap3A_313 = tpu.vector_load %arg10[%swap3A_311, %swap3A_312] {strides = array<i32>} : memref<16x1024xf32, #tpu.memory_space<vmem>>, vector<16xf32>,
      tpu.vector_store %arg10[%swap3A_311, %swap3A_312], %get3A_310 {add = true, strides = array<i32>} : memref<16x1024xf32, #tpu.memory_space<vmem>>, vector<16xf32>,
      %get3A_314 = arith.index_cast %scan3A_248 : i32 to index
      %get3A_315 = arith.constant 176 : index
      %get3A_316 = tpu.vector_load %arg13[%get3A_314, %get3A_315] {strides = array<i32>} : memref<16x1024xf32, #tpu.memory_space<vmem>>, vector<16xf32>,
      %swap3A_317 = arith.index_cast %scan3A_248 : i32 to index
      %swap3A_318 = arith.constant 176 : index
      %swap3A_319 = tpu.vector_load %arg10[%swap3A_317, %swap3A_318] {strides = array<i32>} : memref<16x1024xf32, #tpu.memory_space<vmem>>, vector<16xf32>,
      tpu.vector_store %arg10[%swap3A_317, %swap3A_318], %get3A_316 {add = true, strides = array<i32>} : memref<16x1024xf32, #tpu.memory_space<vmem>>, vector<16xf32>,
      %get3A_320 = arith.index_cast %scan3A_248 : i32 to index
      %get3A_321 = arith.constant 192 : index
      %get3A_322 = tpu.vector_load %arg13[%get3A_320, %get3A_321] {strides = array<i32>} : memref<16x1024xf32, #tpu.memory_space<vmem>>, vector<16xf32>,
      %swap3A_323 = arith.index_cast %scan3A_248 : i32 to index
      %swap3A_324 = arith.constant 192 : index
      %swap3A_325 = tpu.vector_load %arg10[%swap3A_323, %swap3A_324] {strides = array<i32>} : memref<16x1024xf32, #tpu.memory_space<vmem>>, vector<16xf32>,
      tpu.vector_store %arg10[%swap3A_323, %swap3A_324], %get3A_322 {add = true, strides = array<i32>} : memref<16x1024xf32, #tpu.memory_space<vmem>>, vector<16xf32>,
      %get3A_326 = arith.index_cast %scan3A_248 : i32 to index
      %get3A_327 = arith.constant 208 : index
      %get3A_328 = tpu.vector_load %arg13[%get3A_326, %get3A_327] {strides = array<i32>} : memref<16x1024xf32, #tpu.memory_space<vmem>>, vector<16xf32>,
      %swap3A_329 = arith.index_cast %scan3A_248 : i32 to index
      %swap3A_330 = arith.constant 208 : index
      %swap3A_331 = tpu.vector_load %arg10[%swap3A_329, %swap3A_330] {strides = array<i32>} : memref<16x1024xf32, #tpu.memory_space<vmem>>, vector<16xf32>,
      tpu.vector_store %arg10[%swap3A_329, %swap3A_330], %get3A_328 {add = true, strides = array<i32>} : memref<16x1024xf32, #tpu.memory_space<vmem>>, vector<16xf32>,
      %get3A_332 = arith.index_cast %scan3A_248 : i32 to index
      %get3A_333 = arith.constant 224 : index
      %get3A_334 = tpu.vector_load %arg13[%get3A_332, %get3A_333] {strides = array<i32>} : memref<16x1024xf32, #tpu.memory_space<vmem>>, vector<16xf32>,
      %swap3A_335 = arith.index_cast %scan3A_248 : i32 to index
      %swap3A_336 = arith.constant 224 : index
      %swap3A_337 = tpu.vector_load %arg10[%swap3A_335, %swap3A_336] {strides = array<i32>} : memref<16x1024xf32, #tpu.memory_space<vmem>>, vector<16xf32>,
      tpu.vector_store %arg10[%swap3A_335, %swap3A_336], %get3A_334 {add = true, strides = array<i32>} : memref<16x1024xf32, #tpu.memory_space<vmem>>, vector<16xf32>,
      %get3A_338 = arith.index_cast %scan3A_248 : i32 to index
      %get3A_339 = arith.constant 240 : index
      %get3A_340 = tpu.vector_load %arg13[%get3A_338, %get3A_339] {strides = array<i32>} : memref<16x1024xf32, #tpu.memory_space<vmem>>, vector<16xf32>,
      %swap3A_341 = arith.index_cast %scan3A_248 : i32 to index
      %swap3A_342 = arith.constant 240 : index
      %swap3A_343 = tpu.vector_load %arg10[%swap3A_341, %swap3A_342] {strides = array<i32>} : memref<16x1024xf32, #tpu.memory_space<vmem>>, vector<16xf32>,
      tpu.vector_store %arg10[%swap3A_341, %swap3A_342], %get3A_340 {add = true, strides = array<i32>} : memref<16x1024xf32, #tpu.memory_space<vmem>>, vector<16xf32>,
      %get3A_344 = arith.index_cast %scan3A_248 : i32 to index
      %get3A_345 = arith.constant 256 : index
      %get3A_346 = tpu.vector_load %arg13[%get3A_344, %get3A_345] {strides = array<i32>} : memref<16x1024xf32, #tpu.memory_space<vmem>>, vector<16xf32>,
      %swap3A_347 = arith.index_cast %scan3A_248 : i32 to index
      %swap3A_348 = arith.constant 256 : index
      %swap3A_349 = tpu.vector_load %arg10[%swap3A_347, %swap3A_348] {strides = array<i32>} : memref<16x1024xf32, #tpu.memory_space<vmem>>, vector<16xf32>,
      tpu.vector_store %arg10[%swap3A_347, %swap3A_348], %get3A_346 {add = true, strides = array<i32>} : memref<16x1024xf32, #tpu.memory_space<vmem>>, vector<16xf32>,
      %get3A_350 = arith.index_cast %scan3A_248 : i32 to index
      %get3A_351 = arith.constant 272 : index
      %get3A_352 = tpu.vector_load %arg13[%get3A_350, %get3A_351] {strides = array<i32>} : memref<16x1024xf32, #tpu.memory_space<vmem>>, vector<16xf32>,
      %swap3A_353 = arith.index_cast %scan3A_248 : i32 to index
      %swap3A_354 = arith.constant 272 : index
      %swap3A_355 = tpu.vector_load %arg10[%swap3A_353, %swap3A_354] {strides = array<i32>} : memref<16x1024xf32, #tpu.memory_space<vmem>>, vector<16xf32>,
      tpu.vector_store %arg10[%swap3A_353, %swap3A_354], %get3A_352 {add = true, strides = array<i32>} : memref<16x1024xf32, #tpu.memory_space<vmem>>, vector<16xf32>,
      %get3A_356 = arith.index_cast %scan3A_248 : i32 to index
      %get3A_357 = arith.constant 288 : index
      %get3A_358 = tpu.vector_load %arg13[%get3A_356, %get3A_357] {strides = array<i32>} : memref<16x1024xf32, #tpu.memory_space<vmem>>, vector<16xf32>,
      %swap3A_359 = arith.index_cast %scan3A_248 : i32 to index
      %swap3A_360 = arith.constant 288 : index
      %swap3A_361 = tpu.vector_load %arg10[%swap3A_359, %swap3A_360] {strides = array<i32>} : memref<16x1024xf32, #tpu.memory_space<vmem>>, vector<16xf32>,
      tpu.vector_store %arg10[%swap3A_359, %swap3A_360], %get3A_358 {add = true, strides = array<i32>} : memref<16x1024xf32, #tpu.memory_space<vmem>>, vector<16xf32>,
      %get3A_362 = arith.index_cast %scan3A_248 : i32 to index
      %get3A_363 = arith.constant 304 : index
      %get3A_364 = tpu.vector_load %arg13[%get3A_362, %get3A_363] {strides = array<i32>} : memref<16x1024xf32, #tpu.memory_space<vmem>>, vector<16xf32>,
      %swap3A_365 = arith.index_cast %scan3A_248 : i32 to index
      %swap3A_366 = arith.constant 304 : index
      %swap3A_367 = tpu.vector_load %arg10[%swap3A_365, %swap3A_366] {strides = array<i32>} : memref<16x1024xf32, #tpu.memory_space<vmem>>, vector<16xf32>,
      tpu.vector_store %arg10[%swap3A_365, %swap3A_366], %get3A_364 {add = true, strides = array<i32>} : memref<16x1024xf32, #tpu.memory_space<vmem>>, vector<16xf32>,
      %get3A_368 = arith.index_cast %scan3A_248 : i32 to index
      %get3A_369 = arith.constant 320 : index
      %get3A_370 = tpu.vector_load %arg13[%get3A_368, %get3A_369] {strides = array<i32>} : memref<16x1024xf32, #tpu.memory_space<vmem>>, vector<16xf32>,
      %swap3A_371 = arith.index_cast %scan3A_248 : i32 to index
      %swap3A_372 = arith.constant 320 : index
      %swap3A_373 = tpu.vector_load %arg10[%swap3A_371, %swap3A_372] {strides = array<i32>} : memref<16x1024xf32, #tpu.memory_space<vmem>>, vector<16xf32>,
      tpu.vector_store %arg10[%swap3A_371, %swap3A_372], %get3A_370 {add = true, strides = array<i32>} : memref<16x1024xf32, #tpu.memory_space<vmem>>, vector<16xf32>,
      %get3A_374 = arith.index_cast %scan3A_248 : i32 to index
      %get3A_375 = arith.constant 336 : index
      %get3A_376 = tpu.vector_load %arg13[%get3A_374, %get3A_375] {strides = array<i32>} : memref<16x1024xf32, #tpu.memory_space<vmem>>, vector<16xf32>,
      %swap3A_377 = arith.index_cast %scan3A_248 : i32 to index
      %swap3A_378 = arith.constant 336 : index
      %swap3A_379 = tpu.vector_load %arg10[%swap3A_377, %swap3A_378] {strides = array<i32>} : memref<16x1024xf32, #tpu.memory_space<vmem>>, vector<16xf32>,
      tpu.vector_store %arg10[%swap3A_377, %swap3A_378], %get3A_376 {add = true, strides = array<i32>} : memref<16x1024xf32, #tpu.memory_space<vmem>>, vector<16xf32>,
      %get3A_380 = arith.index_cast %scan3A_248 : i32 to index
      %get3A_381 = arith.constant 352 : index
      %get3A_382 = tpu.vector_load %arg13[%get3A_380, %get3A_381] {strides = array<i32>} : memref<16x1024xf32, #tpu.memory_space<vmem>>, vector<16xf32>,
      %swap3A_383 = arith.index_cast %scan3A_248 : i32 to index
      %swap3A_384 = arith.constant 352 : index
      %swap3A_385 = tpu.vector_load %arg10[%swap3A_383, %swap3A_384] {strides = array<i32>} : memref<16x1024xf32, #tpu.memory_space<vmem>>, vector<16xf32>,
      tpu.vector_store %arg10[%swap3A_383, %swap3A_384], %get3A_382 {add = true, strides = array<i32>} : memref<16x1024xf32, #tpu.memory_space<vmem>>, vector<16xf32>,
      %get3A_386 = arith.index_cast %scan3A_248 : i32 to index
      %get3A_387 = arith.constant 368 : index
      %get3A_388 = tpu.vector_load %arg13[%get3A_386, %get3A_387] {strides = array<i32>} : memref<16x1024xf32, #tpu.memory_space<vmem>>, vector<16xf32>,
      %swap3A_389 = arith.index_cast %scan3A_248 : i32 to index
      %swap3A_390 = arith.constant 368 : index
      %swap3A_391 = tpu.vector_load %arg10[%swap3A_389, %swap3A_390] {strides = array<i32>} : memref<16x1024xf32, #tpu.memory_space<vmem>>, vector<16xf32>,
      tpu.vector_store %arg10[%swap3A_389, %swap3A_390], %get3A_388 {add = true, strides = array<i32>} : memref<16x1024xf32, #tpu.memory_space<vmem>>, vector<16xf32>,
      %get3A_392 = arith.index_cast %scan3A_248 : i32 to index
      %get3A_393 = arith.constant 384 : index
      %get3A_394 = tpu.vector_load %arg13[%get3A_392, %get3A_393] {strides = array<i32>} : memref<16x1024xf32, #tpu.memory_space<vmem>>, vector<16xf32>,
      %swap3A_395 = arith.index_cast %scan3A_248 : i32 to index
      %swap3A_396 = arith.constant 384 : index
      %swap3A_397 = tpu.vector_load %arg10[%swap3A_395, %swap3A_396] {strides = array<i32>} : memref<16x1024xf32, #tpu.memory_space<vmem>>, vector<16xf32>,
      tpu.vector_store %arg10[%swap3A_395, %swap3A_396], %get3A_394 {add = true, strides = array<i32>} : memref<16x1024xf32, #tpu.memory_space<vmem>>, vector<16xf32>,
      %get3A_398 = arith.index_cast %scan3A_248 : i32 to index
      %get3A_399 = arith.constant 400 : index
      %get3A_400 = tpu.vector_load %arg13[%get3A_398, %get3A_399] {strides = array<i32>} : memref<16x1024xf32, #tpu.memory_space<vmem>>, vector<16xf32>,
      %swap3A_401 = arith.index_cast %scan3A_248 : i32 to index
      %swap3A_402 = arith.constant 400 : index
      %swap3A_403 = tpu.vector_load %arg10[%swap3A_401, %swap3A_402] {strides = array<i32>} : memref<16x1024xf32, #tpu.memory_space<vmem>>, vector<16xf32>,
      tpu.vector_store %arg10[%swap3A_401, %swap3A_402], %get3A_400 {add = true, strides = array<i32>} : memref<16x1024xf32, #tpu.memory_space<vmem>>, vector<16xf32>,
      %get3A_404 = arith.index_cast %scan3A_248 : i32 to index
      %get3A_405 = arith.constant 416 : index
      %get3A_406 = tpu.vector_load %arg13[%get3A_404, %get3A_405] {strides = array<i32>} : memref<16x1024xf32, #tpu.memory_space<vmem>>, vector<16xf32>,
      %swap3A_407 = arith.index_cast %scan3A_248 : i32 to index
      %swap3A_408 = arith.constant 416 : index
      %swap3A_409 = tpu.vector_load %arg10[%swap3A_407, %swap3A_408] {strides = array<i32>} : memref<16x1024xf32, #tpu.memory_space<vmem>>, vector<16xf32>,
      tpu.vector_store %arg10[%swap3A_407, %swap3A_408], %get3A_406 {add = true, strides = array<i32>} : memref<16x1024xf32, #tpu.memory_space<vmem>>, vector<16xf32>,
      %get3A_410 = arith.index_cast %scan3A_248 : i32 to index
      %get3A_411 = arith.constant 432 : index
      %get3A_412 = tpu.vector_load %arg13[%get3A_410, %get3A_411] {strides = array<i32>} : memref<16x1024xf32, #tpu.memory_space<vmem>>, vector<16xf32>,
      %swap3A_413 = arith.index_cast %scan3A_248 : i32 to index
      %swap3A_414 = arith.constant 432 : index
      %swap3A_415 = tpu.vector_load %arg10[%swap3A_413, %swap3A_414] {strides = array<i32>} : memref<16x1024xf32, #tpu.memory_space<vmem>>, vector<16xf32>,
      tpu.vector_store %arg10[%swap3A_413, %swap3A_414], %get3A_412 {add = true, strides = array<i32>} : memref<16x1024xf32, #tpu.memory_space<vmem>>, vector<16xf32>,
      %get3A_416 = arith.index_cast %scan3A_248 : i32 to index
      %get3A_417 = arith.constant 448 : index
      %get3A_418 = tpu.vector_load %arg13[%get3A_416, %get3A_417] {strides = array<i32>} : memref<16x1024xf32, #tpu.memory_space<vmem>>, vector<16xf32>,
      %swap3A_419 = arith.index_cast %scan3A_248 : i32 to index
      %swap3A_420 = arith.constant 448 : index
      %swap3A_421 = tpu.vector_load %arg10[%swap3A_419, %swap3A_420] {strides = array<i32>} : memref<16x1024xf32, #tpu.memory_space<vmem>>, vector<16xf32>,
      tpu.vector_store %arg10[%swap3A_419, %swap3A_420], %get3A_418 {add = true, strides = array<i32>} : memref<16x1024xf32, #tpu.memory_space<vmem>>, vector<16xf32>,
      %get3A_422 = arith.index_cast %scan3A_248 : i32 to index
      %get3A_423 = arith.constant 464 : index
      %get3A_424 = tpu.vector_load %arg13[%get3A_422, %get3A_423] {strides = array<i32>} : memref<16x1024xf32, #tpu.memory_space<vmem>>, vector<16xf32>,
      %swap3A_425 = arith.index_cast %scan3A_248 : i32 to index
      %swap3A_426 = arith.constant 464 : index
      %swap3A_427 = tpu.vector_load %arg10[%swap3A_425, %swap3A_426] {strides = array<i32>} : memref<16x1024xf32, #tpu.memory_space<vmem>>, vector<16xf32>,
      tpu.vector_store %arg10[%swap3A_425, %swap3A_426], %get3A_424 {add = true, strides = array<i32>} : memref<16x1024xf32, #tpu.memory_space<vmem>>, vector<16xf32>,
      %get3A_428 = arith.index_cast %scan3A_248 : i32 to index
      %get3A_429 = arith.constant 480 : index
      %get3A_430 = tpu.vector_load %arg13[%get3A_428, %get3A_429] {strides = array<i32>} : memref<16x1024xf32, #tpu.memory_space<vmem>>, vector<16xf32>,
      %swap3A_431 = arith.index_cast %scan3A_248 : i32 to index
      %swap3A_432 = arith.constant 480 : index
      %swap3A_433 = tpu.vector_load %arg10[%swap3A_431, %swap3A_432] {strides = array<i32>} : memref<16x1024xf32, #tpu.memory_space<vmem>>, vector<16xf32>,
      tpu.vector_store %arg10[%swap3A_431, %swap3A_432], %get3A_430 {add = true, strides = array<i32>} : memref<16x1024xf32, #tpu.memory_space<vmem>>, vector<16xf32>,
      %get3A_434 = arith.index_cast %scan3A_248 : i32 to index
      %get3A_435 = arith.constant 496 : index
      %get3A_436 = tpu.vector_load %arg13[%get3A_434, %get3A_435] {strides = array<i32>} : memref<16x1024xf32, #tpu.memory_space<vmem>>, vector<16xf32>,
      %swap3A_437 = arith.index_cast %scan3A_248 : i32 to index
      %swap3A_438 = arith.constant 496 : index
      %swap3A_439 = tpu.vector_load %arg10[%swap3A_437, %swap3A_438] {strides = array<i32>} : memref<16x1024xf32, #tpu.memory_space<vmem>>, vector<16xf32>,
      tpu.vector_store %arg10[%swap3A_437, %swap3A_438], %get3A_436 {add = true, strides = array<i32>} : memref<16x1024xf32, #tpu.memory_space<vmem>>, vector<16xf32>,
      %get3A_440 = arith.index_cast %scan3A_248 : i32 to index
      %get3A_441 = arith.constant 512 : index
      %get3A_442 = tpu.vector_load %arg13[%get3A_440, %get3A_441] {strides = array<i32>} : memref<16x1024xf32, #tpu.memory_space<vmem>>, vector<16xf32>,
      %swap3A_443 = arith.index_cast %scan3A_248 : i32 to index
      %swap3A_444 = arith.constant 512 : index
      %swap3A_445 = tpu.vector_load %arg10[%swap3A_443, %swap3A_444] {strides = array<i32>} : memref<16x1024xf32, #tpu.memory_space<vmem>>, vector<16xf32>,
      tpu.vector_store %arg10[%swap3A_443, %swap3A_444], %get3A_442 {add = true, strides = array<i32>} : memref<16x1024xf32, #tpu.memory_space<vmem>>, vector<16xf32>,
      %get3A_446 = arith.index_cast %scan3A_248 : i32 to index
      %get3A_447 = arith.constant 528 : index
      %get3A_448 = tpu.vector_load %arg13[%get3A_446, %get3A_447] {strides = array<i32>} : memref<16x1024xf32, #tpu.memory_space<vmem>>, vector<16xf32>,
      %swap3A_449 = arith.index_cast %scan3A_248 : i32 to index
      %swap3A_450 = arith.constant 528 : index
      %swap3A_451 = tpu.vector_load %arg10[%swap3A_449, %swap3A_450] {strides = array<i32>} : memref<16x1024xf32, #tpu.memory_space<vmem>>, vector<16xf32>,
      tpu.vector_store %arg10[%swap3A_449, %swap3A_450], %get3A_448 {add = true, strides = array<i32>} : memref<16x1024xf32, #tpu.memory_space<vmem>>, vector<16xf32>,
      %get3A_452 = arith.index_cast %scan3A_248 : i32 to index
      %get3A_453 = arith.constant 544 : index
      %get3A_454 = tpu.vector_load %arg13[%get3A_452, %get3A_453] {strides = array<i32>} : memref<16x1024xf32, #tpu.memory_space<vmem>>, vector<16xf32>,
      %swap3A_455 = arith.index_cast %scan3A_248 : i32 to index
      %swap3A_456 = arith.constant 544 : index
      %swap3A_457 = tpu.vector_load %arg10[%swap3A_455, %swap3A_456] {strides = array<i32>} : memref<16x1024xf32, #tpu.memory_space<vmem>>, vector<16xf32>,
      tpu.vector_store %arg10[%swap3A_455, %swap3A_456], %get3A_454 {add = true, strides = array<i32>} : memref<16x1024xf32, #tpu.memory_space<vmem>>, vector<16xf32>,
      %get3A_458 = arith.index_cast %scan3A_248 : i32 to index
      %get3A_459 = arith.constant 560 : index
      %get3A_460 = tpu.vector_load %arg13[%get3A_458, %get3A_459] {strides = array<i32>} : memref<16x1024xf32, #tpu.memory_space<vmem>>, vector<16xf32>,
      %swap3A_461 = arith.index_cast %scan3A_248 : i32 to index
      %swap3A_462 = arith.constant 560 : index
      %swap3A_463 = tpu.vector_load %arg10[%swap3A_461, %swap3A_462] {strides = array<i32>} : memref<16x1024xf32, #tpu.memory_space<vmem>>, vector<16xf32>,
      tpu.vector_store %arg10[%swap3A_461, %swap3A_462], %get3A_460 {add = true, strides = array<i32>} : memref<16x1024xf32, #tpu.memory_space<vmem>>, vector<16xf32>,
      %get3A_464 = arith.index_cast %scan3A_248 : i32 to index
      %get3A_465 = arith.constant 576 : index
      %get3A_466 = tpu.vector_load %arg13[%get3A_464, %get3A_465] {strides = array<i32>} : memref<16x1024xf32, #tpu.memory_space<vmem>>, vector<16xf32>,
      %swap3A_467 = arith.index_cast %scan3A_248 : i32 to index
      %swap3A_468 = arith.constant 576 : index
      %swap3A_469 = tpu.vector_load %arg10[%swap3A_467, %swap3A_468] {strides = array<i32>} : memref<16x1024xf32, #tpu.memory_space<vmem>>, vector<16xf32>,
      tpu.vector_store %arg10[%swap3A_467, %swap3A_468], %get3A_466 {add = true, strides = array<i32>} : memref<16x1024xf32, #tpu.memory_space<vmem>>, vector<16xf32>,
      %get3A_470 = arith.index_cast %scan3A_248 : i32 to index
      %get3A_471 = arith.constant 592 : index
      %get3A_472 = tpu.vector_load %arg13[%get3A_470, %get3A_471] {strides = array<i32>} : memref<16x1024xf32, #tpu.memory_space<vmem>>, vector<16xf32>,
      %swap3A_473 = arith.index_cast %scan3A_248 : i32 to index
      %swap3A_474 = arith.constant 592 : index
      %swap3A_475 = tpu.vector_load %arg10[%swap3A_473, %swap3A_474] {strides = array<i32>} : memref<16x1024xf32, #tpu.memory_space<vmem>>, vector<16xf32>,
      tpu.vector_store %arg10[%swap3A_473, %swap3A_474], %get3A_472 {add = true, strides = array<i32>} : memref<16x1024xf32, #tpu.memory_space<vmem>>, vector<16xf32>,
      %get3A_476 = arith.index_cast %scan3A_248 : i32 to index
      %get3A_477 = arith.constant 608 : index
      %get3A_478 = tpu.vector_load %arg13[%get3A_476, %get3A_477] {strides = array<i32>} : memref<16x1024xf32, #tpu.memory_space<vmem>>, vector<16xf32>,
      %swap3A_479 = arith.index_cast %scan3A_248 : i32 to index
      %swap3A_480 = arith.constant 608 : index
      %swap3A_481 = tpu.vector_load %arg10[%swap3A_479, %swap3A_480] {strides = array<i32>} : memref<16x1024xf32, #tpu.memory_space<vmem>>, vector<16xf32>,
      tpu.vector_store %arg10[%swap3A_479, %swap3A_480], %get3A_478 {add = true, strides = array<i32>} : memref<16x1024xf32, #tpu.memory_space<vmem>>, vector<16xf32>,
      %get3A_482 = arith.index_cast %scan3A_248 : i32 to index
      %get3A_483 = arith.constant 624 : index
      %get3A_484 = tpu.vector_load %arg13[%get3A_482, %get3A_483] {strides = array<i32>} : memref<16x1024xf32, #tpu.memory_space<vmem>>, vector<16xf32>,
      %swap3A_485 = arith.index_cast %scan3A_248 : i32 to index
      %swap3A_486 = arith.constant 624 : index
      %swap3A_487 = tpu.vector_load %arg10[%swap3A_485, %swap3A_486] {strides = array<i32>} : memref<16x1024xf32, #tpu.memory_space<vmem>>, vector<16xf32>,
      tpu.vector_store %arg10[%swap3A_485, %swap3A_486], %get3A_484 {add = true, strides = array<i32>} : memref<16x1024xf32, #tpu.memory_space<vmem>>, vector<16xf32>,
      %get3A_488 = arith.index_cast %scan3A_248 : i32 to index
      %get3A_489 = arith.constant 640 : index
      %get3A_490 = tpu.vector_load %arg13[%get3A_488, %get3A_489] {strides = array<i32>} : memref<16x1024xf32, #tpu.memory_space<vmem>>, vector<16xf32>,
      %swap3A_491 = arith.index_cast %scan3A_248 : i32 to index
      %swap3A_492 = arith.constant 640 : index
      %swap3A_493 = tpu.vector_load %arg10[%swap3A_491, %swap3A_492] {strides = array<i32>} : memref<16x1024xf32, #tpu.memory_space<vmem>>, vector<16xf32>,
      tpu.vector_store %arg10[%swap3A_491, %swap3A_492], %get3A_490 {add = true, strides = array<i32>} : memref<16x1024xf32, #tpu.memory_space<vmem>>, vector<16xf32>,
      %get3A_494 = arith.index_cast %scan3A_248 : i32 to index
      %get3A_495 = arith.constant 656 : index
      %get3A_496 = tpu.vector_load %arg13[%get3A_494, %get3A_495] {strides = array<i32>} : memref<16x1024xf32, #tpu.memory_space<vmem>>, vector<16xf32>,
      %swap3A_497 = arith.index_cast %scan3A_248 : i32 to index
      %swap3A_498 = arith.constant 656 : index
      %swap3A_499 = tpu.vector_load %arg10[%swap3A_497, %swap3A_498] {strides = array<i32>} : memref<16x1024xf32, #tpu.memory_space<vmem>>, vector<16xf32>,
      tpu.vector_store %arg10[%swap3A_497, %swap3A_498], %get3A_496 {add = true, strides = array<i32>} : memref<16x1024xf32, #tpu.memory_space<vmem>>, vector<16xf32>,
      %get3A_500 = arith.index_cast %scan3A_248 : i32 to index
      %get3A_501 = arith.constant 672 : index
      %get3A_502 = tpu.vector_load %arg13[%get3A_500, %get3A_501] {strides = array<i32>} : memref<16x1024xf32, #tpu.memory_space<vmem>>, vector<16xf32>,
      %swap3A_503 = arith.index_cast %scan3A_248 : i32 to index
      %swap3A_504 = arith.constant 672 : index
      %swap3A_505 = tpu.vector_load %arg10[%swap3A_503, %swap3A_504] {strides = array<i32>} : memref<16x1024xf32, #tpu.memory_space<vmem>>, vector<16xf32>,
      tpu.vector_store %arg10[%swap3A_503, %swap3A_504], %get3A_502 {add = true, strides = array<i32>} : memref<16x1024xf32, #tpu.memory_space<vmem>>, vector<16xf32>,
      %get3A_506 = arith.index_cast %scan3A_248 : i32 to index
      %get3A_507 = arith.constant 688 : index
      %get3A_508 = tpu.vector_load %arg13[%get3A_506, %get3A_507] {strides = array<i32>} : memref<16x1024xf32, #tpu.memory_space<vmem>>, vector<16xf32>,
      %swap3A_509 = arith.index_cast %scan3A_248 : i32 to index
      %swap3A_510 = arith.constant 688 : index
      %swap3A_511 = tpu.vector_load %arg10[%swap3A_509, %swap3A_510] {strides = array<i32>} : memref<16x1024xf32, #tpu.memory_space<vmem>>, vector<16xf32>,
      tpu.vector_store %arg10[%swap3A_509, %swap3A_510], %get3A_508 {add = true, strides = array<i32>} : memref<16x1024xf32, #tpu.memory_space<vmem>>, vector<16xf32>,
      %get3A_512 = arith.index_cast %scan3A_248 : i32 to index
      %get3A_513 = arith.constant 704 : index
      %get3A_514 = tpu.vector_load %arg13[%get3A_512, %get3A_513] {strides = array<i32>} : memref<16x1024xf32, #tpu.memory_space<vmem>>, vector<16xf32>,
      %swap3A_515 = arith.index_cast %scan3A_248 : i32 to index
      %swap3A_516 = arith.constant 704 : index
      %swap3A_517 = tpu.vector_load %arg10[%swap3A_515, %swap3A_516] {strides = array<i32>} : memref<16x1024xf32, #tpu.memory_space<vmem>>, vector<16xf32>,
      tpu.vector_store %arg10[%swap3A_515, %swap3A_516], %get3A_514 {add = true, strides = array<i32>} : memref<16x1024xf32, #tpu.memory_space<vmem>>, vector<16xf32>,
      %get3A_518 = arith.index_cast %scan3A_248 : i32 to index
      %get3A_519 = arith.constant 720 : index
      %get3A_520 = tpu.vector_load %arg13[%get3A_518, %get3A_519] {strides = array<i32>} : memref<16x1024xf32, #tpu.memory_space<vmem>>, vector<16xf32>,
      %swap3A_521 = arith.index_cast %scan3A_248 : i32 to index
      %swap3A_522 = arith.constant 720 : index
      %swap3A_523 = tpu.vector_load %arg10[%swap3A_521, %swap3A_522] {strides = array<i32>} : memref<16x1024xf32, #tpu.memory_space<vmem>>, vector<16xf32>,
      tpu.vector_store %arg10[%swap3A_521, %swap3A_522], %get3A_520 {add = true, strides = array<i32>} : memref<16x1024xf32, #tpu.memory_space<vmem>>, vector<16xf32>,
      %get3A_524 = arith.index_cast %scan3A_248 : i32 to index
      %get3A_525 = arith.constant 736 : index
      %get3A_526 = tpu.vector_load %arg13[%get3A_524, %get3A_525] {strides = array<i32>} : memref<16x1024xf32, #tpu.memory_space<vmem>>, vector<16xf32>,
      %swap3A_527 = arith.index_cast %scan3A_248 : i32 to index
      %swap3A_528 = arith.constant 736 : index
      %swap3A_529 = tpu.vector_load %arg10[%swap3A_527, %swap3A_528] {strides = array<i32>} : memref<16x1024xf32, #tpu.memory_space<vmem>>, vector<16xf32>,
      tpu.vector_store %arg10[%swap3A_527, %swap3A_528], %get3A_526 {add = true, strides = array<i32>} : memref<16x1024xf32, #tpu.memory_space<vmem>>, vector<16xf32>,
      %get3A_530 = arith.index_cast %scan3A_248 : i32 to index
      %get3A_531 = arith.constant 752 : index
      %get3A_532 = tpu.vector_load %arg13[%get3A_530, %get3A_531] {strides = array<i32>} : memref<16x1024xf32, #tpu.memory_space<vmem>>, vector<16xf32>,
      %swap3A_533 = arith.index_cast %scan3A_248 : i32 to index
      %swap3A_534 = arith.constant 752 : index
      %swap3A_535 = tpu.vector_load %arg10[%swap3A_533, %swap3A_534] {strides = array<i32>} : memref<16x1024xf32, #tpu.memory_space<vmem>>, vector<16xf32>,
      tpu.vector_store %arg10[%swap3A_533, %swap3A_534], %get3A_532 {add = true, strides = array<i32>} : memref<16x1024xf32, #tpu.memory_space<vmem>>, vector<16xf32>,
      %get3A_536 = arith.index_cast %scan3A_248 : i32 to index
      %get3A_537 = arith.constant 768 : index
      %get3A_538 = tpu.vector_load %arg13[%get3A_536, %get3A_537] {strides = array<i32>} : memref<16x1024xf32, #tpu.memory_space<vmem>>, vector<16xf32>,
      %swap3A_539 = arith.index_cast %scan3A_248 : i32 to index
      %swap3A_540 = arith.constant 768 : index
      %swap3A_541 = tpu.vector_load %arg10[%swap3A_539, %swap3A_540] {strides = array<i32>} : memref<16x1024xf32, #tpu.memory_space<vmem>>, vector<16xf32>,
      tpu.vector_store %arg10[%swap3A_539, %swap3A_540], %get3A_538 {add = true, strides = array<i32>} : memref<16x1024xf32, #tpu.memory_space<vmem>>, vector<16xf32>,
      %get3A_542 = arith.index_cast %scan3A_248 : i32 to index
      %get3A_543 = arith.constant 784 : index
      %get3A_544 = tpu.vector_load %arg13[%get3A_542, %get3A_543] {strides = array<i32>} : memref<16x1024xf32, #tpu.memory_space<vmem>>, vector<16xf32>,
      %swap3A_545 = arith.index_cast %scan3A_248 : i32 to index
      %swap3A_546 = arith.constant 784 : index
      %swap3A_547 = tpu.vector_load %arg10[%swap3A_545, %swap3A_546] {strides = array<i32>} : memref<16x1024xf32, #tpu.memory_space<vmem>>, vector<16xf32>,
      tpu.vector_store %arg10[%swap3A_545, %swap3A_546], %get3A_544 {add = true, strides = array<i32>} : memref<16x1024xf32, #tpu.memory_space<vmem>>, vector<16xf32>,
      %get3A_548 = arith.index_cast %scan3A_248 : i32 to index
      %get3A_549 = arith.constant 800 : index
      %get3A_550 = tpu.vector_load %arg13[%get3A_548, %get3A_549] {strides = array<i32>} : memref<16x1024xf32, #tpu.memory_space<vmem>>, vector<16xf32>,
      %swap3A_551 = arith.index_cast %scan3A_248 : i32 to index
      %swap3A_552 = arith.constant 800 : index
      %swap3A_553 = tpu.vector_load %arg10[%swap3A_551, %swap3A_552] {strides = array<i32>} : memref<16x1024xf32, #tpu.memory_space<vmem>>, vector<16xf32>,
      tpu.vector_store %arg10[%swap3A_551, %swap3A_552], %get3A_550 {add = true, strides = array<i32>} : memref<16x1024xf32, #tpu.memory_space<vmem>>, vector<16xf32>,
      %get3A_554 = arith.index_cast %scan3A_248 : i32 to index
      %get3A_555 = arith.constant 816 : index
      %get3A_556 = tpu.vector_load %arg13[%get3A_554, %get3A_555] {strides = array<i32>} : memref<16x1024xf32, #tpu.memory_space<vmem>>, vector<16xf32>,
      %swap3A_557 = arith.index_cast %scan3A_248 : i32 to index
      %swap3A_558 = arith.constant 816 : index
      %swap3A_559 = tpu.vector_load %arg10[%swap3A_557, %swap3A_558] {strides = array<i32>} : memref<16x1024xf32, #tpu.memory_space<vmem>>, vector<16xf32>,
      tpu.vector_store %arg10[%swap3A_557, %swap3A_558], %get3A_556 {add = true, strides = array<i32>} : memref<16x1024xf32, #tpu.memory_space<vmem>>, vector<16xf32>,
      %get3A_560 = arith.index_cast %scan3A_248 : i32 to index
      %get3A_561 = arith.constant 832 : index
      %get3A_562 = tpu.vector_load %arg13[%get3A_560, %get3A_561] {strides = array<i32>} : memref<16x1024xf32, #tpu.memory_space<vmem>>, vector<16xf32>,
      %swap3A_563 = arith.index_cast %scan3A_248 : i32 to index
      %swap3A_564 = arith.constant 832 : index
      %swap3A_565 = tpu.vector_load %arg10[%swap3A_563, %swap3A_564] {strides = array<i32>} : memref<16x1024xf32, #tpu.memory_space<vmem>>, vector<16xf32>,
      tpu.vector_store %arg10[%swap3A_563, %swap3A_564], %get3A_562 {add = true, strides = array<i32>} : memref<16x1024xf32, #tpu.memory_space<vmem>>, vector<16xf32>,
      %get3A_566 = arith.index_cast %scan3A_248 : i32 to index
      %get3A_567 = arith.constant 848 : index
      %get3A_568 = tpu.vector_load %arg13[%get3A_566, %get3A_567] {strides = array<i32>} : memref<16x1024xf32, #tpu.memory_space<vmem>>, vector<16xf32>,
      %swap3A_569 = arith.index_cast %scan3A_248 : i32 to index
      %swap3A_570 = arith.constant 848 : index
      %swap3A_571 = tpu.vector_load %arg10[%swap3A_569, %swap3A_570] {strides = array<i32>} : memref<16x1024xf32, #tpu.memory_space<vmem>>, vector<16xf32>,
      tpu.vector_store %arg10[%swap3A_569, %swap3A_570], %get3A_568 {add = true, strides = array<i32>} : memref<16x1024xf32, #tpu.memory_space<vmem>>, vector<16xf32>,
      %get3A_572 = arith.index_cast %scan3A_248 : i32 to index
      %get3A_573 = arith.constant 864 : index
      %get3A_574 = tpu.vector_load %arg13[%get3A_572, %get3A_573] {strides = array<i32>} : memref<16x1024xf32, #tpu.memory_space<vmem>>, vector<16xf32>,
      %swap3A_575 = arith.index_cast %scan3A_248 : i32 to index
      %swap3A_576 = arith.constant 864 : index
      %swap3A_577 = tpu.vector_load %arg10[%swap3A_575, %swap3A_576] {strides = array<i32>} : memref<16x1024xf32, #tpu.memory_space<vmem>>, vector<16xf32>,
      tpu.vector_store %arg10[%swap3A_575, %swap3A_576], %get3A_574 {add = true, strides = array<i32>} : memref<16x1024xf32, #tpu.memory_space<vmem>>, vector<16xf32>,
      %get3A_578 = arith.index_cast %scan3A_248 : i32 to index
      %get3A_579 = arith.constant 880 : index
      %get3A_580 = tpu.vector_load %arg13[%get3A_578, %get3A_579] {strides = array<i32>} : memref<16x1024xf32, #tpu.memory_space<vmem>>, vector<16xf32>,
      %swap3A_581 = arith.index_cast %scan3A_248 : i32 to index
      %swap3A_582 = arith.constant 880 : index
      %swap3A_583 = tpu.vector_load %arg10[%swap3A_581, %swap3A_582] {strides = array<i32>} : memref<16x1024xf32, #tpu.memory_space<vmem>>, vector<16xf32>,
      tpu.vector_store %arg10[%swap3A_581, %swap3A_582], %get3A_580 {add = true, strides = array<i32>} : memref<16x1024xf32, #tpu.memory_space<vmem>>, vector<16xf32>,
      %get3A_584 = arith.index_cast %scan3A_248 : i32 to index
      %get3A_585 = arith.constant 896 : index
      %get3A_586 = tpu.vector_load %arg13[%get3A_584, %get3A_585] {strides = array<i32>} : memref<16x1024xf32, #tpu.memory_space<vmem>>, vector<16xf32>,
      %swap3A_587 = arith.index_cast %scan3A_248 : i32 to index
      %swap3A_588 = arith.constant 896 : index
      %swap3A_589 = tpu.vector_load %arg10[%swap3A_587, %swap3A_588] {strides = array<i32>} : memref<16x1024xf32, #tpu.memory_space<vmem>>, vector<16xf32>,
      tpu.vector_store %arg10[%swap3A_587, %swap3A_588], %get3A_586 {add = true, strides = array<i32>} : memref<16x1024xf32, #tpu.memory_space<vmem>>, vector<16xf32>,
      %get3A_590 = arith.index_cast %scan3A_248 : i32 to index
      %get3A_591 = arith.constant 912 : index
      %get3A_592 = tpu.vector_load %arg13[%get3A_590, %get3A_591] {strides = array<i32>} : memref<16x1024xf32, #tpu.memory_space<vmem>>, vector<16xf32>,
      %swap3A_593 = arith.index_cast %scan3A_248 : i32 to index
      %swap3A_594 = arith.constant 912 : index
      %swap3A_595 = tpu.vector_load %arg10[%swap3A_593, %swap3A_594] {strides = array<i32>} : memref<16x1024xf32, #tpu.memory_space<vmem>>, vector<16xf32>,
      tpu.vector_store %arg10[%swap3A_593, %swap3A_594], %get3A_592 {add = true, strides = array<i32>} : memref<16x1024xf32, #tpu.memory_space<vmem>>, vector<16xf32>,
      %get3A_596 = arith.index_cast %scan3A_248 : i32 to index
      %get3A_597 = arith.constant 928 : index
      %get3A_598 = tpu.vector_load %arg13[%get3A_596, %get3A_597] {strides = array<i32>} : memref<16x1024xf32, #tpu.memory_space<vmem>>, vector<16xf32>,
      %swap3A_599 = arith.index_cast %scan3A_248 : i32 to index
      %swap3A_600 = arith.constant 928 : index
      %swap3A_601 = tpu.vector_load %arg10[%swap3A_599, %swap3A_600] {strides = array<i32>} : memref<16x1024xf32, #tpu.memory_space<vmem>>, vector<16xf32>,
      tpu.vector_store %arg10[%swap3A_599, %swap3A_600], %get3A_598 {add = true, strides = array<i32>} : memref<16x1024xf32, #tpu.memory_space<vmem>>, vector<16xf32>,
      %get3A_602 = arith.index_cast %scan3A_248 : i32 to index
      %get3A_603 = arith.constant 944 : index
      %get3A_604 = tpu.vector_load %arg13[%get3A_602, %get3A_603] {strides = array<i32>} : memref<16x1024xf32, #tpu.memory_space<vmem>>, vector<16xf32>,
      %swap3A_605 = arith.index_cast %scan3A_248 : i32 to index
      %swap3A_606 = arith.constant 944 : index
      %swap3A_607 = tpu.vector_load %arg10[%swap3A_605, %swap3A_606] {strides = array<i32>} : memref<16x1024xf32, #tpu.memory_space<vmem>>, vector<16xf32>,
      tpu.vector_store %arg10[%swap3A_605, %swap3A_606], %get3A_604 {add = true, strides = array<i32>} : memref<16x1024xf32, #tpu.memory_space<vmem>>, vector<16xf32>,
      %get3A_608 = arith.index_cast %scan3A_248 : i32 to index
      %get3A_609 = arith.constant 960 : index
      %get3A_610 = tpu.vector_load %arg13[%get3A_608, %get3A_609] {strides = array<i32>} : memref<16x1024xf32, #tpu.memory_space<vmem>>, vector<16xf32>,
      %swap3A_611 = arith.index_cast %scan3A_248 : i32 to index
      %swap3A_612 = arith.constant 960 : index
      %swap3A_613 = tpu.vector_load %arg10[%swap3A_611, %swap3A_612] {strides = array<i32>} : memref<16x1024xf32, #tpu.memory_space<vmem>>, vector<16xf32>,
      tpu.vector_store %arg10[%swap3A_611, %swap3A_612], %get3A_610 {add = true, strides = array<i32>} : memref<16x1024xf32, #tpu.memory_space<vmem>>, vector<16xf32>,
      %get3A_614 = arith.index_cast %scan3A_248 : i32 to index
      %get3A_615 = arith.constant 976 : index
      %get3A_616 = tpu.vector_load %arg13[%get3A_614, %get3A_615] {strides = array<i32>} : memref<16x1024xf32, #tpu.memory_space<vmem>>, vector<16xf32>,
      %swap3A_617 = arith.index_cast %scan3A_248 : i32 to index
      %swap3A_618 = arith.constant 976 : index
      %swap3A_619 = tpu.vector_load %arg10[%swap3A_617, %swap3A_618] {strides = array<i32>} : memref<16x1024xf32, #tpu.memory_space<vmem>>, vector<16xf32>,
      tpu.vector_store %arg10[%swap3A_617, %swap3A_618], %get3A_616 {add = true, strides = array<i32>} : memref<16x1024xf32, #tpu.memory_space<vmem>>, vector<16xf32>,
      %get3A_620 = arith.index_cast %scan3A_248 : i32 to index
      %get3A_621 = arith.constant 992 : index
      %get3A_622 = tpu.vector_load %arg13[%get3A_620, %get3A_621] {strides = array<i32>} : memref<16x1024xf32, #tpu.memory_space<vmem>>, vector<16xf32>,
      %swap3A_623 = arith.index_cast %scan3A_248 : i32 to index
      %swap3A_624 = arith.constant 992 : index
      %swap3A_625 = tpu.vector_load %arg10[%swap3A_623, %swap3A_624] {strides = array<i32>} : memref<16x1024xf32, #tpu.memory_space<vmem>>, vector<16xf32>,
      tpu.vector_store %arg10[%swap3A_623, %swap3A_624], %get3A_622 {add = true, strides = array<i32>} : memref<16x1024xf32, #tpu.memory_space<vmem>>, vector<16xf32>,
      %get3A_626 = arith.index_cast %scan3A_248 : i32 to index
      %get3A_627 = arith.constant 1008 : index
      %get3A_628 = tpu.vector_load %arg13[%get3A_626, %get3A_627] {strides = array<i32>} : memref<16x1024xf32, #tpu.memory_space<vmem>>, vector<16xf32>,
      %swap3A_629 = arith.index_cast %scan3A_248 : i32 to index
      %swap3A_630 = arith.constant 1008 : index
      %swap3A_631 = tpu.vector_load %arg10[%swap3A_629, %swap3A_630] {strides = array<i32>} : memref<16x1024xf32, #tpu.memory_space<vmem>>, vector<16xf32>,
      tpu.vector_store %arg10[%swap3A_629, %swap3A_630], %get3A_628 {add = true, strides = array<i32>} : memref<16x1024xf32, #tpu.memory_space<vmem>>, vector<16xf32>,
      %scan3A_632 = arith.constant 0 : i32
      scf.yield %scan3A_632 : i32
    }
    %scan3A_198 = arith.constant 16 : i32
    %dma_wait3A_199 = arith.constant 0 : i32
    %dma_wait3A_200 = arith.constant 0 : i32
    %dma_wait3A_201 = tpu.memref_slice %arg5[%dma_wait3A_199, %dma_wait3A_200] : memref<8192x1024xf32, #tpu.memory_space<hbm>> -> memref<16x1024xf32, #tpu.memory_space<hbm>>
    %dma_wait3A_202 = arith.constant 0 : i32
    %dma_wait3A_203 = arith.constant 0 : i32
    %dma_wait3A_204 = tpu.memref_slice %arg5[%dma_wait3A_202, %dma_wait3A_203] : memref<8192x1024xf32, #tpu.memory_space<hbm>> -> memref<16x1024xf32, #tpu.memory_space<hbm>>
    tpu.wait_dma2 semaphore(%arg18 : memref<!tpu.dma_semaphore, #tpu.memory_space<semaphore_mem>>) src(%arg9 : memref<16x1024xf32, #tpu.memory_space<vmem>>) dst(%dma_wait3A_204 : memref<16x1024xf32, #tpu.memory_space<hbm>>)
    %add3A_205 = arith.constant 224 : i32
    %add3A_206 = arith.addi %mul3A_34, %add3A_205 : i32
    %dma_start3A_207 = arith.constant 0 : i32
    %dma_start3A_208 = tpu.memref_slice %arg5[%add3A_206, %dma_start3A_207] : memref<8192x1024xf32, #tpu.memory_space<hbm>> -> memref<16x1024xf32, #tpu.memory_space<hbm>>
    %dma_start3A_209 = arith.constant 0 : i32
    %dma_start3A_210 = tpu.memref_slice %arg5[%add3A_206, %dma_start3A_209] : memref<8192x1024xf32, #tpu.memory_space<hbm>> -> memref<16x1024xf32, #tpu.memory_space<hbm>>
    tpu.enqueue_dma source(%arg10 : memref<16x1024xf32, #tpu.memory_space<vmem>>) target(%dma_start3A_210 : memref<16x1024xf32, #tpu.memory_space<hbm>>) target_semaphore(%arg19 : memref<!tpu.dma_semaphore, #tpu.memory_space<semaphore_mem>>)
    %dma_wait3A_211 = arith.constant 0 : i32
    %dma_wait3A_212 = arith.constant 0 : i32
    %dma_wait3A_213 = tpu.memref_slice %arg2[%dma_wait3A_211, %dma_wait3A_212] : memref<8192x1024xf32, #tpu.memory_space<hbm>> -> memref<16x1024xf32, #tpu.memory_space<hbm>>
    %dma_wait3A_214 = arith.constant 0 : i32
    %dma_wait3A_215 = arith.constant 0 : i32
    %dma_wait3A_216 = tpu.memref_slice %arg2[%dma_wait3A_214, %dma_wait3A_215] : memref<8192x1024xf32, #tpu.memory_space<hbm>> -> memref<16x1024xf32, #tpu.memory_space<hbm>>
    tpu.wait_dma2 semaphore(%arg14 : memref<!tpu.dma_semaphore, #tpu.memory_space<semaphore_mem>>) src(%dma_wait3A_216 : memref<16x1024xf32, #tpu.memory_space<hbm>>) dst(%arg8 : memref<16x1024xf32, #tpu.memory_space<vmem>>)
    %dma_wait3A_217 = arith.constant 0 : i32
    %dma_wait3A_218 = arith.constant 0 : i32
    %dma_wait3A_219 = tpu.memref_slice %arg2[%dma_wait3A_217, %dma_wait3A_218] : memref<8192x1024xf32, #tpu.memory_space<hbm>> -> memref<16x1024xf32, #tpu.memory_space<hbm>>
    %dma_wait3A_220 = arith.constant 0 : i32
    %dma_wait3A_221 = arith.constant 0 : i32
    %dma_wait3A_222 = tpu.memref_slice %arg2[%dma_wait3A_220, %dma_wait3A_221] : memref<8192x1024xf32, #tpu.memory_space<hbm>> -> memref<16x1024xf32, #tpu.memory_space<hbm>>
    tpu.wait_dma2 semaphore(%arg14 : memref<!tpu.dma_semaphore, #tpu.memory_space<semaphore_mem>>) src(%dma_wait3A_222 : memref<16x1024xf32, #tpu.memory_space<hbm>>) dst(%arg11 : memref<16x1024xf32, #tpu.memory_space<vmem>>)
    %scan3A_223 = arith.constant 0 : i32
    %scan3A_224 = arith.constant 0 : i32
    %scan3A_225 = arith.constant 16 : i32
    %scan3A_226 = arith.addi %scan3A_224, %scan3A_225 : i32
    %scan3A_227 = arith.constant 1 : i32
    %scan3A_228 = scf.for %scan3A_248 = %scan3A_224 to %scan3A_226 step %scan3A_227 iter_args(%scan3A_249 = %scan3A_223) -> (i32)  : i32 {
      %get3A = arith.index_cast %scan3A_248 : i32 to index
      %get3A_250 = arith.constant 0 : index
      %get3A_251 = tpu.vector_load %arg11[%get3A, %get3A_250] {strides = array<i32>} : memref<16x1024xf32, #tpu.memory_space<vmem>>, vector<16xf32>,
      %swap3A = arith.index_cast %scan3A_248 : i32 to index
      %swap3A_252 = arith.constant 0 : index
      %swap3A_253 = tpu.vector_load %arg8[%swap3A, %swap3A_252] {strides = array<i32>} : memref<16x1024xf32, #tpu.memory_space<vmem>>, vector<16xf32>,
      tpu.vector_store %arg8[%swap3A, %swap3A_252], %get3A_251 {add = true, strides = array<i32>} : memref<16x1024xf32, #tpu.memory_space<vmem>>, vector<16xf32>,
      %get3A_254 = arith.index_cast %scan3A_248 : i32 to index
      %get3A_255 = arith.constant 16 : index
      %get3A_256 = tpu.vector_load %arg11[%get3A_254, %get3A_255] {strides = array<i32>} : memref<16x1024xf32, #tpu.memory_space<vmem>>, vector<16xf32>,
      %swap3A_257 = arith.index_cast %scan3A_248 : i32 to index
      %swap3A_258 = arith.constant 16 : index
      %swap3A_259 = tpu.vector_load %arg8[%swap3A_257, %swap3A_258] {strides = array<i32>} : memref<16x1024xf32, #tpu.memory_space<vmem>>, vector<16xf32>,
      tpu.vector_store %arg8[%swap3A_257, %swap3A_258], %get3A_256 {add = true, strides = array<i32>} : memref<16x1024xf32, #tpu.memory_space<vmem>>, vector<16xf32>,
      %get3A_260 = arith.index_cast %scan3A_248 : i32 to index
      %get3A_261 = arith.constant 32 : index
      %get3A_262 = tpu.vector_load %arg11[%get3A_260, %get3A_261] {strides = array<i32>} : memref<16x1024xf32, #tpu.memory_space<vmem>>, vector<16xf32>,
      %swap3A_263 = arith.index_cast %scan3A_248 : i32 to index
      %swap3A_264 = arith.constant 32 : index
      %swap3A_265 = tpu.vector_load %arg8[%swap3A_263, %swap3A_264] {strides = array<i32>} : memref<16x1024xf32, #tpu.memory_space<vmem>>, vector<16xf32>,
      tpu.vector_store %arg8[%swap3A_263, %swap3A_264], %get3A_262 {add = true, strides = array<i32>} : memref<16x1024xf32, #tpu.memory_space<vmem>>, vector<16xf32>,
      %get3A_266 = arith.index_cast %scan3A_248 : i32 to index
      %get3A_267 = arith.constant 48 : index
      %get3A_268 = tpu.vector_load %arg11[%get3A_266, %get3A_267] {strides = array<i32>} : memref<16x1024xf32, #tpu.memory_space<vmem>>, vector<16xf32>,
      %swap3A_269 = arith.index_cast %scan3A_248 : i32 to index
      %swap3A_270 = arith.constant 48 : index
      %swap3A_271 = tpu.vector_load %arg8[%swap3A_269, %swap3A_270] {strides = array<i32>} : memref<16x1024xf32, #tpu.memory_space<vmem>>, vector<16xf32>,
      tpu.vector_store %arg8[%swap3A_269, %swap3A_270], %get3A_268 {add = true, strides = array<i32>} : memref<16x1024xf32, #tpu.memory_space<vmem>>, vector<16xf32>,
      %get3A_272 = arith.index_cast %scan3A_248 : i32 to index
      %get3A_273 = arith.constant 64 : index
      %get3A_274 = tpu.vector_load %arg11[%get3A_272, %get3A_273] {strides = array<i32>} : memref<16x1024xf32, #tpu.memory_space<vmem>>, vector<16xf32>,
      %swap3A_275 = arith.index_cast %scan3A_248 : i32 to index
      %swap3A_276 = arith.constant 64 : index
      %swap3A_277 = tpu.vector_load %arg8[%swap3A_275, %swap3A_276] {strides = array<i32>} : memref<16x1024xf32, #tpu.memory_space<vmem>>, vector<16xf32>,
      tpu.vector_store %arg8[%swap3A_275, %swap3A_276], %get3A_274 {add = true, strides = array<i32>} : memref<16x1024xf32, #tpu.memory_space<vmem>>, vector<16xf32>,
      %get3A_278 = arith.index_cast %scan3A_248 : i32 to index
      %get3A_279 = arith.constant 80 : index
      %get3A_280 = tpu.vector_load %arg11[%get3A_278, %get3A_279] {strides = array<i32>} : memref<16x1024xf32, #tpu.memory_space<vmem>>, vector<16xf32>,
      %swap3A_281 = arith.index_cast %scan3A_248 : i32 to index
      %swap3A_282 = arith.constant 80 : index
      %swap3A_283 = tpu.vector_load %arg8[%swap3A_281, %swap3A_282] {strides = array<i32>} : memref<16x1024xf32, #tpu.memory_space<vmem>>, vector<16xf32>,
      tpu.vector_store %arg8[%swap3A_281, %swap3A_282], %get3A_280 {add = true, strides = array<i32>} : memref<16x1024xf32, #tpu.memory_space<vmem>>, vector<16xf32>,
      %get3A_284 = arith.index_cast %scan3A_248 : i32 to index
      %get3A_285 = arith.constant 96 : index
      %get3A_286 = tpu.vector_load %arg11[%get3A_284, %get3A_285] {strides = array<i32>} : memref<16x1024xf32, #tpu.memory_space<vmem>>, vector<16xf32>,
      %swap3A_287 = arith.index_cast %scan3A_248 : i32 to index
      %swap3A_288 = arith.constant 96 : index
      %swap3A_289 = tpu.vector_load %arg8[%swap3A_287, %swap3A_288] {strides = array<i32>} : memref<16x1024xf32, #tpu.memory_space<vmem>>, vector<16xf32>,
      tpu.vector_store %arg8[%swap3A_287, %swap3A_288], %get3A_286 {add = true, strides = array<i32>} : memref<16x1024xf32, #tpu.memory_space<vmem>>, vector<16xf32>,
      %get3A_290 = arith.index_cast %scan3A_248 : i32 to index
      %get3A_291 = arith.constant 112 : index
      %get3A_292 = tpu.vector_load %arg11[%get3A_290, %get3A_291] {strides = array<i32>} : memref<16x1024xf32, #tpu.memory_space<vmem>>, vector<16xf32>,
      %swap3A_293 = arith.index_cast %scan3A_248 : i32 to index
      %swap3A_294 = arith.constant 112 : index
      %swap3A_295 = tpu.vector_load %arg8[%swap3A_293, %swap3A_294] {strides = array<i32>} : memref<16x1024xf32, #tpu.memory_space<vmem>>, vector<16xf32>,
      tpu.vector_store %arg8[%swap3A_293, %swap3A_294], %get3A_292 {add = true, strides = array<i32>} : memref<16x1024xf32, #tpu.memory_space<vmem>>, vector<16xf32>,
      %get3A_296 = arith.index_cast %scan3A_248 : i32 to index
      %get3A_297 = arith.constant 128 : index
      %get3A_298 = tpu.vector_load %arg11[%get3A_296, %get3A_297] {strides = array<i32>} : memref<16x1024xf32, #tpu.memory_space<vmem>>, vector<16xf32>,
      %swap3A_299 = arith.index_cast %scan3A_248 : i32 to index
      %swap3A_300 = arith.constant 128 : index
      %swap3A_301 = tpu.vector_load %arg8[%swap3A_299, %swap3A_300] {strides = array<i32>} : memref<16x1024xf32, #tpu.memory_space<vmem>>, vector<16xf32>,
      tpu.vector_store %arg8[%swap3A_299, %swap3A_300], %get3A_298 {add = true, strides = array<i32>} : memref<16x1024xf32, #tpu.memory_space<vmem>>, vector<16xf32>,
      %get3A_302 = arith.index_cast %scan3A_248 : i32 to index
      %get3A_303 = arith.constant 144 : index
      %get3A_304 = tpu.vector_load %arg11[%get3A_302, %get3A_303] {strides = array<i32>} : memref<16x1024xf32, #tpu.memory_space<vmem>>, vector<16xf32>,
      %swap3A_305 = arith.index_cast %scan3A_248 : i32 to index
      %swap3A_306 = arith.constant 144 : index
      %swap3A_307 = tpu.vector_load %arg8[%swap3A_305, %swap3A_306] {strides = array<i32>} : memref<16x1024xf32, #tpu.memory_space<vmem>>, vector<16xf32>,
      tpu.vector_store %arg8[%swap3A_305, %swap3A_306], %get3A_304 {add = true, strides = array<i32>} : memref<16x1024xf32, #tpu.memory_space<vmem>>, vector<16xf32>,
      %get3A_308 = arith.index_cast %scan3A_248 : i32 to index
      %get3A_309 = arith.constant 160 : index
      %get3A_310 = tpu.vector_load %arg11[%get3A_308, %get3A_309] {strides = array<i32>} : memref<16x1024xf32, #tpu.memory_space<vmem>>, vector<16xf32>,
      %swap3A_311 = arith.index_cast %scan3A_248 : i32 to index
      %swap3A_312 = arith.constant 160 : index
      %swap3A_313 = tpu.vector_load %arg8[%swap3A_311, %swap3A_312] {strides = array<i32>} : memref<16x1024xf32, #tpu.memory_space<vmem>>, vector<16xf32>,
      tpu.vector_store %arg8[%swap3A_311, %swap3A_312], %get3A_310 {add = true, strides = array<i32>} : memref<16x1024xf32, #tpu.memory_space<vmem>>, vector<16xf32>,
      %get3A_314 = arith.index_cast %scan3A_248 : i32 to index
      %get3A_315 = arith.constant 176 : index
      %get3A_316 = tpu.vector_load %arg11[%get3A_314, %get3A_315] {strides = array<i32>} : memref<16x1024xf32, #tpu.memory_space<vmem>>, vector<16xf32>,
      %swap3A_317 = arith.index_cast %scan3A_248 : i32 to index
      %swap3A_318 = arith.constant 176 : index
      %swap3A_319 = tpu.vector_load %arg8[%swap3A_317, %swap3A_318] {strides = array<i32>} : memref<16x1024xf32, #tpu.memory_space<vmem>>, vector<16xf32>,
      tpu.vector_store %arg8[%swap3A_317, %swap3A_318], %get3A_316 {add = true, strides = array<i32>} : memref<16x1024xf32, #tpu.memory_space<vmem>>, vector<16xf32>,
      %get3A_320 = arith.index_cast %scan3A_248 : i32 to index
      %get3A_321 = arith.constant 192 : index
      %get3A_322 = tpu.vector_load %arg11[%get3A_320, %get3A_321] {strides = array<i32>} : memref<16x1024xf32, #tpu.memory_space<vmem>>, vector<16xf32>,
      %swap3A_323 = arith.index_cast %scan3A_248 : i32 to index
      %swap3A_324 = arith.constant 192 : index
      %swap3A_325 = tpu.vector_load %arg8[%swap3A_323, %swap3A_324] {strides = array<i32>} : memref<16x1024xf32, #tpu.memory_space<vmem>>, vector<16xf32>,
      tpu.vector_store %arg8[%swap3A_323, %swap3A_324], %get3A_322 {add = true, strides = array<i32>} : memref<16x1024xf32, #tpu.memory_space<vmem>>, vector<16xf32>,
      %get3A_326 = arith.index_cast %scan3A_248 : i32 to index
      %get3A_327 = arith.constant 208 : index
      %get3A_328 = tpu.vector_load %arg11[%get3A_326, %get3A_327] {strides = array<i32>} : memref<16x1024xf32, #tpu.memory_space<vmem>>, vector<16xf32>,
      %swap3A_329 = arith.index_cast %scan3A_248 : i32 to index
      %swap3A_330 = arith.constant 208 : index
      %swap3A_331 = tpu.vector_load %arg8[%swap3A_329, %swap3A_330] {strides = array<i32>} : memref<16x1024xf32, #tpu.memory_space<vmem>>, vector<16xf32>,
      tpu.vector_store %arg8[%swap3A_329, %swap3A_330], %get3A_328 {add = true, strides = array<i32>} : memref<16x1024xf32, #tpu.memory_space<vmem>>, vector<16xf32>,
      %get3A_332 = arith.index_cast %scan3A_248 : i32 to index
      %get3A_333 = arith.constant 224 : index
      %get3A_334 = tpu.vector_load %arg11[%get3A_332, %get3A_333] {strides = array<i32>} : memref<16x1024xf32, #tpu.memory_space<vmem>>, vector<16xf32>,
      %swap3A_335 = arith.index_cast %scan3A_248 : i32 to index
      %swap3A_336 = arith.constant 224 : index
      %swap3A_337 = tpu.vector_load %arg8[%swap3A_335, %swap3A_336] {strides = array<i32>} : memref<16x1024xf32, #tpu.memory_space<vmem>>, vector<16xf32>,
      tpu.vector_store %arg8[%swap3A_335, %swap3A_336], %get3A_334 {add = true, strides = array<i32>} : memref<16x1024xf32, #tpu.memory_space<vmem>>, vector<16xf32>,
      %get3A_338 = arith.index_cast %scan3A_248 : i32 to index
      %get3A_339 = arith.constant 240 : index
      %get3A_340 = tpu.vector_load %arg11[%get3A_338, %get3A_339] {strides = array<i32>} : memref<16x1024xf32, #tpu.memory_space<vmem>>, vector<16xf32>,
      %swap3A_341 = arith.index_cast %scan3A_248 : i32 to index
      %swap3A_342 = arith.constant 240 : index
      %swap3A_343 = tpu.vector_load %arg8[%swap3A_341, %swap3A_342] {strides = array<i32>} : memref<16x1024xf32, #tpu.memory_space<vmem>>, vector<16xf32>,
      tpu.vector_store %arg8[%swap3A_341, %swap3A_342], %get3A_340 {add = true, strides = array<i32>} : memref<16x1024xf32, #tpu.memory_space<vmem>>, vector<16xf32>,
      %get3A_344 = arith.index_cast %scan3A_248 : i32 to index
      %get3A_345 = arith.constant 256 : index
      %get3A_346 = tpu.vector_load %arg11[%get3A_344, %get3A_345] {strides = array<i32>} : memref<16x1024xf32, #tpu.memory_space<vmem>>, vector<16xf32>,
      %swap3A_347 = arith.index_cast %scan3A_248 : i32 to index
      %swap3A_348 = arith.constant 256 : index
      %swap3A_349 = tpu.vector_load %arg8[%swap3A_347, %swap3A_348] {strides = array<i32>} : memref<16x1024xf32, #tpu.memory_space<vmem>>, vector<16xf32>,
      tpu.vector_store %arg8[%swap3A_347, %swap3A_348], %get3A_346 {add = true, strides = array<i32>} : memref<16x1024xf32, #tpu.memory_space<vmem>>, vector<16xf32>,
      %get3A_350 = arith.index_cast %scan3A_248 : i32 to index
      %get3A_351 = arith.constant 272 : index
      %get3A_352 = tpu.vector_load %arg11[%get3A_350, %get3A_351] {strides = array<i32>} : memref<16x1024xf32, #tpu.memory_space<vmem>>, vector<16xf32>,
      %swap3A_353 = arith.index_cast %scan3A_248 : i32 to index
      %swap3A_354 = arith.constant 272 : index
      %swap3A_355 = tpu.vector_load %arg8[%swap3A_353, %swap3A_354] {strides = array<i32>} : memref<16x1024xf32, #tpu.memory_space<vmem>>, vector<16xf32>,
      tpu.vector_store %arg8[%swap3A_353, %swap3A_354], %get3A_352 {add = true, strides = array<i32>} : memref<16x1024xf32, #tpu.memory_space<vmem>>, vector<16xf32>,
      %get3A_356 = arith.index_cast %scan3A_248 : i32 to index
      %get3A_357 = arith.constant 288 : index
      %get3A_358 = tpu.vector_load %arg11[%get3A_356, %get3A_357] {strides = array<i32>} : memref<16x1024xf32, #tpu.memory_space<vmem>>, vector<16xf32>,
      %swap3A_359 = arith.index_cast %scan3A_248 : i32 to index
      %swap3A_360 = arith.constant 288 : index
      %swap3A_361 = tpu.vector_load %arg8[%swap3A_359, %swap3A_360] {strides = array<i32>} : memref<16x1024xf32, #tpu.memory_space<vmem>>, vector<16xf32>,
      tpu.vector_store %arg8[%swap3A_359, %swap3A_360], %get3A_358 {add = true, strides = array<i32>} : memref<16x1024xf32, #tpu.memory_space<vmem>>, vector<16xf32>,
      %get3A_362 = arith.index_cast %scan3A_248 : i32 to index
      %get3A_363 = arith.constant 304 : index
      %get3A_364 = tpu.vector_load %arg11[%get3A_362, %get3A_363] {strides = array<i32>} : memref<16x1024xf32, #tpu.memory_space<vmem>>, vector<16xf32>,
      %swap3A_365 = arith.index_cast %scan3A_248 : i32 to index
      %swap3A_366 = arith.constant 304 : index
      %swap3A_367 = tpu.vector_load %arg8[%swap3A_365, %swap3A_366] {strides = array<i32>} : memref<16x1024xf32, #tpu.memory_space<vmem>>, vector<16xf32>,
      tpu.vector_store %arg8[%swap3A_365, %swap3A_366], %get3A_364 {add = true, strides = array<i32>} : memref<16x1024xf32, #tpu.memory_space<vmem>>, vector<16xf32>,
      %get3A_368 = arith.index_cast %scan3A_248 : i32 to index
      %get3A_369 = arith.constant 320 : index
      %get3A_370 = tpu.vector_load %arg11[%get3A_368, %get3A_369] {strides = array<i32>} : memref<16x1024xf32, #tpu.memory_space<vmem>>, vector<16xf32>,
      %swap3A_371 = arith.index_cast %scan3A_248 : i32 to index
      %swap3A_372 = arith.constant 320 : index
      %swap3A_373 = tpu.vector_load %arg8[%swap3A_371, %swap3A_372] {strides = array<i32>} : memref<16x1024xf32, #tpu.memory_space<vmem>>, vector<16xf32>,
      tpu.vector_store %arg8[%swap3A_371, %swap3A_372], %get3A_370 {add = true, strides = array<i32>} : memref<16x1024xf32, #tpu.memory_space<vmem>>, vector<16xf32>,
      %get3A_374 = arith.index_cast %scan3A_248 : i32 to index
      %get3A_375 = arith.constant 336 : index
      %get3A_376 = tpu.vector_load %arg11[%get3A_374, %get3A_375] {strides = array<i32>} : memref<16x1024xf32, #tpu.memory_space<vmem>>, vector<16xf32>,
      %swap3A_377 = arith.index_cast %scan3A_248 : i32 to index
      %swap3A_378 = arith.constant 336 : index
      %swap3A_379 = tpu.vector_load %arg8[%swap3A_377, %swap3A_378] {strides = array<i32>} : memref<16x1024xf32, #tpu.memory_space<vmem>>, vector<16xf32>,
      tpu.vector_store %arg8[%swap3A_377, %swap3A_378], %get3A_376 {add = true, strides = array<i32>} : memref<16x1024xf32, #tpu.memory_space<vmem>>, vector<16xf32>,
      %get3A_380 = arith.index_cast %scan3A_248 : i32 to index
      %get3A_381 = arith.constant 352 : index
      %get3A_382 = tpu.vector_load %arg11[%get3A_380, %get3A_381] {strides = array<i32>} : memref<16x1024xf32, #tpu.memory_space<vmem>>, vector<16xf32>,
      %swap3A_383 = arith.index_cast %scan3A_248 : i32 to index
      %swap3A_384 = arith.constant 352 : index
      %swap3A_385 = tpu.vector_load %arg8[%swap3A_383, %swap3A_384] {strides = array<i32>} : memref<16x1024xf32, #tpu.memory_space<vmem>>, vector<16xf32>,
      tpu.vector_store %arg8[%swap3A_383, %swap3A_384], %get3A_382 {add = true, strides = array<i32>} : memref<16x1024xf32, #tpu.memory_space<vmem>>, vector<16xf32>,
      %get3A_386 = arith.index_cast %scan3A_248 : i32 to index
      %get3A_387 = arith.constant 368 : index
      %get3A_388 = tpu.vector_load %arg11[%get3A_386, %get3A_387] {strides = array<i32>} : memref<16x1024xf32, #tpu.memory_space<vmem>>, vector<16xf32>,
      %swap3A_389 = arith.index_cast %scan3A_248 : i32 to index
      %swap3A_390 = arith.constant 368 : index
      %swap3A_391 = tpu.vector_load %arg8[%swap3A_389, %swap3A_390] {strides = array<i32>} : memref<16x1024xf32, #tpu.memory_space<vmem>>, vector<16xf32>,
      tpu.vector_store %arg8[%swap3A_389, %swap3A_390], %get3A_388 {add = true, strides = array<i32>} : memref<16x1024xf32, #tpu.memory_space<vmem>>, vector<16xf32>,
      %get3A_392 = arith.index_cast %scan3A_248 : i32 to index
      %get3A_393 = arith.constant 384 : index
      %get3A_394 = tpu.vector_load %arg11[%get3A_392, %get3A_393] {strides = array<i32>} : memref<16x1024xf32, #tpu.memory_space<vmem>>, vector<16xf32>,
      %swap3A_395 = arith.index_cast %scan3A_248 : i32 to index
      %swap3A_396 = arith.constant 384 : index
      %swap3A_397 = tpu.vector_load %arg8[%swap3A_395, %swap3A_396] {strides = array<i32>} : memref<16x1024xf32, #tpu.memory_space<vmem>>, vector<16xf32>,
      tpu.vector_store %arg8[%swap3A_395, %swap3A_396], %get3A_394 {add = true, strides = array<i32>} : memref<16x1024xf32, #tpu.memory_space<vmem>>, vector<16xf32>,
      %get3A_398 = arith.index_cast %scan3A_248 : i32 to index
      %get3A_399 = arith.constant 400 : index
      %get3A_400 = tpu.vector_load %arg11[%get3A_398, %get3A_399] {strides = array<i32>} : memref<16x1024xf32, #tpu.memory_space<vmem>>, vector<16xf32>,
      %swap3A_401 = arith.index_cast %scan3A_248 : i32 to index
      %swap3A_402 = arith.constant 400 : index
      %swap3A_403 = tpu.vector_load %arg8[%swap3A_401, %swap3A_402] {strides = array<i32>} : memref<16x1024xf32, #tpu.memory_space<vmem>>, vector<16xf32>,
      tpu.vector_store %arg8[%swap3A_401, %swap3A_402], %get3A_400 {add = true, strides = array<i32>} : memref<16x1024xf32, #tpu.memory_space<vmem>>, vector<16xf32>,
      %get3A_404 = arith.index_cast %scan3A_248 : i32 to index
      %get3A_405 = arith.constant 416 : index
      %get3A_406 = tpu.vector_load %arg11[%get3A_404, %get3A_405] {strides = array<i32>} : memref<16x1024xf32, #tpu.memory_space<vmem>>, vector<16xf32>,
      %swap3A_407 = arith.index_cast %scan3A_248 : i32 to index
      %swap3A_408 = arith.constant 416 : index
      %swap3A_409 = tpu.vector_load %arg8[%swap3A_407, %swap3A_408] {strides = array<i32>} : memref<16x1024xf32, #tpu.memory_space<vmem>>, vector<16xf32>,
      tpu.vector_store %arg8[%swap3A_407, %swap3A_408], %get3A_406 {add = true, strides = array<i32>} : memref<16x1024xf32, #tpu.memory_space<vmem>>, vector<16xf32>,
      %get3A_410 = arith.index_cast %scan3A_248 : i32 to index
      %get3A_411 = arith.constant 432 : index
      %get3A_412 = tpu.vector_load %arg11[%get3A_410, %get3A_411] {strides = array<i32>} : memref<16x1024xf32, #tpu.memory_space<vmem>>, vector<16xf32>,
      %swap3A_413 = arith.index_cast %scan3A_248 : i32 to index
      %swap3A_414 = arith.constant 432 : index
      %swap3A_415 = tpu.vector_load %arg8[%swap3A_413, %swap3A_414] {strides = array<i32>} : memref<16x1024xf32, #tpu.memory_space<vmem>>, vector<16xf32>,
      tpu.vector_store %arg8[%swap3A_413, %swap3A_414], %get3A_412 {add = true, strides = array<i32>} : memref<16x1024xf32, #tpu.memory_space<vmem>>, vector<16xf32>,
      %get3A_416 = arith.index_cast %scan3A_248 : i32 to index
      %get3A_417 = arith.constant 448 : index
      %get3A_418 = tpu.vector_load %arg11[%get3A_416, %get3A_417] {strides = array<i32>} : memref<16x1024xf32, #tpu.memory_space<vmem>>, vector<16xf32>,
      %swap3A_419 = arith.index_cast %scan3A_248 : i32 to index
      %swap3A_420 = arith.constant 448 : index
      %swap3A_421 = tpu.vector_load %arg8[%swap3A_419, %swap3A_420] {strides = array<i32>} : memref<16x1024xf32, #tpu.memory_space<vmem>>, vector<16xf32>,
      tpu.vector_store %arg8[%swap3A_419, %swap3A_420], %get3A_418 {add = true, strides = array<i32>} : memref<16x1024xf32, #tpu.memory_space<vmem>>, vector<16xf32>,
      %get3A_422 = arith.index_cast %scan3A_248 : i32 to index
      %get3A_423 = arith.constant 464 : index
      %get3A_424 = tpu.vector_load %arg11[%get3A_422, %get3A_423] {strides = array<i32>} : memref<16x1024xf32, #tpu.memory_space<vmem>>, vector<16xf32>,
      %swap3A_425 = arith.index_cast %scan3A_248 : i32 to index
      %swap3A_426 = arith.constant 464 : index
      %swap3A_427 = tpu.vector_load %arg8[%swap3A_425, %swap3A_426] {strides = array<i32>} : memref<16x1024xf32, #tpu.memory_space<vmem>>, vector<16xf32>,
      tpu.vector_store %arg8[%swap3A_425, %swap3A_426], %get3A_424 {add = true, strides = array<i32>} : memref<16x1024xf32, #tpu.memory_space<vmem>>, vector<16xf32>,
      %get3A_428 = arith.index_cast %scan3A_248 : i32 to index
      %get3A_429 = arith.constant 480 : index
      %get3A_430 = tpu.vector_load %arg11[%get3A_428, %get3A_429] {strides = array<i32>} : memref<16x1024xf32, #tpu.memory_space<vmem>>, vector<16xf32>,
      %swap3A_431 = arith.index_cast %scan3A_248 : i32 to index
      %swap3A_432 = arith.constant 480 : index
      %swap3A_433 = tpu.vector_load %arg8[%swap3A_431, %swap3A_432] {strides = array<i32>} : memref<16x1024xf32, #tpu.memory_space<vmem>>, vector<16xf32>,
      tpu.vector_store %arg8[%swap3A_431, %swap3A_432], %get3A_430 {add = true, strides = array<i32>} : memref<16x1024xf32, #tpu.memory_space<vmem>>, vector<16xf32>,
      %get3A_434 = arith.index_cast %scan3A_248 : i32 to index
      %get3A_435 = arith.constant 496 : index
      %get3A_436 = tpu.vector_load %arg11[%get3A_434, %get3A_435] {strides = array<i32>} : memref<16x1024xf32, #tpu.memory_space<vmem>>, vector<16xf32>,
      %swap3A_437 = arith.index_cast %scan3A_248 : i32 to index
      %swap3A_438 = arith.constant 496 : index
      %swap3A_439 = tpu.vector_load %arg8[%swap3A_437, %swap3A_438] {strides = array<i32>} : memref<16x1024xf32, #tpu.memory_space<vmem>>, vector<16xf32>,
      tpu.vector_store %arg8[%swap3A_437, %swap3A_438], %get3A_436 {add = true, strides = array<i32>} : memref<16x1024xf32, #tpu.memory_space<vmem>>, vector<16xf32>,
      %get3A_440 = arith.index_cast %scan3A_248 : i32 to index
      %get3A_441 = arith.constant 512 : index
      %get3A_442 = tpu.vector_load %arg11[%get3A_440, %get3A_441] {strides = array<i32>} : memref<16x1024xf32, #tpu.memory_space<vmem>>, vector<16xf32>,
      %swap3A_443 = arith.index_cast %scan3A_248 : i32 to index
      %swap3A_444 = arith.constant 512 : index
      %swap3A_445 = tpu.vector_load %arg8[%swap3A_443, %swap3A_444] {strides = array<i32>} : memref<16x1024xf32, #tpu.memory_space<vmem>>, vector<16xf32>,
      tpu.vector_store %arg8[%swap3A_443, %swap3A_444], %get3A_442 {add = true, strides = array<i32>} : memref<16x1024xf32, #tpu.memory_space<vmem>>, vector<16xf32>,
      %get3A_446 = arith.index_cast %scan3A_248 : i32 to index
      %get3A_447 = arith.constant 528 : index
      %get3A_448 = tpu.vector_load %arg11[%get3A_446, %get3A_447] {strides = array<i32>} : memref<16x1024xf32, #tpu.memory_space<vmem>>, vector<16xf32>,
      %swap3A_449 = arith.index_cast %scan3A_248 : i32 to index
      %swap3A_450 = arith.constant 528 : index
      %swap3A_451 = tpu.vector_load %arg8[%swap3A_449, %swap3A_450] {strides = array<i32>} : memref<16x1024xf32, #tpu.memory_space<vmem>>, vector<16xf32>,
      tpu.vector_store %arg8[%swap3A_449, %swap3A_450], %get3A_448 {add = true, strides = array<i32>} : memref<16x1024xf32, #tpu.memory_space<vmem>>, vector<16xf32>,
      %get3A_452 = arith.index_cast %scan3A_248 : i32 to index
      %get3A_453 = arith.constant 544 : index
      %get3A_454 = tpu.vector_load %arg11[%get3A_452, %get3A_453] {strides = array<i32>} : memref<16x1024xf32, #tpu.memory_space<vmem>>, vector<16xf32>,
      %swap3A_455 = arith.index_cast %scan3A_248 : i32 to index
      %swap3A_456 = arith.constant 544 : index
      %swap3A_457 = tpu.vector_load %arg8[%swap3A_455, %swap3A_456] {strides = array<i32>} : memref<16x1024xf32, #tpu.memory_space<vmem>>, vector<16xf32>,
      tpu.vector_store %arg8[%swap3A_455, %swap3A_456], %get3A_454 {add = true, strides = array<i32>} : memref<16x1024xf32, #tpu.memory_space<vmem>>, vector<16xf32>,
      %get3A_458 = arith.index_cast %scan3A_248 : i32 to index
      %get3A_459 = arith.constant 560 : index
      %get3A_460 = tpu.vector_load %arg11[%get3A_458, %get3A_459] {strides = array<i32>} : memref<16x1024xf32, #tpu.memory_space<vmem>>, vector<16xf32>,
      %swap3A_461 = arith.index_cast %scan3A_248 : i32 to index
      %swap3A_462 = arith.constant 560 : index
      %swap3A_463 = tpu.vector_load %arg8[%swap3A_461, %swap3A_462] {strides = array<i32>} : memref<16x1024xf32, #tpu.memory_space<vmem>>, vector<16xf32>,
      tpu.vector_store %arg8[%swap3A_461, %swap3A_462], %get3A_460 {add = true, strides = array<i32>} : memref<16x1024xf32, #tpu.memory_space<vmem>>, vector<16xf32>,
      %get3A_464 = arith.index_cast %scan3A_248 : i32 to index
      %get3A_465 = arith.constant 576 : index
      %get3A_466 = tpu.vector_load %arg11[%get3A_464, %get3A_465] {strides = array<i32>} : memref<16x1024xf32, #tpu.memory_space<vmem>>, vector<16xf32>,
      %swap3A_467 = arith.index_cast %scan3A_248 : i32 to index
      %swap3A_468 = arith.constant 576 : index
      %swap3A_469 = tpu.vector_load %arg8[%swap3A_467, %swap3A_468] {strides = array<i32>} : memref<16x1024xf32, #tpu.memory_space<vmem>>, vector<16xf32>,
      tpu.vector_store %arg8[%swap3A_467, %swap3A_468], %get3A_466 {add = true, strides = array<i32>} : memref<16x1024xf32, #tpu.memory_space<vmem>>, vector<16xf32>,
      %get3A_470 = arith.index_cast %scan3A_248 : i32 to index
      %get3A_471 = arith.constant 592 : index
      %get3A_472 = tpu.vector_load %arg11[%get3A_470, %get3A_471] {strides = array<i32>} : memref<16x1024xf32, #tpu.memory_space<vmem>>, vector<16xf32>,
      %swap3A_473 = arith.index_cast %scan3A_248 : i32 to index
      %swap3A_474 = arith.constant 592 : index
      %swap3A_475 = tpu.vector_load %arg8[%swap3A_473, %swap3A_474] {strides = array<i32>} : memref<16x1024xf32, #tpu.memory_space<vmem>>, vector<16xf32>,
      tpu.vector_store %arg8[%swap3A_473, %swap3A_474], %get3A_472 {add = true, strides = array<i32>} : memref<16x1024xf32, #tpu.memory_space<vmem>>, vector<16xf32>,
      %get3A_476 = arith.index_cast %scan3A_248 : i32 to index
      %get3A_477 = arith.constant 608 : index
      %get3A_478 = tpu.vector_load %arg11[%get3A_476, %get3A_477] {strides = array<i32>} : memref<16x1024xf32, #tpu.memory_space<vmem>>, vector<16xf32>,
      %swap3A_479 = arith.index_cast %scan3A_248 : i32 to index
      %swap3A_480 = arith.constant 608 : index
      %swap3A_481 = tpu.vector_load %arg8[%swap3A_479, %swap3A_480] {strides = array<i32>} : memref<16x1024xf32, #tpu.memory_space<vmem>>, vector<16xf32>,
      tpu.vector_store %arg8[%swap3A_479, %swap3A_480], %get3A_478 {add = true, strides = array<i32>} : memref<16x1024xf32, #tpu.memory_space<vmem>>, vector<16xf32>,
      %get3A_482 = arith.index_cast %scan3A_248 : i32 to index
      %get3A_483 = arith.constant 624 : index
      %get3A_484 = tpu.vector_load %arg11[%get3A_482, %get3A_483] {strides = array<i32>} : memref<16x1024xf32, #tpu.memory_space<vmem>>, vector<16xf32>,
      %swap3A_485 = arith.index_cast %scan3A_248 : i32 to index
      %swap3A_486 = arith.constant 624 : index
      %swap3A_487 = tpu.vector_load %arg8[%swap3A_485, %swap3A_486] {strides = array<i32>} : memref<16x1024xf32, #tpu.memory_space<vmem>>, vector<16xf32>,
      tpu.vector_store %arg8[%swap3A_485, %swap3A_486], %get3A_484 {add = true, strides = array<i32>} : memref<16x1024xf32, #tpu.memory_space<vmem>>, vector<16xf32>,
      %get3A_488 = arith.index_cast %scan3A_248 : i32 to index
      %get3A_489 = arith.constant 640 : index
      %get3A_490 = tpu.vector_load %arg11[%get3A_488, %get3A_489] {strides = array<i32>} : memref<16x1024xf32, #tpu.memory_space<vmem>>, vector<16xf32>,
      %swap3A_491 = arith.index_cast %scan3A_248 : i32 to index
      %swap3A_492 = arith.constant 640 : index
      %swap3A_493 = tpu.vector_load %arg8[%swap3A_491, %swap3A_492] {strides = array<i32>} : memref<16x1024xf32, #tpu.memory_space<vmem>>, vector<16xf32>,
      tpu.vector_store %arg8[%swap3A_491, %swap3A_492], %get3A_490 {add = true, strides = array<i32>} : memref<16x1024xf32, #tpu.memory_space<vmem>>, vector<16xf32>,
      %get3A_494 = arith.index_cast %scan3A_248 : i32 to index
      %get3A_495 = arith.constant 656 : index
      %get3A_496 = tpu.vector_load %arg11[%get3A_494, %get3A_495] {strides = array<i32>} : memref<16x1024xf32, #tpu.memory_space<vmem>>, vector<16xf32>,
      %swap3A_497 = arith.index_cast %scan3A_248 : i32 to index
      %swap3A_498 = arith.constant 656 : index
      %swap3A_499 = tpu.vector_load %arg8[%swap3A_497, %swap3A_498] {strides = array<i32>} : memref<16x1024xf32, #tpu.memory_space<vmem>>, vector<16xf32>,
      tpu.vector_store %arg8[%swap3A_497, %swap3A_498], %get3A_496 {add = true, strides = array<i32>} : memref<16x1024xf32, #tpu.memory_space<vmem>>, vector<16xf32>,
      %get3A_500 = arith.index_cast %scan3A_248 : i32 to index
      %get3A_501 = arith.constant 672 : index
      %get3A_502 = tpu.vector_load %arg11[%get3A_500, %get3A_501] {strides = array<i32>} : memref<16x1024xf32, #tpu.memory_space<vmem>>, vector<16xf32>,
      %swap3A_503 = arith.index_cast %scan3A_248 : i32 to index
      %swap3A_504 = arith.constant 672 : index
      %swap3A_505 = tpu.vector_load %arg8[%swap3A_503, %swap3A_504] {strides = array<i32>} : memref<16x1024xf32, #tpu.memory_space<vmem>>, vector<16xf32>,
      tpu.vector_store %arg8[%swap3A_503, %swap3A_504], %get3A_502 {add = true, strides = array<i32>} : memref<16x1024xf32, #tpu.memory_space<vmem>>, vector<16xf32>,
      %get3A_506 = arith.index_cast %scan3A_248 : i32 to index
      %get3A_507 = arith.constant 688 : index
      %get3A_508 = tpu.vector_load %arg11[%get3A_506, %get3A_507] {strides = array<i32>} : memref<16x1024xf32, #tpu.memory_space<vmem>>, vector<16xf32>,
      %swap3A_509 = arith.index_cast %scan3A_248 : i32 to index
      %swap3A_510 = arith.constant 688 : index
      %swap3A_511 = tpu.vector_load %arg8[%swap3A_509, %swap3A_510] {strides = array<i32>} : memref<16x1024xf32, #tpu.memory_space<vmem>>, vector<16xf32>,
      tpu.vector_store %arg8[%swap3A_509, %swap3A_510], %get3A_508 {add = true, strides = array<i32>} : memref<16x1024xf32, #tpu.memory_space<vmem>>, vector<16xf32>,
      %get3A_512 = arith.index_cast %scan3A_248 : i32 to index
      %get3A_513 = arith.constant 704 : index
      %get3A_514 = tpu.vector_load %arg11[%get3A_512, %get3A_513] {strides = array<i32>} : memref<16x1024xf32, #tpu.memory_space<vmem>>, vector<16xf32>,
      %swap3A_515 = arith.index_cast %scan3A_248 : i32 to index
      %swap3A_516 = arith.constant 704 : index
      %swap3A_517 = tpu.vector_load %arg8[%swap3A_515, %swap3A_516] {strides = array<i32>} : memref<16x1024xf32, #tpu.memory_space<vmem>>, vector<16xf32>,
      tpu.vector_store %arg8[%swap3A_515, %swap3A_516], %get3A_514 {add = true, strides = array<i32>} : memref<16x1024xf32, #tpu.memory_space<vmem>>, vector<16xf32>,
      %get3A_518 = arith.index_cast %scan3A_248 : i32 to index
      %get3A_519 = arith.constant 720 : index
      %get3A_520 = tpu.vector_load %arg11[%get3A_518, %get3A_519] {strides = array<i32>} : memref<16x1024xf32, #tpu.memory_space<vmem>>, vector<16xf32>,
      %swap3A_521 = arith.index_cast %scan3A_248 : i32 to index
      %swap3A_522 = arith.constant 720 : index
      %swap3A_523 = tpu.vector_load %arg8[%swap3A_521, %swap3A_522] {strides = array<i32>} : memref<16x1024xf32, #tpu.memory_space<vmem>>, vector<16xf32>,
      tpu.vector_store %arg8[%swap3A_521, %swap3A_522], %get3A_520 {add = true, strides = array<i32>} : memref<16x1024xf32, #tpu.memory_space<vmem>>, vector<16xf32>,
      %get3A_524 = arith.index_cast %scan3A_248 : i32 to index
      %get3A_525 = arith.constant 736 : index
      %get3A_526 = tpu.vector_load %arg11[%get3A_524, %get3A_525] {strides = array<i32>} : memref<16x1024xf32, #tpu.memory_space<vmem>>, vector<16xf32>,
      %swap3A_527 = arith.index_cast %scan3A_248 : i32 to index
      %swap3A_528 = arith.constant 736 : index
      %swap3A_529 = tpu.vector_load %arg8[%swap3A_527, %swap3A_528] {strides = array<i32>} : memref<16x1024xf32, #tpu.memory_space<vmem>>, vector<16xf32>,
      tpu.vector_store %arg8[%swap3A_527, %swap3A_528], %get3A_526 {add = true, strides = array<i32>} : memref<16x1024xf32, #tpu.memory_space<vmem>>, vector<16xf32>,
      %get3A_530 = arith.index_cast %scan3A_248 : i32 to index
      %get3A_531 = arith.constant 752 : index
      %get3A_532 = tpu.vector_load %arg11[%get3A_530, %get3A_531] {strides = array<i32>} : memref<16x1024xf32, #tpu.memory_space<vmem>>, vector<16xf32>,
      %swap3A_533 = arith.index_cast %scan3A_248 : i32 to index
      %swap3A_534 = arith.constant 752 : index
      %swap3A_535 = tpu.vector_load %arg8[%swap3A_533, %swap3A_534] {strides = array<i32>} : memref<16x1024xf32, #tpu.memory_space<vmem>>, vector<16xf32>,
      tpu.vector_store %arg8[%swap3A_533, %swap3A_534], %get3A_532 {add = true, strides = array<i32>} : memref<16x1024xf32, #tpu.memory_space<vmem>>, vector<16xf32>,
      %get3A_536 = arith.index_cast %scan3A_248 : i32 to index
      %get3A_537 = arith.constant 768 : index
      %get3A_538 = tpu.vector_load %arg11[%get3A_536, %get3A_537] {strides = array<i32>} : memref<16x1024xf32, #tpu.memory_space<vmem>>, vector<16xf32>,
      %swap3A_539 = arith.index_cast %scan3A_248 : i32 to index
      %swap3A_540 = arith.constant 768 : index
      %swap3A_541 = tpu.vector_load %arg8[%swap3A_539, %swap3A_540] {strides = array<i32>} : memref<16x1024xf32, #tpu.memory_space<vmem>>, vector<16xf32>,
      tpu.vector_store %arg8[%swap3A_539, %swap3A_540], %get3A_538 {add = true, strides = array<i32>} : memref<16x1024xf32, #tpu.memory_space<vmem>>, vector<16xf32>,
      %get3A_542 = arith.index_cast %scan3A_248 : i32 to index
      %get3A_543 = arith.constant 784 : index
      %get3A_544 = tpu.vector_load %arg11[%get3A_542, %get3A_543] {strides = array<i32>} : memref<16x1024xf32, #tpu.memory_space<vmem>>, vector<16xf32>,
      %swap3A_545 = arith.index_cast %scan3A_248 : i32 to index
      %swap3A_546 = arith.constant 784 : index
      %swap3A_547 = tpu.vector_load %arg8[%swap3A_545, %swap3A_546] {strides = array<i32>} : memref<16x1024xf32, #tpu.memory_space<vmem>>, vector<16xf32>,
      tpu.vector_store %arg8[%swap3A_545, %swap3A_546], %get3A_544 {add = true, strides = array<i32>} : memref<16x1024xf32, #tpu.memory_space<vmem>>, vector<16xf32>,
      %get3A_548 = arith.index_cast %scan3A_248 : i32 to index
      %get3A_549 = arith.constant 800 : index
      %get3A_550 = tpu.vector_load %arg11[%get3A_548, %get3A_549] {strides = array<i32>} : memref<16x1024xf32, #tpu.memory_space<vmem>>, vector<16xf32>,
      %swap3A_551 = arith.index_cast %scan3A_248 : i32 to index
      %swap3A_552 = arith.constant 800 : index
      %swap3A_553 = tpu.vector_load %arg8[%swap3A_551, %swap3A_552] {strides = array<i32>} : memref<16x1024xf32, #tpu.memory_space<vmem>>, vector<16xf32>,
      tpu.vector_store %arg8[%swap3A_551, %swap3A_552], %get3A_550 {add = true, strides = array<i32>} : memref<16x1024xf32, #tpu.memory_space<vmem>>, vector<16xf32>,
      %get3A_554 = arith.index_cast %scan3A_248 : i32 to index
      %get3A_555 = arith.constant 816 : index
      %get3A_556 = tpu.vector_load %arg11[%get3A_554, %get3A_555] {strides = array<i32>} : memref<16x1024xf32, #tpu.memory_space<vmem>>, vector<16xf32>,
      %swap3A_557 = arith.index_cast %scan3A_248 : i32 to index
      %swap3A_558 = arith.constant 816 : index
      %swap3A_559 = tpu.vector_load %arg8[%swap3A_557, %swap3A_558] {strides = array<i32>} : memref<16x1024xf32, #tpu.memory_space<vmem>>, vector<16xf32>,
      tpu.vector_store %arg8[%swap3A_557, %swap3A_558], %get3A_556 {add = true, strides = array<i32>} : memref<16x1024xf32, #tpu.memory_space<vmem>>, vector<16xf32>,
      %get3A_560 = arith.index_cast %scan3A_248 : i32 to index
      %get3A_561 = arith.constant 832 : index
      %get3A_562 = tpu.vector_load %arg11[%get3A_560, %get3A_561] {strides = array<i32>} : memref<16x1024xf32, #tpu.memory_space<vmem>>, vector<16xf32>,
      %swap3A_563 = arith.index_cast %scan3A_248 : i32 to index
      %swap3A_564 = arith.constant 832 : index
      %swap3A_565 = tpu.vector_load %arg8[%swap3A_563, %swap3A_564] {strides = array<i32>} : memref<16x1024xf32, #tpu.memory_space<vmem>>, vector<16xf32>,
      tpu.vector_store %arg8[%swap3A_563, %swap3A_564], %get3A_562 {add = true, strides = array<i32>} : memref<16x1024xf32, #tpu.memory_space<vmem>>, vector<16xf32>,
      %get3A_566 = arith.index_cast %scan3A_248 : i32 to index
      %get3A_567 = arith.constant 848 : index
      %get3A_568 = tpu.vector_load %arg11[%get3A_566, %get3A_567] {strides = array<i32>} : memref<16x1024xf32, #tpu.memory_space<vmem>>, vector<16xf32>,
      %swap3A_569 = arith.index_cast %scan3A_248 : i32 to index
      %swap3A_570 = arith.constant 848 : index
      %swap3A_571 = tpu.vector_load %arg8[%swap3A_569, %swap3A_570] {strides = array<i32>} : memref<16x1024xf32, #tpu.memory_space<vmem>>, vector<16xf32>,
      tpu.vector_store %arg8[%swap3A_569, %swap3A_570], %get3A_568 {add = true, strides = array<i32>} : memref<16x1024xf32, #tpu.memory_space<vmem>>, vector<16xf32>,
      %get3A_572 = arith.index_cast %scan3A_248 : i32 to index
      %get3A_573 = arith.constant 864 : index
      %get3A_574 = tpu.vector_load %arg11[%get3A_572, %get3A_573] {strides = array<i32>} : memref<16x1024xf32, #tpu.memory_space<vmem>>, vector<16xf32>,
      %swap3A_575 = arith.index_cast %scan3A_248 : i32 to index
      %swap3A_576 = arith.constant 864 : index
      %swap3A_577 = tpu.vector_load %arg8[%swap3A_575, %swap3A_576] {strides = array<i32>} : memref<16x1024xf32, #tpu.memory_space<vmem>>, vector<16xf32>,
      tpu.vector_store %arg8[%swap3A_575, %swap3A_576], %get3A_574 {add = true, strides = array<i32>} : memref<16x1024xf32, #tpu.memory_space<vmem>>, vector<16xf32>,
      %get3A_578 = arith.index_cast %scan3A_248 : i32 to index
      %get3A_579 = arith.constant 880 : index
      %get3A_580 = tpu.vector_load %arg11[%get3A_578, %get3A_579] {strides = array<i32>} : memref<16x1024xf32, #tpu.memory_space<vmem>>, vector<16xf32>,
      %swap3A_581 = arith.index_cast %scan3A_248 : i32 to index
      %swap3A_582 = arith.constant 880 : index
      %swap3A_583 = tpu.vector_load %arg8[%swap3A_581, %swap3A_582] {strides = array<i32>} : memref<16x1024xf32, #tpu.memory_space<vmem>>, vector<16xf32>,
      tpu.vector_store %arg8[%swap3A_581, %swap3A_582], %get3A_580 {add = true, strides = array<i32>} : memref<16x1024xf32, #tpu.memory_space<vmem>>, vector<16xf32>,
      %get3A_584 = arith.index_cast %scan3A_248 : i32 to index
      %get3A_585 = arith.constant 896 : index
      %get3A_586 = tpu.vector_load %arg11[%get3A_584, %get3A_585] {strides = array<i32>} : memref<16x1024xf32, #tpu.memory_space<vmem>>, vector<16xf32>,
      %swap3A_587 = arith.index_cast %scan3A_248 : i32 to index
      %swap3A_588 = arith.constant 896 : index
      %swap3A_589 = tpu.vector_load %arg8[%swap3A_587, %swap3A_588] {strides = array<i32>} : memref<16x1024xf32, #tpu.memory_space<vmem>>, vector<16xf32>,
      tpu.vector_store %arg8[%swap3A_587, %swap3A_588], %get3A_586 {add = true, strides = array<i32>} : memref<16x1024xf32, #tpu.memory_space<vmem>>, vector<16xf32>,
      %get3A_590 = arith.index_cast %scan3A_248 : i32 to index
      %get3A_591 = arith.constant 912 : index
      %get3A_592 = tpu.vector_load %arg11[%get3A_590, %get3A_591] {strides = array<i32>} : memref<16x1024xf32, #tpu.memory_space<vmem>>, vector<16xf32>,
      %swap3A_593 = arith.index_cast %scan3A_248 : i32 to index
      %swap3A_594 = arith.constant 912 : index
      %swap3A_595 = tpu.vector_load %arg8[%swap3A_593, %swap3A_594] {strides = array<i32>} : memref<16x1024xf32, #tpu.memory_space<vmem>>, vector<16xf32>,
      tpu.vector_store %arg8[%swap3A_593, %swap3A_594], %get3A_592 {add = true, strides = array<i32>} : memref<16x1024xf32, #tpu.memory_space<vmem>>, vector<16xf32>,
      %get3A_596 = arith.index_cast %scan3A_248 : i32 to index
      %get3A_597 = arith.constant 928 : index
      %get3A_598 = tpu.vector_load %arg11[%get3A_596, %get3A_597] {strides = array<i32>} : memref<16x1024xf32, #tpu.memory_space<vmem>>, vector<16xf32>,
      %swap3A_599 = arith.index_cast %scan3A_248 : i32 to index
      %swap3A_600 = arith.constant 928 : index
      %swap3A_601 = tpu.vector_load %arg8[%swap3A_599, %swap3A_600] {strides = array<i32>} : memref<16x1024xf32, #tpu.memory_space<vmem>>, vector<16xf32>,
      tpu.vector_store %arg8[%swap3A_599, %swap3A_600], %get3A_598 {add = true, strides = array<i32>} : memref<16x1024xf32, #tpu.memory_space<vmem>>, vector<16xf32>,
      %get3A_602 = arith.index_cast %scan3A_248 : i32 to index
      %get3A_603 = arith.constant 944 : index
      %get3A_604 = tpu.vector_load %arg11[%get3A_602, %get3A_603] {strides = array<i32>} : memref<16x1024xf32, #tpu.memory_space<vmem>>, vector<16xf32>,
      %swap3A_605 = arith.index_cast %scan3A_248 : i32 to index
      %swap3A_606 = arith.constant 944 : index
      %swap3A_607 = tpu.vector_load %arg8[%swap3A_605, %swap3A_606] {strides = array<i32>} : memref<16x1024xf32, #tpu.memory_space<vmem>>, vector<16xf32>,
      tpu.vector_store %arg8[%swap3A_605, %swap3A_606], %get3A_604 {add = true, strides = array<i32>} : memref<16x1024xf32, #tpu.memory_space<vmem>>, vector<16xf32>,
      %get3A_608 = arith.index_cast %scan3A_248 : i32 to index
      %get3A_609 = arith.constant 960 : index
      %get3A_610 = tpu.vector_load %arg11[%get3A_608, %get3A_609] {strides = array<i32>} : memref<16x1024xf32, #tpu.memory_space<vmem>>, vector<16xf32>,
      %swap3A_611 = arith.index_cast %scan3A_248 : i32 to index
      %swap3A_612 = arith.constant 960 : index
      %swap3A_613 = tpu.vector_load %arg8[%swap3A_611, %swap3A_612] {strides = array<i32>} : memref<16x1024xf32, #tpu.memory_space<vmem>>, vector<16xf32>,
      tpu.vector_store %arg8[%swap3A_611, %swap3A_612], %get3A_610 {add = true, strides = array<i32>} : memref<16x1024xf32, #tpu.memory_space<vmem>>, vector<16xf32>,
      %get3A_614 = arith.index_cast %scan3A_248 : i32 to index
      %get3A_615 = arith.constant 976 : index
      %get3A_616 = tpu.vector_load %arg11[%get3A_614, %get3A_615] {strides = array<i32>} : memref<16x1024xf32, #tpu.memory_space<vmem>>, vector<16xf32>,
      %swap3A_617 = arith.index_cast %scan3A_248 : i32 to index
      %swap3A_618 = arith.constant 976 : index
      %swap3A_619 = tpu.vector_load %arg8[%swap3A_617, %swap3A_618] {strides = array<i32>} : memref<16x1024xf32, #tpu.memory_space<vmem>>, vector<16xf32>,
      tpu.vector_store %arg8[%swap3A_617, %swap3A_618], %get3A_616 {add = true, strides = array<i32>} : memref<16x1024xf32, #tpu.memory_space<vmem>>, vector<16xf32>,
      %get3A_620 = arith.index_cast %scan3A_248 : i32 to index
      %get3A_621 = arith.constant 992 : index
      %get3A_622 = tpu.vector_load %arg11[%get3A_620, %get3A_621] {strides = array<i32>} : memref<16x1024xf32, #tpu.memory_space<vmem>>, vector<16xf32>,
      %swap3A_623 = arith.index_cast %scan3A_248 : i32 to index
      %swap3A_624 = arith.constant 992 : index
      %swap3A_625 = tpu.vector_load %arg8[%swap3A_623, %swap3A_624] {strides = array<i32>} : memref<16x1024xf32, #tpu.memory_space<vmem>>, vector<16xf32>,
      tpu.vector_store %arg8[%swap3A_623, %swap3A_624], %get3A_622 {add = true, strides = array<i32>} : memref<16x1024xf32, #tpu.memory_space<vmem>>, vector<16xf32>,
      %get3A_626 = arith.index_cast %scan3A_248 : i32 to index
      %get3A_627 = arith.constant 1008 : index
      %get3A_628 = tpu.vector_load %arg11[%get3A_626, %get3A_627] {strides = array<i32>} : memref<16x1024xf32, #tpu.memory_space<vmem>>, vector<16xf32>,
      %swap3A_629 = arith.index_cast %scan3A_248 : i32 to index
      %swap3A_630 = arith.constant 1008 : index
      %swap3A_631 = tpu.vector_load %arg8[%swap3A_629, %swap3A_630] {strides = array<i32>} : memref<16x1024xf32, #tpu.memory_space<vmem>>, vector<16xf32>,
      tpu.vector_store %arg8[%swap3A_629, %swap3A_630], %get3A_628 {add = true, strides = array<i32>} : memref<16x1024xf32, #tpu.memory_space<vmem>>, vector<16xf32>,
      %scan3A_632 = arith.constant 0 : i32
      scf.yield %scan3A_632 : i32
    }
    %scan3A_229 = arith.constant 16 : i32
    %dma_wait3A_230 = arith.constant 0 : i32
    %dma_wait3A_231 = arith.constant 0 : i32
    %dma_wait3A_232 = tpu.memref_slice %arg5[%dma_wait3A_230, %dma_wait3A_231] : memref<8192x1024xf32, #tpu.memory_space<hbm>> -> memref<16x1024xf32, #tpu.memory_space<hbm>>
    %dma_wait3A_233 = arith.constant 0 : i32
    %dma_wait3A_234 = arith.constant 0 : i32
    %dma_wait3A_235 = tpu.memref_slice %arg5[%dma_wait3A_233, %dma_wait3A_234] : memref<8192x1024xf32, #tpu.memory_space<hbm>> -> memref<16x1024xf32, #tpu.memory_space<hbm>>
    tpu.wait_dma2 semaphore(%arg19 : memref<!tpu.dma_semaphore, #tpu.memory_space<semaphore_mem>>) src(%arg10 : memref<16x1024xf32, #tpu.memory_space<vmem>>) dst(%dma_wait3A_235 : memref<16x1024xf32, #tpu.memory_space<hbm>>)
    %add3A_236 = arith.constant 240 : i32
    %add3A_237 = arith.addi %mul3A_34, %add3A_236 : i32
    %dma_start3A_238 = arith.constant 0 : i32
    %dma_start3A_239 = tpu.memref_slice %arg5[%add3A_237, %dma_start3A_238] : memref<8192x1024xf32, #tpu.memory_space<hbm>> -> memref<16x1024xf32, #tpu.memory_space<hbm>>
    %dma_start3A_240 = arith.constant 0 : i32
    %dma_start3A_241 = tpu.memref_slice %arg5[%add3A_237, %dma_start3A_240] : memref<8192x1024xf32, #tpu.memory_space<hbm>> -> memref<16x1024xf32, #tpu.memory_space<hbm>>
    tpu.enqueue_dma source(%arg8 : memref<16x1024xf32, #tpu.memory_space<vmem>>) target(%dma_start3A_241 : memref<16x1024xf32, #tpu.memory_space<hbm>>) target_semaphore(%arg17 : memref<!tpu.dma_semaphore, #tpu.memory_space<semaphore_mem>>)
    %dma_wait3A_242 = arith.constant 0 : i32
    %dma_wait3A_243 = arith.constant 0 : i32
    %dma_wait3A_244 = tpu.memref_slice %arg5[%dma_wait3A_242, %dma_wait3A_243] : memref<8192x1024xf32, #tpu.memory_space<hbm>> -> memref<16x1024xf32, #tpu.memory_space<hbm>>
    %dma_wait3A_245 = arith.constant 0 : i32
    %dma_wait3A_246 = arith.constant 0 : i32
    %dma_wait3A_247 = tpu.memref_slice %arg5[%dma_wait3A_245, %dma_wait3A_246] : memref<8192x1024xf32, #tpu.memory_space<hbm>> -> memref<16x1024xf32, #tpu.memory_space<hbm>>
    tpu.wait_dma2 semaphore(%arg17 : memref<!tpu.dma_semaphore, #tpu.memory_space<semaphore_mem>>) src(%arg8 : memref<16x1024xf32, #tpu.memory_space<vmem>>) dst(%dma_wait3A_247 : memref<16x1024xf32, #tpu.memory_space<hbm>>)
    return
  }
}

</mosaic_0001>

<sc_bundles>
// kernel: _lookup_add.3.cloned.1.call-start
scs
__scs_entry_jumppad:
0x0: {  	(pc) =	sbr.rel $0x88, $3  }
0x1: {  	(tag) =	ssettag $0x0;
	lr =	simm.s32 $0x1  }
0x2: {  	[smem:$0x3F9E] =	sst lr;
	_ =	strace $0xD0000000  }
0x3: {  	_ = 	snop  }
0x4: {  	_ = 	snop  }
0x5: {  	_ = 	snop  }
0x6: {  	_ = 	snop  }
0x7: {  	_ = 	snop  }
__scs_overlays_trampoline_lowered:
0x8: {  	[smem:$0x3FAD] =	sst s0  }
0x9: {  	[smem:$0x3FAE] =	sst s1  }
0xa: {  	[smem:$0x3FAF] =	sst s2  }
0xb: {  	[smem:$0x3FB0] =	sst s3  }
0xc: {  	[smem:$0x3FB1] =	sst s4  }
0xd: {  	[smem:$0x3FB2] =	sst s5  }
0xe: {  	[smem:$0x3FB3] =	sst s6  }
0xf: {  	[smem:$0x3FB4] =	sst s7  }
0x10: {  	[smem:$0x3FB5] =	sst s8  }
0x11: {  	[smem:$0x3FB6] =	sst s9;
	s0 =	simm.s32 @!p0 $0x0  }
0x12: {  	s1 =	sld [smem:$0x3F9C];
	s0 =	simm.s32 @p0 $0x1  }
0x13: {  	[smem:$0x3FB7] =	sst s0;
	s0 =	simm.s32 @!p1 $0x0  }
0x14: {  	s2 =	sld [smem:$0x3F9B];
	s0 =	simm.s32 @p1 $0x1  }
0x15: {  	[smem:$0x3FB8] =	sst s0;
	s0 =	simm.s32 @!p2 $0x0  }
0x16: {  	s3 =	sld [smem:$0x3FDB];
	s0 =	simm.s32 @p2 $0x1  }
0x17: {  	s4 =	simm.s32 $0x1BF5;
	[smem:$0x3FBA] =	sst s0  }
0x18: {  	s0 =	sld [smem:$0x3F9D];
	_ =	swait.ge [sflag:s4], $0x0  }
0x19: {  	s7 =	sld [smem:$0x3F9E]  }
0x1a: {  	s8 =	sadd.s32 $0xFFFFE003, lr  }
0x1b: {  	s9 =	sadd.s32 $0xFFFFFEF7, lr;
	s5 =	simm.s32 $0xFFFFFFFF;
	p2 =	slt.u32 s8, $0xFFFFF086  }
0x1c: {  	p1 =	slt.u32 s9, $0xF7A;
	s5 =	simm.s32 @!p2 $0x0  }
0x1d: {  	s5 =	simm.s32 @p1 $0x1;
	p0 =	seq.s32 s7, s2  }
0x1e: {  	s7 =	smul.u32 @!p0 $0xF7A, s2;
	p2 =	seq.s32 @!p0 s5, $0x0  }
0x1f: {  	s9 =	smul.u32 $0xF7A, s1;
	s8 =	simm.s32 @!p0 $0x1BF5;
	p2 =	por !p2, p0  }
0x20: {  	[sflag:s8] =	ssyncset.s32 @!p0 $0xFFFFF086;
	s6 =	sadd.s32 @!p0 s3, s7;
	s7 =	simm.s32 @!p0 $0x108  }
0x21: {  	s3 =	sadd.s32 s3, s9;
	s6 =	sadd.s32 @!p0 $0x88, s6;
	s7 =	simm.s32 @p2 $0x1082  }
0x22: {  	[simem:s7], [sflag:s8] =	dma.local @!p0 [hbm:s6], $0xF7A  }
0x23: {  	s9 =	sor.u32 $0xD0000000, s2;
	s6 =	simm.s32 $0x108;
	_ =	swait.ge @!p0 [sflag:s8], $0x0  }
0x24: {  	s3 =	sadd.s32 $0x88, s3;
	s6 =	simm.s32 @!p1 $0x1082;
	[sflag:s4] =	ssyncset.s32 $0xFFFFF086  }
0x25: {  	[simem:s6], [sflag:s4] =	dma.local [hbm:s3], $0xF7A  }
0x26: {  	[smem:$0x3F9E] =	sst s1;
	(tag) =	ssettag s2;
	_ =	strace s9  }
0x27: {  	s1 =	sld [smem:$0x3FAE]  }
0x28: {  	s2 =	sld [smem:$0x3FAF]  }
0x29: {  	s4 =	sld [smem:$0x3FB1]  }
0x2a: {  	p0 =	seq.s32 s5, $0x0;
	s5 =	sld [smem:$0x3FB2]  }
0x2b: {  	s6 =	sld [smem:$0x3FB3]  }
0x2c: {  	s7 =	sld [smem:$0x3FB4]  }
0x2d: {  	s3 =	simm.s32 $0x108;
	s8 =	sld [smem:$0x3FB5]  }
0x2e: {  	s3 =	simm.s32 @!p0 $0x1082;
	s9 =	sld [smem:$0x3FB6]  }
0x2f: {  	lr =	sadd.s32 s0, s3;
	s0 =	sld [smem:$0x3FAD]  }
0x30: {  	s3 =	sld [smem:$0x3FB0]  }
0x31: {  	[smem:$0x3FB9] =	sst s10  }
0x32: {  	s10 =	sld [smem:$0x3FB7];
	_ =	sdelay $0x3  }
0x33: {  	p0 =	seq.s32 s10, $0x1;
	s10 =	sld [smem:$0x3FB9];
	_ =	sdelay $0x3  }
0x34: {  	[smem:$0x3FB9] =	sst s10  }
0x35: {  	s10 =	sld [smem:$0x3FB8];
	_ =	sdelay $0x3  }
0x36: {  	p1 =	seq.s32 s10, $0x1;
	s10 =	sld [smem:$0x3FB9];
	_ =	sdelay $0x3  }
0x37: {  	[smem:$0x3FB9] =	sst s10  }
0x38: {  	s10 =	sld [smem:$0x3FBA]  }
0x39: {  	_ = 	snop;
	(pc) =	sbr.ind lr, $3  }
0x3a: {  	_ = 	snop  }
0x3b: {  	_ = 	snop  }
0x3c: {  	p2 =	seq.s32 s10, $0x1;
	s10 =	sld [smem:$0x3FB9]  }
0x3d: {  	_ =	shalt  }
0x3e: {  	_ =	shalt  }
0x3f: {  	_ =	shalt  }
0x40: {  	_ =	shalt  }
0x41: {  	_ =	shalt  }
0x42: {  	_ =	shalt  }
0x43: {  	_ =	shalt  }
0x44: {  	_ =	shalt  }
0x45: {  	_ =	shalt  }
0x46: {  	_ =	shalt  }
0x47: {  	_ =	shalt  }
0x48: {  	_ =	shalt  }
0x49: {  	_ =	shalt  }
0x4a: {  	_ =	shalt  }
0x4b: {  	_ =	shalt  }
0x4c: {  	_ =	shalt  }
0x4d: {  	_ =	shalt  }
0x4e: {  	_ =	shalt  }
0x4f: {  	_ =	shalt  }
0x50: {  	_ =	shalt  }
0x51: {  	_ =	shalt  }
0x52: {  	_ =	shalt  }
0x53: {  	_ =	shalt  }
0x54: {  	_ =	shalt  }
0x55: {  	_ =	shalt  }
0x56: {  	_ =	shalt  }
0x57: {  	_ =	shalt  }
0x58: {  	_ =	shalt  }
0x59: {  	_ =	shalt  }
0x5a: {  	_ =	shalt  }
0x5b: {  	_ =	shalt  }
0x5c: {  	_ =	shalt  }
0x5d: {  	_ =	shalt  }
0x5e: {  	_ =	shalt  }
0x5f: {  	_ =	shalt  }
0x60: {  	_ =	shalt  }
0x61: {  	_ =	shalt  }
0x62: {  	_ =	shalt  }
0x63: {  	_ =	shalt  }
0x64: {  	_ =	shalt  }
0x65: {  	_ =	shalt  }
0x66: {  	_ =	shalt  }
0x67: {  	_ =	shalt  }
0x68: {  	_ =	shalt  }
0x69: {  	_ =	shalt  }
0x6a: {  	_ =	shalt  }
0x6b: {  	_ =	shalt  }
0x6c: {  	_ =	shalt  }
0x6d: {  	_ =	shalt  }
0x6e: {  	_ =	shalt  }
0x6f: {  	_ =	shalt  }
0x70: {  	_ =	shalt  }
0x71: {  	_ =	shalt  }
0x72: {  	_ =	shalt  }
0x73: {  	_ =	shalt  }
0x74: {  	_ =	shalt  }
0x75: {  	_ =	shalt  }
0x76: {  	_ =	shalt  }
0x77: {  	_ =	shalt  }
0x78: {  	_ =	shalt  }
0x79: {  	_ =	shalt  }
0x7a: {  	_ =	shalt  }
0x7b: {  	_ =	shalt  }
0x7c: {  	_ =	shalt  }
0x7d: {  	_ =	shalt  }
0x7e: {  	_ =	shalt  }
0x7f: {  	_ =	shalt  }
0x80: {  	_ =	shalt  }
0x81: {  	_ =	shalt  }
0x82: {  	_ =	shalt  }
0x83: {  	_ =	shalt  }
0x84: {  	_ =	shalt  }
0x85: {  	_ =	shalt  }
0x86: {  	_ =	shalt  }
0x87: {  	_ =	shalt  }
.Lfunc_end0:
.L_simem_size_0:
called_computation_lowered:
.L_overlay_start_0:
0x88: {  	s2 =	sld [smem:$0x3FD9]  }
0x89: {  	s3 =	sld [smem:$0x3FFE];
	_ =	sdelay $0x1  }
0x8a: {  	s1 =	srdreg.scid  }
0x8b: {  	s0 =	sand.u32 $0x1, s1  }
0x8c: {  	s18 =	sshll.u32 s0, $0xA;
	s2 =	sadd.s32 s3, s2  }
0x8d: {  	s2 =	sadd.s32 s2, s18  }
0x8e: {  	[smem:$0x3FC5] =	sst s2  }
0x8f: {  	_ = 	snop  }
0x90: {  	s2 =	sld [smem:$0x3FC9]  }
0x91: {  	s19 =	sld [smem:$0x3FC8]  }
0x92: {  	s4 =	sld [smem:$0x3FC7]  }
0x93: {  	s5 =	sld [smem:$0x3FD0];
	(tm) =	ssettm $0x1  }
0x94: {  	s6 =	sld [smem:$0x3FFB];
	_ =	sdelay $0x3  }
0x95: {  	_ =	strace s6  }
0x96: {  	s6 =	sld [smem:$0x3FFC];
	_ =	sdelay $0x3  }
0x97: {  	_ =	strace s6  }
0x98: {  	s6 =	sld [smem:$0x3FFD];
	_ =	sdelay $0x3  }
0x99: {  	_ =	strace s6  }
0x9a: {  	_ =	strace $0x8FFFFFFF  }
0x9b: {  	s20 =	sld [smem:$0x3FDB];
	_ =	sdelay $0x1  }
0x9c: {  	s7 =	simm.s32 $_scs_section_size  }
0x9d: {  	s8 =	simm.s32 $_size__tile_overlayer_lowered;
	s9 =	simm.s32 $_tile_overlayer_lowered  }
0x9e: {  	s23 =	simm.s32 $0x1BFF;
	s22 =	sshll.u32 s9, $0x1;
	s6 =	sadd.s32 s7, s20  }
0x9f: {  	s10 =	simm.s32 $0x0;
	s21 =	sshll.u32 s8, $0x1;
	s8 =	sadd.s32 s22, s6  }
0xa0: {  	[timem:s10], [sflag:s23] =	dma.local [hbm:s8], s21  }
0xa1: {  	_ =	swait.ge [sflag:s23], s21  }
0xa2: {  	s7 =	ssub.s32 $0x0, s21;
	[sflag:s23] =	ssyncset.done $0x0  }
0xa3: {  	[sflag:s23] =	ssyncadd.s32 s7;
	_ =	sdelay $0x1  }
0xa4: {  	s24 =	simm.s32 $0x1B8B  }
0xa5: {  	_ =	swait.ge [sflag:s24], $0x1  }
0xa6: {  	[sflag:s24] =	ssyncset.done $0x0  }
0xa7: {  	s25 =	simm.s32 $0x1B8E;
	[sflag:s24] =	ssyncadd.s32 $0xFFFFFFFF  }
0xa8: {  	s26 =	simm.s32 $execute0_lowered;
	[smem:$0x3FD2] =	sst s25  }
0xa9: {  	s7 =	sshll.u32 s26, $0x1;
	_ =	strace $0x80000046;
	[dreg:$0x1] =	wrdreg $0xFFFFFFFF  }
0xaa: {  	s28 =	simm.s32 $_size_execute0_lowered;
	s6 =	sadd.s32 s6, s7;
	[dreg:$0x0] =	wrdreg $0x0  }
0xab: {  	s7 =	sshll.u32 s28, $0x1;
	[dreg:$0x2] =	wrdreg s6  }
0xac: {  	[dreg:$0x3] =	wrdreg s7  }
0xad: {  	[dreg:$0x4] =	wrdreg $0xC0  }
0xae: {  	_ =	task [dreg:s10], $0x5FFFF  }
0xaf: {  	[dreg:$0x1] =	wrdreg $0xFFFFFFFF  }
0xb0: {  	[dreg:$0x0] =	wrdreg $0x60  }
0xb1: {  	[dreg:$0x2] =	wrdreg s2  }
0xb2: {  	[dreg:$0x3] =	wrdreg s19  }
0xb3: {  	[dreg:$0x4] =	wrdreg s4  }
0xb4: {  	[dreg:$0x5] =	wrdreg s5  }
0xb5: {  	[dreg:$0x6] =	wrdreg $0x9  }
0xb6: {  	_ =	task.clear_ibuf [dreg:s10], $0x7FFFF;
	_ =	strace $0x90000046  }
0xb7: {  	s29 =	simm.s32 $0x9;
	_ =	strace $0x80000048  }
0xb8: {  	_ =	swait.ge [sflag:s29], $0x1  }
0xb9: {  	[sflag:s29] =	ssyncadd.s32 $0xFFFFFFFF  }
0xba: {  	_ =	strace $0x90000048  }
0xbb: {  	_ =	sfence  }
0xbc: {  	s30 =	sld [smem:$0x0];
	_ =	sdelay $0x2  }
0xbd: {  	s31 =	sshll.u32 s1, $0xD;
	s1 =	sshrl.u32 s1, $0x2  }
0xbe: {  	s3 =	sand.u32 $0x4000, s31;
	s1 =	sadd.s32 s1, s30  }
0xbf: {  	s0 =	sor.u32 s3, s0;
	s1 =	sshll.u32 s1, $0x11  }
0xc0: {  	s0 =	sor.u32 s1, s0  }
0xc1: {  	s0 =	sadd.s32 $0x8F2B, s0  }
0xc2: {  	[sflag:s0] =	ssyncadd.remote.s32 $0x1  }
0xc3: {  	_ =	sfence.sel $0xFFFF  }
0xc4: {  	[dreg:$0x0] =	wrdreg $0xFFFFFFFF;
	(pc) =	sbr.abs _section_cstart, $3  }
0xc5: {  	[dreg:$0x1] =	wrdreg $0xFFFFFFFF  }
0xc6: {  	_ =	task.clear_ibuf [dreg:s10], $0x2FFFF;
	_ =	strace $0x9FFFFFFF  }
0xc7: {  	(tm) =	ssettm $0x7FFFFFFF  }
tec
execute0_lowered:
.L_overlay_start_1:
0x0: {  	(tag) =	ssettag $0x1  }
0x1: {  	s1 =	rddreg [dreg:$0x0]  }
0x2: {  	s0 =	rddreg [dreg:$0x1]  }
0x3: {  	s2 =	rddreg [dreg:$0x2]  }
0x4: {  	s4 =	rddreg [dreg:$0x3]  }
0x5: {  	s3 =	srdreg.scid;
	s5 =	simm.s32 $0x0;
	s14 =	stileid.u32  }
0x6: {  	s18 =	simm.s32 $0x4;
	s19 =	simm.s32 $0x3;
	s20 =	simm.s32 $0x5  }
0x7: {  	s21 =	simm.s32 $0x6;
	s3 =	sand.u32 $0x1, s3;
	[smem:$0x7FF] =	sst s5  }
0x8: {  	s7 =	sshll.u32 s14, $0x1;
	s9 =	sshll.u32 s14, $0x6;
	s10 =	sadd.s32 $0x100, s2  }
0x9: {  	s11 =	sadd.s32 $0x200, s2;
	s12 =	sadd.s32 $0x300, s2;
	s28 =	sand.u32 $0x3, s14  }
0xa: {  	s14 =	simm.s32 $0x2;
	s6 =	ssub.s32 $0x2, s3;
	_ =	strace $0x80000047  }
0xb: {  	s7 =	sor.u32 s3, s7;
	s9 =	sand.u32 $0x300, s9;
	s3 =	sshll.u32 s3, $0x4  }
0xc: {  	s8 =	sshrl.u32 s6, $0x1;
	s13 =	sand.u32 $0x7, s7;
	s0 =	sadd.s32 s0, s9  }
0xd: {  	s8 =	ssub.s32 s6, s8;
	s6 =	sshll.u32 s7, $0x8;
	s7 =	sshll.u32 s7, $0xF  }
0xe: {  	[dreg:$0x6] =	wrdreg s0;
	s9 =	sshll.u32 s13, $0x8;
	s15 =	sadd.s32 s1, s7  }
0xf: {  	p0 =	seq.s32 s13, $0x0;
	s24 =	sadd.s32 s4, s7;
	[dreg:$0x5] =	wrdreg s15  }
0x10: {  	s13 =	simm.s32 $0x4900;
	s30 =	smax.u32 s8, $0x1;
	[dreg:$0x9] =	wrdreg s24  }
0x11: {  	s16 =	sor.u32 $0x10, s6;
	s22 =	sadd.s32 $0x800, s15;
	[dreg:$0xe] =	wrdreg s30  }
0x12: {  	s25 =	sor.u32 $0x7800, s7;
	s23 =	sadd.s32 $0x1000, s15;
	[dreg:$0x7] =	wrdreg s22  }
0x13: {  	s17 =	sor.u32 $0x20, s6;
	s7 =	sadd.s32 s1, s25;
	[dreg:$0x8] =	wrdreg s23  }
0x14: {  	s8 =	simm.s32 $0x10100;
	s26 =	sadd.s32 $0x6800, s24;
	[dreg:$0xa] =	wrdreg s7  }
0x15: {  	s29 =	sadd.s32 $0x7000, s24;
	s0 =	sadd.s32 s4, s25;
	[dreg:$0xb] =	wrdreg s26  }
0x16: {  	v3 =	vlaneseq.u32;
	s24 =	simm.s32 $0x900;
	[dreg:$0xc] =	wrdreg s29;
	s7 =	sshll.u32 s28, $0x5  }
0x17: {  	v0 =	vimm.s32 $0x0;
	vm0 =	vmmov $0xffff;
	v2 =	vshrl.u32 v3, $0x3;
	s25 =	simm.s32 $0x8900;
	[dreg:$0xd] =	wrdreg s0;
	s31 =	sor.u32 s3, s7  }
0x18: {  	v1 =	vand.u32 $0x7, v3;
	v3 =	vor.u32 $0x8, v3;
	v2 =	vmul.u32 $0x8, v2;
	s23 =	simm.s32 $0x1;
	s3 =	simm.s32 $0x0;
	[dreg:$0xf] =	wrdreg s31  }
.LBB2_1:
0x19: {  	[dreg:$0x10] =	wrdreg s3  }
0x1a: {  	s0 =	rddreg [dreg:$0x5]  }
0x1b: {  	[tilespmem:s24], [sflag:$0x1] =	stream.linear.gather [hbm4b:s0+s5], $0x4000, $0x38;
	[tilespmem:$0x18900] =	vst v63  }
.Ltmp0:
0x1c: {  	s30 =	rddreg [dreg:$0x6];
	s31 =	simm.s32 $0x7;
	(pc) =	sbr.rel @p0 .LBB2_15-.Ltmp0, $4  }
0x1d: {  	[tilespmem:s5], [sflag:$0x7] =	stream.linear.gather [hbm4b:s30+s5], $0x800, $0x38;
	[tilespmem:$0x18900] =	vst v63  }
0x1e: {  	_ =	swait.ge [sflag:s31], $0x800  }
0x1f: {  	[sflag:s31] =	ssyncset.done $0x0  }
0x20: {  	s0 =	simm.s32 $0x0;
	[sflag:s31] =	ssyncadd.s32 $0xFFFFF800  }
0x21: {  	s0 =	rddreg [dreg:$0xf]  }
0x22: {  	v4 =	vld [tilespmem:s5+$0x0];
	p5 =	sne.s32 s0, $0x1  }
.Ltmp1:
0x23: {  	_ = 	snop;
	(pc) =	sbr.rel @!p5 .LBB2_3-.Ltmp1, $3  }
0x24: {  	_ =	sdelay $0x1  }
0x25: {  	p1 =	por $0x0, $0x0;
	p2 =	por $0x0, $0x0;
	p3 =	por $0x0, $0x0  }
0x26: {  	p4 =	por $0x0, $0x0;
	s7 =	sadd.s32 $0xFFFFFFFF, s0;
	s0 =	sadd.s32 $0x10, s5;
	vm1 =	vne.s32 v4, $0x0  }
0x27: {  	v4 =	vld [tilespmem:s0+$0x0];
	p5 =	sne.s32 s7, $0x1  }
.Ltmp2:
0x28: {  	_ = 	snop;
	(pc) =	sbr.rel @!p5 .LBB2_5-.Ltmp2, $3  }
0x29: {  	_ =	sdelay $0x1  }
0x2a: {  	v5 =	vsel vm1, $0x1, v0  }
0x2b: {  	s7 =	sadd.s32 $0xFFFFFFFF, s7;
	s0 =	sadd.s32 $0x10, s0;
	p1 =	por $0x1, $0x1;
	(xrf0) =	vadd.scan.msk.s32 $0xffff, v5;
	vm1 =	vne.s32 v4, $0x0  }
0x2c: {  	_ = 	snop  }
0x2d: {  	v4 =	vld [tilespmem:s0+$0x0];
	p5 =	sne.s32 s7, $0x1  }
.Ltmp3:
0x2e: {  	_ = 	snop;
	(pc) =	sbr.rel @!p5 .LBB2_7-.Ltmp3, $3  }
0x2f: {  	_ =	sdelay $0x1  }
0x30: {  	v5 =	vsel vm1, $0x1, v0;
	v6, _, _ =	vpop (xrf0)  }
0x31: {  	s7 =	sadd.s32 $0xFFFFFFFF, s7;
	s0 =	sadd.s32 $0x10, s0;
	p2 =	por $0x1, $0x1;
	(xrf0) =	vadd.scan.msk.s32 $0xffff, v5;
	vm1 =	vne.s32 v4, $0x0;
	(v2sf) =	vpush v6, $0xF  }
0x32: {  	_ =	sdelay $0x4  }
0x33: {  	v6, _, _ =	vpop (xrf0)  }
0x34: {  	(v2sf) =	vpush v6, $0xF;
	_ =	sdelay $0x3  }
0x35: {  	v4 =	vld [tilespmem:s0+$0x0];
	p5 =	sne.s32 s7, $0x1  }
.Ltmp4:
0x36: {  	_ = 	snop;
	(pc) =	sbr.rel @!p5 .LBB2_9-.Ltmp4, $3  }
0x37: {  	_ =	sdelay $0x1  }
0x38: {  	v5 =	vsel vm1, $0x1, v0  }
0x39: {  	s7 =	sadd.s32 $0xFFFFFFFF, s7;
	s0 =	sadd.s32 $0x10, s0;
	p3 =	por $0x1, $0x1;
	(xrf0) =	vadd.scan.msk.s32 $0xffff, v5;
	vm1 =	vne.s32 v4, $0x0  }
0x3a: {  	_ =	sdelay $0x4  }
0x3b: {  	v6, _, _ =	vpop (xrf0)  }
0x3c: {  	(v2sf) =	vpush v6, $0xF;
	_ =	sdelay $0x2  }
0x3d: {  	v4 =	vld [tilespmem:s0+$0x0];
	p5 =	sne.s32 s7, $0x1;
	v5 =	vsel vm1, $0x1, v0  }
.Ltmp5:
0x3e: {  	(xrf0) =	vadd.scan.msk.s32 $0xffff, v5;
	(pc) =	sbr.rel @!p5 .LBB2_11-.Ltmp5, $3  }
0x3f: {  	_ =	sdelay $0x1  }
0x40: {  	s15 =	sadd.s32 $0xFFFFFFFF, s7;
	s22 =	sadd.s32 $0x10, s0  }
0x41: {  	s7 =	spop (v2sf);
	p4 =	por $0x1, $0x1;
	s0 =	simm.s32 $0x0;
	vm1 =	vne.s32 v4, $0x0  }
.LBB2_12:
0x42: {  	v4 =	vld [tilespmem:s22+$0x0];
	p5 =	sne.s32 s15, $0x1;
	s15 =	sadd.s32 $0xFFFFFFFF, s15;
	v6 =	vsel vm1, $0x1, v0;
	s0 =	sadd.s32 s0, s7  }
.Ltmp6:
0x43: {  	(xrf0) =	vadd.scan.msk.s32 $0xffff, v6;
	v5, _, _ =	vpop (xrf0);
	(pc) =	sbr.rel @p5 .LBB2_12-.Ltmp6, $2  }
0x44: {  	(v2sf) =	vpush v5, $0xF;
	_ =	sdelay $0x3  }
0x45: {  	s22 =	sadd.s32 $0x10, s22;
	vm1 =	vne.s32 v4, $0x0;
	s7 =	spop (v2sf)  }
0x46: {  	_ = 	snop  }
.LBB2_14:
0x47: {  	v4 =	vsel vm1, $0x1, v0  }
0x48: {  	(xrf0) =	vadd.scan.msk.s32 $0xffff, v4;
	_ =	sdelay $0x2  }
0x49: {  	v4, _, _ =	vpop @p1 (xrf0)  }
0x4a: {  	(v2sf) =	vpush @p1 v4, $0xF;
	_ =	sdelay $0x1  }
0x4b: {  	v4, _, _ =	vpop (xrf0)  }
0x4c: {  	(v2sf) =	vpush v4, $0xF;
	_ =	sdelay $0x7  }
0x4d: {  	s15 =	spop @p3 (v2sf);
	s0 =	sadd.s32 @p4 s0, s7;
	s7 =	simm.s32 $0x0  }
0x4e: {  	s15 =	smov.u32 @p3 s15;
	s7 =	smov.u32 @p4 s0  }
0x4f: {  	s0 =	sadd.s32 @p3 s7, s15;
	s15 =	simm.s32 $0x0;
	s7 =	spop @p2 (v2sf)  }
0x50: {  	s15 =	smov.u32 @p3 s0;
	s7 =	smov.u32 @p2 s7  }
0x51: {  	s0 =	sadd.s32 @p2 s15, s7;
	s15 =	simm.s32 $0x0;
	s7 =	spop @p1 (v2sf)  }
0x52: {  	s15 =	smov.u32 @p2 s0;
	s7 =	smov.u32 @p1 s7  }
0x53: {  	s0 =	sadd.s32 @p1 s15, s7;
	s7 =	simm.s32 $0x0  }
0x54: {  	s7 =	smov.u32 @p1 s0;
	s31 =	spop (v2sf)  }
0x55: {  	s0 =	sadd.s32 s7, s31  }
.LBB2_15:
0x56: {  	s7 =	simm.s32 $0x0  }
0x57: {  	s15 =	sand.u32 $0x80, s7  }
0x58: {  	s7 =	sand.u32 $0x70, s7;
	s15 =	sadd.s32 s15, s9  }
0x59: {  	s7 =	sadd.s32 s7, s15  }
0x5a: {  	v4 =	vld [tilespmem:s7+$0x0];
	_ =	sdelay $0x4  }
0x5b: {  	vm1 =	vne.s32 v4, $0x0  }
0x5c: {  	v4 =	vsel vm1, $0x1, v0  }
0x5d: {  	(xrf0) =	vadd.scan.msk.s32 $0xffff, v4;
	_ =	sdelay $0x5  }
0x5e: {  	s22 =	simm.s32 $0x10;
	v5, _, _ =	vpop (xrf0)  }
0x5f: {  	s26 =	sand.u32 $0x80, s22;
	s15 =	simm.s32 $0x20;
	s7 =	simm.s32 $0x800;
	v4 =	vadd.s32 s0, v5;
	(v2sf) =	vpush v5, $0xF  }
.LBB2_16:
0x60: {  	p1 =	sne.s32 s15, $0xF0;
	s22 =	sand.u32 $0x70, s22;
	s26 =	sadd.s32 s26, s9;
	v4 =	vnsel vm1, $0x0, v4  }
0x61: {  	s26 =	sadd.s32 s22, s26;
	[tilespmem:s7+$0x0] =	vst v4;
	s22 =	smov.u32 s15  }
0x62: {  	v4 =	vld [tilespmem:s26+$0x0];
	_ =	sdelay $0x4  }
0x63: {  	vm1 =	vne.s32 v4, $0x0  }
0x64: {  	v4 =	vsel vm1, $0x1, v0  }
0x65: {  	(xrf0) =	vadd.scan.msk.s32 $0xffff, v4;
	_ =	sdelay $0x2  }
.Ltmp7:
0x66: {  	(pc) =	sbr.rel @p1 .LBB2_16-.Ltmp7, $4  }
0x67: {  	_ = 	snop  }
0x68: {  	s26 =	spop (v2sf)  }
0x69: {  	v5, _, _ =	vpop (xrf0);
	s0 =	sadd.s32 s0, s26  }
0x6a: {  	s15 =	sadd.s32 $0x10, s15;
	s7 =	sadd.s32 $0x10, s7;
	s26 =	sand.u32 $0x80, s22;
	v4 =	vadd.s32 s0, v5;
	(v2sf) =	vpush v5, $0xF  }
0x6b: {  	s15 =	sand.u32 $0x70, s22;
	s29 =	sadd.s32 s26, s9;
	v4 =	vnsel vm1, $0x0, v4  }
0x6c: {  	s15 =	sadd.s32 s15, s29;
	[tilespmem:s7+$0x0] =	vst v4  }
0x6d: {  	v4 =	vld [tilespmem:s15+$0x0];
	_ =	sdelay $0x4  }
0x6e: {  	vm1 =	vne.s32 v4, $0x0  }
0x6f: {  	v4 =	vsel vm1, $0x1, v0  }
0x70: {  	(xrf0) =	vadd.scan.msk.s32 $0xffff, v4;
	_ =	sdelay $0x4  }
0x71: {  	s30 =	spop (v2sf)  }
0x72: {  	v4, _, _ =	vpop (xrf0);
	s0 =	sadd.s32 s0, s30  }
0x73: {  	v5 =	vadd.s32 s0, v4  }
0x74: {  	s31 =	sadd.s32 $0x10, s7;
	v5 =	vnsel vm1, $0x0, v5  }
0x75: {  	[tilespmem:s31+$0x0] =	vst v5  }
0x76: {  	v5 =	vld [tilespmem:$0x800];
	_ =	sdelay $0x4  }
0x77: {  	v6 =	vshll.u32 v5, $0x3  }
0x78: {  	v5 =	vand.u32 $0x7, v5;
	v6 =	vand.u32 $0xFFFFFFC0, v6  }
0x79: {  	v5 =	vor.u32 v5, v6  }
0x7a: {  	v6 =	vperm.xlane v5, v1;
	_ =	sdelay $0x1  }
0x7b: {  	v6 =	vadd.s32 v2, v6;
	_ =	sdelay $0x3  }
0x7c: {  	s3 =	simm.s32 $0xC900;
	s7 =	simm.s32 $0x0  }
0x7d: {  	[tilespmem:s3], [sflag:$0x1] =	stream.indirect_vreg.gather [hbm4b:s2+s7], $0x80, v6, vm0, $0xb8;
	[tilespmem:$0x18900] =	vst v63  }
0x7e: {  	s15 =	simm.s32 $0xD100;
	v5 =	vperm.xlane v5, v3  }
0x7f: {  	[tilespmem:s15], [sflag:$0x1] =	stream.indirect_vreg.gather [hbm4b:s10+s7], $0x80, v6, vm0, $0xb8;
	[tilespmem:$0x18900] =	vst v63  }
0x80: {  	s22 =	simm.s32 $0xD900;
	v5 =	vadd.s32 v2, v5  }
0x81: {  	[tilespmem:s22], [sflag:$0x1] =	stream.indirect_vreg.gather [hbm4b:s11+s7], $0x80, v6, vm0, $0xb8;
	[tilespmem:$0x18900] =	vst v63  }
0x82: {  	s26 =	simm.s32 $0xE100  }
0x83: {  	[tilespmem:s26], [sflag:$0x1] =	stream.indirect_vreg.gather [hbm4b:s12+s7], $0x80, v6, vm0, $0xb8;
	[tilespmem:$0x18900] =	vst v63  }
0x84: {  	s28 =	simm.s32 $0xE900  }
0x85: {  	[tilespmem:s28], [sflag:$0x1] =	stream.indirect_vreg.gather [hbm4b:s2+s7], $0x80, v5, vm0, $0xb8;
	[tilespmem:$0x18900] =	vst v63  }
0x86: {  	s29 =	simm.s32 $0xF100  }
0x87: {  	[tilespmem:s29], [sflag:$0x1] =	stream.indirect_vreg.gather [hbm4b:s10+s7], $0x80, v5, vm0, $0xb8;
	[tilespmem:$0x18900] =	vst v63  }
0x88: {  	s30 =	simm.s32 $0xF900  }
0x89: {  	[tilespmem:s30], [sflag:$0x1] =	stream.indirect_vreg.gather [hbm4b:s11+s7], $0x80, v5, vm0, $0xb8;
	[tilespmem:$0x18900] =	vst v63  }
0x8a: {  	_ = 	snop  }
0x8b: {  	[tilespmem:s8], [sflag:$0x1] =	stream.indirect_vreg.gather [hbm4b:s12+s7], $0x80, v5, vm0, $0xb8;
	[tilespmem:$0x18900] =	vst v63  }
0x8c: {  	s31 =	rddreg [dreg:$0x7]  }
0x8d: {  	[tilespmem:s13], [sflag:$0x2] =	stream.linear.gather [hbm4b:s31+s7], $0x4000, $0x38;
	[tilespmem:$0x18900] =	vst v63  }
0x8e: {  	v5 =	vld [tilespmem:$0x810];
	_ =	sdelay $0x4  }
0x8f: {  	v63 =	vshll.u32 v5, $0x3  }
0x90: {  	v5 =	vand.u32 $0x7, v5;
	v6 =	vand.u32 $0xFFFFFFC0, v63  }
0x91: {  	v5 =	vor.u32 v5, v6  }
0x92: {  	v6 =	vperm.xlane v5, v1;
	_ =	sdelay $0x1  }
0x93: {  	v6 =	vadd.s32 v2, v6;
	_ =	sdelay $0x2  }
0x94: {  	(v2sf) =	vpush v4, $0xF  }
0x95: {  	s3 =	simm.s32 $0x10900  }
0x96: {  	[tilespmem:s3], [sflag:$0x2] =	stream.indirect_vreg.gather [hbm4b:s2+s7], $0x80, v6, vm0, $0xb8;
	[tilespmem:$0x18900] =	vst v63  }
0x97: {  	s15 =	simm.s32 $0x11100;
	v4 =	vperm.xlane v5, v3  }
0x98: {  	[tilespmem:s15], [sflag:$0x2] =	stream.indirect_vreg.gather [hbm4b:s10+s7], $0x80, v6, vm0, $0xb8;
	[tilespmem:$0x18900] =	vst v63  }
0x99: {  	s22 =	simm.s32 $0x11900;
	v4 =	vadd.s32 v2, v4  }
0x9a: {  	[tilespmem:s22], [sflag:$0x2] =	stream.indirect_vreg.gather [hbm4b:s11+s7], $0x80, v6, vm0, $0xb8;
	[tilespmem:$0x18900] =	vst v63  }
0x9b: {  	s26 =	simm.s32 $0x12100  }
0x9c: {  	[tilespmem:s26], [sflag:$0x2] =	stream.indirect_vreg.gather [hbm4b:s12+s7], $0x80, v6, vm0, $0xb8;
	[tilespmem:$0x18900] =	vst v63  }
0x9d: {  	s28 =	simm.s32 $0x12900  }
0x9e: {  	[tilespmem:s28], [sflag:$0x2] =	stream.indirect_vreg.gather [hbm4b:s2+s7], $0x80, v4, vm0, $0xb8;
	[tilespmem:$0x18900] =	vst v63  }
0x9f: {  	s29 =	simm.s32 $0x13100  }
0xa0: {  	[tilespmem:s29], [sflag:$0x2] =	stream.indirect_vreg.gather [hbm4b:s10+s7], $0x80, v4, vm0, $0xb8;
	[tilespmem:$0x18900] =	vst v63  }
0xa1: {  	s30 =	simm.s32 $0x13900  }
0xa2: {  	[tilespmem:s30], [sflag:$0x2] =	stream.indirect_vreg.gather [hbm4b:s11+s7], $0x80, v4, vm0, $0xb8;
	[tilespmem:$0x18900] =	vst v63  }
0xa3: {  	s0 =	simm.s32 $0x14100;
	s31 =	spop (v2sf)  }
0xa4: {  	[tilespmem:s0], [sflag:$0x2] =	stream.indirect_vreg.gather [hbm4b:s12+s7], $0x80, v4, vm0, $0xb8;
	[tilespmem:$0x18900] =	vst v63  }
0xa5: {  	_ =	swait.ge [sflag:s23], $0x4000  }
0xa6: {  	[sflag:s23] =	ssyncset.done $0x0  }
0xa7: {  	[sflag:s23] =	ssyncadd.s32 $0xFFFFC000  }
0xa8: {  	_ =	swait.ge [sflag:s23], $0x4000  }
0xa9: {  	s15 =	simm.s32 $0xFFFFC000;
	[sflag:s23] =	ssyncset.done $0x0  }
0xaa: {  	s22 =	simm.s32 $0x0;
	s26 =	simm.s32 $0x0;
	[sflag:s23] =	ssyncadd.s32 $0xFFFFC000  }
.LBB2_18:
0xab: {  	s0 =	sadd.s32 $0x4000, s15  }
0xac: {  	s28 =	sand.u32 $0x380, s26;
	s0 =	sand.u32 $0x2000, s0  }
0xad: {  	s28 =	sor.u32 s28, s0  }
0xae: {  	v4 =	vld [tilespmem:s28+$0xC900]  }
0xaf: {  	v5 =	vld [tilespmem:s28+$0xC920]  }
0xb0: {  	v6 =	vld [tilespmem:s28+$0xC930]  }
0xb1: {  	v7 =	vld [tilespmem:s28+$0xC940]  }
0xb2: {  	v8 =	vld [tilespmem:s28+$0xC950]  }
0xb3: {  	v34 =	vld [tilespmem:s28+$0xCD00]  }
0xb4: {  	v35 =	vld [tilespmem:s28+$0xCD10]  }
0xb5: {  	v36 =	vld [tilespmem:s28+$0xCD20]  }
0xb6: {  	v37 =	vld [tilespmem:s28+$0xCD50]  }
0xb7: {  	v38 =	vld [tilespmem:s28+$0xCD60]  }
0xb8: {  	v39 =	vld [tilespmem:s28+$0xCD70]  }
0xb9: {  	v40 =	vld [tilespmem:s28+$0xD120]  }
0xba: {  	v41 =	vld [tilespmem:s28+$0xD130]  }
0xbb: {  	v42 =	vld [tilespmem:s28+$0xD140]  }
0xbc: {  	v43 =	vld [tilespmem:s28+$0xD170]  }
0xbd: {  	v44 =	vld [tilespmem:s28+$0xD500]  }
0xbe: {  	v45 =	vld [tilespmem:s28+$0xD510]  }
0xbf: {  	v46 =	vld [tilespmem:s28+$0xD540]  }
0xc0: {  	v47 =	vld [tilespmem:s28+$0xD550]  }
0xc1: {  	v48 =	vld [tilespmem:s28+$0xD560]  }
0xc2: {  	v49 =	vld [tilespmem:s28+$0xD910]  }
0xc3: {  	v50 =	vld [tilespmem:s28+$0xD920]  }
0xc4: {  	v51 =	vld [tilespmem:s28+$0xD930]  }
0xc5: {  	v52 =	vld [tilespmem:s28+$0xD960]  }
0xc6: {  	v53 =	vld [tilespmem:s28+$0xD970]  }
0xc7: {  	v54 =	vld [tilespmem:s28+$0xDD00]  }
0xc8: {  	v55 =	vld [tilespmem:s28+$0xDD30]  }
0xc9: {  	v56 =	vld [tilespmem:s28+$0xDD40]  }
0xca: {  	v57 =	vld [tilespmem:s28+$0xDD50]  }
0xcb: {  	v58 =	vld [tilespmem:s28+$0xE100]  }
0xcc: {  	v59 =	vld [tilespmem:s28+$0xE110]  }
0xcd: {  	v60 =	vld [tilespmem:s28+$0xE120]  }
0xce: {  	v61 =	vld [tilespmem:s28+$0xE150]  }
0xcf: {  	v62 =	vld [tilespmem:s28+$0xE160]  }
0xd0: {  	v63 =	vld [tilespmem:s28+$0xE170]  }
0xd1: {  	[tilespmem:s28+$0x900] =	vst.add.f32.msk $0xffff, v4  }
0xd2: {  	v4 =	vld [tilespmem:s28+$0xC910]  }
0xd3: {  	[tilespmem:s28+$0x920] =	vst.add.f32.msk $0xffff, v5  }
0xd4: {  	[tilespmem:s28+$0x930] =	vst.add.f32.msk $0xffff, v6  }
0xd5: {  	[tilespmem:s28+$0x940] =	vst.add.f32.msk $0xffff, v7  }
0xd6: {  	[tilespmem:s28+$0x950] =	vst.add.f32.msk $0xffff, v8  }
0xd7: {  	v5 =	vld [tilespmem:s28+$0xC970]  }
0xd8: {  	[tilespmem:s28+$0xD00] =	vst.add.f32.msk $0xffff, v34  }
0xd9: {  	[tilespmem:s28+$0xD10] =	vst.add.f32.msk $0xffff, v35  }
0xda: {  	[tilespmem:s28+$0xD20] =	vst.add.f32.msk $0xffff, v36  }
0xdb: {  	[tilespmem:s28+$0xD50] =	vst.add.f32.msk $0xffff, v37  }
0xdc: {  	[tilespmem:s28+$0xD60] =	vst.add.f32.msk $0xffff, v38  }
0xdd: {  	[tilespmem:s28+$0xD70] =	vst.add.f32.msk $0xffff, v39  }
0xde: {  	[tilespmem:s28+$0x1120] =	vst.add.f32.msk $0xffff, v40  }
0xdf: {  	[tilespmem:s28+$0x1130] =	vst.add.f32.msk $0xffff, v41  }
0xe0: {  	[tilespmem:s28+$0x1140] =	vst.add.f32.msk $0xffff, v42  }
0xe1: {  	[tilespmem:s28+$0x910] =	vst.add.f32.msk $0xffff, v4  }
0xe2: {  	v4 =	vld [tilespmem:s28+$0xC960]  }
0xe3: {  	[tilespmem:s28+$0x1170] =	vst.add.f32.msk $0xffff, v43  }
0xe4: {  	[tilespmem:s28+$0x1500] =	vst.add.f32.msk $0xffff, v44  }
0xe5: {  	[tilespmem:s28+$0x970] =	vst.add.f32.msk $0xffff, v5  }
0xe6: {  	v5 =	vld [tilespmem:s28+$0xCD40]  }
0xe7: {  	[tilespmem:s28+$0x960] =	vst.add.f32.msk $0xffff, v4  }
0xe8: {  	v4 =	vld [tilespmem:s28+$0xCD30]  }
0xe9: {  	[tilespmem:s28+$0x1510] =	vst.add.f32.msk $0xffff, v45  }
0xea: {  	[tilespmem:s28+$0x1540] =	vst.add.f32.msk $0xffff, v46  }
0xeb: {  	[tilespmem:s28+$0xD40] =	vst.add.f32.msk $0xffff, v5  }
0xec: {  	v5 =	vld [tilespmem:s28+$0xD110]  }
0xed: {  	[tilespmem:s28+$0xD30] =	vst.add.f32.msk $0xffff, v4  }
0xee: {  	v4 =	vld [tilespmem:s28+$0xD100]  }
0xef: {  	[tilespmem:s28+$0x1550] =	vst.add.f32.msk $0xffff, v47  }
0xf0: {  	[tilespmem:s28+$0x1560] =	vst.add.f32.msk $0xffff, v48  }
0xf1: {  	[tilespmem:s28+$0x1110] =	vst.add.f32.msk $0xffff, v5  }
0xf2: {  	v5 =	vld [tilespmem:s28+$0xD160]  }
0xf3: {  	[tilespmem:s28+$0x1100] =	vst.add.f32.msk $0xffff, v4  }
0xf4: {  	v4 =	vld [tilespmem:s28+$0xD150]  }
0xf5: {  	[tilespmem:s28+$0x1910] =	vst.add.f32.msk $0xffff, v49  }
0xf6: {  	[tilespmem:s28+$0x1920] =	vst.add.f32.msk $0xffff, v50  }
0xf7: {  	[tilespmem:s28+$0x1160] =	vst.add.f32.msk $0xffff, v5  }
0xf8: {  	v5 =	vld [tilespmem:s28+$0xD530]  }
0xf9: {  	[tilespmem:s28+$0x1150] =	vst.add.f32.msk $0xffff, v4  }
0xfa: {  	v4 =	vld [tilespmem:s28+$0xD520]  }
0xfb: {  	[tilespmem:s28+$0x1930] =	vst.add.f32.msk $0xffff, v51  }
0xfc: {  	[tilespmem:s28+$0x1960] =	vst.add.f32.msk $0xffff, v52  }
0xfd: {  	[tilespmem:s28+$0x1530] =	vst.add.f32.msk $0xffff, v5  }
0xfe: {  	v5 =	vld [tilespmem:s28+$0xD900]  }
0xff: {  	[tilespmem:s28+$0x1520] =	vst.add.f32.msk $0xffff, v4  }
0x100: {  	v4 =	vld [tilespmem:s28+$0xD570]  }
0x101: {  	[tilespmem:s28+$0x1970] =	vst.add.f32.msk $0xffff, v53  }
0x102: {  	[tilespmem:s28+$0x1D00] =	vst.add.f32.msk $0xffff, v54  }
0x103: {  	[tilespmem:s28+$0x1900] =	vst.add.f32.msk $0xffff, v5  }
0x104: {  	v5 =	vld [tilespmem:s28+$0xD950]  }
0x105: {  	[tilespmem:s28+$0x1570] =	vst.add.f32.msk $0xffff, v4  }
0x106: {  	v4 =	vld [tilespmem:s28+$0xD940]  }
0x107: {  	[tilespmem:s28+$0x1D30] =	vst.add.f32.msk $0xffff, v55  }
0x108: {  	[tilespmem:s28+$0x1D40] =	vst.add.f32.msk $0xffff, v56  }
0x109: {  	[tilespmem:s28+$0x1950] =	vst.add.f32.msk $0xffff, v5  }
0x10a: {  	v5 =	vld [tilespmem:s28+$0xDD20]  }
0x10b: {  	[tilespmem:s28+$0x1940] =	vst.add.f32.msk $0xffff, v4  }
0x10c: {  	v4 =	vld [tilespmem:s28+$0xDD10]  }
0x10d: {  	[tilespmem:s28+$0x1D50] =	vst.add.f32.msk $0xffff, v57  }
0x10e: {  	[tilespmem:s28+$0x2100] =	vst.add.f32.msk $0xffff, v58  }
0x10f: {  	[tilespmem:s28+$0x1D20] =	vst.add.f32.msk $0xffff, v5  }
0x110: {  	v5 =	vld [tilespmem:s28+$0xDD70]  }
0x111: {  	[tilespmem:s28+$0x1D10] =	vst.add.f32.msk $0xffff, v4  }
0x112: {  	v4 =	vld [tilespmem:s28+$0xDD60]  }
0x113: {  	[tilespmem:s28+$0x2110] =	vst.add.f32.msk $0xffff, v59  }
0x114: {  	[tilespmem:s28+$0x2120] =	vst.add.f32.msk $0xffff, v60  }
0x115: {  	[tilespmem:s28+$0x1D70] =	vst.add.f32.msk $0xffff, v5  }
0x116: {  	v5 =	vld [tilespmem:s28+$0xE140]  }
0x117: {  	[tilespmem:s28+$0x1D60] =	vst.add.f32.msk $0xffff, v4  }
0x118: {  	v4 =	vld [tilespmem:s28+$0xE130]  }
0x119: {  	[tilespmem:s28+$0x2150] =	vst.add.f32.msk $0xffff, v61  }
0x11a: {  	s3 =	sand.u32 $0x7, s7;
	[tilespmem:s28+$0x2160] =	vst.add.f32.msk $0xffff, v62  }
0x11b: {  	s0 =	sshll.u32 s3, $0x7;
	[tilespmem:s28+$0x2170] =	vst.add.f32.msk $0xffff, v63  }
0x11c: {  	s0 =	sadd.s32 s0, s22;
	[tilespmem:s28+$0x2140] =	vst.add.f32.msk $0xffff, v5  }
0x11d: {  	s29 =	sor.u32 $0x1C00, s0;
	[tilespmem:s28+$0x2130] =	vst.add.f32.msk $0xffff, v4  }
0x11e: {  	v4 =	vld [tilespmem:s29+$0xC900];
	_ =	sdelay $0x4  }
0x11f: {  	s30 =	sor.u32 $0x1C10, s0;
	[tilespmem:s29+$0x900] =	vst.add.f32.msk $0xffff, v4  }
0x120: {  	v4 =	vld [tilespmem:s30+$0xC900];
	_ =	sdelay $0x4  }
0x121: {  	s31 =	sor.u32 $0x1C20, s0;
	[tilespmem:s30+$0x900] =	vst.add.f32.msk $0xffff, v4  }
0x122: {  	v4 =	vld [tilespmem:s31+$0xC900];
	_ =	sdelay $0x4  }
0x123: {  	s3 =	sor.u32 $0x1C30, s0;
	[tilespmem:s31+$0x900] =	vst.add.f32.msk $0xffff, v4  }
0x124: {  	v4 =	vld [tilespmem:s3+$0xC900];
	_ =	sdelay $0x4  }
0x125: {  	s29 =	sor.u32 $0x1C40, s0;
	[tilespmem:s3+$0x900] =	vst.add.f32.msk $0xffff, v4  }
0x126: {  	v4 =	vld [tilespmem:s29+$0xC900];
	_ =	sdelay $0x4  }
0x127: {  	s30 =	sor.u32 $0x1C50, s0;
	[tilespmem:s29+$0x900] =	vst.add.f32.msk $0xffff, v4  }
0x128: {  	v4 =	vld [tilespmem:s30+$0xC900];
	_ =	sdelay $0x4  }
0x129: {  	s31 =	sor.u32 $0x1C60, s0;
	[tilespmem:s30+$0x900] =	vst.add.f32.msk $0xffff, v4  }
0x12a: {  	v4 =	vld [tilespmem:s31+$0xC900];
	_ =	sdelay $0x4  }
0x12b: {  	s0 =	sor.u32 $0x1C70, s0;
	[tilespmem:s31+$0x900] =	vst.add.f32.msk $0xffff, v4  }
0x12c: {  	p1 =	sne.s32 s26, $0x780;
	v4 =	vld [tilespmem:s0+$0xC900]  }
.Ltmp8:
0x12d: {  	_ = 	snop;
	(pc) =	sbr.rel @p1 .LBB2_18-.Ltmp8, $3  }
0x12e: {  	_ =	sdelay $0x1  }
0x12f: {  	s7 =	sadd.s32 $0x1, s7  }
0x130: {  	s15 =	sadd.s32 $0x400, s15;
	s26 =	sadd.s32 $0x80, s26;
	s22 =	sadd.s32 $0x400, s22;
	[tilespmem:s0+$0x900] =	vst.add.f32.msk $0xffff, v4  }
0x131: {  	s22 =	simm.s32 $0x0;
	s0 =	rddreg [dreg:$0x8]  }
0x132: {  	[tilespmem:s25], [sflag:$0x3] =	stream.linear.gather [hbm4b:s0+s22], $0x4000, $0x38;
	[tilespmem:$0x18900] =	vst v63  }
0x133: {  	v4 =	vld [tilespmem:$0x820];
	_ =	sdelay $0x4  }
0x134: {  	v5 =	vshll.u32 v4, $0x3  }
0x135: {  	v4 =	vand.u32 $0x7, v4;
	v5 =	vand.u32 $0xFFFFFFC0, v5  }
0x136: {  	v4 =	vor.u32 v4, v5  }
0x137: {  	v5 =	vperm.xlane v4, v1;
	_ =	sdelay $0x1  }
0x138: {  	v5 =	vadd.s32 v2, v5;
	_ =	sdelay $0x3  }
0x139: {  	s31 =	simm.s32 $0x14900  }
0x13a: {  	[tilespmem:s31], [sflag:$0x3] =	stream.indirect_vreg.gather [hbm4b:s2+s22], $0x80, v5, vm0, $0xb8;
	[tilespmem:$0x18900] =	vst v63  }
0x13b: {  	s3 =	simm.s32 $0x15100;
	v4 =	vperm.xlane v4, v3  }
0x13c: {  	[tilespmem:s3], [sflag:$0x3] =	stream.indirect_vreg.gather [hbm4b:s10+s22], $0x80, v5, vm0, $0xb8;
	[tilespmem:$0x18900] =	vst v63  }
0x13d: {  	s7 =	simm.s32 $0x15900;
	v4 =	vadd.s32 v2, v4  }
0x13e: {  	[tilespmem:s7], [sflag:$0x3] =	stream.indirect_vreg.gather [hbm4b:s11+s22], $0x80, v5, vm0, $0xb8;
	[tilespmem:$0x18900] =	vst v63  }
0x13f: {  	s15 =	simm.s32 $0x16100  }
0x140: {  	[tilespmem:s15], [sflag:$0x3] =	stream.indirect_vreg.gather [hbm4b:s12+s22], $0x80, v5, vm0, $0xb8;
	[tilespmem:$0x18900] =	vst v63  }
0x141: {  	s26 =	simm.s32 $0x16900  }
0x142: {  	[tilespmem:s26], [sflag:$0x3] =	stream.indirect_vreg.gather [hbm4b:s2+s22], $0x80, v4, vm0, $0xb8;
	[tilespmem:$0x18900] =	vst v63  }
0x143: {  	s28 =	simm.s32 $0x17100  }
0x144: {  	[tilespmem:s28], [sflag:$0x3] =	stream.indirect_vreg.gather [hbm4b:s10+s22], $0x80, v4, vm0, $0xb8;
	[tilespmem:$0x18900] =	vst v63  }
0x145: {  	s29 =	simm.s32 $0x17900  }
0x146: {  	[tilespmem:s29], [sflag:$0x3] =	stream.indirect_vreg.gather [hbm4b:s11+s22], $0x80, v4, vm0, $0xb8;
	[tilespmem:$0x18900] =	vst v63  }
0x147: {  	s30 =	simm.s32 $0x18100  }
0x148: {  	[tilespmem:s30], [sflag:$0x3] =	stream.indirect_vreg.gather [hbm4b:s12+s22], $0x80, v4, vm0, $0xb8;
	[tilespmem:$0x18900] =	vst v63  }
0x149: {  	s31 =	rddreg [dreg:$0x9]  }
0x14a: {  	[hbm4b:s31+s22] =	stream.linear.scatter [tilespmem:s24], [sflag:$0x4], $0x4000, $0x38;
	[tilespmem:$0x18900] =	vst v63  }
.LBB2_20:
0x14b: {  	_ =	swait.ge [sflag:s14], $0x4000  }
0x14c: {  	[sflag:s14] =	ssyncset.done $0x0  }
0x14d: {  	[sflag:s14] =	ssyncadd.s32 $0xFFFFC000  }
0x14e: {  	_ =	swait.ge [sflag:s14], $0x4000  }
0x14f: {  	s7 =	simm.s32 $0xFFFFC000;
	s15 =	simm.s32 $0x0;
	[sflag:s14] =	ssyncset.done $0x0  }
0x150: {  	s26 =	simm.s32 $0x0;
	s28 =	simm.s32 $0x0;
	[sflag:s14] =	ssyncadd.s32 $0xFFFFC000  }
.LBB2_21:
0x151: {  	s0 =	sadd.s32 $0x4000, s7  }
0x152: {  	s29 =	sand.u32 $0x380, s28;
	s0 =	sand.u32 $0x2000, s0  }
0x153: {  	s29 =	sor.u32 s29, s0  }
0x154: {  	v4 =	vld [tilespmem:s29+$0x10900]  }
0x155: {  	v5 =	vld [tilespmem:s29+$0x10920]  }
0x156: {  	v6 =	vld [tilespmem:s29+$0x10930]  }
0x157: {  	v7 =	vld [tilespmem:s29+$0x10940]  }
0x158: {  	v8 =	vld [tilespmem:s29+$0x10950]  }
0x159: {  	v34 =	vld [tilespmem:s29+$0x10D00]  }
0x15a: {  	v35 =	vld [tilespmem:s29+$0x10D10]  }
0x15b: {  	v36 =	vld [tilespmem:s29+$0x10D20]  }
0x15c: {  	v37 =	vld [tilespmem:s29+$0x10D50]  }
0x15d: {  	v38 =	vld [tilespmem:s29+$0x10D60]  }
0x15e: {  	v39 =	vld [tilespmem:s29+$0x10D70]  }
0x15f: {  	v40 =	vld [tilespmem:s29+$0x11120]  }
0x160: {  	v41 =	vld [tilespmem:s29+$0x11130]  }
0x161: {  	v42 =	vld [tilespmem:s29+$0x11140]  }
0x162: {  	v43 =	vld [tilespmem:s29+$0x11170]  }
0x163: {  	v44 =	vld [tilespmem:s29+$0x11500]  }
0x164: {  	v45 =	vld [tilespmem:s29+$0x11510]  }
0x165: {  	v46 =	vld [tilespmem:s29+$0x11540]  }
0x166: {  	v47 =	vld [tilespmem:s29+$0x11550]  }
0x167: {  	v48 =	vld [tilespmem:s29+$0x11560]  }
0x168: {  	v49 =	vld [tilespmem:s29+$0x11910]  }
0x169: {  	v50 =	vld [tilespmem:s29+$0x11920]  }
0x16a: {  	v51 =	vld [tilespmem:s29+$0x11930]  }
0x16b: {  	v52 =	vld [tilespmem:s29+$0x11960]  }
0x16c: {  	v53 =	vld [tilespmem:s29+$0x11970]  }
0x16d: {  	v54 =	vld [tilespmem:s29+$0x11D00]  }
0x16e: {  	v55 =	vld [tilespmem:s29+$0x11D30]  }
0x16f: {  	v56 =	vld [tilespmem:s29+$0x11D40]  }
0x170: {  	v57 =	vld [tilespmem:s29+$0x11D50]  }
0x171: {  	v58 =	vld [tilespmem:s29+$0x12100]  }
0x172: {  	v59 =	vld [tilespmem:s29+$0x12110]  }
0x173: {  	v60 =	vld [tilespmem:s29+$0x12120]  }
0x174: {  	v61 =	vld [tilespmem:s29+$0x12150]  }
0x175: {  	v62 =	vld [tilespmem:s29+$0x12160]  }
0x176: {  	v63 =	vld [tilespmem:s29+$0x12170]  }
0x177: {  	[tilespmem:s29+$0x4900] =	vst.add.f32.msk $0xffff, v4  }
0x178: {  	v4 =	vld [tilespmem:s29+$0x10910]  }
0x179: {  	[tilespmem:s29+$0x4920] =	vst.add.f32.msk $0xffff, v5  }
0x17a: {  	[tilespmem:s29+$0x4930] =	vst.add.f32.msk $0xffff, v6  }
0x17b: {  	[tilespmem:s29+$0x4940] =	vst.add.f32.msk $0xffff, v7  }
0x17c: {  	[tilespmem:s29+$0x4950] =	vst.add.f32.msk $0xffff, v8  }
0x17d: {  	v5 =	vld [tilespmem:s29+$0x10970]  }
0x17e: {  	[tilespmem:s29+$0x4D00] =	vst.add.f32.msk $0xffff, v34  }
0x17f: {  	[tilespmem:s29+$0x4D10] =	vst.add.f32.msk $0xffff, v35  }
0x180: {  	[tilespmem:s29+$0x4D20] =	vst.add.f32.msk $0xffff, v36  }
0x181: {  	[tilespmem:s29+$0x4D50] =	vst.add.f32.msk $0xffff, v37  }
0x182: {  	[tilespmem:s29+$0x4D60] =	vst.add.f32.msk $0xffff, v38  }
0x183: {  	[tilespmem:s29+$0x4D70] =	vst.add.f32.msk $0xffff, v39  }
0x184: {  	[tilespmem:s29+$0x5120] =	vst.add.f32.msk $0xffff, v40  }
0x185: {  	[tilespmem:s29+$0x5130] =	vst.add.f32.msk $0xffff, v41  }
0x186: {  	[tilespmem:s29+$0x5140] =	vst.add.f32.msk $0xffff, v42  }
0x187: {  	[tilespmem:s29+$0x4910] =	vst.add.f32.msk $0xffff, v4  }
0x188: {  	v4 =	vld [tilespmem:s29+$0x10960]  }
0x189: {  	[tilespmem:s29+$0x5170] =	vst.add.f32.msk $0xffff, v43  }
0x18a: {  	[tilespmem:s29+$0x5500] =	vst.add.f32.msk $0xffff, v44  }
0x18b: {  	[tilespmem:s29+$0x4970] =	vst.add.f32.msk $0xffff, v5  }
0x18c: {  	v5 =	vld [tilespmem:s29+$0x10D40]  }
0x18d: {  	[tilespmem:s29+$0x4960] =	vst.add.f32.msk $0xffff, v4  }
0x18e: {  	v4 =	vld [tilespmem:s29+$0x10D30]  }
0x18f: {  	[tilespmem:s29+$0x5510] =	vst.add.f32.msk $0xffff, v45  }
0x190: {  	[tilespmem:s29+$0x5540] =	vst.add.f32.msk $0xffff, v46  }
0x191: {  	[tilespmem:s29+$0x4D40] =	vst.add.f32.msk $0xffff, v5  }
0x192: {  	v5 =	vld [tilespmem:s29+$0x11110]  }
0x193: {  	[tilespmem:s29+$0x4D30] =	vst.add.f32.msk $0xffff, v4  }
0x194: {  	v4 =	vld [tilespmem:s29+$0x11100]  }
0x195: {  	[tilespmem:s29+$0x5550] =	vst.add.f32.msk $0xffff, v47  }
0x196: {  	[tilespmem:s29+$0x5560] =	vst.add.f32.msk $0xffff, v48  }
0x197: {  	[tilespmem:s29+$0x5110] =	vst.add.f32.msk $0xffff, v5  }
0x198: {  	v5 =	vld [tilespmem:s29+$0x11160]  }
0x199: {  	[tilespmem:s29+$0x5100] =	vst.add.f32.msk $0xffff, v4  }
0x19a: {  	v4 =	vld [tilespmem:s29+$0x11150]  }
0x19b: {  	[tilespmem:s29+$0x5910] =	vst.add.f32.msk $0xffff, v49  }
0x19c: {  	[tilespmem:s29+$0x5920] =	vst.add.f32.msk $0xffff, v50  }
0x19d: {  	[tilespmem:s29+$0x5160] =	vst.add.f32.msk $0xffff, v5  }
0x19e: {  	v5 =	vld [tilespmem:s29+$0x11530]  }
0x19f: {  	[tilespmem:s29+$0x5150] =	vst.add.f32.msk $0xffff, v4  }
0x1a0: {  	v4 =	vld [tilespmem:s29+$0x11520]  }
0x1a1: {  	[tilespmem:s29+$0x5930] =	vst.add.f32.msk $0xffff, v51  }
0x1a2: {  	[tilespmem:s29+$0x5960] =	vst.add.f32.msk $0xffff, v52  }
0x1a3: {  	[tilespmem:s29+$0x5530] =	vst.add.f32.msk $0xffff, v5  }
0x1a4: {  	v5 =	vld [tilespmem:s29+$0x11900]  }
0x1a5: {  	[tilespmem:s29+$0x5520] =	vst.add.f32.msk $0xffff, v4  }
0x1a6: {  	v4 =	vld [tilespmem:s29+$0x11570]  }
0x1a7: {  	[tilespmem:s29+$0x5970] =	vst.add.f32.msk $0xffff, v53  }
0x1a8: {  	[tilespmem:s29+$0x5D00] =	vst.add.f32.msk $0xffff, v54  }
0x1a9: {  	[tilespmem:s29+$0x5900] =	vst.add.f32.msk $0xffff, v5  }
0x1aa: {  	v5 =	vld [tilespmem:s29+$0x11950]  }
0x1ab: {  	[tilespmem:s29+$0x5570] =	vst.add.f32.msk $0xffff, v4  }
0x1ac: {  	v4 =	vld [tilespmem:s29+$0x11940]  }
0x1ad: {  	[tilespmem:s29+$0x5D30] =	vst.add.f32.msk $0xffff, v55  }
0x1ae: {  	[tilespmem:s29+$0x5D40] =	vst.add.f32.msk $0xffff, v56  }
0x1af: {  	[tilespmem:s29+$0x5950] =	vst.add.f32.msk $0xffff, v5  }
0x1b0: {  	v5 =	vld [tilespmem:s29+$0x11D20]  }
0x1b1: {  	[tilespmem:s29+$0x5940] =	vst.add.f32.msk $0xffff, v4  }
0x1b2: {  	v4 =	vld [tilespmem:s29+$0x11D10]  }
0x1b3: {  	[tilespmem:s29+$0x5D50] =	vst.add.f32.msk $0xffff, v57  }
0x1b4: {  	[tilespmem:s29+$0x6100] =	vst.add.f32.msk $0xffff, v58  }
0x1b5: {  	[tilespmem:s29+$0x5D20] =	vst.add.f32.msk $0xffff, v5  }
0x1b6: {  	v5 =	vld [tilespmem:s29+$0x11D70]  }
0x1b7: {  	[tilespmem:s29+$0x5D10] =	vst.add.f32.msk $0xffff, v4  }
0x1b8: {  	v4 =	vld [tilespmem:s29+$0x11D60]  }
0x1b9: {  	[tilespmem:s29+$0x6110] =	vst.add.f32.msk $0xffff, v59  }
0x1ba: {  	[tilespmem:s29+$0x6120] =	vst.add.f32.msk $0xffff, v60  }
0x1bb: {  	[tilespmem:s29+$0x5D70] =	vst.add.f32.msk $0xffff, v5  }
0x1bc: {  	v5 =	vld [tilespmem:s29+$0x12140]  }
0x1bd: {  	[tilespmem:s29+$0x5D60] =	vst.add.f32.msk $0xffff, v4  }
0x1be: {  	v4 =	vld [tilespmem:s29+$0x12130]  }
0x1bf: {  	[tilespmem:s29+$0x6150] =	vst.add.f32.msk $0xffff, v61  }
0x1c0: {  	s30 =	sand.u32 $0x7, s15;
	[tilespmem:s29+$0x6160] =	vst.add.f32.msk $0xffff, v62  }
0x1c1: {  	s0 =	sshll.u32 s30, $0x7;
	[tilespmem:s29+$0x6170] =	vst.add.f32.msk $0xffff, v63  }
0x1c2: {  	s0 =	sadd.s32 s0, s26;
	[tilespmem:s29+$0x6140] =	vst.add.f32.msk $0xffff, v5  }
0x1c3: {  	s31 =	sor.u32 $0x1C00, s0;
	[tilespmem:s29+$0x6130] =	vst.add.f32.msk $0xffff, v4  }
0x1c4: {  	v4 =	vld [tilespmem:s31+$0x10900];
	_ =	sdelay $0x4  }
0x1c5: {  	s3 =	sor.u32 $0x1C10, s0;
	[tilespmem:s31+$0x4900] =	vst.add.f32.msk $0xffff, v4  }
0x1c6: {  	v4 =	vld [tilespmem:s3+$0x10900];
	_ =	sdelay $0x4  }
0x1c7: {  	s30 =	sor.u32 $0x1C20, s0;
	[tilespmem:s3+$0x4900] =	vst.add.f32.msk $0xffff, v4  }
0x1c8: {  	v4 =	vld [tilespmem:s30+$0x10900];
	_ =	sdelay $0x4  }
0x1c9: {  	s31 =	sor.u32 $0x1C30, s0;
	[tilespmem:s30+$0x4900] =	vst.add.f32.msk $0xffff, v4  }
0x1ca: {  	v4 =	vld [tilespmem:s31+$0x10900];
	_ =	sdelay $0x4  }
0x1cb: {  	s3 =	sor.u32 $0x1C40, s0;
	[tilespmem:s31+$0x4900] =	vst.add.f32.msk $0xffff, v4  }
0x1cc: {  	v4 =	vld [tilespmem:s3+$0x10900];
	_ =	sdelay $0x4  }
0x1cd: {  	s30 =	sor.u32 $0x1C50, s0;
	[tilespmem:s3+$0x4900] =	vst.add.f32.msk $0xffff, v4  }
0x1ce: {  	v4 =	vld [tilespmem:s30+$0x10900];
	_ =	sdelay $0x4  }
0x1cf: {  	s31 =	sor.u32 $0x1C60, s0;
	[tilespmem:s30+$0x4900] =	vst.add.f32.msk $0xffff, v4  }
0x1d0: {  	v4 =	vld [tilespmem:s31+$0x10900];
	_ =	sdelay $0x4  }
0x1d1: {  	s0 =	sor.u32 $0x1C70, s0;
	[tilespmem:s31+$0x4900] =	vst.add.f32.msk $0xffff, v4  }
0x1d2: {  	p1 =	sne.s32 s28, $0x780;
	v4 =	vld [tilespmem:s0+$0x10900]  }
.Ltmp9:
0x1d3: {  	_ = 	snop;
	(pc) =	sbr.rel @p1 .LBB2_21-.Ltmp9, $3  }
0x1d4: {  	_ =	sdelay $0x1  }
0x1d5: {  	s15 =	sadd.s32 $0x1, s15  }
0x1d6: {  	s7 =	sadd.s32 $0x400, s7;
	s28 =	sadd.s32 $0x80, s28;
	s26 =	sadd.s32 $0x400, s26;
	[tilespmem:s0+$0x4900] =	vst.add.f32.msk $0xffff, v4  }
0x1d7: {  	s15 =	smul.u32 $0x30, s22;
	_ =	sdelay $0x1  }
0x1d8: {  	s0 =	sadd.s32 s6, s15  }
0x1d9: {  	_ =	swait.ge [sflag:s18], $0x4000;
	s26 =	sshll.u32 s0, $0x7  }
0x1da: {  	[sflag:s18] =	ssyncset.done $0x0;
	s7 =	sadd.s32 $0x1800, s26  }
0x1db: {  	s28 =	simm.s32 $0x0;
	[sflag:s18] =	ssyncadd.s32 $0xFFFFC000;
	s3 =	sadd.s32 s1, s7  }
0x1dc: {  	[tilespmem:s24], [sflag:$0x1] =	stream.linear.gather [hbm4b:s3+s28], $0x4000, $0x38;
	[tilespmem:$0x18900] =	vst v63  }
0x1dd: {  	v4 =	vld [tilespmem:s15+$0x830];
	_ =	sdelay $0x4  }
0x1de: {  	v5 =	vshll.u32 v4, $0x3  }
0x1df: {  	v4 =	vand.u32 $0x7, v4;
	v5 =	vand.u32 $0xFFFFFFC0, v5  }
0x1e0: {  	v4 =	vor.u32 v4, v5  }
0x1e1: {  	v5 =	vperm.xlane v4, v1;
	_ =	sdelay $0x1  }
0x1e2: {  	v5 =	vadd.s32 v2, v5;
	_ =	sdelay $0x3  }
0x1e3: {  	s3 =	simm.s32 $0xC900  }
0x1e4: {  	[tilespmem:s3], [sflag:$0x1] =	stream.indirect_vreg.gather [hbm4b:s2+s28], $0x80, v5, vm0, $0xb8;
	[tilespmem:$0x18900] =	vst v63  }
0x1e5: {  	v4 =	vperm.xlane v4, v3;
	s3 =	simm.s32 $0xD100  }
0x1e6: {  	[tilespmem:s3], [sflag:$0x1] =	stream.indirect_vreg.gather [hbm4b:s10+s28], $0x80, v5, vm0, $0xb8;
	[tilespmem:$0x18900] =	vst v63  }
0x1e7: {  	v4 =	vadd.s32 v2, v4;
	s3 =	simm.s32 $0xD900  }
0x1e8: {  	[tilespmem:s3], [sflag:$0x1] =	stream.indirect_vreg.gather [hbm4b:s11+s28], $0x80, v5, vm0, $0xb8;
	[tilespmem:$0x18900] =	vst v63  }
0x1e9: {  	s3 =	simm.s32 $0xE100  }
0x1ea: {  	[tilespmem:s3], [sflag:$0x1] =	stream.indirect_vreg.gather [hbm4b:s12+s28], $0x80, v5, vm0, $0xb8;
	[tilespmem:$0x18900] =	vst v63  }
0x1eb: {  	s3 =	simm.s32 $0xE900  }
0x1ec: {  	[tilespmem:s3], [sflag:$0x1] =	stream.indirect_vreg.gather [hbm4b:s2+s28], $0x80, v4, vm0, $0xb8;
	[tilespmem:$0x18900] =	vst v63  }
0x1ed: {  	s3 =	simm.s32 $0xF100  }
0x1ee: {  	[tilespmem:s3], [sflag:$0x1] =	stream.indirect_vreg.gather [hbm4b:s10+s28], $0x80, v4, vm0, $0xb8;
	[tilespmem:$0x18900] =	vst v63  }
0x1ef: {  	s3 =	simm.s32 $0xF900  }
0x1f0: {  	[tilespmem:s3], [sflag:$0x1] =	stream.indirect_vreg.gather [hbm4b:s11+s28], $0x80, v4, vm0, $0xb8;
	[tilespmem:$0x18900] =	vst v63  }
0x1f1: {  	s3 =	sadd.s32 s15, s16  }
0x1f2: {  	s0 =	sshll.u32 s3, $0x7  }
0x1f3: {  	[tilespmem:s8], [sflag:$0x1] =	stream.indirect_vreg.gather [hbm4b:s12+s28], $0x80, v4, vm0, $0xb8;
	[tilespmem:$0x18900] =	vst v63  }
0x1f4: {  	s0 =	sadd.s32 s4, s0  }
0x1f5: {  	[hbm4b:s0+s28] =	stream.linear.scatter [tilespmem:s13], [sflag:$0x5], $0x4000, $0x38;
	[tilespmem:$0x18900] =	vst v63  }
0x1f6: {  	_ =	swait.ge [sflag:s19], $0x4000  }
0x1f7: {  	[sflag:s19] =	ssyncset.done $0x0  }
0x1f8: {  	[sflag:s19] =	ssyncadd.s32 $0xFFFFC000  }
0x1f9: {  	_ =	swait.ge [sflag:s19], $0x4000  }
0x1fa: {  	s29 =	simm.s32 $0xFFFFC000;
	[sflag:s19] =	ssyncset.done $0x0  }
0x1fb: {  	s30 =	simm.s32 $0x0;
	s31 =	simm.s32 $0x0;
	[sflag:s19] =	ssyncadd.s32 $0xFFFFC000  }
.LBB2_23:
0x1fc: {  	s0 =	sadd.s32 $0x4000, s29  }
0x1fd: {  	s3 =	sand.u32 $0x380, s31;
	s0 =	sand.u32 $0x2000, s0  }
0x1fe: {  	s0 =	sor.u32 s3, s0  }
0x1ff: {  	v4 =	vld [tilespmem:s0+$0x14900]  }
0x200: {  	v5 =	vld [tilespmem:s0+$0x14920]  }
0x201: {  	v6 =	vld [tilespmem:s0+$0x14930]  }
0x202: {  	v7 =	vld [tilespmem:s0+$0x14940]  }
0x203: {  	v8 =	vld [tilespmem:s0+$0x14950]  }
0x204: {  	v34 =	vld [tilespmem:s0+$0x14D00]  }
0x205: {  	v35 =	vld [tilespmem:s0+$0x14D10]  }
0x206: {  	v36 =	vld [tilespmem:s0+$0x14D20]  }
0x207: {  	v37 =	vld [tilespmem:s0+$0x14D50]  }
0x208: {  	v38 =	vld [tilespmem:s0+$0x14D60]  }
0x209: {  	v39 =	vld [tilespmem:s0+$0x14D70]  }
0x20a: {  	v40 =	vld [tilespmem:s0+$0x15120]  }
0x20b: {  	v41 =	vld [tilespmem:s0+$0x15130]  }
0x20c: {  	v42 =	vld [tilespmem:s0+$0x15140]  }
0x20d: {  	v43 =	vld [tilespmem:s0+$0x15170]  }
0x20e: {  	v44 =	vld [tilespmem:s0+$0x15500]  }
0x20f: {  	v45 =	vld [tilespmem:s0+$0x15510]  }
0x210: {  	v46 =	vld [tilespmem:s0+$0x15540]  }
0x211: {  	v47 =	vld [tilespmem:s0+$0x15550]  }
0x212: {  	v48 =	vld [tilespmem:s0+$0x15560]  }
0x213: {  	v49 =	vld [tilespmem:s0+$0x15910]  }
0x214: {  	v50 =	vld [tilespmem:s0+$0x15920]  }
0x215: {  	v51 =	vld [tilespmem:s0+$0x15930]  }
0x216: {  	v52 =	vld [tilespmem:s0+$0x15960]  }
0x217: {  	v53 =	vld [tilespmem:s0+$0x15970]  }
0x218: {  	v54 =	vld [tilespmem:s0+$0x15D00]  }
0x219: {  	v55 =	vld [tilespmem:s0+$0x15D30]  }
0x21a: {  	v56 =	vld [tilespmem:s0+$0x15D40]  }
0x21b: {  	v57 =	vld [tilespmem:s0+$0x15D50]  }
0x21c: {  	v58 =	vld [tilespmem:s0+$0x16100]  }
0x21d: {  	v59 =	vld [tilespmem:s0+$0x16110]  }
0x21e: {  	v60 =	vld [tilespmem:s0+$0x16120]  }
0x21f: {  	v61 =	vld [tilespmem:s0+$0x16150]  }
0x220: {  	v62 =	vld [tilespmem:s0+$0x16160]  }
0x221: {  	v63 =	vld [tilespmem:s0+$0x16170]  }
0x222: {  	[tilespmem:s0+$0x8900] =	vst.add.f32.msk $0xffff, v4  }
0x223: {  	v4 =	vld [tilespmem:s0+$0x14910]  }
0x224: {  	[tilespmem:s0+$0x8920] =	vst.add.f32.msk $0xffff, v5  }
0x225: {  	[tilespmem:s0+$0x8930] =	vst.add.f32.msk $0xffff, v6  }
0x226: {  	[tilespmem:s0+$0x8940] =	vst.add.f32.msk $0xffff, v7  }
0x227: {  	[tilespmem:s0+$0x8950] =	vst.add.f32.msk $0xffff, v8  }
0x228: {  	v5 =	vld [tilespmem:s0+$0x14970]  }
0x229: {  	[tilespmem:s0+$0x8D00] =	vst.add.f32.msk $0xffff, v34  }
0x22a: {  	[tilespmem:s0+$0x8D10] =	vst.add.f32.msk $0xffff, v35  }
0x22b: {  	[tilespmem:s0+$0x8D20] =	vst.add.f32.msk $0xffff, v36  }
0x22c: {  	[tilespmem:s0+$0x8D50] =	vst.add.f32.msk $0xffff, v37  }
0x22d: {  	[tilespmem:s0+$0x8D60] =	vst.add.f32.msk $0xffff, v38  }
0x22e: {  	[tilespmem:s0+$0x8D70] =	vst.add.f32.msk $0xffff, v39  }
0x22f: {  	[tilespmem:s0+$0x9120] =	vst.add.f32.msk $0xffff, v40  }
0x230: {  	[tilespmem:s0+$0x9130] =	vst.add.f32.msk $0xffff, v41  }
0x231: {  	[tilespmem:s0+$0x9140] =	vst.add.f32.msk $0xffff, v42  }
0x232: {  	[tilespmem:s0+$0x8910] =	vst.add.f32.msk $0xffff, v4  }
0x233: {  	v4 =	vld [tilespmem:s0+$0x14960]  }
0x234: {  	[tilespmem:s0+$0x9170] =	vst.add.f32.msk $0xffff, v43  }
0x235: {  	[tilespmem:s0+$0x9500] =	vst.add.f32.msk $0xffff, v44  }
0x236: {  	[tilespmem:s0+$0x8970] =	vst.add.f32.msk $0xffff, v5  }
0x237: {  	v5 =	vld [tilespmem:s0+$0x14D40]  }
0x238: {  	[tilespmem:s0+$0x8960] =	vst.add.f32.msk $0xffff, v4  }
0x239: {  	v4 =	vld [tilespmem:s0+$0x14D30]  }
0x23a: {  	[tilespmem:s0+$0x9510] =	vst.add.f32.msk $0xffff, v45  }
0x23b: {  	[tilespmem:s0+$0x9540] =	vst.add.f32.msk $0xffff, v46  }
0x23c: {  	[tilespmem:s0+$0x8D40] =	vst.add.f32.msk $0xffff, v5  }
0x23d: {  	v5 =	vld [tilespmem:s0+$0x15110]  }
0x23e: {  	[tilespmem:s0+$0x8D30] =	vst.add.f32.msk $0xffff, v4  }
0x23f: {  	v4 =	vld [tilespmem:s0+$0x15100]  }
0x240: {  	[tilespmem:s0+$0x9550] =	vst.add.f32.msk $0xffff, v47  }
0x241: {  	[tilespmem:s0+$0x9560] =	vst.add.f32.msk $0xffff, v48  }
0x242: {  	[tilespmem:s0+$0x9110] =	vst.add.f32.msk $0xffff, v5  }
0x243: {  	v5 =	vld [tilespmem:s0+$0x15160]  }
0x244: {  	[tilespmem:s0+$0x9100] =	vst.add.f32.msk $0xffff, v4  }
0x245: {  	v4 =	vld [tilespmem:s0+$0x15150]  }
0x246: {  	[tilespmem:s0+$0x9910] =	vst.add.f32.msk $0xffff, v49  }
0x247: {  	[tilespmem:s0+$0x9920] =	vst.add.f32.msk $0xffff, v50  }
0x248: {  	[tilespmem:s0+$0x9160] =	vst.add.f32.msk $0xffff, v5  }
0x249: {  	v5 =	vld [tilespmem:s0+$0x15530]  }
0x24a: {  	[tilespmem:s0+$0x9150] =	vst.add.f32.msk $0xffff, v4  }
0x24b: {  	v4 =	vld [tilespmem:s0+$0x15520]  }
0x24c: {  	[tilespmem:s0+$0x9930] =	vst.add.f32.msk $0xffff, v51  }
0x24d: {  	[tilespmem:s0+$0x9960] =	vst.add.f32.msk $0xffff, v52  }
0x24e: {  	[tilespmem:s0+$0x9530] =	vst.add.f32.msk $0xffff, v5  }
0x24f: {  	v5 =	vld [tilespmem:s0+$0x15900]  }
0x250: {  	[tilespmem:s0+$0x9520] =	vst.add.f32.msk $0xffff, v4  }
0x251: {  	v4 =	vld [tilespmem:s0+$0x15570]  }
0x252: {  	[tilespmem:s0+$0x9970] =	vst.add.f32.msk $0xffff, v53  }
0x253: {  	[tilespmem:s0+$0x9D00] =	vst.add.f32.msk $0xffff, v54  }
0x254: {  	[tilespmem:s0+$0x9900] =	vst.add.f32.msk $0xffff, v5  }
0x255: {  	v5 =	vld [tilespmem:s0+$0x15950]  }
0x256: {  	[tilespmem:s0+$0x9570] =	vst.add.f32.msk $0xffff, v4  }
0x257: {  	v4 =	vld [tilespmem:s0+$0x15940]  }
0x258: {  	[tilespmem:s0+$0x9D30] =	vst.add.f32.msk $0xffff, v55  }
0x259: {  	[tilespmem:s0+$0x9D40] =	vst.add.f32.msk $0xffff, v56  }
0x25a: {  	[tilespmem:s0+$0x9950] =	vst.add.f32.msk $0xffff, v5  }
0x25b: {  	v5 =	vld [tilespmem:s0+$0x15D20]  }
0x25c: {  	[tilespmem:s0+$0x9940] =	vst.add.f32.msk $0xffff, v4  }
0x25d: {  	v4 =	vld [tilespmem:s0+$0x15D10]  }
0x25e: {  	[tilespmem:s0+$0x9D50] =	vst.add.f32.msk $0xffff, v57  }
0x25f: {  	[tilespmem:s0+$0xA100] =	vst.add.f32.msk $0xffff, v58  }
0x260: {  	[tilespmem:s0+$0x9D20] =	vst.add.f32.msk $0xffff, v5  }
0x261: {  	v5 =	vld [tilespmem:s0+$0x15D70]  }
0x262: {  	[tilespmem:s0+$0x9D10] =	vst.add.f32.msk $0xffff, v4  }
0x263: {  	v4 =	vld [tilespmem:s0+$0x15D60]  }
0x264: {  	[tilespmem:s0+$0xA110] =	vst.add.f32.msk $0xffff, v59  }
0x265: {  	[tilespmem:s0+$0xA120] =	vst.add.f32.msk $0xffff, v60  }
0x266: {  	[tilespmem:s0+$0x9D70] =	vst.add.f32.msk $0xffff, v5  }
0x267: {  	v5 =	vld [tilespmem:s0+$0x16140]  }
0x268: {  	[tilespmem:s0+$0x9D60] =	vst.add.f32.msk $0xffff, v4  }
0x269: {  	v4 =	vld [tilespmem:s0+$0x16130]  }
0x26a: {  	[tilespmem:s0+$0xA150] =	vst.add.f32.msk $0xffff, v61  }
0x26b: {  	s3 =	sand.u32 $0x7, s28;
	[tilespmem:s0+$0xA160] =	vst.add.f32.msk $0xffff, v62  }
0x26c: {  	s3 =	sshll.u32 s3, $0x7;
	[tilespmem:s0+$0xA170] =	vst.add.f32.msk $0xffff, v63  }
0x26d: {  	s3 =	sadd.s32 s3, s30;
	[tilespmem:s0+$0xA140] =	vst.add.f32.msk $0xffff, v5  }
0x26e: {  	[tilespmem:s0+$0xA130] =	vst.add.f32.msk $0xffff, v4;
	s0 =	sor.u32 $0x1C00, s3  }
0x26f: {  	v4 =	vld [tilespmem:s0+$0x14900];
	_ =	sdelay $0x4  }
0x270: {  	[tilespmem:s0+$0x8900] =	vst.add.f32.msk $0xffff, v4;
	s0 =	sor.u32 $0x1C10, s3  }
0x271: {  	v4 =	vld [tilespmem:s0+$0x14900];
	_ =	sdelay $0x4  }
0x272: {  	[tilespmem:s0+$0x8900] =	vst.add.f32.msk $0xffff, v4;
	s0 =	sor.u32 $0x1C20, s3  }
0x273: {  	v4 =	vld [tilespmem:s0+$0x14900];
	_ =	sdelay $0x4  }
0x274: {  	[tilespmem:s0+$0x8900] =	vst.add.f32.msk $0xffff, v4;
	s0 =	sor.u32 $0x1C30, s3  }
0x275: {  	v4 =	vld [tilespmem:s0+$0x14900];
	_ =	sdelay $0x4  }
0x276: {  	[tilespmem:s0+$0x8900] =	vst.add.f32.msk $0xffff, v4;
	s0 =	sor.u32 $0x1C40, s3  }
0x277: {  	v4 =	vld [tilespmem:s0+$0x14900];
	_ =	sdelay $0x4  }
0x278: {  	[tilespmem:s0+$0x8900] =	vst.add.f32.msk $0xffff, v4;
	s0 =	sor.u32 $0x1C50, s3  }
0x279: {  	v4 =	vld [tilespmem:s0+$0x14900];
	_ =	sdelay $0x4  }
0x27a: {  	[tilespmem:s0+$0x8900] =	vst.add.f32.msk $0xffff, v4;
	s0 =	sor.u32 $0x1C60, s3  }
0x27b: {  	v4 =	vld [tilespmem:s0+$0x14900];
	_ =	sdelay $0x4  }
0x27c: {  	s3 =	sor.u32 $0x1C70, s3;
	[tilespmem:s0+$0x8900] =	vst.add.f32.msk $0xffff, v4  }
0x27d: {  	p1 =	sne.s32 s31, $0x780;
	v4 =	vld [tilespmem:s3+$0x14900]  }
.Ltmp10:
0x27e: {  	_ = 	snop;
	(pc) =	sbr.rel @p1 .LBB2_23-.Ltmp10, $3  }
0x27f: {  	_ =	sdelay $0x1  }
0x280: {  	s29 =	sadd.s32 $0x400, s29  }
0x281: {  	s31 =	sadd.s32 $0x80, s31;
	s28 =	sadd.s32 $0x1, s28;
	s30 =	sadd.s32 $0x400, s30;
	[tilespmem:s3+$0x8900] =	vst.add.f32.msk $0xffff, v4  }
0x282: {  	_ =	swait.ge [sflag:s20], $0x4000  }
0x283: {  	s26 =	sadd.s32 s1, s26;
	[sflag:s20] =	ssyncset.done $0x0  }
0x284: {  	s28 =	simm.s32 $0x0;
	s0 =	sadd.s32 $0x2000, s26;
	[sflag:s20] =	ssyncadd.s32 $0xFFFFC000  }
0x285: {  	[tilespmem:s13], [sflag:$0x2] =	stream.linear.gather [hbm4b:s0+s28], $0x4000, $0x38;
	[tilespmem:$0x18900] =	vst v63  }
0x286: {  	v4 =	vld [tilespmem:s15+$0x840];
	_ =	sdelay $0x4  }
0x287: {  	v5 =	vshll.u32 v4, $0x3  }
0x288: {  	v4 =	vand.u32 $0x7, v4;
	v5 =	vand.u32 $0xFFFFFFC0, v5  }
0x289: {  	v4 =	vor.u32 v4, v5  }
0x28a: {  	v5 =	vperm.xlane v4, v1;
	_ =	sdelay $0x1  }
0x28b: {  	v5 =	vadd.s32 v2, v5;
	_ =	sdelay $0x3  }
0x28c: {  	s3 =	simm.s32 $0x10900  }
0x28d: {  	[tilespmem:s3], [sflag:$0x2] =	stream.indirect_vreg.gather [hbm4b:s2+s28], $0x80, v5, vm0, $0xb8;
	[tilespmem:$0x18900] =	vst v63  }
0x28e: {  	v4 =	vperm.xlane v4, v3;
	s3 =	simm.s32 $0x11100  }
0x28f: {  	[tilespmem:s3], [sflag:$0x2] =	stream.indirect_vreg.gather [hbm4b:s10+s28], $0x80, v5, vm0, $0xb8;
	[tilespmem:$0x18900] =	vst v63  }
0x290: {  	v4 =	vadd.s32 v2, v4;
	s3 =	simm.s32 $0x11900  }
0x291: {  	[tilespmem:s3], [sflag:$0x2] =	stream.indirect_vreg.gather [hbm4b:s11+s28], $0x80, v5, vm0, $0xb8;
	[tilespmem:$0x18900] =	vst v63  }
0x292: {  	s3 =	simm.s32 $0x12100  }
0x293: {  	[tilespmem:s3], [sflag:$0x2] =	stream.indirect_vreg.gather [hbm4b:s12+s28], $0x80, v5, vm0, $0xb8;
	[tilespmem:$0x18900] =	vst v63  }
0x294: {  	s3 =	simm.s32 $0x12900  }
0x295: {  	[tilespmem:s3], [sflag:$0x2] =	stream.indirect_vreg.gather [hbm4b:s2+s28], $0x80, v4, vm0, $0xb8;
	[tilespmem:$0x18900] =	vst v63  }
0x296: {  	s3 =	simm.s32 $0x13100  }
0x297: {  	[tilespmem:s3], [sflag:$0x2] =	stream.indirect_vreg.gather [hbm4b:s10+s28], $0x80, v4, vm0, $0xb8;
	[tilespmem:$0x18900] =	vst v63  }
0x298: {  	s3 =	simm.s32 $0x13900  }
0x299: {  	[tilespmem:s3], [sflag:$0x2] =	stream.indirect_vreg.gather [hbm4b:s11+s28], $0x80, v4, vm0, $0xb8;
	[tilespmem:$0x18900] =	vst v63  }
0x29a: {  	s3 =	simm.s32 $0x14100  }
0x29b: {  	[tilespmem:s3], [sflag:$0x2] =	stream.indirect_vreg.gather [hbm4b:s12+s28], $0x80, v4, vm0, $0xb8;
	[tilespmem:$0x18900] =	vst v63  }
0x29c: {  	s3 =	sadd.s32 s15, s17  }
0x29d: {  	s0 =	sshll.u32 s3, $0x7  }
0x29e: {  	s0 =	sadd.s32 s4, s0  }
0x29f: {  	[hbm4b:s0+s28] =	stream.linear.scatter [tilespmem:s25], [sflag:$0x6], $0x4000, $0x38;
	[tilespmem:$0x18900] =	vst v63  }
0x2a0: {  	_ =	swait.ge [sflag:s23], $0x4000  }
0x2a1: {  	[sflag:s23] =	ssyncset.done $0x0  }
0x2a2: {  	[sflag:s23] =	ssyncadd.s32 $0xFFFFC000  }
0x2a3: {  	_ =	swait.ge [sflag:s23], $0x4000  }
0x2a4: {  	s29 =	simm.s32 $0xFFFFC000;
	[sflag:s23] =	ssyncset.done $0x0  }
0x2a5: {  	s30 =	simm.s32 $0x0;
	s31 =	simm.s32 $0x0;
	[sflag:s23] =	ssyncadd.s32 $0xFFFFC000  }
.LBB2_25:
0x2a6: {  	s0 =	sadd.s32 $0x4000, s29  }
0x2a7: {  	s3 =	sand.u32 $0x380, s31;
	s0 =	sand.u32 $0x2000, s0  }
0x2a8: {  	s0 =	sor.u32 s3, s0  }
0x2a9: {  	v4 =	vld [tilespmem:s0+$0xC900]  }
0x2aa: {  	v5 =	vld [tilespmem:s0+$0xC920]  }
0x2ab: {  	v6 =	vld [tilespmem:s0+$0xC930]  }
0x2ac: {  	v7 =	vld [tilespmem:s0+$0xC940]  }
0x2ad: {  	v8 =	vld [tilespmem:s0+$0xC950]  }
0x2ae: {  	v34 =	vld [tilespmem:s0+$0xCD00]  }
0x2af: {  	v35 =	vld [tilespmem:s0+$0xCD10]  }
0x2b0: {  	v36 =	vld [tilespmem:s0+$0xCD20]  }
0x2b1: {  	v37 =	vld [tilespmem:s0+$0xCD50]  }
0x2b2: {  	v38 =	vld [tilespmem:s0+$0xCD60]  }
0x2b3: {  	v39 =	vld [tilespmem:s0+$0xCD70]  }
0x2b4: {  	v40 =	vld [tilespmem:s0+$0xD120]  }
0x2b5: {  	v41 =	vld [tilespmem:s0+$0xD130]  }
0x2b6: {  	v42 =	vld [tilespmem:s0+$0xD140]  }
0x2b7: {  	v43 =	vld [tilespmem:s0+$0xD170]  }
0x2b8: {  	v44 =	vld [tilespmem:s0+$0xD500]  }
0x2b9: {  	v45 =	vld [tilespmem:s0+$0xD510]  }
0x2ba: {  	v46 =	vld [tilespmem:s0+$0xD540]  }
0x2bb: {  	v47 =	vld [tilespmem:s0+$0xD550]  }
0x2bc: {  	v48 =	vld [tilespmem:s0+$0xD560]  }
0x2bd: {  	v49 =	vld [tilespmem:s0+$0xD910]  }
0x2be: {  	v50 =	vld [tilespmem:s0+$0xD920]  }
0x2bf: {  	v51 =	vld [tilespmem:s0+$0xD930]  }
0x2c0: {  	v52 =	vld [tilespmem:s0+$0xD960]  }
0x2c1: {  	v53 =	vld [tilespmem:s0+$0xD970]  }
0x2c2: {  	v54 =	vld [tilespmem:s0+$0xDD00]  }
0x2c3: {  	v55 =	vld [tilespmem:s0+$0xDD30]  }
0x2c4: {  	v56 =	vld [tilespmem:s0+$0xDD40]  }
0x2c5: {  	v57 =	vld [tilespmem:s0+$0xDD50]  }
0x2c6: {  	v58 =	vld [tilespmem:s0+$0xE100]  }
0x2c7: {  	v59 =	vld [tilespmem:s0+$0xE110]  }
0x2c8: {  	v60 =	vld [tilespmem:s0+$0xE120]  }
0x2c9: {  	v61 =	vld [tilespmem:s0+$0xE150]  }
0x2ca: {  	v62 =	vld [tilespmem:s0+$0xE160]  }
0x2cb: {  	v63 =	vld [tilespmem:s0+$0xE170]  }
0x2cc: {  	[tilespmem:s0+$0x900] =	vst.add.f32.msk $0xffff, v4  }
0x2cd: {  	v4 =	vld [tilespmem:s0+$0xC910]  }
0x2ce: {  	[tilespmem:s0+$0x920] =	vst.add.f32.msk $0xffff, v5  }
0x2cf: {  	[tilespmem:s0+$0x930] =	vst.add.f32.msk $0xffff, v6  }
0x2d0: {  	[tilespmem:s0+$0x940] =	vst.add.f32.msk $0xffff, v7  }
0x2d1: {  	[tilespmem:s0+$0x950] =	vst.add.f32.msk $0xffff, v8  }
0x2d2: {  	v5 =	vld [tilespmem:s0+$0xC970]  }
0x2d3: {  	[tilespmem:s0+$0xD00] =	vst.add.f32.msk $0xffff, v34  }
0x2d4: {  	[tilespmem:s0+$0xD10] =	vst.add.f32.msk $0xffff, v35  }
0x2d5: {  	[tilespmem:s0+$0xD20] =	vst.add.f32.msk $0xffff, v36  }
0x2d6: {  	[tilespmem:s0+$0xD50] =	vst.add.f32.msk $0xffff, v37  }
0x2d7: {  	[tilespmem:s0+$0xD60] =	vst.add.f32.msk $0xffff, v38  }
0x2d8: {  	[tilespmem:s0+$0xD70] =	vst.add.f32.msk $0xffff, v39  }
0x2d9: {  	[tilespmem:s0+$0x1120] =	vst.add.f32.msk $0xffff, v40  }
0x2da: {  	[tilespmem:s0+$0x1130] =	vst.add.f32.msk $0xffff, v41  }
0x2db: {  	[tilespmem:s0+$0x1140] =	vst.add.f32.msk $0xffff, v42  }
0x2dc: {  	[tilespmem:s0+$0x910] =	vst.add.f32.msk $0xffff, v4  }
0x2dd: {  	v4 =	vld [tilespmem:s0+$0xC960]  }
0x2de: {  	[tilespmem:s0+$0x1170] =	vst.add.f32.msk $0xffff, v43  }
0x2df: {  	[tilespmem:s0+$0x1500] =	vst.add.f32.msk $0xffff, v44  }
0x2e0: {  	[tilespmem:s0+$0x970] =	vst.add.f32.msk $0xffff, v5  }
0x2e1: {  	v5 =	vld [tilespmem:s0+$0xCD40]  }
0x2e2: {  	[tilespmem:s0+$0x960] =	vst.add.f32.msk $0xffff, v4  }
0x2e3: {  	v4 =	vld [tilespmem:s0+$0xCD30]  }
0x2e4: {  	[tilespmem:s0+$0x1510] =	vst.add.f32.msk $0xffff, v45  }
0x2e5: {  	[tilespmem:s0+$0x1540] =	vst.add.f32.msk $0xffff, v46  }
0x2e6: {  	[tilespmem:s0+$0xD40] =	vst.add.f32.msk $0xffff, v5  }
0x2e7: {  	v5 =	vld [tilespmem:s0+$0xD110]  }
0x2e8: {  	[tilespmem:s0+$0xD30] =	vst.add.f32.msk $0xffff, v4  }
0x2e9: {  	v4 =	vld [tilespmem:s0+$0xD100]  }
0x2ea: {  	[tilespmem:s0+$0x1550] =	vst.add.f32.msk $0xffff, v47  }
0x2eb: {  	[tilespmem:s0+$0x1560] =	vst.add.f32.msk $0xffff, v48  }
0x2ec: {  	[tilespmem:s0+$0x1110] =	vst.add.f32.msk $0xffff, v5  }
0x2ed: {  	v5 =	vld [tilespmem:s0+$0xD160]  }
0x2ee: {  	[tilespmem:s0+$0x1100] =	vst.add.f32.msk $0xffff, v4  }
0x2ef: {  	v4 =	vld [tilespmem:s0+$0xD150]  }
0x2f0: {  	[tilespmem:s0+$0x1910] =	vst.add.f32.msk $0xffff, v49  }
0x2f1: {  	[tilespmem:s0+$0x1920] =	vst.add.f32.msk $0xffff, v50  }
0x2f2: {  	[tilespmem:s0+$0x1160] =	vst.add.f32.msk $0xffff, v5  }
0x2f3: {  	v5 =	vld [tilespmem:s0+$0xD530]  }
0x2f4: {  	[tilespmem:s0+$0x1150] =	vst.add.f32.msk $0xffff, v4  }
0x2f5: {  	v4 =	vld [tilespmem:s0+$0xD520]  }
0x2f6: {  	[tilespmem:s0+$0x1930] =	vst.add.f32.msk $0xffff, v51  }
0x2f7: {  	[tilespmem:s0+$0x1960] =	vst.add.f32.msk $0xffff, v52  }
0x2f8: {  	[tilespmem:s0+$0x1530] =	vst.add.f32.msk $0xffff, v5  }
0x2f9: {  	v5 =	vld [tilespmem:s0+$0xD900]  }
0x2fa: {  	[tilespmem:s0+$0x1520] =	vst.add.f32.msk $0xffff, v4  }
0x2fb: {  	v4 =	vld [tilespmem:s0+$0xD570]  }
0x2fc: {  	[tilespmem:s0+$0x1970] =	vst.add.f32.msk $0xffff, v53  }
0x2fd: {  	[tilespmem:s0+$0x1D00] =	vst.add.f32.msk $0xffff, v54  }
0x2fe: {  	[tilespmem:s0+$0x1900] =	vst.add.f32.msk $0xffff, v5  }
0x2ff: {  	v5 =	vld [tilespmem:s0+$0xD950]  }
0x300: {  	[tilespmem:s0+$0x1570] =	vst.add.f32.msk $0xffff, v4  }
0x301: {  	v4 =	vld [tilespmem:s0+$0xD940]  }
0x302: {  	[tilespmem:s0+$0x1D30] =	vst.add.f32.msk $0xffff, v55  }
0x303: {  	[tilespmem:s0+$0x1D40] =	vst.add.f32.msk $0xffff, v56  }
0x304: {  	[tilespmem:s0+$0x1950] =	vst.add.f32.msk $0xffff, v5  }
0x305: {  	v5 =	vld [tilespmem:s0+$0xDD20]  }
0x306: {  	[tilespmem:s0+$0x1940] =	vst.add.f32.msk $0xffff, v4  }
0x307: {  	v4 =	vld [tilespmem:s0+$0xDD10]  }
0x308: {  	[tilespmem:s0+$0x1D50] =	vst.add.f32.msk $0xffff, v57  }
0x309: {  	[tilespmem:s0+$0x2100] =	vst.add.f32.msk $0xffff, v58  }
0x30a: {  	[tilespmem:s0+$0x1D20] =	vst.add.f32.msk $0xffff, v5  }
0x30b: {  	v5 =	vld [tilespmem:s0+$0xDD70]  }
0x30c: {  	[tilespmem:s0+$0x1D10] =	vst.add.f32.msk $0xffff, v4  }
0x30d: {  	v4 =	vld [tilespmem:s0+$0xDD60]  }
0x30e: {  	[tilespmem:s0+$0x2110] =	vst.add.f32.msk $0xffff, v59  }
0x30f: {  	[tilespmem:s0+$0x2120] =	vst.add.f32.msk $0xffff, v60  }
0x310: {  	[tilespmem:s0+$0x1D70] =	vst.add.f32.msk $0xffff, v5  }
0x311: {  	v5 =	vld [tilespmem:s0+$0xE140]  }
0x312: {  	[tilespmem:s0+$0x1D60] =	vst.add.f32.msk $0xffff, v4  }
0x313: {  	v4 =	vld [tilespmem:s0+$0xE130]  }
0x314: {  	[tilespmem:s0+$0x2150] =	vst.add.f32.msk $0xffff, v61  }
0x315: {  	s3 =	sand.u32 $0x7, s28;
	[tilespmem:s0+$0x2160] =	vst.add.f32.msk $0xffff, v62  }
0x316: {  	s3 =	sshll.u32 s3, $0x7;
	[tilespmem:s0+$0x2170] =	vst.add.f32.msk $0xffff, v63  }
0x317: {  	s3 =	sadd.s32 s3, s30;
	[tilespmem:s0+$0x2140] =	vst.add.f32.msk $0xffff, v5  }
0x318: {  	[tilespmem:s0+$0x2130] =	vst.add.f32.msk $0xffff, v4;
	s0 =	sor.u32 $0x1C00, s3  }
0x319: {  	v4 =	vld [tilespmem:s0+$0xC900];
	_ =	sdelay $0x4  }
0x31a: {  	[tilespmem:s0+$0x900] =	vst.add.f32.msk $0xffff, v4;
	s0 =	sor.u32 $0x1C10, s3  }
0x31b: {  	v4 =	vld [tilespmem:s0+$0xC900];
	_ =	sdelay $0x4  }
0x31c: {  	[tilespmem:s0+$0x900] =	vst.add.f32.msk $0xffff, v4;
	s0 =	sor.u32 $0x1C20, s3  }
0x31d: {  	v4 =	vld [tilespmem:s0+$0xC900];
	_ =	sdelay $0x4  }
0x31e: {  	[tilespmem:s0+$0x900] =	vst.add.f32.msk $0xffff, v4;
	s0 =	sor.u32 $0x1C30, s3  }
0x31f: {  	v4 =	vld [tilespmem:s0+$0xC900];
	_ =	sdelay $0x4  }
0x320: {  	[tilespmem:s0+$0x900] =	vst.add.f32.msk $0xffff, v4;
	s0 =	sor.u32 $0x1C40, s3  }
0x321: {  	v4 =	vld [tilespmem:s0+$0xC900];
	_ =	sdelay $0x4  }
0x322: {  	[tilespmem:s0+$0x900] =	vst.add.f32.msk $0xffff, v4;
	s0 =	sor.u32 $0x1C50, s3  }
0x323: {  	v4 =	vld [tilespmem:s0+$0xC900];
	_ =	sdelay $0x4  }
0x324: {  	[tilespmem:s0+$0x900] =	vst.add.f32.msk $0xffff, v4;
	s0 =	sor.u32 $0x1C60, s3  }
0x325: {  	v4 =	vld [tilespmem:s0+$0xC900];
	_ =	sdelay $0x4  }
0x326: {  	s3 =	sor.u32 $0x1C70, s3;
	[tilespmem:s0+$0x900] =	vst.add.f32.msk $0xffff, v4  }
0x327: {  	p1 =	sne.s32 s31, $0x780;
	v4 =	vld [tilespmem:s3+$0xC900]  }
.Ltmp11:
0x328: {  	_ = 	snop;
	(pc) =	sbr.rel @p1 .LBB2_25-.Ltmp11, $3  }
0x329: {  	_ =	sdelay $0x1  }
0x32a: {  	s29 =	sadd.s32 $0x400, s29  }
0x32b: {  	s31 =	sadd.s32 $0x80, s31;
	s28 =	sadd.s32 $0x1, s28;
	s30 =	sadd.s32 $0x400, s30;
	[tilespmem:s3+$0x900] =	vst.add.f32.msk $0xffff, v4  }
0x32c: {  	_ =	swait.ge [sflag:s21], $0x4000  }
0x32d: {  	[sflag:s21] =	ssyncset.done $0x0  }
0x32e: {  	s0 =	sadd.s32 $0x2800, s26;
	[sflag:s21] =	ssyncadd.s32 $0xFFFFC000  }
0x32f: {  	[tilespmem:s25], [sflag:$0x3] =	stream.linear.gather [hbm4b:s0+s5], $0x4000, $0x38;
	[tilespmem:$0x18900] =	vst v63  }
0x330: {  	v4 =	vld [tilespmem:s15+$0x850];
	_ =	sdelay $0x4  }
0x331: {  	v5 =	vshll.u32 v4, $0x3  }
0x332: {  	v4 =	vand.u32 $0x7, v4;
	v5 =	vand.u32 $0xFFFFFFC0, v5  }
0x333: {  	v4 =	vor.u32 v4, v5  }
0x334: {  	v5 =	vperm.xlane v4, v1;
	_ =	sdelay $0x1  }
0x335: {  	v5 =	vadd.s32 v2, v5;
	_ =	sdelay $0x3  }
0x336: {  	s30 =	simm.s32 $0x14900  }
0x337: {  	[tilespmem:s30], [sflag:$0x3] =	stream.indirect_vreg.gather [hbm4b:s2+s5], $0x80, v5, vm0, $0xb8;
	[tilespmem:$0x18900] =	vst v63  }
0x338: {  	s31 =	simm.s32 $0x15100;
	v4 =	vperm.xlane v4, v3  }
0x339: {  	[tilespmem:s31], [sflag:$0x3] =	stream.indirect_vreg.gather [hbm4b:s10+s5], $0x80, v5, vm0, $0xb8;
	[tilespmem:$0x18900] =	vst v63  }
0x33a: {  	s3 =	simm.s32 $0x15900;
	v4 =	vadd.s32 v2, v4  }
0x33b: {  	[tilespmem:s3], [sflag:$0x3] =	stream.indirect_vreg.gather [hbm4b:s11+s5], $0x80, v5, vm0, $0xb8;
	[tilespmem:$0x18900] =	vst v63  }
0x33c: {  	s15 =	simm.s32 $0x16100  }
0x33d: {  	[tilespmem:s15], [sflag:$0x3] =	stream.indirect_vreg.gather [hbm4b:s12+s5], $0x80, v5, vm0, $0xb8;
	[tilespmem:$0x18900] =	vst v63  }
0x33e: {  	s26 =	simm.s32 $0x16900  }
0x33f: {  	[tilespmem:s26], [sflag:$0x3] =	stream.indirect_vreg.gather [hbm4b:s2+s5], $0x80, v4, vm0, $0xb8;
	[tilespmem:$0x18900] =	vst v63  }
0x340: {  	s28 =	simm.s32 $0x17100;
	s22 =	sadd.s32 $0x1, s22  }
0x341: {  	[tilespmem:s28], [sflag:$0x3] =	stream.indirect_vreg.gather [hbm4b:s10+s5], $0x80, v4, vm0, $0xb8;
	[tilespmem:$0x18900] =	vst v63  }
0x342: {  	s29 =	simm.s32 $0x17900;
	p1 =	sne.s32 s22, $0x4  }
0x343: {  	[tilespmem:s29], [sflag:$0x3] =	stream.indirect_vreg.gather [hbm4b:s11+s5], $0x80, v4, vm0, $0xb8;
	[tilespmem:$0x18900] =	vst v63  }
.Ltmp12:
0x344: {  	_ = 	snop;
	(pc) =	sbr.rel @p1 .LBB2_20-.Ltmp12, $4  }
0x345: {  	s30 =	simm.s32 $0x18100  }
0x346: {  	[tilespmem:s30], [sflag:$0x3] =	stream.indirect_vreg.gather [hbm4b:s12+s5], $0x80, v4, vm0, $0xb8;
	[tilespmem:$0x18900] =	vst v63  }
0x347: {  	s31 =	sadd.s32 s4, s7  }
0x348: {  	[hbm4b:s31+s5] =	stream.linear.scatter [tilespmem:s24], [sflag:$0x4], $0x4000, $0x38;
	[tilespmem:$0x18900] =	vst v63  }
0x349: {  	_ =	swait.ge [sflag:s14], $0x4000  }
0x34a: {  	[sflag:s14] =	ssyncset.done $0x0  }
0x34b: {  	[sflag:s14] =	ssyncadd.s32 $0xFFFFC000  }
0x34c: {  	_ =	swait.ge [sflag:s14], $0x4000  }
0x34d: {  	s7 =	simm.s32 $0x0;
	s15 =	simm.s32 $0xFFFFC000;
	[sflag:s14] =	ssyncset.done $0x0  }
0x34e: {  	s22 =	simm.s32 $0x0;
	s26 =	simm.s32 $0x0;
	[sflag:s14] =	ssyncadd.s32 $0xFFFFC000  }
.LBB2_28:
0x34f: {  	s0 =	sadd.s32 $0x4000, s15  }
0x350: {  	s3 =	sand.u32 $0x380, s26;
	s0 =	sand.u32 $0x2000, s0  }
0x351: {  	s0 =	sor.u32 s3, s0  }
0x352: {  	v4 =	vld [tilespmem:s0+$0x10900]  }
0x353: {  	v5 =	vld [tilespmem:s0+$0x10920]  }
0x354: {  	v6 =	vld [tilespmem:s0+$0x10930]  }
0x355: {  	v7 =	vld [tilespmem:s0+$0x10940]  }
0x356: {  	v8 =	vld [tilespmem:s0+$0x10950]  }
0x357: {  	v34 =	vld [tilespmem:s0+$0x10D00]  }
0x358: {  	v35 =	vld [tilespmem:s0+$0x10D10]  }
0x359: {  	v36 =	vld [tilespmem:s0+$0x10D20]  }
0x35a: {  	v37 =	vld [tilespmem:s0+$0x10D50]  }
0x35b: {  	v38 =	vld [tilespmem:s0+$0x10D60]  }
0x35c: {  	v39 =	vld [tilespmem:s0+$0x10D70]  }
0x35d: {  	v40 =	vld [tilespmem:s0+$0x11120]  }
0x35e: {  	v41 =	vld [tilespmem:s0+$0x11130]  }
0x35f: {  	v42 =	vld [tilespmem:s0+$0x11140]  }
0x360: {  	v43 =	vld [tilespmem:s0+$0x11170]  }
0x361: {  	v44 =	vld [tilespmem:s0+$0x11500]  }
0x362: {  	v45 =	vld [tilespmem:s0+$0x11510]  }
0x363: {  	v46 =	vld [tilespmem:s0+$0x11540]  }
0x364: {  	v47 =	vld [tilespmem:s0+$0x11550]  }
0x365: {  	v48 =	vld [tilespmem:s0+$0x11560]  }
0x366: {  	v49 =	vld [tilespmem:s0+$0x11910]  }
0x367: {  	v50 =	vld [tilespmem:s0+$0x11920]  }
0x368: {  	v51 =	vld [tilespmem:s0+$0x11930]  }
0x369: {  	v52 =	vld [tilespmem:s0+$0x11960]  }
0x36a: {  	v53 =	vld [tilespmem:s0+$0x11970]  }
0x36b: {  	v54 =	vld [tilespmem:s0+$0x11D00]  }
0x36c: {  	v55 =	vld [tilespmem:s0+$0x11D30]  }
0x36d: {  	v56 =	vld [tilespmem:s0+$0x11D40]  }
0x36e: {  	v57 =	vld [tilespmem:s0+$0x11D50]  }
0x36f: {  	v58 =	vld [tilespmem:s0+$0x12100]  }
0x370: {  	v59 =	vld [tilespmem:s0+$0x12110]  }
0x371: {  	v60 =	vld [tilespmem:s0+$0x12120]  }
0x372: {  	v61 =	vld [tilespmem:s0+$0x12150]  }
0x373: {  	v62 =	vld [tilespmem:s0+$0x12160]  }
0x374: {  	v63 =	vld [tilespmem:s0+$0x12170]  }
0x375: {  	[tilespmem:s0+$0x4900] =	vst.add.f32.msk $0xffff, v4  }
0x376: {  	v4 =	vld [tilespmem:s0+$0x10910]  }
0x377: {  	[tilespmem:s0+$0x4920] =	vst.add.f32.msk $0xffff, v5  }
0x378: {  	[tilespmem:s0+$0x4930] =	vst.add.f32.msk $0xffff, v6  }
0x379: {  	[tilespmem:s0+$0x4940] =	vst.add.f32.msk $0xffff, v7  }
0x37a: {  	[tilespmem:s0+$0x4950] =	vst.add.f32.msk $0xffff, v8  }
0x37b: {  	v5 =	vld [tilespmem:s0+$0x10970]  }
0x37c: {  	[tilespmem:s0+$0x4D00] =	vst.add.f32.msk $0xffff, v34  }
0x37d: {  	[tilespmem:s0+$0x4D10] =	vst.add.f32.msk $0xffff, v35  }
0x37e: {  	[tilespmem:s0+$0x4D20] =	vst.add.f32.msk $0xffff, v36  }
0x37f: {  	[tilespmem:s0+$0x4D50] =	vst.add.f32.msk $0xffff, v37  }
0x380: {  	[tilespmem:s0+$0x4D60] =	vst.add.f32.msk $0xffff, v38  }
0x381: {  	[tilespmem:s0+$0x4D70] =	vst.add.f32.msk $0xffff, v39  }
0x382: {  	[tilespmem:s0+$0x5120] =	vst.add.f32.msk $0xffff, v40  }
0x383: {  	[tilespmem:s0+$0x5130] =	vst.add.f32.msk $0xffff, v41  }
0x384: {  	[tilespmem:s0+$0x5140] =	vst.add.f32.msk $0xffff, v42  }
0x385: {  	[tilespmem:s0+$0x4910] =	vst.add.f32.msk $0xffff, v4  }
0x386: {  	v4 =	vld [tilespmem:s0+$0x10960]  }
0x387: {  	[tilespmem:s0+$0x5170] =	vst.add.f32.msk $0xffff, v43  }
0x388: {  	[tilespmem:s0+$0x5500] =	vst.add.f32.msk $0xffff, v44  }
0x389: {  	[tilespmem:s0+$0x4970] =	vst.add.f32.msk $0xffff, v5  }
0x38a: {  	v5 =	vld [tilespmem:s0+$0x10D40]  }
0x38b: {  	[tilespmem:s0+$0x4960] =	vst.add.f32.msk $0xffff, v4  }
0x38c: {  	v4 =	vld [tilespmem:s0+$0x10D30]  }
0x38d: {  	[tilespmem:s0+$0x5510] =	vst.add.f32.msk $0xffff, v45  }
0x38e: {  	[tilespmem:s0+$0x5540] =	vst.add.f32.msk $0xffff, v46  }
0x38f: {  	[tilespmem:s0+$0x4D40] =	vst.add.f32.msk $0xffff, v5  }
0x390: {  	v5 =	vld [tilespmem:s0+$0x11110]  }
0x391: {  	[tilespmem:s0+$0x4D30] =	vst.add.f32.msk $0xffff, v4  }
0x392: {  	v4 =	vld [tilespmem:s0+$0x11100]  }
0x393: {  	[tilespmem:s0+$0x5550] =	vst.add.f32.msk $0xffff, v47  }
0x394: {  	[tilespmem:s0+$0x5560] =	vst.add.f32.msk $0xffff, v48  }
0x395: {  	[tilespmem:s0+$0x5110] =	vst.add.f32.msk $0xffff, v5  }
0x396: {  	v5 =	vld [tilespmem:s0+$0x11160]  }
0x397: {  	[tilespmem:s0+$0x5100] =	vst.add.f32.msk $0xffff, v4  }
0x398: {  	v4 =	vld [tilespmem:s0+$0x11150]  }
0x399: {  	[tilespmem:s0+$0x5910] =	vst.add.f32.msk $0xffff, v49  }
0x39a: {  	[tilespmem:s0+$0x5920] =	vst.add.f32.msk $0xffff, v50  }
0x39b: {  	[tilespmem:s0+$0x5160] =	vst.add.f32.msk $0xffff, v5  }
0x39c: {  	v5 =	vld [tilespmem:s0+$0x11530]  }
0x39d: {  	[tilespmem:s0+$0x5150] =	vst.add.f32.msk $0xffff, v4  }
0x39e: {  	v4 =	vld [tilespmem:s0+$0x11520]  }
0x39f: {  	[tilespmem:s0+$0x5930] =	vst.add.f32.msk $0xffff, v51  }
0x3a0: {  	[tilespmem:s0+$0x5960] =	vst.add.f32.msk $0xffff, v52  }
0x3a1: {  	[tilespmem:s0+$0x5530] =	vst.add.f32.msk $0xffff, v5  }
0x3a2: {  	v5 =	vld [tilespmem:s0+$0x11900]  }
0x3a3: {  	[tilespmem:s0+$0x5520] =	vst.add.f32.msk $0xffff, v4  }
0x3a4: {  	v4 =	vld [tilespmem:s0+$0x11570]  }
0x3a5: {  	[tilespmem:s0+$0x5970] =	vst.add.f32.msk $0xffff, v53  }
0x3a6: {  	[tilespmem:s0+$0x5D00] =	vst.add.f32.msk $0xffff, v54  }
0x3a7: {  	[tilespmem:s0+$0x5900] =	vst.add.f32.msk $0xffff, v5  }
0x3a8: {  	v5 =	vld [tilespmem:s0+$0x11950]  }
0x3a9: {  	[tilespmem:s0+$0x5570] =	vst.add.f32.msk $0xffff, v4  }
0x3aa: {  	v4 =	vld [tilespmem:s0+$0x11940]  }
0x3ab: {  	[tilespmem:s0+$0x5D30] =	vst.add.f32.msk $0xffff, v55  }
0x3ac: {  	[tilespmem:s0+$0x5D40] =	vst.add.f32.msk $0xffff, v56  }
0x3ad: {  	[tilespmem:s0+$0x5950] =	vst.add.f32.msk $0xffff, v5  }
0x3ae: {  	v5 =	vld [tilespmem:s0+$0x11D20]  }
0x3af: {  	[tilespmem:s0+$0x5940] =	vst.add.f32.msk $0xffff, v4  }
0x3b0: {  	v4 =	vld [tilespmem:s0+$0x11D10]  }
0x3b1: {  	[tilespmem:s0+$0x5D50] =	vst.add.f32.msk $0xffff, v57  }
0x3b2: {  	[tilespmem:s0+$0x6100] =	vst.add.f32.msk $0xffff, v58  }
0x3b3: {  	[tilespmem:s0+$0x5D20] =	vst.add.f32.msk $0xffff, v5  }
0x3b4: {  	v5 =	vld [tilespmem:s0+$0x11D70]  }
0x3b5: {  	[tilespmem:s0+$0x5D10] =	vst.add.f32.msk $0xffff, v4  }
0x3b6: {  	v4 =	vld [tilespmem:s0+$0x11D60]  }
0x3b7: {  	[tilespmem:s0+$0x6110] =	vst.add.f32.msk $0xffff, v59  }
0x3b8: {  	[tilespmem:s0+$0x6120] =	vst.add.f32.msk $0xffff, v60  }
0x3b9: {  	[tilespmem:s0+$0x5D70] =	vst.add.f32.msk $0xffff, v5  }
0x3ba: {  	v5 =	vld [tilespmem:s0+$0x12140]  }
0x3bb: {  	[tilespmem:s0+$0x5D60] =	vst.add.f32.msk $0xffff, v4  }
0x3bc: {  	v4 =	vld [tilespmem:s0+$0x12130]  }
0x3bd: {  	[tilespmem:s0+$0x6150] =	vst.add.f32.msk $0xffff, v61  }
0x3be: {  	s31 =	sand.u32 $0x7, s7;
	[tilespmem:s0+$0x6160] =	vst.add.f32.msk $0xffff, v62  }
0x3bf: {  	s3 =	sshll.u32 s31, $0x7;
	[tilespmem:s0+$0x6170] =	vst.add.f32.msk $0xffff, v63  }
0x3c0: {  	s3 =	sadd.s32 s3, s22;
	[tilespmem:s0+$0x6140] =	vst.add.f32.msk $0xffff, v5  }
0x3c1: {  	s28 =	sor.u32 $0x1C00, s3;
	[tilespmem:s0+$0x6130] =	vst.add.f32.msk $0xffff, v4  }
0x3c2: {  	v4 =	vld [tilespmem:s28+$0x10900];
	_ =	sdelay $0x4  }
0x3c3: {  	s29 =	sor.u32 $0x1C10, s3;
	[tilespmem:s28+$0x4900] =	vst.add.f32.msk $0xffff, v4  }
0x3c4: {  	v4 =	vld [tilespmem:s29+$0x10900];
	_ =	sdelay $0x4  }
0x3c5: {  	s30 =	sor.u32 $0x1C20, s3;
	[tilespmem:s29+$0x4900] =	vst.add.f32.msk $0xffff, v4  }
0x3c6: {  	v4 =	vld [tilespmem:s30+$0x10900];
	_ =	sdelay $0x4  }
0x3c7: {  	s31 =	sor.u32 $0x1C30, s3;
	[tilespmem:s30+$0x4900] =	vst.add.f32.msk $0xffff, v4  }
0x3c8: {  	v4 =	vld [tilespmem:s31+$0x10900];
	_ =	sdelay $0x4  }
0x3c9: {  	s28 =	sor.u32 $0x1C40, s3;
	[tilespmem:s31+$0x4900] =	vst.add.f32.msk $0xffff, v4  }
0x3ca: {  	v4 =	vld [tilespmem:s28+$0x10900];
	_ =	sdelay $0x4  }
0x3cb: {  	s29 =	sor.u32 $0x1C50, s3;
	[tilespmem:s28+$0x4900] =	vst.add.f32.msk $0xffff, v4  }
0x3cc: {  	v4 =	vld [tilespmem:s29+$0x10900];
	_ =	sdelay $0x4  }
0x3cd: {  	s30 =	sor.u32 $0x1C60, s3;
	[tilespmem:s29+$0x4900] =	vst.add.f32.msk $0xffff, v4  }
0x3ce: {  	v4 =	vld [tilespmem:s30+$0x10900];
	_ =	sdelay $0x4  }
0x3cf: {  	s31 =	sor.u32 $0x1C70, s3;
	[tilespmem:s30+$0x4900] =	vst.add.f32.msk $0xffff, v4  }
0x3d0: {  	p1 =	sne.s32 s26, $0x780;
	v4 =	vld [tilespmem:s31+$0x10900]  }
.Ltmp13:
0x3d1: {  	_ = 	snop;
	(pc) =	sbr.rel @p1 .LBB2_28-.Ltmp13, $3  }
0x3d2: {  	_ =	sdelay $0x1  }
0x3d3: {  	s7 =	sadd.s32 $0x1, s7  }
0x3d4: {  	s15 =	sadd.s32 $0x400, s15;
	s26 =	sadd.s32 $0x80, s26;
	s22 =	sadd.s32 $0x400, s22;
	[tilespmem:s31+$0x4900] =	vst.add.f32.msk $0xffff, v4  }
0x3d5: {  	_ =	swait.ge [sflag:s18], $0x4000  }
0x3d6: {  	[sflag:s18] =	ssyncset.done $0x0  }
0x3d7: {  	s7 =	simm.s32 $0x0;
	s0 =	rddreg [dreg:$0xa];
	[sflag:s18] =	ssyncadd.s32 $0xFFFFC000  }
0x3d8: {  	[tilespmem:s24], [sflag:$0x1] =	stream.linear.gather [hbm4b:s0+s7], $0x4000, $0x38;
	[tilespmem:$0x18900] =	vst v63  }
0x3d9: {  	v4 =	vld [tilespmem:$0x8F0];
	_ =	sdelay $0x4  }
0x3da: {  	v5 =	vshll.u32 v4, $0x3  }
0x3db: {  	v4 =	vand.u32 $0x7, v4;
	v5 =	vand.u32 $0xFFFFFFC0, v5  }
0x3dc: {  	v4 =	vor.u32 v4, v5  }
0x3dd: {  	v5 =	vperm.xlane v4, v1;
	_ =	sdelay $0x1  }
0x3de: {  	v5 =	vadd.s32 v2, v5;
	_ =	sdelay $0x3  }
0x3df: {  	s3 =	simm.s32 $0xC900  }
0x3e0: {  	[tilespmem:s3], [sflag:$0x1] =	stream.indirect_vreg.gather [hbm4b:s2+s7], $0x80, v5, vm0, $0xb8;
	[tilespmem:$0x18900] =	vst v63  }
0x3e1: {  	s15 =	simm.s32 $0xD100;
	v4 =	vperm.xlane v4, v3  }
0x3e2: {  	[tilespmem:s15], [sflag:$0x1] =	stream.indirect_vreg.gather [hbm4b:s10+s7], $0x80, v5, vm0, $0xb8;
	[tilespmem:$0x18900] =	vst v63  }
0x3e3: {  	s22 =	simm.s32 $0xD900;
	v4 =	vadd.s32 v2, v4  }
0x3e4: {  	[tilespmem:s22], [sflag:$0x1] =	stream.indirect_vreg.gather [hbm4b:s11+s7], $0x80, v5, vm0, $0xb8;
	[tilespmem:$0x18900] =	vst v63  }
0x3e5: {  	s26 =	simm.s32 $0xE100  }
0x3e6: {  	[tilespmem:s26], [sflag:$0x1] =	stream.indirect_vreg.gather [hbm4b:s12+s7], $0x80, v5, vm0, $0xb8;
	[tilespmem:$0x18900] =	vst v63  }
0x3e7: {  	s28 =	simm.s32 $0xE900  }
0x3e8: {  	[tilespmem:s28], [sflag:$0x1] =	stream.indirect_vreg.gather [hbm4b:s2+s7], $0x80, v4, vm0, $0xb8;
	[tilespmem:$0x18900] =	vst v63  }
0x3e9: {  	s29 =	simm.s32 $0xF100  }
0x3ea: {  	[tilespmem:s29], [sflag:$0x1] =	stream.indirect_vreg.gather [hbm4b:s10+s7], $0x80, v4, vm0, $0xb8;
	[tilespmem:$0x18900] =	vst v63  }
0x3eb: {  	s30 =	simm.s32 $0xF900  }
0x3ec: {  	[tilespmem:s30], [sflag:$0x1] =	stream.indirect_vreg.gather [hbm4b:s11+s7], $0x80, v4, vm0, $0xb8;
	[tilespmem:$0x18900] =	vst v63  }
0x3ed: {  	_ = 	snop  }
0x3ee: {  	[tilespmem:s8], [sflag:$0x1] =	stream.indirect_vreg.gather [hbm4b:s12+s7], $0x80, v4, vm0, $0xb8;
	[tilespmem:$0x18900] =	vst v63  }
0x3ef: {  	s31 =	rddreg [dreg:$0xb]  }
0x3f0: {  	[hbm4b:s31+s7] =	stream.linear.scatter [tilespmem:s13], [sflag:$0x5], $0x4000, $0x38;
	[tilespmem:$0x18900] =	vst v63  }
0x3f1: {  	_ =	swait.ge [sflag:s19], $0x4000  }
0x3f2: {  	[sflag:s19] =	ssyncset.done $0x0  }
0x3f3: {  	[sflag:s19] =	ssyncadd.s32 $0xFFFFC000  }
0x3f4: {  	_ =	swait.ge [sflag:s19], $0x4000  }
0x3f5: {  	s15 =	simm.s32 $0xFFFFC000;
	[sflag:s19] =	ssyncset.done $0x0  }
0x3f6: {  	s22 =	simm.s32 $0x0;
	s26 =	simm.s32 $0x0;
	[sflag:s19] =	ssyncadd.s32 $0xFFFFC000  }
.LBB2_30:
0x3f7: {  	s0 =	sadd.s32 $0x4000, s15  }
0x3f8: {  	s3 =	sand.u32 $0x380, s26;
	s0 =	sand.u32 $0x2000, s0  }
0x3f9: {  	s0 =	sor.u32 s3, s0  }
0x3fa: {  	v4 =	vld [tilespmem:s0+$0x14900]  }
0x3fb: {  	v5 =	vld [tilespmem:s0+$0x14920]  }
0x3fc: {  	v6 =	vld [tilespmem:s0+$0x14930]  }
0x3fd: {  	v7 =	vld [tilespmem:s0+$0x14940]  }
0x3fe: {  	v8 =	vld [tilespmem:s0+$0x14950]  }
0x3ff: {  	v34 =	vld [tilespmem:s0+$0x14D00]  }
0x400: {  	v35 =	vld [tilespmem:s0+$0x14D10]  }
0x401: {  	v36 =	vld [tilespmem:s0+$0x14D20]  }
0x402: {  	v37 =	vld [tilespmem:s0+$0x14D50]  }
0x403: {  	v38 =	vld [tilespmem:s0+$0x14D60]  }
0x404: {  	v39 =	vld [tilespmem:s0+$0x14D70]  }
0x405: {  	v40 =	vld [tilespmem:s0+$0x15120]  }
0x406: {  	v41 =	vld [tilespmem:s0+$0x15130]  }
0x407: {  	v42 =	vld [tilespmem:s0+$0x15140]  }
0x408: {  	v43 =	vld [tilespmem:s0+$0x15170]  }
0x409: {  	v44 =	vld [tilespmem:s0+$0x15500]  }
0x40a: {  	v45 =	vld [tilespmem:s0+$0x15510]  }
0x40b: {  	v46 =	vld [tilespmem:s0+$0x15540]  }
0x40c: {  	v47 =	vld [tilespmem:s0+$0x15550]  }
0x40d: {  	v48 =	vld [tilespmem:s0+$0x15560]  }
0x40e: {  	v49 =	vld [tilespmem:s0+$0x15910]  }
0x40f: {  	v50 =	vld [tilespmem:s0+$0x15920]  }
0x410: {  	v51 =	vld [tilespmem:s0+$0x15930]  }
0x411: {  	v52 =	vld [tilespmem:s0+$0x15960]  }
0x412: {  	v53 =	vld [tilespmem:s0+$0x15970]  }
0x413: {  	v54 =	vld [tilespmem:s0+$0x15D00]  }
0x414: {  	v55 =	vld [tilespmem:s0+$0x15D30]  }
0x415: {  	v56 =	vld [tilespmem:s0+$0x15D40]  }
0x416: {  	v57 =	vld [tilespmem:s0+$0x15D50]  }
0x417: {  	v58 =	vld [tilespmem:s0+$0x16100]  }
0x418: {  	v59 =	vld [tilespmem:s0+$0x16110]  }
0x419: {  	v60 =	vld [tilespmem:s0+$0x16120]  }
0x41a: {  	v61 =	vld [tilespmem:s0+$0x16150]  }
0x41b: {  	v62 =	vld [tilespmem:s0+$0x16160]  }
0x41c: {  	v63 =	vld [tilespmem:s0+$0x16170]  }
0x41d: {  	[tilespmem:s0+$0x8900] =	vst.add.f32.msk $0xffff, v4  }
0x41e: {  	v4 =	vld [tilespmem:s0+$0x14910]  }
0x41f: {  	[tilespmem:s0+$0x8920] =	vst.add.f32.msk $0xffff, v5  }
0x420: {  	[tilespmem:s0+$0x8930] =	vst.add.f32.msk $0xffff, v6  }
0x421: {  	[tilespmem:s0+$0x8940] =	vst.add.f32.msk $0xffff, v7  }
0x422: {  	[tilespmem:s0+$0x8950] =	vst.add.f32.msk $0xffff, v8  }
0x423: {  	v5 =	vld [tilespmem:s0+$0x14970]  }
0x424: {  	[tilespmem:s0+$0x8D00] =	vst.add.f32.msk $0xffff, v34  }
0x425: {  	[tilespmem:s0+$0x8D10] =	vst.add.f32.msk $0xffff, v35  }
0x426: {  	[tilespmem:s0+$0x8D20] =	vst.add.f32.msk $0xffff, v36  }
0x427: {  	[tilespmem:s0+$0x8D50] =	vst.add.f32.msk $0xffff, v37  }
0x428: {  	[tilespmem:s0+$0x8D60] =	vst.add.f32.msk $0xffff, v38  }
0x429: {  	[tilespmem:s0+$0x8D70] =	vst.add.f32.msk $0xffff, v39  }
0x42a: {  	[tilespmem:s0+$0x9120] =	vst.add.f32.msk $0xffff, v40  }
0x42b: {  	[tilespmem:s0+$0x9130] =	vst.add.f32.msk $0xffff, v41  }
0x42c: {  	[tilespmem:s0+$0x9140] =	vst.add.f32.msk $0xffff, v42  }
0x42d: {  	[tilespmem:s0+$0x8910] =	vst.add.f32.msk $0xffff, v4  }
0x42e: {  	v4 =	vld [tilespmem:s0+$0x14960]  }
0x42f: {  	[tilespmem:s0+$0x9170] =	vst.add.f32.msk $0xffff, v43  }
0x430: {  	[tilespmem:s0+$0x9500] =	vst.add.f32.msk $0xffff, v44  }
0x431: {  	[tilespmem:s0+$0x8970] =	vst.add.f32.msk $0xffff, v5  }
0x432: {  	v5 =	vld [tilespmem:s0+$0x14D40]  }
0x433: {  	[tilespmem:s0+$0x8960] =	vst.add.f32.msk $0xffff, v4  }
0x434: {  	v4 =	vld [tilespmem:s0+$0x14D30]  }
0x435: {  	[tilespmem:s0+$0x9510] =	vst.add.f32.msk $0xffff, v45  }
0x436: {  	[tilespmem:s0+$0x9540] =	vst.add.f32.msk $0xffff, v46  }
0x437: {  	[tilespmem:s0+$0x8D40] =	vst.add.f32.msk $0xffff, v5  }
0x438: {  	v5 =	vld [tilespmem:s0+$0x15110]  }
0x439: {  	[tilespmem:s0+$0x8D30] =	vst.add.f32.msk $0xffff, v4  }
0x43a: {  	v4 =	vld [tilespmem:s0+$0x15100]  }
0x43b: {  	[tilespmem:s0+$0x9550] =	vst.add.f32.msk $0xffff, v47  }
0x43c: {  	[tilespmem:s0+$0x9560] =	vst.add.f32.msk $0xffff, v48  }
0x43d: {  	[tilespmem:s0+$0x9110] =	vst.add.f32.msk $0xffff, v5  }
0x43e: {  	v5 =	vld [tilespmem:s0+$0x15160]  }
0x43f: {  	[tilespmem:s0+$0x9100] =	vst.add.f32.msk $0xffff, v4  }
0x440: {  	v4 =	vld [tilespmem:s0+$0x15150]  }
0x441: {  	[tilespmem:s0+$0x9910] =	vst.add.f32.msk $0xffff, v49  }
0x442: {  	[tilespmem:s0+$0x9920] =	vst.add.f32.msk $0xffff, v50  }
0x443: {  	[tilespmem:s0+$0x9160] =	vst.add.f32.msk $0xffff, v5  }
0x444: {  	v5 =	vld [tilespmem:s0+$0x15530]  }
0x445: {  	[tilespmem:s0+$0x9150] =	vst.add.f32.msk $0xffff, v4  }
0x446: {  	v4 =	vld [tilespmem:s0+$0x15520]  }
0x447: {  	[tilespmem:s0+$0x9930] =	vst.add.f32.msk $0xffff, v51  }
0x448: {  	[tilespmem:s0+$0x9960] =	vst.add.f32.msk $0xffff, v52  }
0x449: {  	[tilespmem:s0+$0x9530] =	vst.add.f32.msk $0xffff, v5  }
0x44a: {  	v5 =	vld [tilespmem:s0+$0x15900]  }
0x44b: {  	[tilespmem:s0+$0x9520] =	vst.add.f32.msk $0xffff, v4  }
0x44c: {  	v4 =	vld [tilespmem:s0+$0x15570]  }
0x44d: {  	[tilespmem:s0+$0x9970] =	vst.add.f32.msk $0xffff, v53  }
0x44e: {  	[tilespmem:s0+$0x9D00] =	vst.add.f32.msk $0xffff, v54  }
0x44f: {  	[tilespmem:s0+$0x9900] =	vst.add.f32.msk $0xffff, v5  }
0x450: {  	v5 =	vld [tilespmem:s0+$0x15950]  }
0x451: {  	[tilespmem:s0+$0x9570] =	vst.add.f32.msk $0xffff, v4  }
0x452: {  	v4 =	vld [tilespmem:s0+$0x15940]  }
0x453: {  	[tilespmem:s0+$0x9D30] =	vst.add.f32.msk $0xffff, v55  }
0x454: {  	[tilespmem:s0+$0x9D40] =	vst.add.f32.msk $0xffff, v56  }
0x455: {  	[tilespmem:s0+$0x9950] =	vst.add.f32.msk $0xffff, v5  }
0x456: {  	v5 =	vld [tilespmem:s0+$0x15D20]  }
0x457: {  	[tilespmem:s0+$0x9940] =	vst.add.f32.msk $0xffff, v4  }
0x458: {  	v4 =	vld [tilespmem:s0+$0x15D10]  }
0x459: {  	[tilespmem:s0+$0x9D50] =	vst.add.f32.msk $0xffff, v57  }
0x45a: {  	[tilespmem:s0+$0xA100] =	vst.add.f32.msk $0xffff, v58  }
0x45b: {  	[tilespmem:s0+$0x9D20] =	vst.add.f32.msk $0xffff, v5  }
0x45c: {  	v5 =	vld [tilespmem:s0+$0x15D70]  }
0x45d: {  	[tilespmem:s0+$0x9D10] =	vst.add.f32.msk $0xffff, v4  }
0x45e: {  	v4 =	vld [tilespmem:s0+$0x15D60]  }
0x45f: {  	[tilespmem:s0+$0xA110] =	vst.add.f32.msk $0xffff, v59  }
0x460: {  	[tilespmem:s0+$0xA120] =	vst.add.f32.msk $0xffff, v60  }
0x461: {  	[tilespmem:s0+$0x9D70] =	vst.add.f32.msk $0xffff, v5  }
0x462: {  	v5 =	vld [tilespmem:s0+$0x16140]  }
0x463: {  	[tilespmem:s0+$0x9D60] =	vst.add.f32.msk $0xffff, v4  }
0x464: {  	v4 =	vld [tilespmem:s0+$0x16130]  }
0x465: {  	[tilespmem:s0+$0xA150] =	vst.add.f32.msk $0xffff, v61  }
0x466: {  	s31 =	sand.u32 $0x7, s7;
	[tilespmem:s0+$0xA160] =	vst.add.f32.msk $0xffff, v62  }
0x467: {  	s3 =	sshll.u32 s31, $0x7;
	[tilespmem:s0+$0xA170] =	vst.add.f32.msk $0xffff, v63  }
0x468: {  	s3 =	sadd.s32 s3, s22;
	[tilespmem:s0+$0xA140] =	vst.add.f32.msk $0xffff, v5  }
0x469: {  	s28 =	sor.u32 $0x1C00, s3;
	[tilespmem:s0+$0xA130] =	vst.add.f32.msk $0xffff, v4  }
0x46a: {  	v4 =	vld [tilespmem:s28+$0x14900];
	_ =	sdelay $0x4  }
0x46b: {  	s29 =	sor.u32 $0x1C10, s3;
	[tilespmem:s28+$0x8900] =	vst.add.f32.msk $0xffff, v4  }
0x46c: {  	v4 =	vld [tilespmem:s29+$0x14900];
	_ =	sdelay $0x4  }
0x46d: {  	s30 =	sor.u32 $0x1C20, s3;
	[tilespmem:s29+$0x8900] =	vst.add.f32.msk $0xffff, v4  }
0x46e: {  	v4 =	vld [tilespmem:s30+$0x14900];
	_ =	sdelay $0x4  }
0x46f: {  	s31 =	sor.u32 $0x1C30, s3;
	[tilespmem:s30+$0x8900] =	vst.add.f32.msk $0xffff, v4  }
0x470: {  	v4 =	vld [tilespmem:s31+$0x14900];
	_ =	sdelay $0x4  }
0x471: {  	s28 =	sor.u32 $0x1C40, s3;
	[tilespmem:s31+$0x8900] =	vst.add.f32.msk $0xffff, v4  }
0x472: {  	v4 =	vld [tilespmem:s28+$0x14900];
	_ =	sdelay $0x4  }
0x473: {  	s29 =	sor.u32 $0x1C50, s3;
	[tilespmem:s28+$0x8900] =	vst.add.f32.msk $0xffff, v4  }
0x474: {  	v4 =	vld [tilespmem:s29+$0x14900];
	_ =	sdelay $0x4  }
0x475: {  	s30 =	sor.u32 $0x1C60, s3;
	[tilespmem:s29+$0x8900] =	vst.add.f32.msk $0xffff, v4  }
0x476: {  	v4 =	vld [tilespmem:s30+$0x14900];
	_ =	sdelay $0x4  }
0x477: {  	s31 =	sor.u32 $0x1C70, s3;
	[tilespmem:s30+$0x8900] =	vst.add.f32.msk $0xffff, v4  }
0x478: {  	p1 =	sne.s32 s26, $0x780;
	v4 =	vld [tilespmem:s31+$0x14900]  }
.Ltmp14:
0x479: {  	_ = 	snop;
	(pc) =	sbr.rel @p1 .LBB2_30-.Ltmp14, $3  }
0x47a: {  	_ =	sdelay $0x1  }
0x47b: {  	s7 =	sadd.s32 $0x1, s7  }
0x47c: {  	s15 =	sadd.s32 $0x400, s15;
	s26 =	sadd.s32 $0x80, s26;
	s22 =	sadd.s32 $0x400, s22;
	[tilespmem:s31+$0x8900] =	vst.add.f32.msk $0xffff, v4  }
0x47d: {  	_ =	swait.ge [sflag:s20], $0x4000  }
0x47e: {  	[sflag:s20] =	ssyncset.done $0x0  }
0x47f: {  	s7 =	simm.s32 $0x0;
	s0 =	rddreg [dreg:$0xc];
	[sflag:s20] =	ssyncadd.s32 $0xFFFFC000  }
0x480: {  	[hbm4b:s0+s7] =	stream.linear.scatter [tilespmem:s25], [sflag:$0x6], $0x4000, $0x38;
	[tilespmem:$0x18900] =	vst v63  }
0x481: {  	_ =	swait.ge [sflag:s23], $0x4000  }
0x482: {  	[sflag:s23] =	ssyncset.done $0x0  }
0x483: {  	[sflag:s23] =	ssyncadd.s32 $0xFFFFC000  }
0x484: {  	_ =	swait.ge [sflag:s23], $0x4000  }
0x485: {  	s15 =	simm.s32 $0xFFFFC000;
	[sflag:s23] =	ssyncset.done $0x0  }
0x486: {  	s22 =	simm.s32 $0x0;
	s26 =	simm.s32 $0x0;
	[sflag:s23] =	ssyncadd.s32 $0xFFFFC000  }
.LBB2_32:
0x487: {  	s0 =	sadd.s32 $0x4000, s15  }
0x488: {  	s3 =	sand.u32 $0x380, s26;
	s0 =	sand.u32 $0x2000, s0  }
0x489: {  	s0 =	sor.u32 s3, s0  }
0x48a: {  	v4 =	vld [tilespmem:s0+$0xC900]  }
0x48b: {  	v5 =	vld [tilespmem:s0+$0xC920]  }
0x48c: {  	v6 =	vld [tilespmem:s0+$0xC930]  }
0x48d: {  	v7 =	vld [tilespmem:s0+$0xC940]  }
0x48e: {  	v8 =	vld [tilespmem:s0+$0xC950]  }
0x48f: {  	v34 =	vld [tilespmem:s0+$0xCD00]  }
0x490: {  	v35 =	vld [tilespmem:s0+$0xCD10]  }
0x491: {  	v36 =	vld [tilespmem:s0+$0xCD20]  }
0x492: {  	v37 =	vld [tilespmem:s0+$0xCD50]  }
0x493: {  	v38 =	vld [tilespmem:s0+$0xCD60]  }
0x494: {  	v39 =	vld [tilespmem:s0+$0xCD70]  }
0x495: {  	v40 =	vld [tilespmem:s0+$0xD120]  }
0x496: {  	v41 =	vld [tilespmem:s0+$0xD130]  }
0x497: {  	v42 =	vld [tilespmem:s0+$0xD140]  }
0x498: {  	v43 =	vld [tilespmem:s0+$0xD170]  }
0x499: {  	v44 =	vld [tilespmem:s0+$0xD500]  }
0x49a: {  	v45 =	vld [tilespmem:s0+$0xD510]  }
0x49b: {  	v46 =	vld [tilespmem:s0+$0xD540]  }
0x49c: {  	v47 =	vld [tilespmem:s0+$0xD550]  }
0x49d: {  	v48 =	vld [tilespmem:s0+$0xD560]  }
0x49e: {  	v49 =	vld [tilespmem:s0+$0xD910]  }
0x49f: {  	v50 =	vld [tilespmem:s0+$0xD920]  }
0x4a0: {  	v51 =	vld [tilespmem:s0+$0xD930]  }
0x4a1: {  	v52 =	vld [tilespmem:s0+$0xD960]  }
0x4a2: {  	v53 =	vld [tilespmem:s0+$0xD970]  }
0x4a3: {  	v54 =	vld [tilespmem:s0+$0xDD00]  }
0x4a4: {  	v55 =	vld [tilespmem:s0+$0xDD30]  }
0x4a5: {  	v56 =	vld [tilespmem:s0+$0xDD40]  }
0x4a6: {  	v57 =	vld [tilespmem:s0+$0xDD50]  }
0x4a7: {  	v58 =	vld [tilespmem:s0+$0xE100]  }
0x4a8: {  	v59 =	vld [tilespmem:s0+$0xE110]  }
0x4a9: {  	v60 =	vld [tilespmem:s0+$0xE120]  }
0x4aa: {  	v61 =	vld [tilespmem:s0+$0xE150]  }
0x4ab: {  	v62 =	vld [tilespmem:s0+$0xE160]  }
0x4ac: {  	v63 =	vld [tilespmem:s0+$0xE170]  }
0x4ad: {  	[tilespmem:s0+$0x900] =	vst.add.f32.msk $0xffff, v4  }
0x4ae: {  	v4 =	vld [tilespmem:s0+$0xC910]  }
0x4af: {  	[tilespmem:s0+$0x920] =	vst.add.f32.msk $0xffff, v5  }
0x4b0: {  	[tilespmem:s0+$0x930] =	vst.add.f32.msk $0xffff, v6  }
0x4b1: {  	[tilespmem:s0+$0x940] =	vst.add.f32.msk $0xffff, v7  }
0x4b2: {  	[tilespmem:s0+$0x950] =	vst.add.f32.msk $0xffff, v8  }
0x4b3: {  	v5 =	vld [tilespmem:s0+$0xC970]  }
0x4b4: {  	[tilespmem:s0+$0xD00] =	vst.add.f32.msk $0xffff, v34  }
0x4b5: {  	[tilespmem:s0+$0xD10] =	vst.add.f32.msk $0xffff, v35  }
0x4b6: {  	[tilespmem:s0+$0xD20] =	vst.add.f32.msk $0xffff, v36  }
0x4b7: {  	[tilespmem:s0+$0xD50] =	vst.add.f32.msk $0xffff, v37  }
0x4b8: {  	[tilespmem:s0+$0xD60] =	vst.add.f32.msk $0xffff, v38  }
0x4b9: {  	[tilespmem:s0+$0xD70] =	vst.add.f32.msk $0xffff, v39  }
0x4ba: {  	[tilespmem:s0+$0x1120] =	vst.add.f32.msk $0xffff, v40  }
0x4bb: {  	[tilespmem:s0+$0x1130] =	vst.add.f32.msk $0xffff, v41  }
0x4bc: {  	[tilespmem:s0+$0x1140] =	vst.add.f32.msk $0xffff, v42  }
0x4bd: {  	[tilespmem:s0+$0x910] =	vst.add.f32.msk $0xffff, v4  }
0x4be: {  	v4 =	vld [tilespmem:s0+$0xC960]  }
0x4bf: {  	[tilespmem:s0+$0x1170] =	vst.add.f32.msk $0xffff, v43  }
0x4c0: {  	[tilespmem:s0+$0x1500] =	vst.add.f32.msk $0xffff, v44  }
0x4c1: {  	[tilespmem:s0+$0x970] =	vst.add.f32.msk $0xffff, v5  }
0x4c2: {  	v5 =	vld [tilespmem:s0+$0xCD40]  }
0x4c3: {  	[tilespmem:s0+$0x960] =	vst.add.f32.msk $0xffff, v4  }
0x4c4: {  	v4 =	vld [tilespmem:s0+$0xCD30]  }
0x4c5: {  	[tilespmem:s0+$0x1510] =	vst.add.f32.msk $0xffff, v45  }
0x4c6: {  	[tilespmem:s0+$0x1540] =	vst.add.f32.msk $0xffff, v46  }
0x4c7: {  	[tilespmem:s0+$0xD40] =	vst.add.f32.msk $0xffff, v5  }
0x4c8: {  	v5 =	vld [tilespmem:s0+$0xD110]  }
0x4c9: {  	[tilespmem:s0+$0xD30] =	vst.add.f32.msk $0xffff, v4  }
0x4ca: {  	v4 =	vld [tilespmem:s0+$0xD100]  }
0x4cb: {  	[tilespmem:s0+$0x1550] =	vst.add.f32.msk $0xffff, v47  }
0x4cc: {  	[tilespmem:s0+$0x1560] =	vst.add.f32.msk $0xffff, v48  }
0x4cd: {  	[tilespmem:s0+$0x1110] =	vst.add.f32.msk $0xffff, v5  }
0x4ce: {  	v5 =	vld [tilespmem:s0+$0xD160]  }
0x4cf: {  	[tilespmem:s0+$0x1100] =	vst.add.f32.msk $0xffff, v4  }
0x4d0: {  	v4 =	vld [tilespmem:s0+$0xD150]  }
0x4d1: {  	[tilespmem:s0+$0x1910] =	vst.add.f32.msk $0xffff, v49  }
0x4d2: {  	[tilespmem:s0+$0x1920] =	vst.add.f32.msk $0xffff, v50  }
0x4d3: {  	[tilespmem:s0+$0x1160] =	vst.add.f32.msk $0xffff, v5  }
0x4d4: {  	v5 =	vld [tilespmem:s0+$0xD530]  }
0x4d5: {  	[tilespmem:s0+$0x1150] =	vst.add.f32.msk $0xffff, v4  }
0x4d6: {  	v4 =	vld [tilespmem:s0+$0xD520]  }
0x4d7: {  	[tilespmem:s0+$0x1930] =	vst.add.f32.msk $0xffff, v51  }
0x4d8: {  	[tilespmem:s0+$0x1960] =	vst.add.f32.msk $0xffff, v52  }
0x4d9: {  	[tilespmem:s0+$0x1530] =	vst.add.f32.msk $0xffff, v5  }
0x4da: {  	v5 =	vld [tilespmem:s0+$0xD900]  }
0x4db: {  	[tilespmem:s0+$0x1520] =	vst.add.f32.msk $0xffff, v4  }
0x4dc: {  	v4 =	vld [tilespmem:s0+$0xD570]  }
0x4dd: {  	[tilespmem:s0+$0x1970] =	vst.add.f32.msk $0xffff, v53  }
0x4de: {  	[tilespmem:s0+$0x1D00] =	vst.add.f32.msk $0xffff, v54  }
0x4df: {  	[tilespmem:s0+$0x1900] =	vst.add.f32.msk $0xffff, v5  }
0x4e0: {  	v5 =	vld [tilespmem:s0+$0xD950]  }
0x4e1: {  	[tilespmem:s0+$0x1570] =	vst.add.f32.msk $0xffff, v4  }
0x4e2: {  	v4 =	vld [tilespmem:s0+$0xD940]  }
0x4e3: {  	[tilespmem:s0+$0x1D30] =	vst.add.f32.msk $0xffff, v55  }
0x4e4: {  	[tilespmem:s0+$0x1D40] =	vst.add.f32.msk $0xffff, v56  }
0x4e5: {  	[tilespmem:s0+$0x1950] =	vst.add.f32.msk $0xffff, v5  }
0x4e6: {  	v5 =	vld [tilespmem:s0+$0xDD20]  }
0x4e7: {  	[tilespmem:s0+$0x1940] =	vst.add.f32.msk $0xffff, v4  }
0x4e8: {  	v4 =	vld [tilespmem:s0+$0xDD10]  }
0x4e9: {  	[tilespmem:s0+$0x1D50] =	vst.add.f32.msk $0xffff, v57  }
0x4ea: {  	[tilespmem:s0+$0x2100] =	vst.add.f32.msk $0xffff, v58  }
0x4eb: {  	[tilespmem:s0+$0x1D20] =	vst.add.f32.msk $0xffff, v5  }
0x4ec: {  	v5 =	vld [tilespmem:s0+$0xDD70]  }
0x4ed: {  	[tilespmem:s0+$0x1D10] =	vst.add.f32.msk $0xffff, v4  }
0x4ee: {  	v4 =	vld [tilespmem:s0+$0xDD60]  }
0x4ef: {  	[tilespmem:s0+$0x2110] =	vst.add.f32.msk $0xffff, v59  }
0x4f0: {  	[tilespmem:s0+$0x2120] =	vst.add.f32.msk $0xffff, v60  }
0x4f1: {  	[tilespmem:s0+$0x1D70] =	vst.add.f32.msk $0xffff, v5  }
0x4f2: {  	v5 =	vld [tilespmem:s0+$0xE140]  }
0x4f3: {  	[tilespmem:s0+$0x1D60] =	vst.add.f32.msk $0xffff, v4  }
0x4f4: {  	v4 =	vld [tilespmem:s0+$0xE130]  }
0x4f5: {  	[tilespmem:s0+$0x2150] =	vst.add.f32.msk $0xffff, v61  }
0x4f6: {  	s31 =	sand.u32 $0x7, s7;
	[tilespmem:s0+$0x2160] =	vst.add.f32.msk $0xffff, v62  }
0x4f7: {  	s3 =	sshll.u32 s31, $0x7;
	[tilespmem:s0+$0x2170] =	vst.add.f32.msk $0xffff, v63  }
0x4f8: {  	s3 =	sadd.s32 s3, s22;
	[tilespmem:s0+$0x2140] =	vst.add.f32.msk $0xffff, v5  }
0x4f9: {  	s28 =	sor.u32 $0x1C00, s3;
	[tilespmem:s0+$0x2130] =	vst.add.f32.msk $0xffff, v4  }
0x4fa: {  	v4 =	vld [tilespmem:s28+$0xC900];
	_ =	sdelay $0x4  }
0x4fb: {  	s29 =	sor.u32 $0x1C10, s3;
	[tilespmem:s28+$0x900] =	vst.add.f32.msk $0xffff, v4  }
0x4fc: {  	v4 =	vld [tilespmem:s29+$0xC900];
	_ =	sdelay $0x4  }
0x4fd: {  	s30 =	sor.u32 $0x1C20, s3;
	[tilespmem:s29+$0x900] =	vst.add.f32.msk $0xffff, v4  }
0x4fe: {  	v4 =	vld [tilespmem:s30+$0xC900];
	_ =	sdelay $0x4  }
0x4ff: {  	s31 =	sor.u32 $0x1C30, s3;
	[tilespmem:s30+$0x900] =	vst.add.f32.msk $0xffff, v4  }
0x500: {  	v4 =	vld [tilespmem:s31+$0xC900];
	_ =	sdelay $0x4  }
0x501: {  	s28 =	sor.u32 $0x1C40, s3;
	[tilespmem:s31+$0x900] =	vst.add.f32.msk $0xffff, v4  }
0x502: {  	v4 =	vld [tilespmem:s28+$0xC900];
	_ =	sdelay $0x4  }
0x503: {  	s29 =	sor.u32 $0x1C50, s3;
	[tilespmem:s28+$0x900] =	vst.add.f32.msk $0xffff, v4  }
0x504: {  	v4 =	vld [tilespmem:s29+$0xC900];
	_ =	sdelay $0x4  }
0x505: {  	s30 =	sor.u32 $0x1C60, s3;
	[tilespmem:s29+$0x900] =	vst.add.f32.msk $0xffff, v4  }
0x506: {  	v4 =	vld [tilespmem:s30+$0xC900];
	_ =	sdelay $0x4  }
0x507: {  	s31 =	sor.u32 $0x1C70, s3;
	[tilespmem:s30+$0x900] =	vst.add.f32.msk $0xffff, v4  }
0x508: {  	p1 =	sne.s32 s26, $0x780;
	v4 =	vld [tilespmem:s31+$0xC900]  }
.Ltmp15:
0x509: {  	_ = 	snop;
	(pc) =	sbr.rel @p1 .LBB2_32-.Ltmp15, $3  }
0x50a: {  	_ =	sdelay $0x1  }
0x50b: {  	s7 =	sadd.s32 $0x1, s7  }
0x50c: {  	s15 =	sadd.s32 $0x400, s15;
	s26 =	sadd.s32 $0x80, s26;
	s22 =	sadd.s32 $0x400, s22;
	[tilespmem:s31+$0x900] =	vst.add.f32.msk $0xffff, v4  }
0x50d: {  	_ =	swait.ge [sflag:s21], $0x4000  }
0x50e: {  	[sflag:s21] =	ssyncset.done $0x0  }
0x50f: {  	s0 =	rddreg [dreg:$0xd];
	[sflag:s21] =	ssyncadd.s32 $0xFFFFC000  }
0x510: {  	[hbm4b:s0+s5] =	stream.linear.scatter [tilespmem:s24], [sflag:$0x4], $0x4000, $0x38;
	[tilespmem:$0x18900] =	vst v63  }
0x511: {  	_ =	swait.ge [sflag:s18], $0x4000  }
0x512: {  	s3 =	rddreg [dreg:$0x10]  }
0x513: {  	s31 =	rddreg [dreg:$0xe];
	s3 =	sadd.s32 $0x1, s3  }
0x514: {  	p1 =	sne.s32 s3, s31  }
.Ltmp16:
0x515: {  	_ = 	snop;
	(pc) =	sbr.rel @p1 .LBB2_1-.Ltmp16, $4  }
.Ltmp17:
0x516: {  	_ = 	snop;
	(pc) =	sbr.rel @!p1 .LBB2_34-.Ltmp17, $4  }
0x517: {  	_ = 	snop  }
0x518: {  	[sflag:s18] =	ssyncset.done $0x0  }
0x519: {  	[sflag:s18] =	ssyncadd.s32 $0xFFFFC000  }
0x51a: {  	_ = 	snop  }
.LBB2_3:
.Ltmp18:
0x51b: {  	(pc) =	sbr.rel .LBB2_14-.Ltmp18, $2  }
0x51c: {  	_ =	sdelay $0x2  }
0x51d: {  	s0 =	simm.s32 $0x0  }
.LBB2_5:
.Ltmp19:
0x51e: {  	(pc) =	sbr.rel .LBB2_14-.Ltmp19, $2  }
0x51f: {  	_ =	sdelay $0x2  }
0x520: {  	s0 =	simm.s32 $0x0  }
.LBB2_7:
.Ltmp20:
0x521: {  	(pc) =	sbr.rel .LBB2_14-.Ltmp20, $2  }
0x522: {  	_ =	sdelay $0x2  }
0x523: {  	s0 =	simm.s32 $0x0  }
.LBB2_9:
.Ltmp21:
0x524: {  	(pc) =	sbr.rel .LBB2_14-.Ltmp21, $2  }
0x525: {  	_ =	sdelay $0x2  }
0x526: {  	s0 =	simm.s32 $0x0  }
.LBB2_11:
.Ltmp22:
0x527: {  	(pc) =	sbr.rel .LBB2_14-.Ltmp22, $2  }
0x528: {  	_ =	sdelay $0x2  }
0x529: {  	s0 =	simm.s32 $0x0  }
.LBB2_34:
0x52a: {  	_ =	sfence.sel $0x180000  }
0x52b: {  	[bflag:$0x0] =	sbarrier.arrive $0xFFFF  }
0x52c: {  	_ =	strace $0x90000047  }
0x52d: {  	s0 =	stileid.u32;
	[bflag:$0x2] =	sbarrier.arrive $0xFFFF  }
0x52e: {  	p0 =	sne.s32 s0, $0x0;
	s0 =	rddreg [dreg:$0x4]  }
0x52f: {  	s0 =	sadd.s32 @!p0 $0x100000, s0  }
0x530: {  	[sflag:s0] =	ssyncadd.tile.s32 @!p0 $0x1;
	_ =	shalt  }
.Lfunc_end2:
_tile_overlayer_lowered:
.L_overlay_start_2:
0x531: {  	(tag) =	ssettag $0x2  }
0x532: {  	s0 =	rddreg [dreg:$0x0];
	s2 =	stileid.u32  }
0x533: {  	s1 =	rddreg [dreg:$0x1];
	p0 =	sne.s32 s2, $0x0  }
0x534: {  	s3 =	rddreg [dreg:$0x2];
	[bflag:$0x3] =	sbarrier.arrive $0xFFFF;
	s2 =	simm.s32 @!p0 $0x1C07  }
0x535: {  	[timem:s3], [sflag:s2] =	dma.local @!p0 [hbm:s0], s1  }
0x536: {  	s0 =	simm.s32 @!p0 $0x7  }
0x537: {  	_ =	swait.ge @!p0 [sflag:s0], s1  }
0x538: {  	s1 =	ssub.s32 @!p0 $0x0, s1;
	[sflag:s0] =	ssyncset.done @!p0 $0x0  }
0x539: {  	[sflag:s0] =	ssyncadd.s32 @!p0 s1  }
0x53a: {  	[bflag:$0x3] =	sbarrier.arrive $0xFFFF  }
0x53b: {  	_ =	shalt  }

</sc_bundles>
